<compile_context>
chip_gen: v7x
topology: tpu7x:2x2x1
jax: 0.10.2.dev20260603
libtpu: 0.0.44.dev20260713+nightly
codegen_flags: <defaults>
</compile_context>

<pallas_src>
import functools

import jax
import jax.numpy as jnp
from jax import lax
from jax.experimental import pallas as pl
from jax.experimental.pallas import tpu as pltpu
from jax.experimental.pallas import tpu_sc as plsc

N = 10000
E = 160000
DIN = 128
H = 16
DE = 16
GF = 8

PW = DE * H + H
C = 128
NP = 10240

_info = plsc.get_sparse_core_info()
NC, NS = _info.num_cores, _info.num_subcores
NW = NC * NS


@functools.partial(
    pl.kernel,
    out_type=jax.ShapeDtypeStruct((NC, NP, 2 * H), jnp.float32),
    mesh=plsc.VectorSubcoreMesh(core_axis_name="c", subcore_axis_name="s"),
    scratch_types=[
        [pltpu.VMEM((2, C), jnp.int32)] * 2,
        [pltpu.VMEM((C, PW), jnp.float32)] * 2,
        [pltpu.VMEM((C, DE), jnp.float32)] * 2,
        [pltpu.VMEM((C, 2 * H), jnp.float32)] * 2,
        pltpu.VMEM((NP // NS, 2 * H), jnp.float32),
        pltpu.VMEM_SHARED((NP, 2 * H), jnp.float32),
        [pltpu.SemaphoreType.DMA] * 2,
    ],
    compiler_params=pltpu.CompilerParams(use_tc_tiling_on_sc=False),
)
def _edge_pass(p_hbm, ei_hbm, ea_hbm, out_hbm,
               ei_v, rows_v, ea_v, msg_v, zbuf_v, acc_sh, sem):
    c = lax.axis_index("c")
    s = lax.axis_index("s")
    wid = s * NC + c

    rows_per = NP // NS
    stripe = pl.multiple_of(s * rows_per, 8)
    zvec = jnp.zeros((H,), jnp.float32)

    def zero_body(i, carry):
        zbuf_v[i, pl.ds(0, H)] = zvec
        zbuf_v[i, pl.ds(H, H)] = zvec
        return carry

    lax.fori_loop(0, rows_per, zero_body, 0, unroll=4)
    pltpu.sync_copy(zbuf_v, acc_sh.at[pl.ds(stripe, rows_per)])

    cvec = jnp.where(lax.iota(jnp.int32, H) == 0,
                     jnp.float32(1.0), jnp.float32(0.0))

    def init_body(e, carry):
        msg_v[0][e, pl.ds(H, H)] = cvec
        msg_v[1][e, pl.ds(H, H)] = cvec
        return carry

    lax.fori_loop(0, C, init_body, 0)
    plsc.subcore_barrier()

    nchunks = E // C
    niter = (nchunks + NW - 1) // NW

    def start(j, b):
        cid = wid + j * NW

        @pl.when(cid < nchunks)
        def _():
            base = pl.multiple_of(cid * C, C)
            pltpu.sync_copy(ei_hbm.at[:, pl.ds(base, C)], ei_v[b])
            pltpu.sync_copy(ea_hbm.at[pl.ds(base, C)], ea_v[b])
            pltpu.async_copy(p_hbm.at[ei_v[b].at[0]], rows_v[b], sem[b])

    def process(j, b):
        cid = wid + j * NW

        @pl.when(cid < nchunks)
        def _():
            pltpu.make_async_copy(p_hbm.at[ei_v[b].at[0]], rows_v[b],
                                  sem[b]).wait()

            def edge_body(e, carry2):
                eav = ea_v[b][e, pl.ds(0, DE)]
                a0 = rows_v[b][e, pl.ds(DE * H, H)]
                a1 = eav[0] * rows_v[b][e, pl.ds(0, H)]
                a2 = eav[1] * rows_v[b][e, pl.ds(H, H)]
                a3 = eav[2] * rows_v[b][e, pl.ds(2 * H, H)]
                for k in range(3, DE - 1, 4):
                    a0 = a0 + eav[k] * rows_v[b][e, pl.ds(k * H, H)]
                    a1 = a1 + eav[k + 1] * rows_v[b][e, pl.ds((k + 1) * H, H)]
                    a2 = a2 + eav[k + 2] * rows_v[b][e, pl.ds((k + 2) * H, H)]
                    a3 = a3 + eav[k + 3] * rows_v[b][e, pl.ds((k + 3) * H, H)]
                a0 = a0 + eav[15] * rows_v[b][e, pl.ds(15 * H, H)]
                msg_v[b][e, pl.ds(0, H)] = (a0 + a1) + (a2 + a3)
                return carry2

            lax.fori_loop(0, C, edge_body, 0, unroll=4)
            pltpu.sync_copy(msg_v[b], acc_sh.at[ei_v[b].at[1]], add=True)

    start(0, 0)
    start(1, 1)

    def chunk_body(t, carry):
        j = 2 * t
        process(j, 0)
        start(j + 2, 0)
        process(j + 1, 1)
        start(j + 3, 1)
        return carry

    lax.fori_loop(0, niter // 2, chunk_body, 0)
    plsc.subcore_barrier()

    pltpu.sync_copy(acc_sh.at[pl.ds(stripe, rows_per)],
                    out_hbm.at[c, pl.ds(stripe, rows_per)])


_BN = 2000


def _dense1_body(x_ref, w_ref, b_ref, p_ref, r_ref):
    acc = jnp.dot(x_ref[...], w_ref[...], preferred_element_type=jnp.float32)
    p_ref[...] = acc[:, :PW]
    r_ref[...] = acc[:, PW:] + b_ref[...]


def _mid_body(pp_ref, r1_ref, w_ref, b_ref, p2_ref, r2_ref):
    pa = pp_ref[0]
    pb = pp_ref[1]
    ssum = pa[:, :H] + pb[:, :H]
    cnt = pa[:, H:H + 1] + pb[:, H:H + 1]
    h = jnp.maximum(ssum / jnp.maximum(cnt, 1.0) + r1_ref[...], 0.0)
    acc = jnp.dot(h, w_ref[...], preferred_element_type=jnp.float32)
    p2_ref[...] = acc[:, :PW]
    r2_ref[...] = acc[:, PW:] + b_ref[...]


def _head_body(pp_ref, r2_ref, g_ref, wh_ref, wg_ref, bh_ref, o_ref):
    pa = pp_ref[0]
    pb = pp_ref[1]
    ssum = pa[:, :H] + pb[:, :H]
    cnt = pa[:, H:H + 1] + pb[:, H:H + 1]
    h = jnp.maximum(ssum / jnp.maximum(cnt, 1.0) + r2_ref[...], 0.0)
    o_ref[...] = (jnp.dot(h, wh_ref[...], preferred_element_type=jnp.float32)
                  + jnp.dot(g_ref[...], wg_ref[...],
                            preferred_element_type=jnp.float32)
                  + bh_ref[...])


def _row_spec(width):
    return pl.BlockSpec((_BN, width), lambda i: (i, 0))


def _full_spec(shape):
    return pl.BlockSpec(shape, lambda i: tuple(0 for _ in shape))


_GRID = (N // _BN,)

_dense1 = pl.pallas_call(
    _dense1_body,
    grid=_GRID,
    in_specs=[_row_spec(DIN), _full_spec((DIN, PW + H)), _full_spec((1, H))],
    out_specs=[_row_spec(PW), _row_spec(H)],
    out_shape=[jax.ShapeDtypeStruct((N, PW), jnp.float32),
               jax.ShapeDtypeStruct((N, H), jnp.float32)],
)

_mid = pl.pallas_call(
    _mid_body,
    grid=_GRID,
    in_specs=[pl.BlockSpec((NC, _BN, 2 * H), lambda i: (0, i, 0)),
              _row_spec(H), _full_spec((H, PW + H)), _full_spec((1, H))],
    out_specs=[_row_spec(PW), _row_spec(H)],
    out_shape=[jax.ShapeDtypeStruct((N, PW), jnp.float32),
               jax.ShapeDtypeStruct((N, H), jnp.float32)],
)

_head = pl.pallas_call(
    _head_body,
    grid=_GRID,
    in_specs=[pl.BlockSpec((NC, _BN, 2 * H), lambda i: (0, i, 0)),
              _row_spec(H), _row_spec(GF), _full_spec((H, 1)),
              _full_spec((GF, 1)), _full_spec((1, 1))],
    out_specs=_row_spec(1),
    out_shape=jax.ShapeDtypeStruct((N, 1), jnp.float32),
)


def kernel(x, edge_index, edge_attr, graph_features,
           A1, b1, Wr1, br1, A2, b2, Wr2, br2, Wh, bh):
    W1 = jnp.concatenate([
        A1.reshape(DE, DIN, H).transpose(1, 0, 2).reshape(DIN, DE * H),
        b1.reshape(DIN, H), Wr1], axis=1)
    W2 = jnp.concatenate([
        A2.reshape(DE, H, H).transpose(1, 0, 2).reshape(H, DE * H),
        b2.reshape(H, H), Wr2], axis=1)

    p1, root1 = _dense1(x, W1, br1.reshape(1, H))
    part1 = _edge_pass(p1, edge_index, edge_attr)
    p2, root2 = _mid(part1, root1, W2, br2.reshape(1, H))
    part2 = _edge_pass(p2, edge_index, edge_attr)
    return _head(part2, root2, graph_features.T,
                 Wh[:H], Wh[H:], bh.reshape(1, 1))

# --- scband reference (transcript-rebuilt; emitter-appended) ---
"""Pipeline reference for scband-obm-nnconv-80290118631604 (READ-ONLY COPY).

The authoritative reference and input builder live on the scoring server;
editing this copy changes nothing except your own understanding.
"""

import jax, jax.numpy as jnp
import numpy as np

N = 10000
E = 160000
DIN = 128
H = 16
DE = 16
GF = 8
DOUT = 1


def setup_inputs(seed: int = 0) -> dict:
    key = jax.random.key(seed)
    ks = jax.random.split(key, 16)
    x = jax.random.normal(ks[0], (N, DIN), dtype=jnp.float32)
    edge_index = jax.random.randint(ks[1], (2, E), 0, N, dtype=jnp.int32)
    edge_attr = jax.random.normal(ks[2], (E, DE), dtype=jnp.float32)
    graph_features = jax.random.normal(ks[3], (GF, N), dtype=jnp.float32)
    # Layer 1 NNConv params: edge_nn Linear(DE -> DIN*H), root weight Linear(DIN -> H, bias separate)
    A1 = jax.random.normal(ks[4], (DE, DIN * H), dtype=jnp.float32) * 0.05
    b1 = jax.random.normal(ks[5], (DIN * H,), dtype=jnp.float32) * 0.05
    Wr1 = jax.random.normal(ks[6], (DIN, H), dtype=jnp.float32) * (1.0 / np.sqrt(DIN))
    br1 = jnp.zeros((H,), dtype=jnp.float32)
    # Layer 2 NNConv params: edge_nn Linear(DE -> H*H), root weight Linear(H -> H)
    A2 = jax.random.normal(ks[7], (DE, H * H), dtype=jnp.float32) * 0.05
    b2 = jax.random.normal(ks[8], (H * H,), dtype=jnp.float32) * 0.05
    Wr2 = jax.random.normal(ks[9], (H, H), dtype=jnp.float32) * (1.0 / np.sqrt(H))
    br2 = jnp.zeros((H,), dtype=jnp.float32)
    # Regression head Linear(H + GF -> DOUT)
    Wh = jax.random.normal(ks[10], (H + GF, DOUT), dtype=jnp.float32) * (1.0 / np.sqrt(H + GF))
    bh = jnp.zeros((DOUT,), dtype=jnp.float32)
    return {
        "x": x, "edge_index": edge_index, "edge_attr": edge_attr,
        "graph_features": graph_features,
        "A1": A1, "b1": b1, "Wr1": Wr1, "br1": br1,
        "A2": A2, "b2": b2, "Wr2": Wr2, "br2": br2,
        "Wh": Wh, "bh": bh,
    }


def _nnconv(x, edge_index, edge_attr, A, b, Wr, br, din, dout, n_nodes):
    # edge-conditioned filter: h_Theta(e) -> [E, din, dout]
    We = (edge_attr @ A + b).reshape(-1, din, dout)
    src = edge_index[0]
    dst = edge_index[1]
    x_j = jnp.take(x, src, axis=0)  # gather source features [E, din]
    msg = jnp.einsum('ei,eio->eo', x_j, We)  # [E, dout]
    s = jax.ops.segment_sum(msg, dst, num_segments=n_nodes)
    cnt = jax.ops.segment_sum(jnp.ones((msg.shape[0],), jnp.float32), dst, num_segments=n_nodes)
    agg = s / jnp.maximum(cnt, 1.0)[:, None]  # aggr='mean'
    return agg + x @ Wr + br


def reference(x, edge_index, edge_attr, graph_features,
              A1, b1, Wr1, br1, A2, b2, Wr2, br2, Wh, bh):
    h = _nnconv(x, edge_index, edge_attr, A1, b1, Wr1, br1, DIN, H, N)
    h = jax.nn.relu(h)
    # dropout p=0.0 / eval mode -> identity
    h = _nnconv(h, edge_index, edge_attr, A2, b2, Wr2, br2, H, H, N)
    h = jax.nn.relu(h)
    feats = jnp.concatenate([h, graph_features.T], axis=1)  # torch.hstack((x, graph_features.T))
    return feats @ Wh + bh

if __name__ == "__main__":
    import jax
    _d = setup_inputs()
    print(jax.jit(kernel)(*tuple(_d.values())))

</pallas_src>

<mosaic_0001>
#map = affine_map<(d0, d1) -> (0, 0)>
#map1 = affine_map<(d0, d1) -> (0, 0, 0)>
module attributes {stable_mosaic.version = 14 : i64} {
  func.func @_edge_pass(%arg0: i32, %arg1: i32, %arg2: memref<10000x272xf32, #tpu.memory_space<hbm>>, %arg3: memref<2x160000xi32, #tpu.memory_space<hbm>>, %arg4: memref<160000x16xf32, #tpu.memory_space<hbm>>, %arg5: memref<2x10240x32xf32, #tpu.memory_space<hbm>>, %arg6: memref<2x128xi32, #tpu.memory_space<vmem>>, %arg7: memref<2x128xi32, #tpu.memory_space<vmem>>, %arg8: memref<128x272xf32, #tpu.memory_space<vmem>>, %arg9: memref<128x272xf32, #tpu.memory_space<vmem>>, %arg10: memref<128x16xf32, #tpu.memory_space<vmem>>, %arg11: memref<128x16xf32, #tpu.memory_space<vmem>>, %arg12: memref<128x32xf32, #tpu.memory_space<vmem>>, %arg13: memref<128x32xf32, #tpu.memory_space<vmem>>, %arg14: memref<640x32xf32, #tpu.memory_space<vmem>>, %arg15: memref<10240x32xf32, #tpu.memory_space<vmem_shared>>, %arg16: memref<!tpu.dma_semaphore, #tpu.memory_space<semaphore_mem>>, %arg17: memref<!tpu.dma_semaphore, #tpu.memory_space<semaphore_mem>>) attributes {dimension_semantics = [#tpu.dimension_semantics<core_parallel>, #tpu.dimension_semantics<subcore_parallel>], iteration_bounds = array<i64: 2, 16>, scalar_prefetch = 0 : i64, scratch_operands = 12 : i64, tpu.core_type = #tpu.core_type<sc_vector_subcore>, window_params = [{transform_indices = #map}, {transform_indices = #map}, {transform_indices = #map}, {transform_indices = #map1}]} {
    %mul3A = arith.constant 2 : i32
    %mul3A_0 = arith.muli %arg1, %mul3A : i32
    %add3A = arith.addi %mul3A_0, %arg0 : i32
    %mul3A_1 = arith.constant 640 : i32
    %mul3A_2 = arith.muli %arg1, %mul3A_1 : i32
    %multiple_of3A = tpu.assume_multiple %mul3A_2, 8 : i32
    %broadcast_in_dim3A = arith.constant 0.000000e+00 : f32
    %broadcast_in_dim3A_3 = vector.broadcast %broadcast_in_dim3A : f32 to vector<16xf32>
    %scan3A = arith.constant 0 : i32
    %scan3A_4 = arith.constant 0 : i32
    %scan3A_5 = arith.constant 640 : i32
    %scan3A_6 = arith.addi %scan3A_4, %scan3A_5 : i32
    %scan3A_7 = arith.constant 4 : i32
    scf.for %scan3A_38 = %scan3A_4 to %scan3A_6 step %scan3A_7  : i32 {
      %swap3A = arith.index_cast %scan3A_38 : i32 to index
      %swap3A_39 = arith.constant 0 : index
      %swap3A_40 = tpu.vector_load %arg14[%swap3A, %swap3A_39] {strides = array<i32>} : memref<640x32xf32, #tpu.memory_space<vmem>>, vector<1x16xf32>,
      %swap3A_41 = vector.shape_cast %swap3A_40 : vector<1x16xf32> to vector<16xf32>
      %swap3A_42 = vector.shape_cast %broadcast_in_dim3A_3 : vector<16xf32> to vector<1x16xf32>
      tpu.vector_store %arg14[%swap3A, %swap3A_39], %swap3A_42 {strides = array<i32>} : memref<640x32xf32, #tpu.memory_space<vmem>>, vector<1x16xf32>,
      %swap3A_43 = arith.index_cast %scan3A_38 : i32 to index
      %swap3A_44 = arith.constant 16 : index
      %swap3A_45 = tpu.vector_load %arg14[%swap3A_43, %swap3A_44] {strides = array<i32>} : memref<640x32xf32, #tpu.memory_space<vmem>>, vector<1x16xf32>,
      %swap3A_46 = vector.shape_cast %swap3A_45 : vector<1x16xf32> to vector<16xf32>
      %swap3A_47 = vector.shape_cast %broadcast_in_dim3A_3 : vector<16xf32> to vector<1x16xf32>
      tpu.vector_store %arg14[%swap3A_43, %swap3A_44], %swap3A_47 {strides = array<i32>} : memref<640x32xf32, #tpu.memory_space<vmem>>, vector<1x16xf32>,
      %scan3A_48 = arith.constant 1 : i32
      %scan3A_49 = arith.addi %scan3A_38, %scan3A_48 : i32
      %swap3A_50 = arith.index_cast %scan3A_49 : i32 to index
      %swap3A_51 = arith.constant 0 : index
      %swap3A_52 = tpu.vector_load %arg14[%swap3A_50, %swap3A_51] {strides = array<i32>} : memref<640x32xf32, #tpu.memory_space<vmem>>, vector<1x16xf32>,
      %swap3A_53 = vector.shape_cast %swap3A_52 : vector<1x16xf32> to vector<16xf32>
      %swap3A_54 = vector.shape_cast %broadcast_in_dim3A_3 : vector<16xf32> to vector<1x16xf32>
      tpu.vector_store %arg14[%swap3A_50, %swap3A_51], %swap3A_54 {strides = array<i32>} : memref<640x32xf32, #tpu.memory_space<vmem>>, vector<1x16xf32>,
      %swap3A_55 = arith.index_cast %scan3A_49 : i32 to index
      %swap3A_56 = arith.constant 16 : index
      %swap3A_57 = tpu.vector_load %arg14[%swap3A_55, %swap3A_56] {strides = array<i32>} : memref<640x32xf32, #tpu.memory_space<vmem>>, vector<1x16xf32>,
      %swap3A_58 = vector.shape_cast %swap3A_57 : vector<1x16xf32> to vector<16xf32>
      %swap3A_59 = vector.shape_cast %broadcast_in_dim3A_3 : vector<16xf32> to vector<1x16xf32>
      tpu.vector_store %arg14[%swap3A_55, %swap3A_56], %swap3A_59 {strides = array<i32>} : memref<640x32xf32, #tpu.memory_space<vmem>>, vector<1x16xf32>,
      %scan3A_60 = arith.constant 2 : i32
      %scan3A_61 = arith.addi %scan3A_38, %scan3A_60 : i32
      %swap3A_62 = arith.index_cast %scan3A_61 : i32 to index
      %swap3A_63 = arith.constant 0 : index
      %swap3A_64 = tpu.vector_load %arg14[%swap3A_62, %swap3A_63] {strides = array<i32>} : memref<640x32xf32, #tpu.memory_space<vmem>>, vector<1x16xf32>,
      %swap3A_65 = vector.shape_cast %swap3A_64 : vector<1x16xf32> to vector<16xf32>
      %swap3A_66 = vector.shape_cast %broadcast_in_dim3A_3 : vector<16xf32> to vector<1x16xf32>
      tpu.vector_store %arg14[%swap3A_62, %swap3A_63], %swap3A_66 {strides = array<i32>} : memref<640x32xf32, #tpu.memory_space<vmem>>, vector<1x16xf32>,
      %swap3A_67 = arith.index_cast %scan3A_61 : i32 to index
      %swap3A_68 = arith.constant 16 : index
      %swap3A_69 = tpu.vector_load %arg14[%swap3A_67, %swap3A_68] {strides = array<i32>} : memref<640x32xf32, #tpu.memory_space<vmem>>, vector<1x16xf32>,
      %swap3A_70 = vector.shape_cast %swap3A_69 : vector<1x16xf32> to vector<16xf32>
      %swap3A_71 = vector.shape_cast %broadcast_in_dim3A_3 : vector<16xf32> to vector<1x16xf32>
      tpu.vector_store %arg14[%swap3A_67, %swap3A_68], %swap3A_71 {strides = array<i32>} : memref<640x32xf32, #tpu.memory_space<vmem>>, vector<1x16xf32>,
      %scan3A_72 = arith.constant 3 : i32
      %scan3A_73 = arith.addi %scan3A_38, %scan3A_72 : i32
      %swap3A_74 = arith.index_cast %scan3A_73 : i32 to index
      %swap3A_75 = arith.constant 0 : index
      %swap3A_76 = tpu.vector_load %arg14[%swap3A_74, %swap3A_75] {strides = array<i32>} : memref<640x32xf32, #tpu.memory_space<vmem>>, vector<1x16xf32>,
      %swap3A_77 = vector.shape_cast %swap3A_76 : vector<1x16xf32> to vector<16xf32>
      %swap3A_78 = vector.shape_cast %broadcast_in_dim3A_3 : vector<16xf32> to vector<1x16xf32>
      tpu.vector_store %arg14[%swap3A_74, %swap3A_75], %swap3A_78 {strides = array<i32>} : memref<640x32xf32, #tpu.memory_space<vmem>>, vector<1x16xf32>,
      %swap3A_79 = arith.index_cast %scan3A_73 : i32 to index
      %swap3A_80 = arith.constant 16 : index
      %swap3A_81 = tpu.vector_load %arg14[%swap3A_79, %swap3A_80] {strides = array<i32>} : memref<640x32xf32, #tpu.memory_space<vmem>>, vector<1x16xf32>,
      %swap3A_82 = vector.shape_cast %swap3A_81 : vector<1x16xf32> to vector<16xf32>
      %swap3A_83 = vector.shape_cast %broadcast_in_dim3A_3 : vector<16xf32> to vector<1x16xf32>
      tpu.vector_store %arg14[%swap3A_79, %swap3A_80], %swap3A_83 {strides = array<i32>} : memref<640x32xf32, #tpu.memory_space<vmem>>, vector<1x16xf32>,
    }
    %scan3A_8 = arith.constant 640 : i32
    "tpu.region"() ({
      %run_scoped3A = tpu.sem_alloc : memref<!tpu.dma_semaphore, #tpu.memory_space<semaphore_mem>>
      %dma_start3A = arith.constant 0 : i32
      %dma_start3A_38 = tpu.memref_slice %arg15[%multiple_of3A, %dma_start3A] : memref<10240x32xf32, #tpu.memory_space<vmem_shared>> -> memref<640x32xf32, #tpu.memory_space<vmem_shared>>
      %dma_start3A_39 = arith.constant 0 : i32
      %dma_start3A_40 = tpu.memref_slice %arg15[%multiple_of3A, %dma_start3A_39] : memref<10240x32xf32, #tpu.memory_space<vmem_shared>> -> memref<640x32xf32, #tpu.memory_space<vmem_shared>>
      tpu.enqueue_dma source(%arg14 : memref<640x32xf32, #tpu.memory_space<vmem>>) target(%dma_start3A_40 : memref<640x32xf32, #tpu.memory_space<vmem_shared>>) target_semaphore(%run_scoped3A : memref<!tpu.dma_semaphore, #tpu.memory_space<semaphore_mem>>)
      %dma_wait3A = arith.constant 0 : i32
      %dma_wait3A_41 = tpu.memref_slice %arg15[%multiple_of3A, %dma_wait3A] : memref<10240x32xf32, #tpu.memory_space<vmem_shared>> -> memref<640x32xf32, #tpu.memory_space<vmem_shared>>
      %dma_wait3A_42 = arith.constant 0 : i32
      %dma_wait3A_43 = tpu.memref_slice %arg15[%multiple_of3A, %dma_wait3A_42] : memref<10240x32xf32, #tpu.memory_space<vmem_shared>> -> memref<640x32xf32, #tpu.memory_space<vmem_shared>>
      tpu.wait_dma2 semaphore(%run_scoped3A : memref<!tpu.dma_semaphore, #tpu.memory_space<semaphore_mem>>) src(%arg14 : memref<640x32xf32, #tpu.memory_space<vmem>>) dst(%dma_wait3A_43 : memref<640x32xf32, #tpu.memory_space<vmem_shared>>)
      tpu.yield
    }) : () -> ()
    %iota3A = tpu.iota {dimensions = array<i32: 0>} : vector<16xi32>
    %eq3A = arith.constant 0 : i32
    %eq3A_9 = vector.broadcast %eq3A : i32 to vector<16xi32>
    %eq3A_10 = arith.cmpi eq, %iota3A, %eq3A_9 : vector<16xi32>
    %jit3A = arith.constant 1.000000e+00 : f32
    %jit3A_11 = arith.constant 0.000000e+00 : f32
    %broadcast_in_dim3A_12 = vector.broadcast %jit3A : f32 to vector<16xf32>
    %broadcast_in_dim3A_13 = vector.broadcast %jit3A_11 : f32 to vector<16xf32>
    %select_n3A = arith.select %eq3A_10, %broadcast_in_dim3A_12, %broadcast_in_dim3A_13 : vector<16xi1>, vector<16xf32>
    %scan3A_14 = arith.constant 0 : i32
    %scan3A_15 = arith.constant 0 : i32
    %scan3A_16 = arith.constant 128 : i32
    %scan3A_17 = arith.addi %scan3A_15, %scan3A_16 : i32
    %scan3A_18 = arith.constant 1 : i32
    scf.for %scan3A_38 = %scan3A_15 to %scan3A_17 step %scan3A_18  : i32 {
      %swap3A = arith.index_cast %scan3A_38 : i32 to index
      %swap3A_39 = arith.constant 16 : index
      %swap3A_40 = tpu.vector_load %arg12[%swap3A, %swap3A_39] {strides = array<i32>} : memref<128x32xf32, #tpu.memory_space<vmem>>, vector<1x16xf32>,
      %swap3A_41 = vector.shape_cast %swap3A_40 : vector<1x16xf32> to vector<16xf32>
      %swap3A_42 = vector.shape_cast %select_n3A : vector<16xf32> to vector<1x16xf32>
      tpu.vector_store %arg12[%swap3A, %swap3A_39], %swap3A_42 {strides = array<i32>} : memref<128x32xf32, #tpu.memory_space<vmem>>, vector<1x16xf32>,
      %swap3A_43 = arith.index_cast %scan3A_38 : i32 to index
      %swap3A_44 = arith.constant 16 : index
      %swap3A_45 = tpu.vector_load %arg13[%swap3A_43, %swap3A_44] {strides = array<i32>} : memref<128x32xf32, #tpu.memory_space<vmem>>, vector<1x16xf32>,
      %swap3A_46 = vector.shape_cast %swap3A_45 : vector<1x16xf32> to vector<16xf32>
      %swap3A_47 = vector.shape_cast %select_n3A : vector<16xf32> to vector<1x16xf32>
      tpu.vector_store %arg13[%swap3A_43, %swap3A_44], %swap3A_47 {strides = array<i32>} : memref<128x32xf32, #tpu.memory_space<vmem>>, vector<1x16xf32>,
    }
    %scan3A_19 = arith.constant 128 : i32
    %barrier3A = arith.constant 0 : index
    tpu.barrier barrier_id(%barrier3A)
    %add3A_20 = arith.constant 0 : i32
    %add3A_21 = arith.addi %add3A, %add3A_20 : i32
    %lt3A = arith.constant 1250 : i32
    %lt3A_22 = arith.cmpi slt, %add3A_21, %lt3A : i32
    %convert_element_type3A = arith.extui %lt3A_22 : i1 to i32
    %cond3A = arith.constant 0 : i32
    %cond3A_23 = arith.cmpi ne, %convert_element_type3A, %cond3A : i32
    scf.if %cond3A_23 {
      %mul3A_38 = arith.constant 128 : i32
      %mul3A_39 = arith.muli %add3A_21, %mul3A_38 : i32
      %multiple_of3A_40 = tpu.assume_multiple %mul3A_39, 128 : i32
      "tpu.region"() ({
        %run_scoped3A = tpu.sem_alloc : memref<!tpu.dma_semaphore, #tpu.memory_space<semaphore_mem>>
        %dma_start3A_47 = arith.constant 0 : i32
        %dma_start3A_48 = tpu.memref_slice %arg3[%dma_start3A_47, %multiple_of3A_40] : memref<2x160000xi32, #tpu.memory_space<hbm>> -> memref<2x128xi32, #tpu.memory_space<hbm>>
        %dma_start3A_49 = arith.constant 0 : i32
        %dma_start3A_50 = tpu.memref_slice %arg3[%dma_start3A_49, %multiple_of3A_40] : memref<2x160000xi32, #tpu.memory_space<hbm>> -> memref<2x128xi32, #tpu.memory_space<hbm>>
        tpu.enqueue_dma source(%dma_start3A_50 : memref<2x128xi32, #tpu.memory_space<hbm>>) target(%arg6 : memref<2x128xi32, #tpu.memory_space<vmem>>) target_semaphore(%run_scoped3A : memref<!tpu.dma_semaphore, #tpu.memory_space<semaphore_mem>>)
        %dma_wait3A = arith.constant 0 : i32
        %dma_wait3A_51 = tpu.memref_slice %arg3[%dma_wait3A, %multiple_of3A_40] : memref<2x160000xi32, #tpu.memory_space<hbm>> -> memref<2x128xi32, #tpu.memory_space<hbm>>
        %dma_wait3A_52 = arith.constant 0 : i32
        %dma_wait3A_53 = tpu.memref_slice %arg3[%dma_wait3A_52, %multiple_of3A_40] : memref<2x160000xi32, #tpu.memory_space<hbm>> -> memref<2x128xi32, #tpu.memory_space<hbm>>
        tpu.wait_dma2 semaphore(%run_scoped3A : memref<!tpu.dma_semaphore, #tpu.memory_space<semaphore_mem>>) src(%dma_wait3A_53 : memref<2x128xi32, #tpu.memory_space<hbm>>) dst(%arg6 : memref<2x128xi32, #tpu.memory_space<vmem>>)
        tpu.yield
      }) : () -> ()
      "tpu.region"() ({
        %run_scoped3A = tpu.sem_alloc : memref<!tpu.dma_semaphore, #tpu.memory_space<semaphore_mem>>
        %dma_start3A_47 = arith.constant 0 : i32
        %dma_start3A_48 = tpu.memref_slice %arg4[%multiple_of3A_40, %dma_start3A_47] : memref<160000x16xf32, #tpu.memory_space<hbm>> -> memref<128x16xf32, #tpu.memory_space<hbm>>
        %dma_start3A_49 = arith.constant 0 : i32
        %dma_start3A_50 = tpu.memref_slice %arg4[%multiple_of3A_40, %dma_start3A_49] : memref<160000x16xf32, #tpu.memory_space<hbm>> -> memref<128x16xf32, #tpu.memory_space<hbm>>
        tpu.enqueue_dma source(%dma_start3A_50 : memref<128x16xf32, #tpu.memory_space<hbm>>) target(%arg10 : memref<128x16xf32, #tpu.memory_space<vmem>>) target_semaphore(%run_scoped3A : memref<!tpu.dma_semaphore, #tpu.memory_space<semaphore_mem>>)
        %dma_wait3A = arith.constant 0 : i32
        %dma_wait3A_51 = tpu.memref_slice %arg4[%multiple_of3A_40, %dma_wait3A] : memref<160000x16xf32, #tpu.memory_space<hbm>> -> memref<128x16xf32, #tpu.memory_space<hbm>>
        %dma_wait3A_52 = arith.constant 0 : i32
        %dma_wait3A_53 = tpu.memref_slice %arg4[%multiple_of3A_40, %dma_wait3A_52] : memref<160000x16xf32, #tpu.memory_space<hbm>> -> memref<128x16xf32, #tpu.memory_space<hbm>>
        tpu.wait_dma2 semaphore(%run_scoped3A : memref<!tpu.dma_semaphore, #tpu.memory_space<semaphore_mem>>) src(%dma_wait3A_53 : memref<128x16xf32, #tpu.memory_space<hbm>>) dst(%arg10 : memref<128x16xf32, #tpu.memory_space<vmem>>)
        tpu.yield
      }) : () -> ()
      %dma_start3A = arith.constant 0 : i32
      %dma_start3A_41 = arith.constant 0 : i32
      %dma_start3A_42 = tpu.memref_slice %arg6[%dma_start3A, %dma_start3A_41] : memref<2x128xi32, #tpu.memory_space<vmem>> -> memref<1x128xi32, #tpu.memory_space<vmem>>
      %dma_start3A_43 = tpu.memref_squeeze %dma_start3A_42 : memref<1x128xi32, #tpu.memory_space<vmem>> -> memref<128xi32, #tpu.memory_space<vmem>>
      %dma_start3A_44 = arith.constant 0 : i32
      %dma_start3A_45 = arith.constant 0 : i32
      %dma_start3A_46 = tpu.memref_slice %arg2[%dma_start3A_44, %dma_start3A_45] : memref<10000x272xf32, #tpu.memory_space<hbm>> -> memref<10000x272xf32, #tpu.memory_space<hbm>>
      tpu.enqueue_indirect_dma source(%dma_start3A_46 : memref<10000x272xf32, #tpu.memory_space<hbm>>) target(%arg8 : memref<128x272xf32, #tpu.memory_space<vmem>>) offsets(%dma_start3A_43 : memref<128xi32, #tpu.memory_space<vmem>>) semaphore(%arg16 : memref<!tpu.dma_semaphore, #tpu.memory_space<semaphore_mem>>)
    } else {
    }
    %add3A_24 = arith.constant 32 : i32
    %add3A_25 = arith.addi %add3A, %add3A_24 : i32
    %lt3A_26 = arith.constant 1250 : i32
    %lt3A_27 = arith.cmpi slt, %add3A_25, %lt3A_26 : i32
    %convert_element_type3A_28 = arith.extui %lt3A_27 : i1 to i32
    %cond3A_29 = arith.constant 0 : i32
    %cond3A_30 = arith.cmpi ne, %convert_element_type3A_28, %cond3A_29 : i32
    scf.if %cond3A_30 {
      %mul3A_38 = arith.constant 128 : i32
      %mul3A_39 = arith.muli %add3A_25, %mul3A_38 : i32
      %multiple_of3A_40 = tpu.assume_multiple %mul3A_39, 128 : i32
      "tpu.region"() ({
        %run_scoped3A = tpu.sem_alloc : memref<!tpu.dma_semaphore, #tpu.memory_space<semaphore_mem>>
        %dma_start3A_47 = arith.constant 0 : i32
        %dma_start3A_48 = tpu.memref_slice %arg3[%dma_start3A_47, %multiple_of3A_40] : memref<2x160000xi32, #tpu.memory_space<hbm>> -> memref<2x128xi32, #tpu.memory_space<hbm>>
        %dma_start3A_49 = arith.constant 0 : i32
        %dma_start3A_50 = tpu.memref_slice %arg3[%dma_start3A_49, %multiple_of3A_40] : memref<2x160000xi32, #tpu.memory_space<hbm>> -> memref<2x128xi32, #tpu.memory_space<hbm>>
        tpu.enqueue_dma source(%dma_start3A_50 : memref<2x128xi32, #tpu.memory_space<hbm>>) target(%arg7 : memref<2x128xi32, #tpu.memory_space<vmem>>) target_semaphore(%run_scoped3A : memref<!tpu.dma_semaphore, #tpu.memory_space<semaphore_mem>>)
        %dma_wait3A = arith.constant 0 : i32
        %dma_wait3A_51 = tpu.memref_slice %arg3[%dma_wait3A, %multiple_of3A_40] : memref<2x160000xi32, #tpu.memory_space<hbm>> -> memref<2x128xi32, #tpu.memory_space<hbm>>
        %dma_wait3A_52 = arith.constant 0 : i32
        %dma_wait3A_53 = tpu.memref_slice %arg3[%dma_wait3A_52, %multiple_of3A_40] : memref<2x160000xi32, #tpu.memory_space<hbm>> -> memref<2x128xi32, #tpu.memory_space<hbm>>
        tpu.wait_dma2 semaphore(%run_scoped3A : memref<!tpu.dma_semaphore, #tpu.memory_space<semaphore_mem>>) src(%dma_wait3A_53 : memref<2x128xi32, #tpu.memory_space<hbm>>) dst(%arg7 : memref<2x128xi32, #tpu.memory_space<vmem>>)
        tpu.yield
      }) : () -> ()
      "tpu.region"() ({
        %run_scoped3A = tpu.sem_alloc : memref<!tpu.dma_semaphore, #tpu.memory_space<semaphore_mem>>
        %dma_start3A_47 = arith.constant 0 : i32
        %dma_start3A_48 = tpu.memref_slice %arg4[%multiple_of3A_40, %dma_start3A_47] : memref<160000x16xf32, #tpu.memory_space<hbm>> -> memref<128x16xf32, #tpu.memory_space<hbm>>
        %dma_start3A_49 = arith.constant 0 : i32
        %dma_start3A_50 = tpu.memref_slice %arg4[%multiple_of3A_40, %dma_start3A_49] : memref<160000x16xf32, #tpu.memory_space<hbm>> -> memref<128x16xf32, #tpu.memory_space<hbm>>
        tpu.enqueue_dma source(%dma_start3A_50 : memref<128x16xf32, #tpu.memory_space<hbm>>) target(%arg11 : memref<128x16xf32, #tpu.memory_space<vmem>>) target_semaphore(%run_scoped3A : memref<!tpu.dma_semaphore, #tpu.memory_space<semaphore_mem>>)
        %dma_wait3A = arith.constant 0 : i32
        %dma_wait3A_51 = tpu.memref_slice %arg4[%multiple_of3A_40, %dma_wait3A] : memref<160000x16xf32, #tpu.memory_space<hbm>> -> memref<128x16xf32, #tpu.memory_space<hbm>>
        %dma_wait3A_52 = arith.constant 0 : i32
        %dma_wait3A_53 = tpu.memref_slice %arg4[%multiple_of3A_40, %dma_wait3A_52] : memref<160000x16xf32, #tpu.memory_space<hbm>> -> memref<128x16xf32, #tpu.memory_space<hbm>>
        tpu.wait_dma2 semaphore(%run_scoped3A : memref<!tpu.dma_semaphore, #tpu.memory_space<semaphore_mem>>) src(%dma_wait3A_53 : memref<128x16xf32, #tpu.memory_space<hbm>>) dst(%arg11 : memref<128x16xf32, #tpu.memory_space<vmem>>)
        tpu.yield
      }) : () -> ()
      %dma_start3A = arith.constant 0 : i32
      %dma_start3A_41 = arith.constant 0 : i32
      %dma_start3A_42 = tpu.memref_slice %arg7[%dma_start3A, %dma_start3A_41] : memref<2x128xi32, #tpu.memory_space<vmem>> -> memref<1x128xi32, #tpu.memory_space<vmem>>
      %dma_start3A_43 = tpu.memref_squeeze %dma_start3A_42 : memref<1x128xi32, #tpu.memory_space<vmem>> -> memref<128xi32, #tpu.memory_space<vmem>>
      %dma_start3A_44 = arith.constant 0 : i32
      %dma_start3A_45 = arith.constant 0 : i32
      %dma_start3A_46 = tpu.memref_slice %arg2[%dma_start3A_44, %dma_start3A_45] : memref<10000x272xf32, #tpu.memory_space<hbm>> -> memref<10000x272xf32, #tpu.memory_space<hbm>>
      tpu.enqueue_indirect_dma source(%dma_start3A_46 : memref<10000x272xf32, #tpu.memory_space<hbm>>) target(%arg9 : memref<128x272xf32, #tpu.memory_space<vmem>>) offsets(%dma_start3A_43 : memref<128xi32, #tpu.memory_space<vmem>>) semaphore(%arg17 : memref<!tpu.dma_semaphore, #tpu.memory_space<semaphore_mem>>)
    } else {
    }
    %scan3A_31 = arith.constant 0 : i32
    %scan3A_32 = arith.constant 0 : i32
    %scan3A_33 = arith.constant 20 : i32
    %scan3A_34 = arith.addi %scan3A_32, %scan3A_33 : i32
    %scan3A_35 = arith.constant 1 : i32
    scf.for %scan3A_38 = %scan3A_32 to %scan3A_34 step %scan3A_35  : i32 {
      %mul3A_39 = arith.constant 2 : i32
      %mul3A_40 = arith.muli %mul3A_39, %scan3A_38 : i32
      %mul3A_41 = arith.constant 32 : i32
      %mul3A_42 = arith.muli %mul3A_40, %mul3A_41 : i32
      %add3A_43 = arith.addi %add3A, %mul3A_42 : i32
      %lt3A_44 = arith.constant 1250 : i32
      %lt3A_45 = arith.cmpi slt, %add3A_43, %lt3A_44 : i32
      %convert_element_type3A_46 = arith.extui %lt3A_45 : i1 to i32
      %cond3A_47 = arith.constant 0 : i32
      %cond3A_48 = arith.cmpi ne, %convert_element_type3A_46, %cond3A_47 : i32
      scf.if %cond3A_48 {
        %dma_wait3A = arith.constant 0 : i32
        %dma_wait3A_79 = arith.constant 0 : i32
        %dma_wait3A_80 = tpu.memref_slice %arg6[%dma_wait3A, %dma_wait3A_79] : memref<2x128xi32, #tpu.memory_space<vmem>> -> memref<1x128xi32, #tpu.memory_space<vmem>>
        %dma_wait3A_81 = tpu.memref_squeeze %dma_wait3A_80 : memref<1x128xi32, #tpu.memory_space<vmem>> -> memref<128xi32, #tpu.memory_space<vmem>>
        %dma_wait3A_82 = arith.constant 0 : i32
        %dma_wait3A_83 = arith.constant 0 : i32
        %dma_wait3A_84 = tpu.memref_slice %arg2[%dma_wait3A_82, %dma_wait3A_83] : memref<10000x272xf32, #tpu.memory_space<hbm>> -> memref<10000x272xf32, #tpu.memory_space<hbm>>
        tpu.wait_indirect_dma semaphore(%arg16 : memref<!tpu.dma_semaphore, #tpu.memory_space<semaphore_mem>>) src(%dma_wait3A_84 : memref<10000x272xf32, #tpu.memory_space<hbm>>) dst(%arg8 : memref<128x272xf32, #tpu.memory_space<vmem>>)
        %scan3A_85 = arith.constant 0 : i32
        %scan3A_86 = arith.constant 0 : i32
        %scan3A_87 = arith.constant 128 : i32
        %scan3A_88 = arith.addi %scan3A_86, %scan3A_87 : i32
        %scan3A_89 = arith.constant 4 : i32
        scf.for %scan3A_91 = %scan3A_86 to %scan3A_88 step %scan3A_89  : i32 {
          %get3A = arith.index_cast %scan3A_91 : i32 to index
          %get3A_92 = arith.constant 0 : index
          %get3A_93 = tpu.vector_load %arg10[%get3A, %get3A_92] {strides = array<i32>} : memref<128x16xf32, #tpu.memory_space<vmem>>, vector<1x16xf32>,
          %get3A_94 = vector.shape_cast %get3A_93 : vector<1x16xf32> to vector<16xf32>
          %get3A_95 = arith.index_cast %scan3A_91 : i32 to index
          %get3A_96 = arith.constant 256 : index
          %get3A_97 = tpu.vector_load %arg8[%get3A_95, %get3A_96] {strides = array<i32>} : memref<128x272xf32, #tpu.memory_space<vmem>>, vector<1x16xf32>,
          %get3A_98 = vector.shape_cast %get3A_97 : vector<1x16xf32> to vector<16xf32>
          %slice3A = vector.extract_strided_slice %get3A_94 {offsets = [0], sizes = [1], strides = [1]} : vector<16xf32> to vector<1xf32>
          %squeeze3A = vector.extract %slice3A[0] : f32 from vector<1xf32>
          %get3A_99 = arith.index_cast %scan3A_91 : i32 to index
          %get3A_100 = arith.constant 0 : index
          %get3A_101 = tpu.vector_load %arg8[%get3A_99, %get3A_100] {strides = array<i32>} : memref<128x272xf32, #tpu.memory_space<vmem>>, vector<1x16xf32>,
          %get3A_102 = vector.shape_cast %get3A_101 : vector<1x16xf32> to vector<16xf32>
          %mul3A_103 = vector.broadcast %squeeze3A : f32 to vector<16xf32>
          %mul3A_104 = arith.mulf %mul3A_103, %get3A_102 : vector<16xf32>
          %slice3A_105 = vector.extract_strided_slice %get3A_94 {offsets = [1], sizes = [1], strides = [1]} : vector<16xf32> to vector<1xf32>
          %squeeze3A_106 = vector.extract %slice3A_105[0] : f32 from vector<1xf32>
          %get3A_107 = arith.index_cast %scan3A_91 : i32 to index
          %get3A_108 = arith.constant 16 : index
          %get3A_109 = tpu.vector_load %arg8[%get3A_107, %get3A_108] {strides = array<i32>} : memref<128x272xf32, #tpu.memory_space<vmem>>, vector<1x16xf32>,
          %get3A_110 = vector.shape_cast %get3A_109 : vector<1x16xf32> to vector<16xf32>
          %mul3A_111 = vector.broadcast %squeeze3A_106 : f32 to vector<16xf32>
          %mul3A_112 = arith.mulf %mul3A_111, %get3A_110 : vector<16xf32>
          %slice3A_113 = vector.extract_strided_slice %get3A_94 {offsets = [2], sizes = [1], strides = [1]} : vector<16xf32> to vector<1xf32>
          %squeeze3A_114 = vector.extract %slice3A_113[0] : f32 from vector<1xf32>
          %get3A_115 = arith.index_cast %scan3A_91 : i32 to index
          %get3A_116 = arith.constant 32 : index
          %get3A_117 = tpu.vector_load %arg8[%get3A_115, %get3A_116] {strides = array<i32>} : memref<128x272xf32, #tpu.memory_space<vmem>>, vector<1x16xf32>,
          %get3A_118 = vector.shape_cast %get3A_117 : vector<1x16xf32> to vector<16xf32>
          %mul3A_119 = vector.broadcast %squeeze3A_114 : f32 to vector<16xf32>
          %mul3A_120 = arith.mulf %mul3A_119, %get3A_118 : vector<16xf32>
          %slice3A_121 = vector.extract_strided_slice %get3A_94 {offsets = [3], sizes = [1], strides = [1]} : vector<16xf32> to vector<1xf32>
          %squeeze3A_122 = vector.extract %slice3A_121[0] : f32 from vector<1xf32>
          %get3A_123 = arith.index_cast %scan3A_91 : i32 to index
          %get3A_124 = arith.constant 48 : index
          %get3A_125 = tpu.vector_load %arg8[%get3A_123, %get3A_124] {strides = array<i32>} : memref<128x272xf32, #tpu.memory_space<vmem>>, vector<1x16xf32>,
          %get3A_126 = vector.shape_cast %get3A_125 : vector<1x16xf32> to vector<16xf32>
          %mul3A_127 = vector.broadcast %squeeze3A_122 : f32 to vector<16xf32>
          %mul3A_128 = arith.mulf %mul3A_127, %get3A_126 : vector<16xf32>
          %add3A_129 = arith.addf %get3A_98, %mul3A_128 : vector<16xf32>
          %slice3A_130 = vector.extract_strided_slice %get3A_94 {offsets = [4], sizes = [1], strides = [1]} : vector<16xf32> to vector<1xf32>
          %squeeze3A_131 = vector.extract %slice3A_130[0] : f32 from vector<1xf32>
          %get3A_132 = arith.index_cast %scan3A_91 : i32 to index
          %get3A_133 = arith.constant 64 : index
          %get3A_134 = tpu.vector_load %arg8[%get3A_132, %get3A_133] {strides = array<i32>} : memref<128x272xf32, #tpu.memory_space<vmem>>, vector<1x16xf32>,
          %get3A_135 = vector.shape_cast %get3A_134 : vector<1x16xf32> to vector<16xf32>
          %mul3A_136 = vector.broadcast %squeeze3A_131 : f32 to vector<16xf32>
          %mul3A_137 = arith.mulf %mul3A_136, %get3A_135 : vector<16xf32>
          %add3A_138 = arith.addf %mul3A_104, %mul3A_137 : vector<16xf32>
          %slice3A_139 = vector.extract_strided_slice %get3A_94 {offsets = [5], sizes = [1], strides = [1]} : vector<16xf32> to vector<1xf32>
          %squeeze3A_140 = vector.extract %slice3A_139[0] : f32 from vector<1xf32>
          %get3A_141 = arith.index_cast %scan3A_91 : i32 to index
          %get3A_142 = arith.constant 80 : index
          %get3A_143 = tpu.vector_load %arg8[%get3A_141, %get3A_142] {strides = array<i32>} : memref<128x272xf32, #tpu.memory_space<vmem>>, vector<1x16xf32>,
          %get3A_144 = vector.shape_cast %get3A_143 : vector<1x16xf32> to vector<16xf32>
          %mul3A_145 = vector.broadcast %squeeze3A_140 : f32 to vector<16xf32>
          %mul3A_146 = arith.mulf %mul3A_145, %get3A_144 : vector<16xf32>
          %add3A_147 = arith.addf %mul3A_112, %mul3A_146 : vector<16xf32>
          %slice3A_148 = vector.extract_strided_slice %get3A_94 {offsets = [6], sizes = [1], strides = [1]} : vector<16xf32> to vector<1xf32>
          %squeeze3A_149 = vector.extract %slice3A_148[0] : f32 from vector<1xf32>
          %get3A_150 = arith.index_cast %scan3A_91 : i32 to index
          %get3A_151 = arith.constant 96 : index
          %get3A_152 = tpu.vector_load %arg8[%get3A_150, %get3A_151] {strides = array<i32>} : memref<128x272xf32, #tpu.memory_space<vmem>>, vector<1x16xf32>,
          %get3A_153 = vector.shape_cast %get3A_152 : vector<1x16xf32> to vector<16xf32>
          %mul3A_154 = vector.broadcast %squeeze3A_149 : f32 to vector<16xf32>
          %mul3A_155 = arith.mulf %mul3A_154, %get3A_153 : vector<16xf32>
          %add3A_156 = arith.addf %mul3A_120, %mul3A_155 : vector<16xf32>
          %slice3A_157 = vector.extract_strided_slice %get3A_94 {offsets = [7], sizes = [1], strides = [1]} : vector<16xf32> to vector<1xf32>
          %squeeze3A_158 = vector.extract %slice3A_157[0] : f32 from vector<1xf32>
          %get3A_159 = arith.index_cast %scan3A_91 : i32 to index
          %get3A_160 = arith.constant 112 : index
          %get3A_161 = tpu.vector_load %arg8[%get3A_159, %get3A_160] {strides = array<i32>} : memref<128x272xf32, #tpu.memory_space<vmem>>, vector<1x16xf32>,
          %get3A_162 = vector.shape_cast %get3A_161 : vector<1x16xf32> to vector<16xf32>
          %mul3A_163 = vector.broadcast %squeeze3A_158 : f32 to vector<16xf32>
          %mul3A_164 = arith.mulf %mul3A_163, %get3A_162 : vector<16xf32>
          %add3A_165 = arith.addf %add3A_129, %mul3A_164 : vector<16xf32>
          %slice3A_166 = vector.extract_strided_slice %get3A_94 {offsets = [8], sizes = [1], strides = [1]} : vector<16xf32> to vector<1xf32>
          %squeeze3A_167 = vector.extract %slice3A_166[0] : f32 from vector<1xf32>
          %get3A_168 = arith.index_cast %scan3A_91 : i32 to index
          %get3A_169 = arith.constant 128 : index
          %get3A_170 = tpu.vector_load %arg8[%get3A_168, %get3A_169] {strides = array<i32>} : memref<128x272xf32, #tpu.memory_space<vmem>>, vector<1x16xf32>,
          %get3A_171 = vector.shape_cast %get3A_170 : vector<1x16xf32> to vector<16xf32>
          %mul3A_172 = vector.broadcast %squeeze3A_167 : f32 to vector<16xf32>
          %mul3A_173 = arith.mulf %mul3A_172, %get3A_171 : vector<16xf32>
          %add3A_174 = arith.addf %add3A_138, %mul3A_173 : vector<16xf32>
          %slice3A_175 = vector.extract_strided_slice %get3A_94 {offsets = [9], sizes = [1], strides = [1]} : vector<16xf32> to vector<1xf32>
          %squeeze3A_176 = vector.extract %slice3A_175[0] : f32 from vector<1xf32>
          %get3A_177 = arith.index_cast %scan3A_91 : i32 to index
          %get3A_178 = arith.constant 144 : index
          %get3A_179 = tpu.vector_load %arg8[%get3A_177, %get3A_178] {strides = array<i32>} : memref<128x272xf32, #tpu.memory_space<vmem>>, vector<1x16xf32>,
          %get3A_180 = vector.shape_cast %get3A_179 : vector<1x16xf32> to vector<16xf32>
          %mul3A_181 = vector.broadcast %squeeze3A_176 : f32 to vector<16xf32>
          %mul3A_182 = arith.mulf %mul3A_181, %get3A_180 : vector<16xf32>
          %add3A_183 = arith.addf %add3A_147, %mul3A_182 : vector<16xf32>
          %slice3A_184 = vector.extract_strided_slice %get3A_94 {offsets = [10], sizes = [1], strides = [1]} : vector<16xf32> to vector<1xf32>
          %squeeze3A_185 = vector.extract %slice3A_184[0] : f32 from vector<1xf32>
          %get3A_186 = arith.index_cast %scan3A_91 : i32 to index
          %get3A_187 = arith.constant 160 : index
          %get3A_188 = tpu.vector_load %arg8[%get3A_186, %get3A_187] {strides = array<i32>} : memref<128x272xf32, #tpu.memory_space<vmem>>, vector<1x16xf32>,
          %get3A_189 = vector.shape_cast %get3A_188 : vector<1x16xf32> to vector<16xf32>
          %mul3A_190 = vector.broadcast %squeeze3A_185 : f32 to vector<16xf32>
          %mul3A_191 = arith.mulf %mul3A_190, %get3A_189 : vector<16xf32>
          %add3A_192 = arith.addf %add3A_156, %mul3A_191 : vector<16xf32>
          %slice3A_193 = vector.extract_strided_slice %get3A_94 {offsets = [11], sizes = [1], strides = [1]} : vector<16xf32> to vector<1xf32>
          %squeeze3A_194 = vector.extract %slice3A_193[0] : f32 from vector<1xf32>
          %get3A_195 = arith.index_cast %scan3A_91 : i32 to index
          %get3A_196 = arith.constant 176 : index
          %get3A_197 = tpu.vector_load %arg8[%get3A_195, %get3A_196] {strides = array<i32>} : memref<128x272xf32, #tpu.memory_space<vmem>>, vector<1x16xf32>,
          %get3A_198 = vector.shape_cast %get3A_197 : vector<1x16xf32> to vector<16xf32>
          %mul3A_199 = vector.broadcast %squeeze3A_194 : f32 to vector<16xf32>
          %mul3A_200 = arith.mulf %mul3A_199, %get3A_198 : vector<16xf32>
          %add3A_201 = arith.addf %add3A_165, %mul3A_200 : vector<16xf32>
          %slice3A_202 = vector.extract_strided_slice %get3A_94 {offsets = [12], sizes = [1], strides = [1]} : vector<16xf32> to vector<1xf32>
          %squeeze3A_203 = vector.extract %slice3A_202[0] : f32 from vector<1xf32>
          %get3A_204 = arith.index_cast %scan3A_91 : i32 to index
          %get3A_205 = arith.constant 192 : index
          %get3A_206 = tpu.vector_load %arg8[%get3A_204, %get3A_205] {strides = array<i32>} : memref<128x272xf32, #tpu.memory_space<vmem>>, vector<1x16xf32>,
          %get3A_207 = vector.shape_cast %get3A_206 : vector<1x16xf32> to vector<16xf32>
          %mul3A_208 = vector.broadcast %squeeze3A_203 : f32 to vector<16xf32>
          %mul3A_209 = arith.mulf %mul3A_208, %get3A_207 : vector<16xf32>
          %add3A_210 = arith.addf %add3A_174, %mul3A_209 : vector<16xf32>
          %slice3A_211 = vector.extract_strided_slice %get3A_94 {offsets = [13], sizes = [1], strides = [1]} : vector<16xf32> to vector<1xf32>
          %squeeze3A_212 = vector.extract %slice3A_211[0] : f32 from vector<1xf32>
          %get3A_213 = arith.index_cast %scan3A_91 : i32 to index
          %get3A_214 = arith.constant 208 : index
          %get3A_215 = tpu.vector_load %arg8[%get3A_213, %get3A_214] {strides = array<i32>} : memref<128x272xf32, #tpu.memory_space<vmem>>, vector<1x16xf32>,
          %get3A_216 = vector.shape_cast %get3A_215 : vector<1x16xf32> to vector<16xf32>
          %mul3A_217 = vector.broadcast %squeeze3A_212 : f32 to vector<16xf32>
          %mul3A_218 = arith.mulf %mul3A_217, %get3A_216 : vector<16xf32>
          %add3A_219 = arith.addf %add3A_183, %mul3A_218 : vector<16xf32>
          %slice3A_220 = vector.extract_strided_slice %get3A_94 {offsets = [14], sizes = [1], strides = [1]} : vector<16xf32> to vector<1xf32>
          %squeeze3A_221 = vector.extract %slice3A_220[0] : f32 from vector<1xf32>
          %get3A_222 = arith.index_cast %scan3A_91 : i32 to index
          %get3A_223 = arith.constant 224 : index
          %get3A_224 = tpu.vector_load %arg8[%get3A_222, %get3A_223] {strides = array<i32>} : memref<128x272xf32, #tpu.memory_space<vmem>>, vector<1x16xf32>,
          %get3A_225 = vector.shape_cast %get3A_224 : vector<1x16xf32> to vector<16xf32>
          %mul3A_226 = vector.broadcast %squeeze3A_221 : f32 to vector<16xf32>
          %mul3A_227 = arith.mulf %mul3A_226, %get3A_225 : vector<16xf32>
          %add3A_228 = arith.addf %add3A_192, %mul3A_227 : vector<16xf32>
          %slice3A_229 = vector.extract_strided_slice %get3A_94 {offsets = [15], sizes = [1], strides = [1]} : vector<16xf32> to vector<1xf32>
          %squeeze3A_230 = vector.extract %slice3A_229[0] : f32 from vector<1xf32>
          %get3A_231 = arith.index_cast %scan3A_91 : i32 to index
          %get3A_232 = arith.constant 240 : index
          %get3A_233 = tpu.vector_load %arg8[%get3A_231, %get3A_232] {strides = array<i32>} : memref<128x272xf32, #tpu.memory_space<vmem>>, vector<1x16xf32>,
          %get3A_234 = vector.shape_cast %get3A_233 : vector<1x16xf32> to vector<16xf32>
          %mul3A_235 = vector.broadcast %squeeze3A_230 : f32 to vector<16xf32>
          %mul3A_236 = arith.mulf %mul3A_235, %get3A_234 : vector<16xf32>
          %add3A_237 = arith.addf %add3A_201, %mul3A_236 : vector<16xf32>
          %add3A_238 = arith.addf %add3A_237, %add3A_210 : vector<16xf32>
          %add3A_239 = arith.addf %add3A_219, %add3A_228 : vector<16xf32>
          %add3A_240 = arith.addf %add3A_238, %add3A_239 : vector<16xf32>
          %swap3A = arith.index_cast %scan3A_91 : i32 to index
          %swap3A_241 = arith.constant 0 : index
          %swap3A_242 = tpu.vector_load %arg12[%swap3A, %swap3A_241] {strides = array<i32>} : memref<128x32xf32, #tpu.memory_space<vmem>>, vector<1x16xf32>,
          %swap3A_243 = vector.shape_cast %swap3A_242 : vector<1x16xf32> to vector<16xf32>
          %swap3A_244 = vector.shape_cast %add3A_240 : vector<16xf32> to vector<1x16xf32>
          tpu.vector_store %arg12[%swap3A, %swap3A_241], %swap3A_244 {strides = array<i32>} : memref<128x32xf32, #tpu.memory_space<vmem>>, vector<1x16xf32>,
          %scan3A_245 = arith.constant 1 : i32
          %scan3A_246 = arith.addi %scan3A_91, %scan3A_245 : i32
          %get3A_247 = arith.index_cast %scan3A_246 : i32 to index
          %get3A_248 = arith.constant 0 : index
          %get3A_249 = tpu.vector_load %arg10[%get3A_247, %get3A_248] {strides = array<i32>} : memref<128x16xf32, #tpu.memory_space<vmem>>, vector<1x16xf32>,
          %get3A_250 = vector.shape_cast %get3A_249 : vector<1x16xf32> to vector<16xf32>
          %get3A_251 = arith.index_cast %scan3A_246 : i32 to index
          %get3A_252 = arith.constant 256 : index
          %get3A_253 = tpu.vector_load %arg8[%get3A_251, %get3A_252] {strides = array<i32>} : memref<128x272xf32, #tpu.memory_space<vmem>>, vector<1x16xf32>,
          %get3A_254 = vector.shape_cast %get3A_253 : vector<1x16xf32> to vector<16xf32>
          %slice3A_255 = vector.extract_strided_slice %get3A_250 {offsets = [0], sizes = [1], strides = [1]} : vector<16xf32> to vector<1xf32>
          %squeeze3A_256 = vector.extract %slice3A_255[0] : f32 from vector<1xf32>
          %get3A_257 = arith.index_cast %scan3A_246 : i32 to index
          %get3A_258 = arith.constant 0 : index
          %get3A_259 = tpu.vector_load %arg8[%get3A_257, %get3A_258] {strides = array<i32>} : memref<128x272xf32, #tpu.memory_space<vmem>>, vector<1x16xf32>,
          %get3A_260 = vector.shape_cast %get3A_259 : vector<1x16xf32> to vector<16xf32>
          %mul3A_261 = vector.broadcast %squeeze3A_256 : f32 to vector<16xf32>
          %mul3A_262 = arith.mulf %mul3A_261, %get3A_260 : vector<16xf32>
          %slice3A_263 = vector.extract_strided_slice %get3A_250 {offsets = [1], sizes = [1], strides = [1]} : vector<16xf32> to vector<1xf32>
          %squeeze3A_264 = vector.extract %slice3A_263[0] : f32 from vector<1xf32>
          %get3A_265 = arith.index_cast %scan3A_246 : i32 to index
          %get3A_266 = arith.constant 16 : index
          %get3A_267 = tpu.vector_load %arg8[%get3A_265, %get3A_266] {strides = array<i32>} : memref<128x272xf32, #tpu.memory_space<vmem>>, vector<1x16xf32>,
          %get3A_268 = vector.shape_cast %get3A_267 : vector<1x16xf32> to vector<16xf32>
          %mul3A_269 = vector.broadcast %squeeze3A_264 : f32 to vector<16xf32>
          %mul3A_270 = arith.mulf %mul3A_269, %get3A_268 : vector<16xf32>
          %slice3A_271 = vector.extract_strided_slice %get3A_250 {offsets = [2], sizes = [1], strides = [1]} : vector<16xf32> to vector<1xf32>
          %squeeze3A_272 = vector.extract %slice3A_271[0] : f32 from vector<1xf32>
          %get3A_273 = arith.index_cast %scan3A_246 : i32 to index
          %get3A_274 = arith.constant 32 : index
          %get3A_275 = tpu.vector_load %arg8[%get3A_273, %get3A_274] {strides = array<i32>} : memref<128x272xf32, #tpu.memory_space<vmem>>, vector<1x16xf32>,
          %get3A_276 = vector.shape_cast %get3A_275 : vector<1x16xf32> to vector<16xf32>
          %mul3A_277 = vector.broadcast %squeeze3A_272 : f32 to vector<16xf32>
          %mul3A_278 = arith.mulf %mul3A_277, %get3A_276 : vector<16xf32>
          %slice3A_279 = vector.extract_strided_slice %get3A_250 {offsets = [3], sizes = [1], strides = [1]} : vector<16xf32> to vector<1xf32>
          %squeeze3A_280 = vector.extract %slice3A_279[0] : f32 from vector<1xf32>
          %get3A_281 = arith.index_cast %scan3A_246 : i32 to index
          %get3A_282 = arith.constant 48 : index
          %get3A_283 = tpu.vector_load %arg8[%get3A_281, %get3A_282] {strides = array<i32>} : memref<128x272xf32, #tpu.memory_space<vmem>>, vector<1x16xf32>,
          %get3A_284 = vector.shape_cast %get3A_283 : vector<1x16xf32> to vector<16xf32>
          %mul3A_285 = vector.broadcast %squeeze3A_280 : f32 to vector<16xf32>
          %mul3A_286 = arith.mulf %mul3A_285, %get3A_284 : vector<16xf32>
          %add3A_287 = arith.addf %get3A_254, %mul3A_286 : vector<16xf32>
          %slice3A_288 = vector.extract_strided_slice %get3A_250 {offsets = [4], sizes = [1], strides = [1]} : vector<16xf32> to vector<1xf32>
          %squeeze3A_289 = vector.extract %slice3A_288[0] : f32 from vector<1xf32>
          %get3A_290 = arith.index_cast %scan3A_246 : i32 to index
          %get3A_291 = arith.constant 64 : index
          %get3A_292 = tpu.vector_load %arg8[%get3A_290, %get3A_291] {strides = array<i32>} : memref<128x272xf32, #tpu.memory_space<vmem>>, vector<1x16xf32>,
          %get3A_293 = vector.shape_cast %get3A_292 : vector<1x16xf32> to vector<16xf32>
          %mul3A_294 = vector.broadcast %squeeze3A_289 : f32 to vector<16xf32>
          %mul3A_295 = arith.mulf %mul3A_294, %get3A_293 : vector<16xf32>
          %add3A_296 = arith.addf %mul3A_262, %mul3A_295 : vector<16xf32>
          %slice3A_297 = vector.extract_strided_slice %get3A_250 {offsets = [5], sizes = [1], strides = [1]} : vector<16xf32> to vector<1xf32>
          %squeeze3A_298 = vector.extract %slice3A_297[0] : f32 from vector<1xf32>
          %get3A_299 = arith.index_cast %scan3A_246 : i32 to index
          %get3A_300 = arith.constant 80 : index
          %get3A_301 = tpu.vector_load %arg8[%get3A_299, %get3A_300] {strides = array<i32>} : memref<128x272xf32, #tpu.memory_space<vmem>>, vector<1x16xf32>,
          %get3A_302 = vector.shape_cast %get3A_301 : vector<1x16xf32> to vector<16xf32>
          %mul3A_303 = vector.broadcast %squeeze3A_298 : f32 to vector<16xf32>
          %mul3A_304 = arith.mulf %mul3A_303, %get3A_302 : vector<16xf32>
          %add3A_305 = arith.addf %mul3A_270, %mul3A_304 : vector<16xf32>
          %slice3A_306 = vector.extract_strided_slice %get3A_250 {offsets = [6], sizes = [1], strides = [1]} : vector<16xf32> to vector<1xf32>
          %squeeze3A_307 = vector.extract %slice3A_306[0] : f32 from vector<1xf32>
          %get3A_308 = arith.index_cast %scan3A_246 : i32 to index
          %get3A_309 = arith.constant 96 : index
          %get3A_310 = tpu.vector_load %arg8[%get3A_308, %get3A_309] {strides = array<i32>} : memref<128x272xf32, #tpu.memory_space<vmem>>, vector<1x16xf32>,
          %get3A_311 = vector.shape_cast %get3A_310 : vector<1x16xf32> to vector<16xf32>
          %mul3A_312 = vector.broadcast %squeeze3A_307 : f32 to vector<16xf32>
          %mul3A_313 = arith.mulf %mul3A_312, %get3A_311 : vector<16xf32>
          %add3A_314 = arith.addf %mul3A_278, %mul3A_313 : vector<16xf32>
          %slice3A_315 = vector.extract_strided_slice %get3A_250 {offsets = [7], sizes = [1], strides = [1]} : vector<16xf32> to vector<1xf32>
          %squeeze3A_316 = vector.extract %slice3A_315[0] : f32 from vector<1xf32>
          %get3A_317 = arith.index_cast %scan3A_246 : i32 to index
          %get3A_318 = arith.constant 112 : index
          %get3A_319 = tpu.vector_load %arg8[%get3A_317, %get3A_318] {strides = array<i32>} : memref<128x272xf32, #tpu.memory_space<vmem>>, vector<1x16xf32>,
          %get3A_320 = vector.shape_cast %get3A_319 : vector<1x16xf32> to vector<16xf32>
          %mul3A_321 = vector.broadcast %squeeze3A_316 : f32 to vector<16xf32>
          %mul3A_322 = arith.mulf %mul3A_321, %get3A_320 : vector<16xf32>
          %add3A_323 = arith.addf %add3A_287, %mul3A_322 : vector<16xf32>
          %slice3A_324 = vector.extract_strided_slice %get3A_250 {offsets = [8], sizes = [1], strides = [1]} : vector<16xf32> to vector<1xf32>
          %squeeze3A_325 = vector.extract %slice3A_324[0] : f32 from vector<1xf32>
          %get3A_326 = arith.index_cast %scan3A_246 : i32 to index
          %get3A_327 = arith.constant 128 : index
          %get3A_328 = tpu.vector_load %arg8[%get3A_326, %get3A_327] {strides = array<i32>} : memref<128x272xf32, #tpu.memory_space<vmem>>, vector<1x16xf32>,
          %get3A_329 = vector.shape_cast %get3A_328 : vector<1x16xf32> to vector<16xf32>
          %mul3A_330 = vector.broadcast %squeeze3A_325 : f32 to vector<16xf32>
          %mul3A_331 = arith.mulf %mul3A_330, %get3A_329 : vector<16xf32>
          %add3A_332 = arith.addf %add3A_296, %mul3A_331 : vector<16xf32>
          %slice3A_333 = vector.extract_strided_slice %get3A_250 {offsets = [9], sizes = [1], strides = [1]} : vector<16xf32> to vector<1xf32>
          %squeeze3A_334 = vector.extract %slice3A_333[0] : f32 from vector<1xf32>
          %get3A_335 = arith.index_cast %scan3A_246 : i32 to index
          %get3A_336 = arith.constant 144 : index
          %get3A_337 = tpu.vector_load %arg8[%get3A_335, %get3A_336] {strides = array<i32>} : memref<128x272xf32, #tpu.memory_space<vmem>>, vector<1x16xf32>,
          %get3A_338 = vector.shape_cast %get3A_337 : vector<1x16xf32> to vector<16xf32>
          %mul3A_339 = vector.broadcast %squeeze3A_334 : f32 to vector<16xf32>
          %mul3A_340 = arith.mulf %mul3A_339, %get3A_338 : vector<16xf32>
          %add3A_341 = arith.addf %add3A_305, %mul3A_340 : vector<16xf32>
          %slice3A_342 = vector.extract_strided_slice %get3A_250 {offsets = [10], sizes = [1], strides = [1]} : vector<16xf32> to vector<1xf32>
          %squeeze3A_343 = vector.extract %slice3A_342[0] : f32 from vector<1xf32>
          %get3A_344 = arith.index_cast %scan3A_246 : i32 to index
          %get3A_345 = arith.constant 160 : index
          %get3A_346 = tpu.vector_load %arg8[%get3A_344, %get3A_345] {strides = array<i32>} : memref<128x272xf32, #tpu.memory_space<vmem>>, vector<1x16xf32>,
          %get3A_347 = vector.shape_cast %get3A_346 : vector<1x16xf32> to vector<16xf32>
          %mul3A_348 = vector.broadcast %squeeze3A_343 : f32 to vector<16xf32>
          %mul3A_349 = arith.mulf %mul3A_348, %get3A_347 : vector<16xf32>
          %add3A_350 = arith.addf %add3A_314, %mul3A_349 : vector<16xf32>
          %slice3A_351 = vector.extract_strided_slice %get3A_250 {offsets = [11], sizes = [1], strides = [1]} : vector<16xf32> to vector<1xf32>
          %squeeze3A_352 = vector.extract %slice3A_351[0] : f32 from vector<1xf32>
          %get3A_353 = arith.index_cast %scan3A_246 : i32 to index
          %get3A_354 = arith.constant 176 : index
          %get3A_355 = tpu.vector_load %arg8[%get3A_353, %get3A_354] {strides = array<i32>} : memref<128x272xf32, #tpu.memory_space<vmem>>, vector<1x16xf32>,
          %get3A_356 = vector.shape_cast %get3A_355 : vector<1x16xf32> to vector<16xf32>
          %mul3A_357 = vector.broadcast %squeeze3A_352 : f32 to vector<16xf32>
          %mul3A_358 = arith.mulf %mul3A_357, %get3A_356 : vector<16xf32>
          %add3A_359 = arith.addf %add3A_323, %mul3A_358 : vector<16xf32>
          %slice3A_360 = vector.extract_strided_slice %get3A_250 {offsets = [12], sizes = [1], strides = [1]} : vector<16xf32> to vector<1xf32>
          %squeeze3A_361 = vector.extract %slice3A_360[0] : f32 from vector<1xf32>
          %get3A_362 = arith.index_cast %scan3A_246 : i32 to index
          %get3A_363 = arith.constant 192 : index
          %get3A_364 = tpu.vector_load %arg8[%get3A_362, %get3A_363] {strides = array<i32>} : memref<128x272xf32, #tpu.memory_space<vmem>>, vector<1x16xf32>,
          %get3A_365 = vector.shape_cast %get3A_364 : vector<1x16xf32> to vector<16xf32>
          %mul3A_366 = vector.broadcast %squeeze3A_361 : f32 to vector<16xf32>
          %mul3A_367 = arith.mulf %mul3A_366, %get3A_365 : vector<16xf32>
          %add3A_368 = arith.addf %add3A_332, %mul3A_367 : vector<16xf32>
          %slice3A_369 = vector.extract_strided_slice %get3A_250 {offsets = [13], sizes = [1], strides = [1]} : vector<16xf32> to vector<1xf32>
          %squeeze3A_370 = vector.extract %slice3A_369[0] : f32 from vector<1xf32>
          %get3A_371 = arith.index_cast %scan3A_246 : i32 to index
          %get3A_372 = arith.constant 208 : index
          %get3A_373 = tpu.vector_load %arg8[%get3A_371, %get3A_372] {strides = array<i32>} : memref<128x272xf32, #tpu.memory_space<vmem>>, vector<1x16xf32>,
          %get3A_374 = vector.shape_cast %get3A_373 : vector<1x16xf32> to vector<16xf32>
          %mul3A_375 = vector.broadcast %squeeze3A_370 : f32 to vector<16xf32>
          %mul3A_376 = arith.mulf %mul3A_375, %get3A_374 : vector<16xf32>
          %add3A_377 = arith.addf %add3A_341, %mul3A_376 : vector<16xf32>
          %slice3A_378 = vector.extract_strided_slice %get3A_250 {offsets = [14], sizes = [1], strides = [1]} : vector<16xf32> to vector<1xf32>
          %squeeze3A_379 = vector.extract %slice3A_378[0] : f32 from vector<1xf32>
          %get3A_380 = arith.index_cast %scan3A_246 : i32 to index
          %get3A_381 = arith.constant 224 : index
          %get3A_382 = tpu.vector_load %arg8[%get3A_380, %get3A_381] {strides = array<i32>} : memref<128x272xf32, #tpu.memory_space<vmem>>, vector<1x16xf32>,
          %get3A_383 = vector.shape_cast %get3A_382 : vector<1x16xf32> to vector<16xf32>
          %mul3A_384 = vector.broadcast %squeeze3A_379 : f32 to vector<16xf32>
          %mul3A_385 = arith.mulf %mul3A_384, %get3A_383 : vector<16xf32>
          %add3A_386 = arith.addf %add3A_350, %mul3A_385 : vector<16xf32>
          %slice3A_387 = vector.extract_strided_slice %get3A_250 {offsets = [15], sizes = [1], strides = [1]} : vector<16xf32> to vector<1xf32>
          %squeeze3A_388 = vector.extract %slice3A_387[0] : f32 from vector<1xf32>
          %get3A_389 = arith.index_cast %scan3A_246 : i32 to index
          %get3A_390 = arith.constant 240 : index
          %get3A_391 = tpu.vector_load %arg8[%get3A_389, %get3A_390] {strides = array<i32>} : memref<128x272xf32, #tpu.memory_space<vmem>>, vector<1x16xf32>,
          %get3A_392 = vector.shape_cast %get3A_391 : vector<1x16xf32> to vector<16xf32>
          %mul3A_393 = vector.broadcast %squeeze3A_388 : f32 to vector<16xf32>
          %mul3A_394 = arith.mulf %mul3A_393, %get3A_392 : vector<16xf32>
          %add3A_395 = arith.addf %add3A_359, %mul3A_394 : vector<16xf32>
          %add3A_396 = arith.addf %add3A_395, %add3A_368 : vector<16xf32>
          %add3A_397 = arith.addf %add3A_377, %add3A_386 : vector<16xf32>
          %add3A_398 = arith.addf %add3A_396, %add3A_397 : vector<16xf32>
          %swap3A_399 = arith.index_cast %scan3A_246 : i32 to index
          %swap3A_400 = arith.constant 0 : index
          %swap3A_401 = tpu.vector_load %arg12[%swap3A_399, %swap3A_400] {strides = array<i32>} : memref<128x32xf32, #tpu.memory_space<vmem>>, vector<1x16xf32>,
          %swap3A_402 = vector.shape_cast %swap3A_401 : vector<1x16xf32> to vector<16xf32>
          %swap3A_403 = vector.shape_cast %add3A_398 : vector<16xf32> to vector<1x16xf32>
          tpu.vector_store %arg12[%swap3A_399, %swap3A_400], %swap3A_403 {strides = array<i32>} : memref<128x32xf32, #tpu.memory_space<vmem>>, vector<1x16xf32>,
          %scan3A_404 = arith.constant 2 : i32
          %scan3A_405 = arith.addi %scan3A_91, %scan3A_404 : i32
          %get3A_406 = arith.index_cast %scan3A_405 : i32 to index
          %get3A_407 = arith.constant 0 : index
          %get3A_408 = tpu.vector_load %arg10[%get3A_406, %get3A_407] {strides = array<i32>} : memref<128x16xf32, #tpu.memory_space<vmem>>, vector<1x16xf32>,
          %get3A_409 = vector.shape_cast %get3A_408 : vector<1x16xf32> to vector<16xf32>
          %get3A_410 = arith.index_cast %scan3A_405 : i32 to index
          %get3A_411 = arith.constant 256 : index
          %get3A_412 = tpu.vector_load %arg8[%get3A_410, %get3A_411] {strides = array<i32>} : memref<128x272xf32, #tpu.memory_space<vmem>>, vector<1x16xf32>,
          %get3A_413 = vector.shape_cast %get3A_412 : vector<1x16xf32> to vector<16xf32>
          %slice3A_414 = vector.extract_strided_slice %get3A_409 {offsets = [0], sizes = [1], strides = [1]} : vector<16xf32> to vector<1xf32>
          %squeeze3A_415 = vector.extract %slice3A_414[0] : f32 from vector<1xf32>
          %get3A_416 = arith.index_cast %scan3A_405 : i32 to index
          %get3A_417 = arith.constant 0 : index
          %get3A_418 = tpu.vector_load %arg8[%get3A_416, %get3A_417] {strides = array<i32>} : memref<128x272xf32, #tpu.memory_space<vmem>>, vector<1x16xf32>,
          %get3A_419 = vector.shape_cast %get3A_418 : vector<1x16xf32> to vector<16xf32>
          %mul3A_420 = vector.broadcast %squeeze3A_415 : f32 to vector<16xf32>
          %mul3A_421 = arith.mulf %mul3A_420, %get3A_419 : vector<16xf32>
          %slice3A_422 = vector.extract_strided_slice %get3A_409 {offsets = [1], sizes = [1], strides = [1]} : vector<16xf32> to vector<1xf32>
          %squeeze3A_423 = vector.extract %slice3A_422[0] : f32 from vector<1xf32>
          %get3A_424 = arith.index_cast %scan3A_405 : i32 to index
          %get3A_425 = arith.constant 16 : index
          %get3A_426 = tpu.vector_load %arg8[%get3A_424, %get3A_425] {strides = array<i32>} : memref<128x272xf32, #tpu.memory_space<vmem>>, vector<1x16xf32>,
          %get3A_427 = vector.shape_cast %get3A_426 : vector<1x16xf32> to vector<16xf32>
          %mul3A_428 = vector.broadcast %squeeze3A_423 : f32 to vector<16xf32>
          %mul3A_429 = arith.mulf %mul3A_428, %get3A_427 : vector<16xf32>
          %slice3A_430 = vector.extract_strided_slice %get3A_409 {offsets = [2], sizes = [1], strides = [1]} : vector<16xf32> to vector<1xf32>
          %squeeze3A_431 = vector.extract %slice3A_430[0] : f32 from vector<1xf32>
          %get3A_432 = arith.index_cast %scan3A_405 : i32 to index
          %get3A_433 = arith.constant 32 : index
          %get3A_434 = tpu.vector_load %arg8[%get3A_432, %get3A_433] {strides = array<i32>} : memref<128x272xf32, #tpu.memory_space<vmem>>, vector<1x16xf32>,
          %get3A_435 = vector.shape_cast %get3A_434 : vector<1x16xf32> to vector<16xf32>
          %mul3A_436 = vector.broadcast %squeeze3A_431 : f32 to vector<16xf32>
          %mul3A_437 = arith.mulf %mul3A_436, %get3A_435 : vector<16xf32>
          %slice3A_438 = vector.extract_strided_slice %get3A_409 {offsets = [3], sizes = [1], strides = [1]} : vector<16xf32> to vector<1xf32>
          %squeeze3A_439 = vector.extract %slice3A_438[0] : f32 from vector<1xf32>
          %get3A_440 = arith.index_cast %scan3A_405 : i32 to index
          %get3A_441 = arith.constant 48 : index
          %get3A_442 = tpu.vector_load %arg8[%get3A_440, %get3A_441] {strides = array<i32>} : memref<128x272xf32, #tpu.memory_space<vmem>>, vector<1x16xf32>,
          %get3A_443 = vector.shape_cast %get3A_442 : vector<1x16xf32> to vector<16xf32>
          %mul3A_444 = vector.broadcast %squeeze3A_439 : f32 to vector<16xf32>
          %mul3A_445 = arith.mulf %mul3A_444, %get3A_443 : vector<16xf32>
          %add3A_446 = arith.addf %get3A_413, %mul3A_445 : vector<16xf32>
          %slice3A_447 = vector.extract_strided_slice %get3A_409 {offsets = [4], sizes = [1], strides = [1]} : vector<16xf32> to vector<1xf32>
          %squeeze3A_448 = vector.extract %slice3A_447[0] : f32 from vector<1xf32>
          %get3A_449 = arith.index_cast %scan3A_405 : i32 to index
          %get3A_450 = arith.constant 64 : index
          %get3A_451 = tpu.vector_load %arg8[%get3A_449, %get3A_450] {strides = array<i32>} : memref<128x272xf32, #tpu.memory_space<vmem>>, vector<1x16xf32>,
          %get3A_452 = vector.shape_cast %get3A_451 : vector<1x16xf32> to vector<16xf32>
          %mul3A_453 = vector.broadcast %squeeze3A_448 : f32 to vector<16xf32>
          %mul3A_454 = arith.mulf %mul3A_453, %get3A_452 : vector<16xf32>
          %add3A_455 = arith.addf %mul3A_421, %mul3A_454 : vector<16xf32>
          %slice3A_456 = vector.extract_strided_slice %get3A_409 {offsets = [5], sizes = [1], strides = [1]} : vector<16xf32> to vector<1xf32>
          %squeeze3A_457 = vector.extract %slice3A_456[0] : f32 from vector<1xf32>
          %get3A_458 = arith.index_cast %scan3A_405 : i32 to index
          %get3A_459 = arith.constant 80 : index
          %get3A_460 = tpu.vector_load %arg8[%get3A_458, %get3A_459] {strides = array<i32>} : memref<128x272xf32, #tpu.memory_space<vmem>>, vector<1x16xf32>,
          %get3A_461 = vector.shape_cast %get3A_460 : vector<1x16xf32> to vector<16xf32>
          %mul3A_462 = vector.broadcast %squeeze3A_457 : f32 to vector<16xf32>
          %mul3A_463 = arith.mulf %mul3A_462, %get3A_461 : vector<16xf32>
          %add3A_464 = arith.addf %mul3A_429, %mul3A_463 : vector<16xf32>
          %slice3A_465 = vector.extract_strided_slice %get3A_409 {offsets = [6], sizes = [1], strides = [1]} : vector<16xf32> to vector<1xf32>
          %squeeze3A_466 = vector.extract %slice3A_465[0] : f32 from vector<1xf32>
          %get3A_467 = arith.index_cast %scan3A_405 : i32 to index
          %get3A_468 = arith.constant 96 : index
          %get3A_469 = tpu.vector_load %arg8[%get3A_467, %get3A_468] {strides = array<i32>} : memref<128x272xf32, #tpu.memory_space<vmem>>, vector<1x16xf32>,
          %get3A_470 = vector.shape_cast %get3A_469 : vector<1x16xf32> to vector<16xf32>
          %mul3A_471 = vector.broadcast %squeeze3A_466 : f32 to vector<16xf32>
          %mul3A_472 = arith.mulf %mul3A_471, %get3A_470 : vector<16xf32>
          %add3A_473 = arith.addf %mul3A_437, %mul3A_472 : vector<16xf32>
          %slice3A_474 = vector.extract_strided_slice %get3A_409 {offsets = [7], sizes = [1], strides = [1]} : vector<16xf32> to vector<1xf32>
          %squeeze3A_475 = vector.extract %slice3A_474[0] : f32 from vector<1xf32>
          %get3A_476 = arith.index_cast %scan3A_405 : i32 to index
          %get3A_477 = arith.constant 112 : index
          %get3A_478 = tpu.vector_load %arg8[%get3A_476, %get3A_477] {strides = array<i32>} : memref<128x272xf32, #tpu.memory_space<vmem>>, vector<1x16xf32>,
          %get3A_479 = vector.shape_cast %get3A_478 : vector<1x16xf32> to vector<16xf32>
          %mul3A_480 = vector.broadcast %squeeze3A_475 : f32 to vector<16xf32>
          %mul3A_481 = arith.mulf %mul3A_480, %get3A_479 : vector<16xf32>
          %add3A_482 = arith.addf %add3A_446, %mul3A_481 : vector<16xf32>
          %slice3A_483 = vector.extract_strided_slice %get3A_409 {offsets = [8], sizes = [1], strides = [1]} : vector<16xf32> to vector<1xf32>
          %squeeze3A_484 = vector.extract %slice3A_483[0] : f32 from vector<1xf32>
          %get3A_485 = arith.index_cast %scan3A_405 : i32 to index
          %get3A_486 = arith.constant 128 : index
          %get3A_487 = tpu.vector_load %arg8[%get3A_485, %get3A_486] {strides = array<i32>} : memref<128x272xf32, #tpu.memory_space<vmem>>, vector<1x16xf32>,
          %get3A_488 = vector.shape_cast %get3A_487 : vector<1x16xf32> to vector<16xf32>
          %mul3A_489 = vector.broadcast %squeeze3A_484 : f32 to vector<16xf32>
          %mul3A_490 = arith.mulf %mul3A_489, %get3A_488 : vector<16xf32>
          %add3A_491 = arith.addf %add3A_455, %mul3A_490 : vector<16xf32>
          %slice3A_492 = vector.extract_strided_slice %get3A_409 {offsets = [9], sizes = [1], strides = [1]} : vector<16xf32> to vector<1xf32>
          %squeeze3A_493 = vector.extract %slice3A_492[0] : f32 from vector<1xf32>
          %get3A_494 = arith.index_cast %scan3A_405 : i32 to index
          %get3A_495 = arith.constant 144 : index
          %get3A_496 = tpu.vector_load %arg8[%get3A_494, %get3A_495] {strides = array<i32>} : memref<128x272xf32, #tpu.memory_space<vmem>>, vector<1x16xf32>,
          %get3A_497 = vector.shape_cast %get3A_496 : vector<1x16xf32> to vector<16xf32>
          %mul3A_498 = vector.broadcast %squeeze3A_493 : f32 to vector<16xf32>
          %mul3A_499 = arith.mulf %mul3A_498, %get3A_497 : vector<16xf32>
          %add3A_500 = arith.addf %add3A_464, %mul3A_499 : vector<16xf32>
          %slice3A_501 = vector.extract_strided_slice %get3A_409 {offsets = [10], sizes = [1], strides = [1]} : vector<16xf32> to vector<1xf32>
          %squeeze3A_502 = vector.extract %slice3A_501[0] : f32 from vector<1xf32>
          %get3A_503 = arith.index_cast %scan3A_405 : i32 to index
          %get3A_504 = arith.constant 160 : index
          %get3A_505 = tpu.vector_load %arg8[%get3A_503, %get3A_504] {strides = array<i32>} : memref<128x272xf32, #tpu.memory_space<vmem>>, vector<1x16xf32>,
          %get3A_506 = vector.shape_cast %get3A_505 : vector<1x16xf32> to vector<16xf32>
          %mul3A_507 = vector.broadcast %squeeze3A_502 : f32 to vector<16xf32>
          %mul3A_508 = arith.mulf %mul3A_507, %get3A_506 : vector<16xf32>
          %add3A_509 = arith.addf %add3A_473, %mul3A_508 : vector<16xf32>
          %slice3A_510 = vector.extract_strided_slice %get3A_409 {offsets = [11], sizes = [1], strides = [1]} : vector<16xf32> to vector<1xf32>
          %squeeze3A_511 = vector.extract %slice3A_510[0] : f32 from vector<1xf32>
          %get3A_512 = arith.index_cast %scan3A_405 : i32 to index
          %get3A_513 = arith.constant 176 : index
          %get3A_514 = tpu.vector_load %arg8[%get3A_512, %get3A_513] {strides = array<i32>} : memref<128x272xf32, #tpu.memory_space<vmem>>, vector<1x16xf32>,
          %get3A_515 = vector.shape_cast %get3A_514 : vector<1x16xf32> to vector<16xf32>
          %mul3A_516 = vector.broadcast %squeeze3A_511 : f32 to vector<16xf32>
          %mul3A_517 = arith.mulf %mul3A_516, %get3A_515 : vector<16xf32>
          %add3A_518 = arith.addf %add3A_482, %mul3A_517 : vector<16xf32>
          %slice3A_519 = vector.extract_strided_slice %get3A_409 {offsets = [12], sizes = [1], strides = [1]} : vector<16xf32> to vector<1xf32>
          %squeeze3A_520 = vector.extract %slice3A_519[0] : f32 from vector<1xf32>
          %get3A_521 = arith.index_cast %scan3A_405 : i32 to index
          %get3A_522 = arith.constant 192 : index
          %get3A_523 = tpu.vector_load %arg8[%get3A_521, %get3A_522] {strides = array<i32>} : memref<128x272xf32, #tpu.memory_space<vmem>>, vector<1x16xf32>,
          %get3A_524 = vector.shape_cast %get3A_523 : vector<1x16xf32> to vector<16xf32>
          %mul3A_525 = vector.broadcast %squeeze3A_520 : f32 to vector<16xf32>
          %mul3A_526 = arith.mulf %mul3A_525, %get3A_524 : vector<16xf32>
          %add3A_527 = arith.addf %add3A_491, %mul3A_526 : vector<16xf32>
          %slice3A_528 = vector.extract_strided_slice %get3A_409 {offsets = [13], sizes = [1], strides = [1]} : vector<16xf32> to vector<1xf32>
          %squeeze3A_529 = vector.extract %slice3A_528[0] : f32 from vector<1xf32>
          %get3A_530 = arith.index_cast %scan3A_405 : i32 to index
          %get3A_531 = arith.constant 208 : index
          %get3A_532 = tpu.vector_load %arg8[%get3A_530, %get3A_531] {strides = array<i32>} : memref<128x272xf32, #tpu.memory_space<vmem>>, vector<1x16xf32>,
          %get3A_533 = vector.shape_cast %get3A_532 : vector<1x16xf32> to vector<16xf32>
          %mul3A_534 = vector.broadcast %squeeze3A_529 : f32 to vector<16xf32>
          %mul3A_535 = arith.mulf %mul3A_534, %get3A_533 : vector<16xf32>
          %add3A_536 = arith.addf %add3A_500, %mul3A_535 : vector<16xf32>
          %slice3A_537 = vector.extract_strided_slice %get3A_409 {offsets = [14], sizes = [1], strides = [1]} : vector<16xf32> to vector<1xf32>
          %squeeze3A_538 = vector.extract %slice3A_537[0] : f32 from vector<1xf32>
          %get3A_539 = arith.index_cast %scan3A_405 : i32 to index
          %get3A_540 = arith.constant 224 : index
          %get3A_541 = tpu.vector_load %arg8[%get3A_539, %get3A_540] {strides = array<i32>} : memref<128x272xf32, #tpu.memory_space<vmem>>, vector<1x16xf32>,
          %get3A_542 = vector.shape_cast %get3A_541 : vector<1x16xf32> to vector<16xf32>
          %mul3A_543 = vector.broadcast %squeeze3A_538 : f32 to vector<16xf32>
          %mul3A_544 = arith.mulf %mul3A_543, %get3A_542 : vector<16xf32>
          %add3A_545 = arith.addf %add3A_509, %mul3A_544 : vector<16xf32>
          %slice3A_546 = vector.extract_strided_slice %get3A_409 {offsets = [15], sizes = [1], strides = [1]} : vector<16xf32> to vector<1xf32>
          %squeeze3A_547 = vector.extract %slice3A_546[0] : f32 from vector<1xf32>
          %get3A_548 = arith.index_cast %scan3A_405 : i32 to index
          %get3A_549 = arith.constant 240 : index
          %get3A_550 = tpu.vector_load %arg8[%get3A_548, %get3A_549] {strides = array<i32>} : memref<128x272xf32, #tpu.memory_space<vmem>>, vector<1x16xf32>,
          %get3A_551 = vector.shape_cast %get3A_550 : vector<1x16xf32> to vector<16xf32>
          %mul3A_552 = vector.broadcast %squeeze3A_547 : f32 to vector<16xf32>
          %mul3A_553 = arith.mulf %mul3A_552, %get3A_551 : vector<16xf32>
          %add3A_554 = arith.addf %add3A_518, %mul3A_553 : vector<16xf32>
          %add3A_555 = arith.addf %add3A_554, %add3A_527 : vector<16xf32>
          %add3A_556 = arith.addf %add3A_536, %add3A_545 : vector<16xf32>
          %add3A_557 = arith.addf %add3A_555, %add3A_556 : vector<16xf32>
          %swap3A_558 = arith.index_cast %scan3A_405 : i32 to index
          %swap3A_559 = arith.constant 0 : index
          %swap3A_560 = tpu.vector_load %arg12[%swap3A_558, %swap3A_559] {strides = array<i32>} : memref<128x32xf32, #tpu.memory_space<vmem>>, vector<1x16xf32>,
          %swap3A_561 = vector.shape_cast %swap3A_560 : vector<1x16xf32> to vector<16xf32>
          %swap3A_562 = vector.shape_cast %add3A_557 : vector<16xf32> to vector<1x16xf32>
          tpu.vector_store %arg12[%swap3A_558, %swap3A_559], %swap3A_562 {strides = array<i32>} : memref<128x32xf32, #tpu.memory_space<vmem>>, vector<1x16xf32>,
          %scan3A_563 = arith.constant 3 : i32
          %scan3A_564 = arith.addi %scan3A_91, %scan3A_563 : i32
          %get3A_565 = arith.index_cast %scan3A_564 : i32 to index
          %get3A_566 = arith.constant 0 : index
          %get3A_567 = tpu.vector_load %arg10[%get3A_565, %get3A_566] {strides = array<i32>} : memref<128x16xf32, #tpu.memory_space<vmem>>, vector<1x16xf32>,
          %get3A_568 = vector.shape_cast %get3A_567 : vector<1x16xf32> to vector<16xf32>
          %get3A_569 = arith.index_cast %scan3A_564 : i32 to index
          %get3A_570 = arith.constant 256 : index
          %get3A_571 = tpu.vector_load %arg8[%get3A_569, %get3A_570] {strides = array<i32>} : memref<128x272xf32, #tpu.memory_space<vmem>>, vector<1x16xf32>,
          %get3A_572 = vector.shape_cast %get3A_571 : vector<1x16xf32> to vector<16xf32>
          %slice3A_573 = vector.extract_strided_slice %get3A_568 {offsets = [0], sizes = [1], strides = [1]} : vector<16xf32> to vector<1xf32>
          %squeeze3A_574 = vector.extract %slice3A_573[0] : f32 from vector<1xf32>
          %get3A_575 = arith.index_cast %scan3A_564 : i32 to index
          %get3A_576 = arith.constant 0 : index
          %get3A_577 = tpu.vector_load %arg8[%get3A_575, %get3A_576] {strides = array<i32>} : memref<128x272xf32, #tpu.memory_space<vmem>>, vector<1x16xf32>,
          %get3A_578 = vector.shape_cast %get3A_577 : vector<1x16xf32> to vector<16xf32>
          %mul3A_579 = vector.broadcast %squeeze3A_574 : f32 to vector<16xf32>
          %mul3A_580 = arith.mulf %mul3A_579, %get3A_578 : vector<16xf32>
          %slice3A_581 = vector.extract_strided_slice %get3A_568 {offsets = [1], sizes = [1], strides = [1]} : vector<16xf32> to vector<1xf32>
          %squeeze3A_582 = vector.extract %slice3A_581[0] : f32 from vector<1xf32>
          %get3A_583 = arith.index_cast %scan3A_564 : i32 to index
          %get3A_584 = arith.constant 16 : index
          %get3A_585 = tpu.vector_load %arg8[%get3A_583, %get3A_584] {strides = array<i32>} : memref<128x272xf32, #tpu.memory_space<vmem>>, vector<1x16xf32>,
          %get3A_586 = vector.shape_cast %get3A_585 : vector<1x16xf32> to vector<16xf32>
          %mul3A_587 = vector.broadcast %squeeze3A_582 : f32 to vector<16xf32>
          %mul3A_588 = arith.mulf %mul3A_587, %get3A_586 : vector<16xf32>
          %slice3A_589 = vector.extract_strided_slice %get3A_568 {offsets = [2], sizes = [1], strides = [1]} : vector<16xf32> to vector<1xf32>
          %squeeze3A_590 = vector.extract %slice3A_589[0] : f32 from vector<1xf32>
          %get3A_591 = arith.index_cast %scan3A_564 : i32 to index
          %get3A_592 = arith.constant 32 : index
          %get3A_593 = tpu.vector_load %arg8[%get3A_591, %get3A_592] {strides = array<i32>} : memref<128x272xf32, #tpu.memory_space<vmem>>, vector<1x16xf32>,
          %get3A_594 = vector.shape_cast %get3A_593 : vector<1x16xf32> to vector<16xf32>
          %mul3A_595 = vector.broadcast %squeeze3A_590 : f32 to vector<16xf32>
          %mul3A_596 = arith.mulf %mul3A_595, %get3A_594 : vector<16xf32>
          %slice3A_597 = vector.extract_strided_slice %get3A_568 {offsets = [3], sizes = [1], strides = [1]} : vector<16xf32> to vector<1xf32>
          %squeeze3A_598 = vector.extract %slice3A_597[0] : f32 from vector<1xf32>
          %get3A_599 = arith.index_cast %scan3A_564 : i32 to index
          %get3A_600 = arith.constant 48 : index
          %get3A_601 = tpu.vector_load %arg8[%get3A_599, %get3A_600] {strides = array<i32>} : memref<128x272xf32, #tpu.memory_space<vmem>>, vector<1x16xf32>,
          %get3A_602 = vector.shape_cast %get3A_601 : vector<1x16xf32> to vector<16xf32>
          %mul3A_603 = vector.broadcast %squeeze3A_598 : f32 to vector<16xf32>
          %mul3A_604 = arith.mulf %mul3A_603, %get3A_602 : vector<16xf32>
          %add3A_605 = arith.addf %get3A_572, %mul3A_604 : vector<16xf32>
          %slice3A_606 = vector.extract_strided_slice %get3A_568 {offsets = [4], sizes = [1], strides = [1]} : vector<16xf32> to vector<1xf32>
          %squeeze3A_607 = vector.extract %slice3A_606[0] : f32 from vector<1xf32>
          %get3A_608 = arith.index_cast %scan3A_564 : i32 to index
          %get3A_609 = arith.constant 64 : index
          %get3A_610 = tpu.vector_load %arg8[%get3A_608, %get3A_609] {strides = array<i32>} : memref<128x272xf32, #tpu.memory_space<vmem>>, vector<1x16xf32>,
          %get3A_611 = vector.shape_cast %get3A_610 : vector<1x16xf32> to vector<16xf32>
          %mul3A_612 = vector.broadcast %squeeze3A_607 : f32 to vector<16xf32>
          %mul3A_613 = arith.mulf %mul3A_612, %get3A_611 : vector<16xf32>
          %add3A_614 = arith.addf %mul3A_580, %mul3A_613 : vector<16xf32>
          %slice3A_615 = vector.extract_strided_slice %get3A_568 {offsets = [5], sizes = [1], strides = [1]} : vector<16xf32> to vector<1xf32>
          %squeeze3A_616 = vector.extract %slice3A_615[0] : f32 from vector<1xf32>
          %get3A_617 = arith.index_cast %scan3A_564 : i32 to index
          %get3A_618 = arith.constant 80 : index
          %get3A_619 = tpu.vector_load %arg8[%get3A_617, %get3A_618] {strides = array<i32>} : memref<128x272xf32, #tpu.memory_space<vmem>>, vector<1x16xf32>,
          %get3A_620 = vector.shape_cast %get3A_619 : vector<1x16xf32> to vector<16xf32>
          %mul3A_621 = vector.broadcast %squeeze3A_616 : f32 to vector<16xf32>
          %mul3A_622 = arith.mulf %mul3A_621, %get3A_620 : vector<16xf32>
          %add3A_623 = arith.addf %mul3A_588, %mul3A_622 : vector<16xf32>
          %slice3A_624 = vector.extract_strided_slice %get3A_568 {offsets = [6], sizes = [1], strides = [1]} : vector<16xf32> to vector<1xf32>
          %squeeze3A_625 = vector.extract %slice3A_624[0] : f32 from vector<1xf32>
          %get3A_626 = arith.index_cast %scan3A_564 : i32 to index
          %get3A_627 = arith.constant 96 : index
          %get3A_628 = tpu.vector_load %arg8[%get3A_626, %get3A_627] {strides = array<i32>} : memref<128x272xf32, #tpu.memory_space<vmem>>, vector<1x16xf32>,
          %get3A_629 = vector.shape_cast %get3A_628 : vector<1x16xf32> to vector<16xf32>
          %mul3A_630 = vector.broadcast %squeeze3A_625 : f32 to vector<16xf32>
          %mul3A_631 = arith.mulf %mul3A_630, %get3A_629 : vector<16xf32>
          %add3A_632 = arith.addf %mul3A_596, %mul3A_631 : vector<16xf32>
          %slice3A_633 = vector.extract_strided_slice %get3A_568 {offsets = [7], sizes = [1], strides = [1]} : vector<16xf32> to vector<1xf32>
          %squeeze3A_634 = vector.extract %slice3A_633[0] : f32 from vector<1xf32>
          %get3A_635 = arith.index_cast %scan3A_564 : i32 to index
          %get3A_636 = arith.constant 112 : index
          %get3A_637 = tpu.vector_load %arg8[%get3A_635, %get3A_636] {strides = array<i32>} : memref<128x272xf32, #tpu.memory_space<vmem>>, vector<1x16xf32>,
          %get3A_638 = vector.shape_cast %get3A_637 : vector<1x16xf32> to vector<16xf32>
          %mul3A_639 = vector.broadcast %squeeze3A_634 : f32 to vector<16xf32>
          %mul3A_640 = arith.mulf %mul3A_639, %get3A_638 : vector<16xf32>
          %add3A_641 = arith.addf %add3A_605, %mul3A_640 : vector<16xf32>
          %slice3A_642 = vector.extract_strided_slice %get3A_568 {offsets = [8], sizes = [1], strides = [1]} : vector<16xf32> to vector<1xf32>
          %squeeze3A_643 = vector.extract %slice3A_642[0] : f32 from vector<1xf32>
          %get3A_644 = arith.index_cast %scan3A_564 : i32 to index
          %get3A_645 = arith.constant 128 : index
          %get3A_646 = tpu.vector_load %arg8[%get3A_644, %get3A_645] {strides = array<i32>} : memref<128x272xf32, #tpu.memory_space<vmem>>, vector<1x16xf32>,
          %get3A_647 = vector.shape_cast %get3A_646 : vector<1x16xf32> to vector<16xf32>
          %mul3A_648 = vector.broadcast %squeeze3A_643 : f32 to vector<16xf32>
          %mul3A_649 = arith.mulf %mul3A_648, %get3A_647 : vector<16xf32>
          %add3A_650 = arith.addf %add3A_614, %mul3A_649 : vector<16xf32>
          %slice3A_651 = vector.extract_strided_slice %get3A_568 {offsets = [9], sizes = [1], strides = [1]} : vector<16xf32> to vector<1xf32>
          %squeeze3A_652 = vector.extract %slice3A_651[0] : f32 from vector<1xf32>
          %get3A_653 = arith.index_cast %scan3A_564 : i32 to index
          %get3A_654 = arith.constant 144 : index
          %get3A_655 = tpu.vector_load %arg8[%get3A_653, %get3A_654] {strides = array<i32>} : memref<128x272xf32, #tpu.memory_space<vmem>>, vector<1x16xf32>,
          %get3A_656 = vector.shape_cast %get3A_655 : vector<1x16xf32> to vector<16xf32>
          %mul3A_657 = vector.broadcast %squeeze3A_652 : f32 to vector<16xf32>
          %mul3A_658 = arith.mulf %mul3A_657, %get3A_656 : vector<16xf32>
          %add3A_659 = arith.addf %add3A_623, %mul3A_658 : vector<16xf32>
          %slice3A_660 = vector.extract_strided_slice %get3A_568 {offsets = [10], sizes = [1], strides = [1]} : vector<16xf32> to vector<1xf32>
          %squeeze3A_661 = vector.extract %slice3A_660[0] : f32 from vector<1xf32>
          %get3A_662 = arith.index_cast %scan3A_564 : i32 to index
          %get3A_663 = arith.constant 160 : index
          %get3A_664 = tpu.vector_load %arg8[%get3A_662, %get3A_663] {strides = array<i32>} : memref<128x272xf32, #tpu.memory_space<vmem>>, vector<1x16xf32>,
          %get3A_665 = vector.shape_cast %get3A_664 : vector<1x16xf32> to vector<16xf32>
          %mul3A_666 = vector.broadcast %squeeze3A_661 : f32 to vector<16xf32>
          %mul3A_667 = arith.mulf %mul3A_666, %get3A_665 : vector<16xf32>
          %add3A_668 = arith.addf %add3A_632, %mul3A_667 : vector<16xf32>
          %slice3A_669 = vector.extract_strided_slice %get3A_568 {offsets = [11], sizes = [1], strides = [1]} : vector<16xf32> to vector<1xf32>
          %squeeze3A_670 = vector.extract %slice3A_669[0] : f32 from vector<1xf32>
          %get3A_671 = arith.index_cast %scan3A_564 : i32 to index
          %get3A_672 = arith.constant 176 : index
          %get3A_673 = tpu.vector_load %arg8[%get3A_671, %get3A_672] {strides = array<i32>} : memref<128x272xf32, #tpu.memory_space<vmem>>, vector<1x16xf32>,
          %get3A_674 = vector.shape_cast %get3A_673 : vector<1x16xf32> to vector<16xf32>
          %mul3A_675 = vector.broadcast %squeeze3A_670 : f32 to vector<16xf32>
          %mul3A_676 = arith.mulf %mul3A_675, %get3A_674 : vector<16xf32>
          %add3A_677 = arith.addf %add3A_641, %mul3A_676 : vector<16xf32>
          %slice3A_678 = vector.extract_strided_slice %get3A_568 {offsets = [12], sizes = [1], strides = [1]} : vector<16xf32> to vector<1xf32>
          %squeeze3A_679 = vector.extract %slice3A_678[0] : f32 from vector<1xf32>
          %get3A_680 = arith.index_cast %scan3A_564 : i32 to index
          %get3A_681 = arith.constant 192 : index
          %get3A_682 = tpu.vector_load %arg8[%get3A_680, %get3A_681] {strides = array<i32>} : memref<128x272xf32, #tpu.memory_space<vmem>>, vector<1x16xf32>,
          %get3A_683 = vector.shape_cast %get3A_682 : vector<1x16xf32> to vector<16xf32>
          %mul3A_684 = vector.broadcast %squeeze3A_679 : f32 to vector<16xf32>
          %mul3A_685 = arith.mulf %mul3A_684, %get3A_683 : vector<16xf32>
          %add3A_686 = arith.addf %add3A_650, %mul3A_685 : vector<16xf32>
          %slice3A_687 = vector.extract_strided_slice %get3A_568 {offsets = [13], sizes = [1], strides = [1]} : vector<16xf32> to vector<1xf32>
          %squeeze3A_688 = vector.extract %slice3A_687[0] : f32 from vector<1xf32>
          %get3A_689 = arith.index_cast %scan3A_564 : i32 to index
          %get3A_690 = arith.constant 208 : index
          %get3A_691 = tpu.vector_load %arg8[%get3A_689, %get3A_690] {strides = array<i32>} : memref<128x272xf32, #tpu.memory_space<vmem>>, vector<1x16xf32>,
          %get3A_692 = vector.shape_cast %get3A_691 : vector<1x16xf32> to vector<16xf32>
          %mul3A_693 = vector.broadcast %squeeze3A_688 : f32 to vector<16xf32>
          %mul3A_694 = arith.mulf %mul3A_693, %get3A_692 : vector<16xf32>
          %add3A_695 = arith.addf %add3A_659, %mul3A_694 : vector<16xf32>
          %slice3A_696 = vector.extract_strided_slice %get3A_568 {offsets = [14], sizes = [1], strides = [1]} : vector<16xf32> to vector<1xf32>
          %squeeze3A_697 = vector.extract %slice3A_696[0] : f32 from vector<1xf32>
          %get3A_698 = arith.index_cast %scan3A_564 : i32 to index
          %get3A_699 = arith.constant 224 : index
          %get3A_700 = tpu.vector_load %arg8[%get3A_698, %get3A_699] {strides = array<i32>} : memref<128x272xf32, #tpu.memory_space<vmem>>, vector<1x16xf32>,
          %get3A_701 = vector.shape_cast %get3A_700 : vector<1x16xf32> to vector<16xf32>
          %mul3A_702 = vector.broadcast %squeeze3A_697 : f32 to vector<16xf32>
          %mul3A_703 = arith.mulf %mul3A_702, %get3A_701 : vector<16xf32>
          %add3A_704 = arith.addf %add3A_668, %mul3A_703 : vector<16xf32>
          %slice3A_705 = vector.extract_strided_slice %get3A_568 {offsets = [15], sizes = [1], strides = [1]} : vector<16xf32> to vector<1xf32>
          %squeeze3A_706 = vector.extract %slice3A_705[0] : f32 from vector<1xf32>
          %get3A_707 = arith.index_cast %scan3A_564 : i32 to index
          %get3A_708 = arith.constant 240 : index
          %get3A_709 = tpu.vector_load %arg8[%get3A_707, %get3A_708] {strides = array<i32>} : memref<128x272xf32, #tpu.memory_space<vmem>>, vector<1x16xf32>,
          %get3A_710 = vector.shape_cast %get3A_709 : vector<1x16xf32> to vector<16xf32>
          %mul3A_711 = vector.broadcast %squeeze3A_706 : f32 to vector<16xf32>
          %mul3A_712 = arith.mulf %mul3A_711, %get3A_710 : vector<16xf32>
          %add3A_713 = arith.addf %add3A_677, %mul3A_712 : vector<16xf32>
          %add3A_714 = arith.addf %add3A_713, %add3A_686 : vector<16xf32>
          %add3A_715 = arith.addf %add3A_695, %add3A_704 : vector<16xf32>
          %add3A_716 = arith.addf %add3A_714, %add3A_715 : vector<16xf32>
          %swap3A_717 = arith.index_cast %scan3A_564 : i32 to index
          %swap3A_718 = arith.constant 0 : index
          %swap3A_719 = tpu.vector_load %arg12[%swap3A_717, %swap3A_718] {strides = array<i32>} : memref<128x32xf32, #tpu.memory_space<vmem>>, vector<1x16xf32>,
          %swap3A_720 = vector.shape_cast %swap3A_719 : vector<1x16xf32> to vector<16xf32>
          %swap3A_721 = vector.shape_cast %add3A_716 : vector<16xf32> to vector<1x16xf32>
          tpu.vector_store %arg12[%swap3A_717, %swap3A_718], %swap3A_721 {strides = array<i32>} : memref<128x32xf32, #tpu.memory_space<vmem>>, vector<1x16xf32>,
        }
        %scan3A_90 = arith.constant 128 : i32
        %run_scoped3A = arith.constant 1 : i32
        "tpu.region"() ({
          %run_scoped3A_91 = tpu.sem_alloc : memref<!tpu.dma_semaphore, #tpu.memory_space<semaphore_mem>>
          %dma_start3A = arith.constant 0 : i32
          %dma_start3A_92 = tpu.memref_slice %arg6[%run_scoped3A, %dma_start3A] : memref<2x128xi32, #tpu.memory_space<vmem>> -> memref<1x128xi32, #tpu.memory_space<vmem>>
          %dma_start3A_93 = tpu.memref_squeeze %dma_start3A_92 : memref<1x128xi32, #tpu.memory_space<vmem>> -> memref<128xi32, #tpu.memory_space<vmem>>
          %dma_start3A_94 = arith.constant 0 : i32
          %dma_start3A_95 = arith.constant 0 : i32
          %dma_start3A_96 = tpu.memref_slice %arg15[%dma_start3A_94, %dma_start3A_95] : memref<10240x32xf32, #tpu.memory_space<vmem_shared>> -> memref<10240x32xf32, #tpu.memory_space<vmem_shared>>
          tpu.enqueue_indirect_dma source(%arg12 : memref<128x32xf32, #tpu.memory_space<vmem>>) target(%dma_start3A_96 : memref<10240x32xf32, #tpu.memory_space<vmem_shared>>) offsets(%dma_start3A_93 : memref<128xi32, #tpu.memory_space<vmem>>) semaphore(%run_scoped3A_91 : memref<!tpu.dma_semaphore, #tpu.memory_space<semaphore_mem>>) {add = true}
          %dma_wait3A_97 = arith.constant 0 : i32
          %dma_wait3A_98 = tpu.memref_slice %arg6[%run_scoped3A, %dma_wait3A_97] : memref<2x128xi32, #tpu.memory_space<vmem>> -> memref<1x128xi32, #tpu.memory_space<vmem>>
          %dma_wait3A_99 = tpu.memref_squeeze %dma_wait3A_98 : memref<1x128xi32, #tpu.memory_space<vmem>> -> memref<128xi32, #tpu.memory_space<vmem>>
          %dma_wait3A_100 = arith.constant 0 : i32
          %dma_wait3A_101 = arith.constant 0 : i32
          %dma_wait3A_102 = tpu.memref_slice %arg15[%dma_wait3A_100, %dma_wait3A_101] : memref<10240x32xf32, #tpu.memory_space<vmem_shared>> -> memref<10240x32xf32, #tpu.memory_space<vmem_shared>>
          tpu.wait_indirect_dma semaphore(%run_scoped3A_91 : memref<!tpu.dma_semaphore, #tpu.memory_space<semaphore_mem>>) src(%arg12 : memref<128x32xf32, #tpu.memory_space<vmem>>) dst(%dma_wait3A_102 : memref<10240x32xf32, #tpu.memory_space<vmem_shared>>)
          tpu.yield
        }) : () -> ()
      } else {
      }
      %add3A_49 = arith.constant 2 : i32
      %add3A_50 = arith.addi %mul3A_40, %add3A_49 : i32
      %mul3A_51 = arith.constant 32 : i32
      %mul3A_52 = arith.muli %add3A_50, %mul3A_51 : i32
      %add3A_53 = arith.addi %add3A, %mul3A_52 : i32
      %lt3A_54 = arith.constant 1250 : i32
      %lt3A_55 = arith.cmpi slt, %add3A_53, %lt3A_54 : i32
      %convert_element_type3A_56 = arith.extui %lt3A_55 : i1 to i32
      %cond3A_57 = arith.constant 0 : i32
      %cond3A_58 = arith.cmpi ne, %convert_element_type3A_56, %cond3A_57 : i32
      scf.if %cond3A_58 {
        %mul3A_79 = arith.constant 128 : i32
        %mul3A_80 = arith.muli %add3A_53, %mul3A_79 : i32
        %multiple_of3A_81 = tpu.assume_multiple %mul3A_80, 128 : i32
        "tpu.region"() ({
          %run_scoped3A = tpu.sem_alloc : memref<!tpu.dma_semaphore, #tpu.memory_space<semaphore_mem>>
          %dma_start3A_88 = arith.constant 0 : i32
          %dma_start3A_89 = tpu.memref_slice %arg3[%dma_start3A_88, %multiple_of3A_81] : memref<2x160000xi32, #tpu.memory_space<hbm>> -> memref<2x128xi32, #tpu.memory_space<hbm>>
          %dma_start3A_90 = arith.constant 0 : i32
          %dma_start3A_91 = tpu.memref_slice %arg3[%dma_start3A_90, %multiple_of3A_81] : memref<2x160000xi32, #tpu.memory_space<hbm>> -> memref<2x128xi32, #tpu.memory_space<hbm>>
          tpu.enqueue_dma source(%dma_start3A_91 : memref<2x128xi32, #tpu.memory_space<hbm>>) target(%arg6 : memref<2x128xi32, #tpu.memory_space<vmem>>) target_semaphore(%run_scoped3A : memref<!tpu.dma_semaphore, #tpu.memory_space<semaphore_mem>>)
          %dma_wait3A = arith.constant 0 : i32
          %dma_wait3A_92 = tpu.memref_slice %arg3[%dma_wait3A, %multiple_of3A_81] : memref<2x160000xi32, #tpu.memory_space<hbm>> -> memref<2x128xi32, #tpu.memory_space<hbm>>
          %dma_wait3A_93 = arith.constant 0 : i32
          %dma_wait3A_94 = tpu.memref_slice %arg3[%dma_wait3A_93, %multiple_of3A_81] : memref<2x160000xi32, #tpu.memory_space<hbm>> -> memref<2x128xi32, #tpu.memory_space<hbm>>
          tpu.wait_dma2 semaphore(%run_scoped3A : memref<!tpu.dma_semaphore, #tpu.memory_space<semaphore_mem>>) src(%dma_wait3A_94 : memref<2x128xi32, #tpu.memory_space<hbm>>) dst(%arg6 : memref<2x128xi32, #tpu.memory_space<vmem>>)
          tpu.yield
        }) : () -> ()
        "tpu.region"() ({
          %run_scoped3A = tpu.sem_alloc : memref<!tpu.dma_semaphore, #tpu.memory_space<semaphore_mem>>
          %dma_start3A_88 = arith.constant 0 : i32
          %dma_start3A_89 = tpu.memref_slice %arg4[%multiple_of3A_81, %dma_start3A_88] : memref<160000x16xf32, #tpu.memory_space<hbm>> -> memref<128x16xf32, #tpu.memory_space<hbm>>
          %dma_start3A_90 = arith.constant 0 : i32
          %dma_start3A_91 = tpu.memref_slice %arg4[%multiple_of3A_81, %dma_start3A_90] : memref<160000x16xf32, #tpu.memory_space<hbm>> -> memref<128x16xf32, #tpu.memory_space<hbm>>
          tpu.enqueue_dma source(%dma_start3A_91 : memref<128x16xf32, #tpu.memory_space<hbm>>) target(%arg10 : memref<128x16xf32, #tpu.memory_space<vmem>>) target_semaphore(%run_scoped3A : memref<!tpu.dma_semaphore, #tpu.memory_space<semaphore_mem>>)
          %dma_wait3A = arith.constant 0 : i32
          %dma_wait3A_92 = tpu.memref_slice %arg4[%multiple_of3A_81, %dma_wait3A] : memref<160000x16xf32, #tpu.memory_space<hbm>> -> memref<128x16xf32, #tpu.memory_space<hbm>>
          %dma_wait3A_93 = arith.constant 0 : i32
          %dma_wait3A_94 = tpu.memref_slice %arg4[%multiple_of3A_81, %dma_wait3A_93] : memref<160000x16xf32, #tpu.memory_space<hbm>> -> memref<128x16xf32, #tpu.memory_space<hbm>>
          tpu.wait_dma2 semaphore(%run_scoped3A : memref<!tpu.dma_semaphore, #tpu.memory_space<semaphore_mem>>) src(%dma_wait3A_94 : memref<128x16xf32, #tpu.memory_space<hbm>>) dst(%arg10 : memref<128x16xf32, #tpu.memory_space<vmem>>)
          tpu.yield
        }) : () -> ()
        %dma_start3A = arith.constant 0 : i32
        %dma_start3A_82 = arith.constant 0 : i32
        %dma_start3A_83 = tpu.memref_slice %arg6[%dma_start3A, %dma_start3A_82] : memref<2x128xi32, #tpu.memory_space<vmem>> -> memref<1x128xi32, #tpu.memory_space<vmem>>
        %dma_start3A_84 = tpu.memref_squeeze %dma_start3A_83 : memref<1x128xi32, #tpu.memory_space<vmem>> -> memref<128xi32, #tpu.memory_space<vmem>>
        %dma_start3A_85 = arith.constant 0 : i32
        %dma_start3A_86 = arith.constant 0 : i32
        %dma_start3A_87 = tpu.memref_slice %arg2[%dma_start3A_85, %dma_start3A_86] : memref<10000x272xf32, #tpu.memory_space<hbm>> -> memref<10000x272xf32, #tpu.memory_space<hbm>>
        tpu.enqueue_indirect_dma source(%dma_start3A_87 : memref<10000x272xf32, #tpu.memory_space<hbm>>) target(%arg8 : memref<128x272xf32, #tpu.memory_space<vmem>>) offsets(%dma_start3A_84 : memref<128xi32, #tpu.memory_space<vmem>>) semaphore(%arg16 : memref<!tpu.dma_semaphore, #tpu.memory_space<semaphore_mem>>)
      } else {
      }
      %add3A_59 = arith.constant 1 : i32
      %add3A_60 = arith.addi %mul3A_40, %add3A_59 : i32
      %mul3A_61 = arith.constant 32 : i32
      %mul3A_62 = arith.muli %add3A_60, %mul3A_61 : i32
      %add3A_63 = arith.addi %add3A, %mul3A_62 : i32
      %lt3A_64 = arith.constant 1250 : i32
      %lt3A_65 = arith.cmpi slt, %add3A_63, %lt3A_64 : i32
      %convert_element_type3A_66 = arith.extui %lt3A_65 : i1 to i32
      %cond3A_67 = arith.constant 0 : i32
      %cond3A_68 = arith.cmpi ne, %convert_element_type3A_66, %cond3A_67 : i32
      scf.if %cond3A_68 {
        %dma_wait3A = arith.constant 0 : i32
        %dma_wait3A_79 = arith.constant 0 : i32
        %dma_wait3A_80 = tpu.memref_slice %arg7[%dma_wait3A, %dma_wait3A_79] : memref<2x128xi32, #tpu.memory_space<vmem>> -> memref<1x128xi32, #tpu.memory_space<vmem>>
        %dma_wait3A_81 = tpu.memref_squeeze %dma_wait3A_80 : memref<1x128xi32, #tpu.memory_space<vmem>> -> memref<128xi32, #tpu.memory_space<vmem>>
        %dma_wait3A_82 = arith.constant 0 : i32
        %dma_wait3A_83 = arith.constant 0 : i32
        %dma_wait3A_84 = tpu.memref_slice %arg2[%dma_wait3A_82, %dma_wait3A_83] : memref<10000x272xf32, #tpu.memory_space<hbm>> -> memref<10000x272xf32, #tpu.memory_space<hbm>>
        tpu.wait_indirect_dma semaphore(%arg17 : memref<!tpu.dma_semaphore, #tpu.memory_space<semaphore_mem>>) src(%dma_wait3A_84 : memref<10000x272xf32, #tpu.memory_space<hbm>>) dst(%arg9 : memref<128x272xf32, #tpu.memory_space<vmem>>)
        %scan3A_85 = arith.constant 0 : i32
        %scan3A_86 = arith.constant 0 : i32
        %scan3A_87 = arith.constant 128 : i32
        %scan3A_88 = arith.addi %scan3A_86, %scan3A_87 : i32
        %scan3A_89 = arith.constant 4 : i32
        scf.for %scan3A_91 = %scan3A_86 to %scan3A_88 step %scan3A_89  : i32 {
          %get3A = arith.index_cast %scan3A_91 : i32 to index
          %get3A_92 = arith.constant 0 : index
          %get3A_93 = tpu.vector_load %arg11[%get3A, %get3A_92] {strides = array<i32>} : memref<128x16xf32, #tpu.memory_space<vmem>>, vector<1x16xf32>,
          %get3A_94 = vector.shape_cast %get3A_93 : vector<1x16xf32> to vector<16xf32>
          %get3A_95 = arith.index_cast %scan3A_91 : i32 to index
          %get3A_96 = arith.constant 256 : index
          %get3A_97 = tpu.vector_load %arg9[%get3A_95, %get3A_96] {strides = array<i32>} : memref<128x272xf32, #tpu.memory_space<vmem>>, vector<1x16xf32>,
          %get3A_98 = vector.shape_cast %get3A_97 : vector<1x16xf32> to vector<16xf32>
          %slice3A = vector.extract_strided_slice %get3A_94 {offsets = [0], sizes = [1], strides = [1]} : vector<16xf32> to vector<1xf32>
          %squeeze3A = vector.extract %slice3A[0] : f32 from vector<1xf32>
          %get3A_99 = arith.index_cast %scan3A_91 : i32 to index
          %get3A_100 = arith.constant 0 : index
          %get3A_101 = tpu.vector_load %arg9[%get3A_99, %get3A_100] {strides = array<i32>} : memref<128x272xf32, #tpu.memory_space<vmem>>, vector<1x16xf32>,
          %get3A_102 = vector.shape_cast %get3A_101 : vector<1x16xf32> to vector<16xf32>
          %mul3A_103 = vector.broadcast %squeeze3A : f32 to vector<16xf32>
          %mul3A_104 = arith.mulf %mul3A_103, %get3A_102 : vector<16xf32>
          %slice3A_105 = vector.extract_strided_slice %get3A_94 {offsets = [1], sizes = [1], strides = [1]} : vector<16xf32> to vector<1xf32>
          %squeeze3A_106 = vector.extract %slice3A_105[0] : f32 from vector<1xf32>
          %get3A_107 = arith.index_cast %scan3A_91 : i32 to index
          %get3A_108 = arith.constant 16 : index
          %get3A_109 = tpu.vector_load %arg9[%get3A_107, %get3A_108] {strides = array<i32>} : memref<128x272xf32, #tpu.memory_space<vmem>>, vector<1x16xf32>,
          %get3A_110 = vector.shape_cast %get3A_109 : vector<1x16xf32> to vector<16xf32>
          %mul3A_111 = vector.broadcast %squeeze3A_106 : f32 to vector<16xf32>
          %mul3A_112 = arith.mulf %mul3A_111, %get3A_110 : vector<16xf32>
          %slice3A_113 = vector.extract_strided_slice %get3A_94 {offsets = [2], sizes = [1], strides = [1]} : vector<16xf32> to vector<1xf32>
          %squeeze3A_114 = vector.extract %slice3A_113[0] : f32 from vector<1xf32>
          %get3A_115 = arith.index_cast %scan3A_91 : i32 to index
          %get3A_116 = arith.constant 32 : index
          %get3A_117 = tpu.vector_load %arg9[%get3A_115, %get3A_116] {strides = array<i32>} : memref<128x272xf32, #tpu.memory_space<vmem>>, vector<1x16xf32>,
          %get3A_118 = vector.shape_cast %get3A_117 : vector<1x16xf32> to vector<16xf32>
          %mul3A_119 = vector.broadcast %squeeze3A_114 : f32 to vector<16xf32>
          %mul3A_120 = arith.mulf %mul3A_119, %get3A_118 : vector<16xf32>
          %slice3A_121 = vector.extract_strided_slice %get3A_94 {offsets = [3], sizes = [1], strides = [1]} : vector<16xf32> to vector<1xf32>
          %squeeze3A_122 = vector.extract %slice3A_121[0] : f32 from vector<1xf32>
          %get3A_123 = arith.index_cast %scan3A_91 : i32 to index
          %get3A_124 = arith.constant 48 : index
          %get3A_125 = tpu.vector_load %arg9[%get3A_123, %get3A_124] {strides = array<i32>} : memref<128x272xf32, #tpu.memory_space<vmem>>, vector<1x16xf32>,
          %get3A_126 = vector.shape_cast %get3A_125 : vector<1x16xf32> to vector<16xf32>
          %mul3A_127 = vector.broadcast %squeeze3A_122 : f32 to vector<16xf32>
          %mul3A_128 = arith.mulf %mul3A_127, %get3A_126 : vector<16xf32>
          %add3A_129 = arith.addf %get3A_98, %mul3A_128 : vector<16xf32>
          %slice3A_130 = vector.extract_strided_slice %get3A_94 {offsets = [4], sizes = [1], strides = [1]} : vector<16xf32> to vector<1xf32>
          %squeeze3A_131 = vector.extract %slice3A_130[0] : f32 from vector<1xf32>
          %get3A_132 = arith.index_cast %scan3A_91 : i32 to index
          %get3A_133 = arith.constant 64 : index
          %get3A_134 = tpu.vector_load %arg9[%get3A_132, %get3A_133] {strides = array<i32>} : memref<128x272xf32, #tpu.memory_space<vmem>>, vector<1x16xf32>,
          %get3A_135 = vector.shape_cast %get3A_134 : vector<1x16xf32> to vector<16xf32>
          %mul3A_136 = vector.broadcast %squeeze3A_131 : f32 to vector<16xf32>
          %mul3A_137 = arith.mulf %mul3A_136, %get3A_135 : vector<16xf32>
          %add3A_138 = arith.addf %mul3A_104, %mul3A_137 : vector<16xf32>
          %slice3A_139 = vector.extract_strided_slice %get3A_94 {offsets = [5], sizes = [1], strides = [1]} : vector<16xf32> to vector<1xf32>
          %squeeze3A_140 = vector.extract %slice3A_139[0] : f32 from vector<1xf32>
          %get3A_141 = arith.index_cast %scan3A_91 : i32 to index
          %get3A_142 = arith.constant 80 : index
          %get3A_143 = tpu.vector_load %arg9[%get3A_141, %get3A_142] {strides = array<i32>} : memref<128x272xf32, #tpu.memory_space<vmem>>, vector<1x16xf32>,
          %get3A_144 = vector.shape_cast %get3A_143 : vector<1x16xf32> to vector<16xf32>
          %mul3A_145 = vector.broadcast %squeeze3A_140 : f32 to vector<16xf32>
          %mul3A_146 = arith.mulf %mul3A_145, %get3A_144 : vector<16xf32>
          %add3A_147 = arith.addf %mul3A_112, %mul3A_146 : vector<16xf32>
          %slice3A_148 = vector.extract_strided_slice %get3A_94 {offsets = [6], sizes = [1], strides = [1]} : vector<16xf32> to vector<1xf32>
          %squeeze3A_149 = vector.extract %slice3A_148[0] : f32 from vector<1xf32>
          %get3A_150 = arith.index_cast %scan3A_91 : i32 to index
          %get3A_151 = arith.constant 96 : index
          %get3A_152 = tpu.vector_load %arg9[%get3A_150, %get3A_151] {strides = array<i32>} : memref<128x272xf32, #tpu.memory_space<vmem>>, vector<1x16xf32>,
          %get3A_153 = vector.shape_cast %get3A_152 : vector<1x16xf32> to vector<16xf32>
          %mul3A_154 = vector.broadcast %squeeze3A_149 : f32 to vector<16xf32>
          %mul3A_155 = arith.mulf %mul3A_154, %get3A_153 : vector<16xf32>
          %add3A_156 = arith.addf %mul3A_120, %mul3A_155 : vector<16xf32>
          %slice3A_157 = vector.extract_strided_slice %get3A_94 {offsets = [7], sizes = [1], strides = [1]} : vector<16xf32> to vector<1xf32>
          %squeeze3A_158 = vector.extract %slice3A_157[0] : f32 from vector<1xf32>
          %get3A_159 = arith.index_cast %scan3A_91 : i32 to index
          %get3A_160 = arith.constant 112 : index
          %get3A_161 = tpu.vector_load %arg9[%get3A_159, %get3A_160] {strides = array<i32>} : memref<128x272xf32, #tpu.memory_space<vmem>>, vector<1x16xf32>,
          %get3A_162 = vector.shape_cast %get3A_161 : vector<1x16xf32> to vector<16xf32>
          %mul3A_163 = vector.broadcast %squeeze3A_158 : f32 to vector<16xf32>
          %mul3A_164 = arith.mulf %mul3A_163, %get3A_162 : vector<16xf32>
          %add3A_165 = arith.addf %add3A_129, %mul3A_164 : vector<16xf32>
          %slice3A_166 = vector.extract_strided_slice %get3A_94 {offsets = [8], sizes = [1], strides = [1]} : vector<16xf32> to vector<1xf32>
          %squeeze3A_167 = vector.extract %slice3A_166[0] : f32 from vector<1xf32>
          %get3A_168 = arith.index_cast %scan3A_91 : i32 to index
          %get3A_169 = arith.constant 128 : index
          %get3A_170 = tpu.vector_load %arg9[%get3A_168, %get3A_169] {strides = array<i32>} : memref<128x272xf32, #tpu.memory_space<vmem>>, vector<1x16xf32>,
          %get3A_171 = vector.shape_cast %get3A_170 : vector<1x16xf32> to vector<16xf32>
          %mul3A_172 = vector.broadcast %squeeze3A_167 : f32 to vector<16xf32>
          %mul3A_173 = arith.mulf %mul3A_172, %get3A_171 : vector<16xf32>
          %add3A_174 = arith.addf %add3A_138, %mul3A_173 : vector<16xf32>
          %slice3A_175 = vector.extract_strided_slice %get3A_94 {offsets = [9], sizes = [1], strides = [1]} : vector<16xf32> to vector<1xf32>
          %squeeze3A_176 = vector.extract %slice3A_175[0] : f32 from vector<1xf32>
          %get3A_177 = arith.index_cast %scan3A_91 : i32 to index
          %get3A_178 = arith.constant 144 : index
          %get3A_179 = tpu.vector_load %arg9[%get3A_177, %get3A_178] {strides = array<i32>} : memref<128x272xf32, #tpu.memory_space<vmem>>, vector<1x16xf32>,
          %get3A_180 = vector.shape_cast %get3A_179 : vector<1x16xf32> to vector<16xf32>
          %mul3A_181 = vector.broadcast %squeeze3A_176 : f32 to vector<16xf32>
          %mul3A_182 = arith.mulf %mul3A_181, %get3A_180 : vector<16xf32>
          %add3A_183 = arith.addf %add3A_147, %mul3A_182 : vector<16xf32>
          %slice3A_184 = vector.extract_strided_slice %get3A_94 {offsets = [10], sizes = [1], strides = [1]} : vector<16xf32> to vector<1xf32>
          %squeeze3A_185 = vector.extract %slice3A_184[0] : f32 from vector<1xf32>
          %get3A_186 = arith.index_cast %scan3A_91 : i32 to index
          %get3A_187 = arith.constant 160 : index
          %get3A_188 = tpu.vector_load %arg9[%get3A_186, %get3A_187] {strides = array<i32>} : memref<128x272xf32, #tpu.memory_space<vmem>>, vector<1x16xf32>,
          %get3A_189 = vector.shape_cast %get3A_188 : vector<1x16xf32> to vector<16xf32>
          %mul3A_190 = vector.broadcast %squeeze3A_185 : f32 to vector<16xf32>
          %mul3A_191 = arith.mulf %mul3A_190, %get3A_189 : vector<16xf32>
          %add3A_192 = arith.addf %add3A_156, %mul3A_191 : vector<16xf32>
          %slice3A_193 = vector.extract_strided_slice %get3A_94 {offsets = [11], sizes = [1], strides = [1]} : vector<16xf32> to vector<1xf32>
          %squeeze3A_194 = vector.extract %slice3A_193[0] : f32 from vector<1xf32>
          %get3A_195 = arith.index_cast %scan3A_91 : i32 to index
          %get3A_196 = arith.constant 176 : index
          %get3A_197 = tpu.vector_load %arg9[%get3A_195, %get3A_196] {strides = array<i32>} : memref<128x272xf32, #tpu.memory_space<vmem>>, vector<1x16xf32>,
          %get3A_198 = vector.shape_cast %get3A_197 : vector<1x16xf32> to vector<16xf32>
          %mul3A_199 = vector.broadcast %squeeze3A_194 : f32 to vector<16xf32>
          %mul3A_200 = arith.mulf %mul3A_199, %get3A_198 : vector<16xf32>
          %add3A_201 = arith.addf %add3A_165, %mul3A_200 : vector<16xf32>
          %slice3A_202 = vector.extract_strided_slice %get3A_94 {offsets = [12], sizes = [1], strides = [1]} : vector<16xf32> to vector<1xf32>
          %squeeze3A_203 = vector.extract %slice3A_202[0] : f32 from vector<1xf32>
          %get3A_204 = arith.index_cast %scan3A_91 : i32 to index
          %get3A_205 = arith.constant 192 : index
          %get3A_206 = tpu.vector_load %arg9[%get3A_204, %get3A_205] {strides = array<i32>} : memref<128x272xf32, #tpu.memory_space<vmem>>, vector<1x16xf32>,
          %get3A_207 = vector.shape_cast %get3A_206 : vector<1x16xf32> to vector<16xf32>
          %mul3A_208 = vector.broadcast %squeeze3A_203 : f32 to vector<16xf32>
          %mul3A_209 = arith.mulf %mul3A_208, %get3A_207 : vector<16xf32>
          %add3A_210 = arith.addf %add3A_174, %mul3A_209 : vector<16xf32>
          %slice3A_211 = vector.extract_strided_slice %get3A_94 {offsets = [13], sizes = [1], strides = [1]} : vector<16xf32> to vector<1xf32>
          %squeeze3A_212 = vector.extract %slice3A_211[0] : f32 from vector<1xf32>
          %get3A_213 = arith.index_cast %scan3A_91 : i32 to index
          %get3A_214 = arith.constant 208 : index
          %get3A_215 = tpu.vector_load %arg9[%get3A_213, %get3A_214] {strides = array<i32>} : memref<128x272xf32, #tpu.memory_space<vmem>>, vector<1x16xf32>,
          %get3A_216 = vector.shape_cast %get3A_215 : vector<1x16xf32> to vector<16xf32>
          %mul3A_217 = vector.broadcast %squeeze3A_212 : f32 to vector<16xf32>
          %mul3A_218 = arith.mulf %mul3A_217, %get3A_216 : vector<16xf32>
          %add3A_219 = arith.addf %add3A_183, %mul3A_218 : vector<16xf32>
          %slice3A_220 = vector.extract_strided_slice %get3A_94 {offsets = [14], sizes = [1], strides = [1]} : vector<16xf32> to vector<1xf32>
          %squeeze3A_221 = vector.extract %slice3A_220[0] : f32 from vector<1xf32>
          %get3A_222 = arith.index_cast %scan3A_91 : i32 to index
          %get3A_223 = arith.constant 224 : index
          %get3A_224 = tpu.vector_load %arg9[%get3A_222, %get3A_223] {strides = array<i32>} : memref<128x272xf32, #tpu.memory_space<vmem>>, vector<1x16xf32>,
          %get3A_225 = vector.shape_cast %get3A_224 : vector<1x16xf32> to vector<16xf32>
          %mul3A_226 = vector.broadcast %squeeze3A_221 : f32 to vector<16xf32>
          %mul3A_227 = arith.mulf %mul3A_226, %get3A_225 : vector<16xf32>
          %add3A_228 = arith.addf %add3A_192, %mul3A_227 : vector<16xf32>
          %slice3A_229 = vector.extract_strided_slice %get3A_94 {offsets = [15], sizes = [1], strides = [1]} : vector<16xf32> to vector<1xf32>
          %squeeze3A_230 = vector.extract %slice3A_229[0] : f32 from vector<1xf32>
          %get3A_231 = arith.index_cast %scan3A_91 : i32 to index
          %get3A_232 = arith.constant 240 : index
          %get3A_233 = tpu.vector_load %arg9[%get3A_231, %get3A_232] {strides = array<i32>} : memref<128x272xf32, #tpu.memory_space<vmem>>, vector<1x16xf32>,
          %get3A_234 = vector.shape_cast %get3A_233 : vector<1x16xf32> to vector<16xf32>
          %mul3A_235 = vector.broadcast %squeeze3A_230 : f32 to vector<16xf32>
          %mul3A_236 = arith.mulf %mul3A_235, %get3A_234 : vector<16xf32>
          %add3A_237 = arith.addf %add3A_201, %mul3A_236 : vector<16xf32>
          %add3A_238 = arith.addf %add3A_237, %add3A_210 : vector<16xf32>
          %add3A_239 = arith.addf %add3A_219, %add3A_228 : vector<16xf32>
          %add3A_240 = arith.addf %add3A_238, %add3A_239 : vector<16xf32>
          %swap3A = arith.index_cast %scan3A_91 : i32 to index
          %swap3A_241 = arith.constant 0 : index
          %swap3A_242 = tpu.vector_load %arg13[%swap3A, %swap3A_241] {strides = array<i32>} : memref<128x32xf32, #tpu.memory_space<vmem>>, vector<1x16xf32>,
          %swap3A_243 = vector.shape_cast %swap3A_242 : vector<1x16xf32> to vector<16xf32>
          %swap3A_244 = vector.shape_cast %add3A_240 : vector<16xf32> to vector<1x16xf32>
          tpu.vector_store %arg13[%swap3A, %swap3A_241], %swap3A_244 {strides = array<i32>} : memref<128x32xf32, #tpu.memory_space<vmem>>, vector<1x16xf32>,
          %scan3A_245 = arith.constant 1 : i32
          %scan3A_246 = arith.addi %scan3A_91, %scan3A_245 : i32
          %get3A_247 = arith.index_cast %scan3A_246 : i32 to index
          %get3A_248 = arith.constant 0 : index
          %get3A_249 = tpu.vector_load %arg11[%get3A_247, %get3A_248] {strides = array<i32>} : memref<128x16xf32, #tpu.memory_space<vmem>>, vector<1x16xf32>,
          %get3A_250 = vector.shape_cast %get3A_249 : vector<1x16xf32> to vector<16xf32>
          %get3A_251 = arith.index_cast %scan3A_246 : i32 to index
          %get3A_252 = arith.constant 256 : index
          %get3A_253 = tpu.vector_load %arg9[%get3A_251, %get3A_252] {strides = array<i32>} : memref<128x272xf32, #tpu.memory_space<vmem>>, vector<1x16xf32>,
          %get3A_254 = vector.shape_cast %get3A_253 : vector<1x16xf32> to vector<16xf32>
          %slice3A_255 = vector.extract_strided_slice %get3A_250 {offsets = [0], sizes = [1], strides = [1]} : vector<16xf32> to vector<1xf32>
          %squeeze3A_256 = vector.extract %slice3A_255[0] : f32 from vector<1xf32>
          %get3A_257 = arith.index_cast %scan3A_246 : i32 to index
          %get3A_258 = arith.constant 0 : index
          %get3A_259 = tpu.vector_load %arg9[%get3A_257, %get3A_258] {strides = array<i32>} : memref<128x272xf32, #tpu.memory_space<vmem>>, vector<1x16xf32>,
          %get3A_260 = vector.shape_cast %get3A_259 : vector<1x16xf32> to vector<16xf32>
          %mul3A_261 = vector.broadcast %squeeze3A_256 : f32 to vector<16xf32>
          %mul3A_262 = arith.mulf %mul3A_261, %get3A_260 : vector<16xf32>
          %slice3A_263 = vector.extract_strided_slice %get3A_250 {offsets = [1], sizes = [1], strides = [1]} : vector<16xf32> to vector<1xf32>
          %squeeze3A_264 = vector.extract %slice3A_263[0] : f32 from vector<1xf32>
          %get3A_265 = arith.index_cast %scan3A_246 : i32 to index
          %get3A_266 = arith.constant 16 : index
          %get3A_267 = tpu.vector_load %arg9[%get3A_265, %get3A_266] {strides = array<i32>} : memref<128x272xf32, #tpu.memory_space<vmem>>, vector<1x16xf32>,
          %get3A_268 = vector.shape_cast %get3A_267 : vector<1x16xf32> to vector<16xf32>
          %mul3A_269 = vector.broadcast %squeeze3A_264 : f32 to vector<16xf32>
          %mul3A_270 = arith.mulf %mul3A_269, %get3A_268 : vector<16xf32>
          %slice3A_271 = vector.extract_strided_slice %get3A_250 {offsets = [2], sizes = [1], strides = [1]} : vector<16xf32> to vector<1xf32>
          %squeeze3A_272 = vector.extract %slice3A_271[0] : f32 from vector<1xf32>
          %get3A_273 = arith.index_cast %scan3A_246 : i32 to index
          %get3A_274 = arith.constant 32 : index
          %get3A_275 = tpu.vector_load %arg9[%get3A_273, %get3A_274] {strides = array<i32>} : memref<128x272xf32, #tpu.memory_space<vmem>>, vector<1x16xf32>,
          %get3A_276 = vector.shape_cast %get3A_275 : vector<1x16xf32> to vector<16xf32>
          %mul3A_277 = vector.broadcast %squeeze3A_272 : f32 to vector<16xf32>
          %mul3A_278 = arith.mulf %mul3A_277, %get3A_276 : vector<16xf32>
          %slice3A_279 = vector.extract_strided_slice %get3A_250 {offsets = [3], sizes = [1], strides = [1]} : vector<16xf32> to vector<1xf32>
          %squeeze3A_280 = vector.extract %slice3A_279[0] : f32 from vector<1xf32>
          %get3A_281 = arith.index_cast %scan3A_246 : i32 to index
          %get3A_282 = arith.constant 48 : index
          %get3A_283 = tpu.vector_load %arg9[%get3A_281, %get3A_282] {strides = array<i32>} : memref<128x272xf32, #tpu.memory_space<vmem>>, vector<1x16xf32>,
          %get3A_284 = vector.shape_cast %get3A_283 : vector<1x16xf32> to vector<16xf32>
          %mul3A_285 = vector.broadcast %squeeze3A_280 : f32 to vector<16xf32>
          %mul3A_286 = arith.mulf %mul3A_285, %get3A_284 : vector<16xf32>
          %add3A_287 = arith.addf %get3A_254, %mul3A_286 : vector<16xf32>
          %slice3A_288 = vector.extract_strided_slice %get3A_250 {offsets = [4], sizes = [1], strides = [1]} : vector<16xf32> to vector<1xf32>
          %squeeze3A_289 = vector.extract %slice3A_288[0] : f32 from vector<1xf32>
          %get3A_290 = arith.index_cast %scan3A_246 : i32 to index
          %get3A_291 = arith.constant 64 : index
          %get3A_292 = tpu.vector_load %arg9[%get3A_290, %get3A_291] {strides = array<i32>} : memref<128x272xf32, #tpu.memory_space<vmem>>, vector<1x16xf32>,
          %get3A_293 = vector.shape_cast %get3A_292 : vector<1x16xf32> to vector<16xf32>
          %mul3A_294 = vector.broadcast %squeeze3A_289 : f32 to vector<16xf32>
          %mul3A_295 = arith.mulf %mul3A_294, %get3A_293 : vector<16xf32>
          %add3A_296 = arith.addf %mul3A_262, %mul3A_295 : vector<16xf32>
          %slice3A_297 = vector.extract_strided_slice %get3A_250 {offsets = [5], sizes = [1], strides = [1]} : vector<16xf32> to vector<1xf32>
          %squeeze3A_298 = vector.extract %slice3A_297[0] : f32 from vector<1xf32>
          %get3A_299 = arith.index_cast %scan3A_246 : i32 to index
          %get3A_300 = arith.constant 80 : index
          %get3A_301 = tpu.vector_load %arg9[%get3A_299, %get3A_300] {strides = array<i32>} : memref<128x272xf32, #tpu.memory_space<vmem>>, vector<1x16xf32>,
          %get3A_302 = vector.shape_cast %get3A_301 : vector<1x16xf32> to vector<16xf32>
          %mul3A_303 = vector.broadcast %squeeze3A_298 : f32 to vector<16xf32>
          %mul3A_304 = arith.mulf %mul3A_303, %get3A_302 : vector<16xf32>
          %add3A_305 = arith.addf %mul3A_270, %mul3A_304 : vector<16xf32>
          %slice3A_306 = vector.extract_strided_slice %get3A_250 {offsets = [6], sizes = [1], strides = [1]} : vector<16xf32> to vector<1xf32>
          %squeeze3A_307 = vector.extract %slice3A_306[0] : f32 from vector<1xf32>
          %get3A_308 = arith.index_cast %scan3A_246 : i32 to index
          %get3A_309 = arith.constant 96 : index
          %get3A_310 = tpu.vector_load %arg9[%get3A_308, %get3A_309] {strides = array<i32>} : memref<128x272xf32, #tpu.memory_space<vmem>>, vector<1x16xf32>,
          %get3A_311 = vector.shape_cast %get3A_310 : vector<1x16xf32> to vector<16xf32>
          %mul3A_312 = vector.broadcast %squeeze3A_307 : f32 to vector<16xf32>
          %mul3A_313 = arith.mulf %mul3A_312, %get3A_311 : vector<16xf32>
          %add3A_314 = arith.addf %mul3A_278, %mul3A_313 : vector<16xf32>
          %slice3A_315 = vector.extract_strided_slice %get3A_250 {offsets = [7], sizes = [1], strides = [1]} : vector<16xf32> to vector<1xf32>
          %squeeze3A_316 = vector.extract %slice3A_315[0] : f32 from vector<1xf32>
          %get3A_317 = arith.index_cast %scan3A_246 : i32 to index
          %get3A_318 = arith.constant 112 : index
          %get3A_319 = tpu.vector_load %arg9[%get3A_317, %get3A_318] {strides = array<i32>} : memref<128x272xf32, #tpu.memory_space<vmem>>, vector<1x16xf32>,
          %get3A_320 = vector.shape_cast %get3A_319 : vector<1x16xf32> to vector<16xf32>
          %mul3A_321 = vector.broadcast %squeeze3A_316 : f32 to vector<16xf32>
          %mul3A_322 = arith.mulf %mul3A_321, %get3A_320 : vector<16xf32>
          %add3A_323 = arith.addf %add3A_287, %mul3A_322 : vector<16xf32>
          %slice3A_324 = vector.extract_strided_slice %get3A_250 {offsets = [8], sizes = [1], strides = [1]} : vector<16xf32> to vector<1xf32>
          %squeeze3A_325 = vector.extract %slice3A_324[0] : f32 from vector<1xf32>
          %get3A_326 = arith.index_cast %scan3A_246 : i32 to index
          %get3A_327 = arith.constant 128 : index
          %get3A_328 = tpu.vector_load %arg9[%get3A_326, %get3A_327] {strides = array<i32>} : memref<128x272xf32, #tpu.memory_space<vmem>>, vector<1x16xf32>,
          %get3A_329 = vector.shape_cast %get3A_328 : vector<1x16xf32> to vector<16xf32>
          %mul3A_330 = vector.broadcast %squeeze3A_325 : f32 to vector<16xf32>
          %mul3A_331 = arith.mulf %mul3A_330, %get3A_329 : vector<16xf32>
          %add3A_332 = arith.addf %add3A_296, %mul3A_331 : vector<16xf32>
          %slice3A_333 = vector.extract_strided_slice %get3A_250 {offsets = [9], sizes = [1], strides = [1]} : vector<16xf32> to vector<1xf32>
          %squeeze3A_334 = vector.extract %slice3A_333[0] : f32 from vector<1xf32>
          %get3A_335 = arith.index_cast %scan3A_246 : i32 to index
          %get3A_336 = arith.constant 144 : index
          %get3A_337 = tpu.vector_load %arg9[%get3A_335, %get3A_336] {strides = array<i32>} : memref<128x272xf32, #tpu.memory_space<vmem>>, vector<1x16xf32>,
          %get3A_338 = vector.shape_cast %get3A_337 : vector<1x16xf32> to vector<16xf32>
          %mul3A_339 = vector.broadcast %squeeze3A_334 : f32 to vector<16xf32>
          %mul3A_340 = arith.mulf %mul3A_339, %get3A_338 : vector<16xf32>
          %add3A_341 = arith.addf %add3A_305, %mul3A_340 : vector<16xf32>
          %slice3A_342 = vector.extract_strided_slice %get3A_250 {offsets = [10], sizes = [1], strides = [1]} : vector<16xf32> to vector<1xf32>
          %squeeze3A_343 = vector.extract %slice3A_342[0] : f32 from vector<1xf32>
          %get3A_344 = arith.index_cast %scan3A_246 : i32 to index
          %get3A_345 = arith.constant 160 : index
          %get3A_346 = tpu.vector_load %arg9[%get3A_344, %get3A_345] {strides = array<i32>} : memref<128x272xf32, #tpu.memory_space<vmem>>, vector<1x16xf32>,
          %get3A_347 = vector.shape_cast %get3A_346 : vector<1x16xf32> to vector<16xf32>
          %mul3A_348 = vector.broadcast %squeeze3A_343 : f32 to vector<16xf32>
          %mul3A_349 = arith.mulf %mul3A_348, %get3A_347 : vector<16xf32>
          %add3A_350 = arith.addf %add3A_314, %mul3A_349 : vector<16xf32>
          %slice3A_351 = vector.extract_strided_slice %get3A_250 {offsets = [11], sizes = [1], strides = [1]} : vector<16xf32> to vector<1xf32>
          %squeeze3A_352 = vector.extract %slice3A_351[0] : f32 from vector<1xf32>
          %get3A_353 = arith.index_cast %scan3A_246 : i32 to index
          %get3A_354 = arith.constant 176 : index
          %get3A_355 = tpu.vector_load %arg9[%get3A_353, %get3A_354] {strides = array<i32>} : memref<128x272xf32, #tpu.memory_space<vmem>>, vector<1x16xf32>,
          %get3A_356 = vector.shape_cast %get3A_355 : vector<1x16xf32> to vector<16xf32>
          %mul3A_357 = vector.broadcast %squeeze3A_352 : f32 to vector<16xf32>
          %mul3A_358 = arith.mulf %mul3A_357, %get3A_356 : vector<16xf32>
          %add3A_359 = arith.addf %add3A_323, %mul3A_358 : vector<16xf32>
          %slice3A_360 = vector.extract_strided_slice %get3A_250 {offsets = [12], sizes = [1], strides = [1]} : vector<16xf32> to vector<1xf32>
          %squeeze3A_361 = vector.extract %slice3A_360[0] : f32 from vector<1xf32>
          %get3A_362 = arith.index_cast %scan3A_246 : i32 to index
          %get3A_363 = arith.constant 192 : index
          %get3A_364 = tpu.vector_load %arg9[%get3A_362, %get3A_363] {strides = array<i32>} : memref<128x272xf32, #tpu.memory_space<vmem>>, vector<1x16xf32>,
          %get3A_365 = vector.shape_cast %get3A_364 : vector<1x16xf32> to vector<16xf32>
          %mul3A_366 = vector.broadcast %squeeze3A_361 : f32 to vector<16xf32>
          %mul3A_367 = arith.mulf %mul3A_366, %get3A_365 : vector<16xf32>
          %add3A_368 = arith.addf %add3A_332, %mul3A_367 : vector<16xf32>
          %slice3A_369 = vector.extract_strided_slice %get3A_250 {offsets = [13], sizes = [1], strides = [1]} : vector<16xf32> to vector<1xf32>
          %squeeze3A_370 = vector.extract %slice3A_369[0] : f32 from vector<1xf32>
          %get3A_371 = arith.index_cast %scan3A_246 : i32 to index
          %get3A_372 = arith.constant 208 : index
          %get3A_373 = tpu.vector_load %arg9[%get3A_371, %get3A_372] {strides = array<i32>} : memref<128x272xf32, #tpu.memory_space<vmem>>, vector<1x16xf32>,
          %get3A_374 = vector.shape_cast %get3A_373 : vector<1x16xf32> to vector<16xf32>
          %mul3A_375 = vector.broadcast %squeeze3A_370 : f32 to vector<16xf32>
          %mul3A_376 = arith.mulf %mul3A_375, %get3A_374 : vector<16xf32>
          %add3A_377 = arith.addf %add3A_341, %mul3A_376 : vector<16xf32>
          %slice3A_378 = vector.extract_strided_slice %get3A_250 {offsets = [14], sizes = [1], strides = [1]} : vector<16xf32> to vector<1xf32>
          %squeeze3A_379 = vector.extract %slice3A_378[0] : f32 from vector<1xf32>
          %get3A_380 = arith.index_cast %scan3A_246 : i32 to index
          %get3A_381 = arith.constant 224 : index
          %get3A_382 = tpu.vector_load %arg9[%get3A_380, %get3A_381] {strides = array<i32>} : memref<128x272xf32, #tpu.memory_space<vmem>>, vector<1x16xf32>,
          %get3A_383 = vector.shape_cast %get3A_382 : vector<1x16xf32> to vector<16xf32>
          %mul3A_384 = vector.broadcast %squeeze3A_379 : f32 to vector<16xf32>
          %mul3A_385 = arith.mulf %mul3A_384, %get3A_383 : vector<16xf32>
          %add3A_386 = arith.addf %add3A_350, %mul3A_385 : vector<16xf32>
          %slice3A_387 = vector.extract_strided_slice %get3A_250 {offsets = [15], sizes = [1], strides = [1]} : vector<16xf32> to vector<1xf32>
          %squeeze3A_388 = vector.extract %slice3A_387[0] : f32 from vector<1xf32>
          %get3A_389 = arith.index_cast %scan3A_246 : i32 to index
          %get3A_390 = arith.constant 240 : index
          %get3A_391 = tpu.vector_load %arg9[%get3A_389, %get3A_390] {strides = array<i32>} : memref<128x272xf32, #tpu.memory_space<vmem>>, vector<1x16xf32>,
          %get3A_392 = vector.shape_cast %get3A_391 : vector<1x16xf32> to vector<16xf32>
          %mul3A_393 = vector.broadcast %squeeze3A_388 : f32 to vector<16xf32>
          %mul3A_394 = arith.mulf %mul3A_393, %get3A_392 : vector<16xf32>
          %add3A_395 = arith.addf %add3A_359, %mul3A_394 : vector<16xf32>
          %add3A_396 = arith.addf %add3A_395, %add3A_368 : vector<16xf32>
          %add3A_397 = arith.addf %add3A_377, %add3A_386 : vector<16xf32>
          %add3A_398 = arith.addf %add3A_396, %add3A_397 : vector<16xf32>
          %swap3A_399 = arith.index_cast %scan3A_246 : i32 to index
          %swap3A_400 = arith.constant 0 : index
          %swap3A_401 = tpu.vector_load %arg13[%swap3A_399, %swap3A_400] {strides = array<i32>} : memref<128x32xf32, #tpu.memory_space<vmem>>, vector<1x16xf32>,
          %swap3A_402 = vector.shape_cast %swap3A_401 : vector<1x16xf32> to vector<16xf32>
          %swap3A_403 = vector.shape_cast %add3A_398 : vector<16xf32> to vector<1x16xf32>
          tpu.vector_store %arg13[%swap3A_399, %swap3A_400], %swap3A_403 {strides = array<i32>} : memref<128x32xf32, #tpu.memory_space<vmem>>, vector<1x16xf32>,
          %scan3A_404 = arith.constant 2 : i32
          %scan3A_405 = arith.addi %scan3A_91, %scan3A_404 : i32
          %get3A_406 = arith.index_cast %scan3A_405 : i32 to index
          %get3A_407 = arith.constant 0 : index
          %get3A_408 = tpu.vector_load %arg11[%get3A_406, %get3A_407] {strides = array<i32>} : memref<128x16xf32, #tpu.memory_space<vmem>>, vector<1x16xf32>,
          %get3A_409 = vector.shape_cast %get3A_408 : vector<1x16xf32> to vector<16xf32>
          %get3A_410 = arith.index_cast %scan3A_405 : i32 to index
          %get3A_411 = arith.constant 256 : index
          %get3A_412 = tpu.vector_load %arg9[%get3A_410, %get3A_411] {strides = array<i32>} : memref<128x272xf32, #tpu.memory_space<vmem>>, vector<1x16xf32>,
          %get3A_413 = vector.shape_cast %get3A_412 : vector<1x16xf32> to vector<16xf32>
          %slice3A_414 = vector.extract_strided_slice %get3A_409 {offsets = [0], sizes = [1], strides = [1]} : vector<16xf32> to vector<1xf32>
          %squeeze3A_415 = vector.extract %slice3A_414[0] : f32 from vector<1xf32>
          %get3A_416 = arith.index_cast %scan3A_405 : i32 to index
          %get3A_417 = arith.constant 0 : index
          %get3A_418 = tpu.vector_load %arg9[%get3A_416, %get3A_417] {strides = array<i32>} : memref<128x272xf32, #tpu.memory_space<vmem>>, vector<1x16xf32>,
          %get3A_419 = vector.shape_cast %get3A_418 : vector<1x16xf32> to vector<16xf32>
          %mul3A_420 = vector.broadcast %squeeze3A_415 : f32 to vector<16xf32>
          %mul3A_421 = arith.mulf %mul3A_420, %get3A_419 : vector<16xf32>
          %slice3A_422 = vector.extract_strided_slice %get3A_409 {offsets = [1], sizes = [1], strides = [1]} : vector<16xf32> to vector<1xf32>
          %squeeze3A_423 = vector.extract %slice3A_422[0] : f32 from vector<1xf32>
          %get3A_424 = arith.index_cast %scan3A_405 : i32 to index
          %get3A_425 = arith.constant 16 : index
          %get3A_426 = tpu.vector_load %arg9[%get3A_424, %get3A_425] {strides = array<i32>} : memref<128x272xf32, #tpu.memory_space<vmem>>, vector<1x16xf32>,
          %get3A_427 = vector.shape_cast %get3A_426 : vector<1x16xf32> to vector<16xf32>
          %mul3A_428 = vector.broadcast %squeeze3A_423 : f32 to vector<16xf32>
          %mul3A_429 = arith.mulf %mul3A_428, %get3A_427 : vector<16xf32>
          %slice3A_430 = vector.extract_strided_slice %get3A_409 {offsets = [2], sizes = [1], strides = [1]} : vector<16xf32> to vector<1xf32>
          %squeeze3A_431 = vector.extract %slice3A_430[0] : f32 from vector<1xf32>
          %get3A_432 = arith.index_cast %scan3A_405 : i32 to index
          %get3A_433 = arith.constant 32 : index
          %get3A_434 = tpu.vector_load %arg9[%get3A_432, %get3A_433] {strides = array<i32>} : memref<128x272xf32, #tpu.memory_space<vmem>>, vector<1x16xf32>,
          %get3A_435 = vector.shape_cast %get3A_434 : vector<1x16xf32> to vector<16xf32>
          %mul3A_436 = vector.broadcast %squeeze3A_431 : f32 to vector<16xf32>
          %mul3A_437 = arith.mulf %mul3A_436, %get3A_435 : vector<16xf32>
          %slice3A_438 = vector.extract_strided_slice %get3A_409 {offsets = [3], sizes = [1], strides = [1]} : vector<16xf32> to vector<1xf32>
          %squeeze3A_439 = vector.extract %slice3A_438[0] : f32 from vector<1xf32>
          %get3A_440 = arith.index_cast %scan3A_405 : i32 to index
          %get3A_441 = arith.constant 48 : index
          %get3A_442 = tpu.vector_load %arg9[%get3A_440, %get3A_441] {strides = array<i32>} : memref<128x272xf32, #tpu.memory_space<vmem>>, vector<1x16xf32>,
          %get3A_443 = vector.shape_cast %get3A_442 : vector<1x16xf32> to vector<16xf32>
          %mul3A_444 = vector.broadcast %squeeze3A_439 : f32 to vector<16xf32>
          %mul3A_445 = arith.mulf %mul3A_444, %get3A_443 : vector<16xf32>
          %add3A_446 = arith.addf %get3A_413, %mul3A_445 : vector<16xf32>
          %slice3A_447 = vector.extract_strided_slice %get3A_409 {offsets = [4], sizes = [1], strides = [1]} : vector<16xf32> to vector<1xf32>
          %squeeze3A_448 = vector.extract %slice3A_447[0] : f32 from vector<1xf32>
          %get3A_449 = arith.index_cast %scan3A_405 : i32 to index
          %get3A_450 = arith.constant 64 : index
          %get3A_451 = tpu.vector_load %arg9[%get3A_449, %get3A_450] {strides = array<i32>} : memref<128x272xf32, #tpu.memory_space<vmem>>, vector<1x16xf32>,
          %get3A_452 = vector.shape_cast %get3A_451 : vector<1x16xf32> to vector<16xf32>
          %mul3A_453 = vector.broadcast %squeeze3A_448 : f32 to vector<16xf32>
          %mul3A_454 = arith.mulf %mul3A_453, %get3A_452 : vector<16xf32>
          %add3A_455 = arith.addf %mul3A_421, %mul3A_454 : vector<16xf32>
          %slice3A_456 = vector.extract_strided_slice %get3A_409 {offsets = [5], sizes = [1], strides = [1]} : vector<16xf32> to vector<1xf32>
          %squeeze3A_457 = vector.extract %slice3A_456[0] : f32 from vector<1xf32>
          %get3A_458 = arith.index_cast %scan3A_405 : i32 to index
          %get3A_459 = arith.constant 80 : index
          %get3A_460 = tpu.vector_load %arg9[%get3A_458, %get3A_459] {strides = array<i32>} : memref<128x272xf32, #tpu.memory_space<vmem>>, vector<1x16xf32>,
          %get3A_461 = vector.shape_cast %get3A_460 : vector<1x16xf32> to vector<16xf32>
          %mul3A_462 = vector.broadcast %squeeze3A_457 : f32 to vector<16xf32>
          %mul3A_463 = arith.mulf %mul3A_462, %get3A_461 : vector<16xf32>
          %add3A_464 = arith.addf %mul3A_429, %mul3A_463 : vector<16xf32>
          %slice3A_465 = vector.extract_strided_slice %get3A_409 {offsets = [6], sizes = [1], strides = [1]} : vector<16xf32> to vector<1xf32>
          %squeeze3A_466 = vector.extract %slice3A_465[0] : f32 from vector<1xf32>
          %get3A_467 = arith.index_cast %scan3A_405 : i32 to index
          %get3A_468 = arith.constant 96 : index
          %get3A_469 = tpu.vector_load %arg9[%get3A_467, %get3A_468] {strides = array<i32>} : memref<128x272xf32, #tpu.memory_space<vmem>>, vector<1x16xf32>,
          %get3A_470 = vector.shape_cast %get3A_469 : vector<1x16xf32> to vector<16xf32>
          %mul3A_471 = vector.broadcast %squeeze3A_466 : f32 to vector<16xf32>
          %mul3A_472 = arith.mulf %mul3A_471, %get3A_470 : vector<16xf32>
          %add3A_473 = arith.addf %mul3A_437, %mul3A_472 : vector<16xf32>
          %slice3A_474 = vector.extract_strided_slice %get3A_409 {offsets = [7], sizes = [1], strides = [1]} : vector<16xf32> to vector<1xf32>
          %squeeze3A_475 = vector.extract %slice3A_474[0] : f32 from vector<1xf32>
          %get3A_476 = arith.index_cast %scan3A_405 : i32 to index
          %get3A_477 = arith.constant 112 : index
          %get3A_478 = tpu.vector_load %arg9[%get3A_476, %get3A_477] {strides = array<i32>} : memref<128x272xf32, #tpu.memory_space<vmem>>, vector<1x16xf32>,
          %get3A_479 = vector.shape_cast %get3A_478 : vector<1x16xf32> to vector<16xf32>
          %mul3A_480 = vector.broadcast %squeeze3A_475 : f32 to vector<16xf32>
          %mul3A_481 = arith.mulf %mul3A_480, %get3A_479 : vector<16xf32>
          %add3A_482 = arith.addf %add3A_446, %mul3A_481 : vector<16xf32>
          %slice3A_483 = vector.extract_strided_slice %get3A_409 {offsets = [8], sizes = [1], strides = [1]} : vector<16xf32> to vector<1xf32>
          %squeeze3A_484 = vector.extract %slice3A_483[0] : f32 from vector<1xf32>
          %get3A_485 = arith.index_cast %scan3A_405 : i32 to index
          %get3A_486 = arith.constant 128 : index
          %get3A_487 = tpu.vector_load %arg9[%get3A_485, %get3A_486] {strides = array<i32>} : memref<128x272xf32, #tpu.memory_space<vmem>>, vector<1x16xf32>,
          %get3A_488 = vector.shape_cast %get3A_487 : vector<1x16xf32> to vector<16xf32>
          %mul3A_489 = vector.broadcast %squeeze3A_484 : f32 to vector<16xf32>
          %mul3A_490 = arith.mulf %mul3A_489, %get3A_488 : vector<16xf32>
          %add3A_491 = arith.addf %add3A_455, %mul3A_490 : vector<16xf32>
          %slice3A_492 = vector.extract_strided_slice %get3A_409 {offsets = [9], sizes = [1], strides = [1]} : vector<16xf32> to vector<1xf32>
          %squeeze3A_493 = vector.extract %slice3A_492[0] : f32 from vector<1xf32>
          %get3A_494 = arith.index_cast %scan3A_405 : i32 to index
          %get3A_495 = arith.constant 144 : index
          %get3A_496 = tpu.vector_load %arg9[%get3A_494, %get3A_495] {strides = array<i32>} : memref<128x272xf32, #tpu.memory_space<vmem>>, vector<1x16xf32>,
          %get3A_497 = vector.shape_cast %get3A_496 : vector<1x16xf32> to vector<16xf32>
          %mul3A_498 = vector.broadcast %squeeze3A_493 : f32 to vector<16xf32>
          %mul3A_499 = arith.mulf %mul3A_498, %get3A_497 : vector<16xf32>
          %add3A_500 = arith.addf %add3A_464, %mul3A_499 : vector<16xf32>
          %slice3A_501 = vector.extract_strided_slice %get3A_409 {offsets = [10], sizes = [1], strides = [1]} : vector<16xf32> to vector<1xf32>
          %squeeze3A_502 = vector.extract %slice3A_501[0] : f32 from vector<1xf32>
          %get3A_503 = arith.index_cast %scan3A_405 : i32 to index
          %get3A_504 = arith.constant 160 : index
          %get3A_505 = tpu.vector_load %arg9[%get3A_503, %get3A_504] {strides = array<i32>} : memref<128x272xf32, #tpu.memory_space<vmem>>, vector<1x16xf32>,
          %get3A_506 = vector.shape_cast %get3A_505 : vector<1x16xf32> to vector<16xf32>
          %mul3A_507 = vector.broadcast %squeeze3A_502 : f32 to vector<16xf32>
          %mul3A_508 = arith.mulf %mul3A_507, %get3A_506 : vector<16xf32>
          %add3A_509 = arith.addf %add3A_473, %mul3A_508 : vector<16xf32>
          %slice3A_510 = vector.extract_strided_slice %get3A_409 {offsets = [11], sizes = [1], strides = [1]} : vector<16xf32> to vector<1xf32>
          %squeeze3A_511 = vector.extract %slice3A_510[0] : f32 from vector<1xf32>
          %get3A_512 = arith.index_cast %scan3A_405 : i32 to index
          %get3A_513 = arith.constant 176 : index
          %get3A_514 = tpu.vector_load %arg9[%get3A_512, %get3A_513] {strides = array<i32>} : memref<128x272xf32, #tpu.memory_space<vmem>>, vector<1x16xf32>,
          %get3A_515 = vector.shape_cast %get3A_514 : vector<1x16xf32> to vector<16xf32>
          %mul3A_516 = vector.broadcast %squeeze3A_511 : f32 to vector<16xf32>
          %mul3A_517 = arith.mulf %mul3A_516, %get3A_515 : vector<16xf32>
          %add3A_518 = arith.addf %add3A_482, %mul3A_517 : vector<16xf32>
          %slice3A_519 = vector.extract_strided_slice %get3A_409 {offsets = [12], sizes = [1], strides = [1]} : vector<16xf32> to vector<1xf32>
          %squeeze3A_520 = vector.extract %slice3A_519[0] : f32 from vector<1xf32>
          %get3A_521 = arith.index_cast %scan3A_405 : i32 to index
          %get3A_522 = arith.constant 192 : index
          %get3A_523 = tpu.vector_load %arg9[%get3A_521, %get3A_522] {strides = array<i32>} : memref<128x272xf32, #tpu.memory_space<vmem>>, vector<1x16xf32>,
          %get3A_524 = vector.shape_cast %get3A_523 : vector<1x16xf32> to vector<16xf32>
          %mul3A_525 = vector.broadcast %squeeze3A_520 : f32 to vector<16xf32>
          %mul3A_526 = arith.mulf %mul3A_525, %get3A_524 : vector<16xf32>
          %add3A_527 = arith.addf %add3A_491, %mul3A_526 : vector<16xf32>
          %slice3A_528 = vector.extract_strided_slice %get3A_409 {offsets = [13], sizes = [1], strides = [1]} : vector<16xf32> to vector<1xf32>
          %squeeze3A_529 = vector.extract %slice3A_528[0] : f32 from vector<1xf32>
          %get3A_530 = arith.index_cast %scan3A_405 : i32 to index
          %get3A_531 = arith.constant 208 : index
          %get3A_532 = tpu.vector_load %arg9[%get3A_530, %get3A_531] {strides = array<i32>} : memref<128x272xf32, #tpu.memory_space<vmem>>, vector<1x16xf32>,
          %get3A_533 = vector.shape_cast %get3A_532 : vector<1x16xf32> to vector<16xf32>
          %mul3A_534 = vector.broadcast %squeeze3A_529 : f32 to vector<16xf32>
          %mul3A_535 = arith.mulf %mul3A_534, %get3A_533 : vector<16xf32>
          %add3A_536 = arith.addf %add3A_500, %mul3A_535 : vector<16xf32>
          %slice3A_537 = vector.extract_strided_slice %get3A_409 {offsets = [14], sizes = [1], strides = [1]} : vector<16xf32> to vector<1xf32>
          %squeeze3A_538 = vector.extract %slice3A_537[0] : f32 from vector<1xf32>
          %get3A_539 = arith.index_cast %scan3A_405 : i32 to index
          %get3A_540 = arith.constant 224 : index
          %get3A_541 = tpu.vector_load %arg9[%get3A_539, %get3A_540] {strides = array<i32>} : memref<128x272xf32, #tpu.memory_space<vmem>>, vector<1x16xf32>,
          %get3A_542 = vector.shape_cast %get3A_541 : vector<1x16xf32> to vector<16xf32>
          %mul3A_543 = vector.broadcast %squeeze3A_538 : f32 to vector<16xf32>
          %mul3A_544 = arith.mulf %mul3A_543, %get3A_542 : vector<16xf32>
          %add3A_545 = arith.addf %add3A_509, %mul3A_544 : vector<16xf32>
          %slice3A_546 = vector.extract_strided_slice %get3A_409 {offsets = [15], sizes = [1], strides = [1]} : vector<16xf32> to vector<1xf32>
          %squeeze3A_547 = vector.extract %slice3A_546[0] : f32 from vector<1xf32>
          %get3A_548 = arith.index_cast %scan3A_405 : i32 to index
          %get3A_549 = arith.constant 240 : index
          %get3A_550 = tpu.vector_load %arg9[%get3A_548, %get3A_549] {strides = array<i32>} : memref<128x272xf32, #tpu.memory_space<vmem>>, vector<1x16xf32>,
          %get3A_551 = vector.shape_cast %get3A_550 : vector<1x16xf32> to vector<16xf32>
          %mul3A_552 = vector.broadcast %squeeze3A_547 : f32 to vector<16xf32>
          %mul3A_553 = arith.mulf %mul3A_552, %get3A_551 : vector<16xf32>
          %add3A_554 = arith.addf %add3A_518, %mul3A_553 : vector<16xf32>
          %add3A_555 = arith.addf %add3A_554, %add3A_527 : vector<16xf32>
          %add3A_556 = arith.addf %add3A_536, %add3A_545 : vector<16xf32>
          %add3A_557 = arith.addf %add3A_555, %add3A_556 : vector<16xf32>
          %swap3A_558 = arith.index_cast %scan3A_405 : i32 to index
          %swap3A_559 = arith.constant 0 : index
          %swap3A_560 = tpu.vector_load %arg13[%swap3A_558, %swap3A_559] {strides = array<i32>} : memref<128x32xf32, #tpu.memory_space<vmem>>, vector<1x16xf32>,
          %swap3A_561 = vector.shape_cast %swap3A_560 : vector<1x16xf32> to vector<16xf32>
          %swap3A_562 = vector.shape_cast %add3A_557 : vector<16xf32> to vector<1x16xf32>
          tpu.vector_store %arg13[%swap3A_558, %swap3A_559], %swap3A_562 {strides = array<i32>} : memref<128x32xf32, #tpu.memory_space<vmem>>, vector<1x16xf32>,
          %scan3A_563 = arith.constant 3 : i32
          %scan3A_564 = arith.addi %scan3A_91, %scan3A_563 : i32
          %get3A_565 = arith.index_cast %scan3A_564 : i32 to index
          %get3A_566 = arith.constant 0 : index
          %get3A_567 = tpu.vector_load %arg11[%get3A_565, %get3A_566] {strides = array<i32>} : memref<128x16xf32, #tpu.memory_space<vmem>>, vector<1x16xf32>,
          %get3A_568 = vector.shape_cast %get3A_567 : vector<1x16xf32> to vector<16xf32>
          %get3A_569 = arith.index_cast %scan3A_564 : i32 to index
          %get3A_570 = arith.constant 256 : index
          %get3A_571 = tpu.vector_load %arg9[%get3A_569, %get3A_570] {strides = array<i32>} : memref<128x272xf32, #tpu.memory_space<vmem>>, vector<1x16xf32>,
          %get3A_572 = vector.shape_cast %get3A_571 : vector<1x16xf32> to vector<16xf32>
          %slice3A_573 = vector.extract_strided_slice %get3A_568 {offsets = [0], sizes = [1], strides = [1]} : vector<16xf32> to vector<1xf32>
          %squeeze3A_574 = vector.extract %slice3A_573[0] : f32 from vector<1xf32>
          %get3A_575 = arith.index_cast %scan3A_564 : i32 to index
          %get3A_576 = arith.constant 0 : index
          %get3A_577 = tpu.vector_load %arg9[%get3A_575, %get3A_576] {strides = array<i32>} : memref<128x272xf32, #tpu.memory_space<vmem>>, vector<1x16xf32>,
          %get3A_578 = vector.shape_cast %get3A_577 : vector<1x16xf32> to vector<16xf32>
          %mul3A_579 = vector.broadcast %squeeze3A_574 : f32 to vector<16xf32>
          %mul3A_580 = arith.mulf %mul3A_579, %get3A_578 : vector<16xf32>
          %slice3A_581 = vector.extract_strided_slice %get3A_568 {offsets = [1], sizes = [1], strides = [1]} : vector<16xf32> to vector<1xf32>
          %squeeze3A_582 = vector.extract %slice3A_581[0] : f32 from vector<1xf32>
          %get3A_583 = arith.index_cast %scan3A_564 : i32 to index
          %get3A_584 = arith.constant 16 : index
          %get3A_585 = tpu.vector_load %arg9[%get3A_583, %get3A_584] {strides = array<i32>} : memref<128x272xf32, #tpu.memory_space<vmem>>, vector<1x16xf32>,
          %get3A_586 = vector.shape_cast %get3A_585 : vector<1x16xf32> to vector<16xf32>
          %mul3A_587 = vector.broadcast %squeeze3A_582 : f32 to vector<16xf32>
          %mul3A_588 = arith.mulf %mul3A_587, %get3A_586 : vector<16xf32>
          %slice3A_589 = vector.extract_strided_slice %get3A_568 {offsets = [2], sizes = [1], strides = [1]} : vector<16xf32> to vector<1xf32>
          %squeeze3A_590 = vector.extract %slice3A_589[0] : f32 from vector<1xf32>
          %get3A_591 = arith.index_cast %scan3A_564 : i32 to index
          %get3A_592 = arith.constant 32 : index
          %get3A_593 = tpu.vector_load %arg9[%get3A_591, %get3A_592] {strides = array<i32>} : memref<128x272xf32, #tpu.memory_space<vmem>>, vector<1x16xf32>,
          %get3A_594 = vector.shape_cast %get3A_593 : vector<1x16xf32> to vector<16xf32>
          %mul3A_595 = vector.broadcast %squeeze3A_590 : f32 to vector<16xf32>
          %mul3A_596 = arith.mulf %mul3A_595, %get3A_594 : vector<16xf32>
          %slice3A_597 = vector.extract_strided_slice %get3A_568 {offsets = [3], sizes = [1], strides = [1]} : vector<16xf32> to vector<1xf32>
          %squeeze3A_598 = vector.extract %slice3A_597[0] : f32 from vector<1xf32>
          %get3A_599 = arith.index_cast %scan3A_564 : i32 to index
          %get3A_600 = arith.constant 48 : index
          %get3A_601 = tpu.vector_load %arg9[%get3A_599, %get3A_600] {strides = array<i32>} : memref<128x272xf32, #tpu.memory_space<vmem>>, vector<1x16xf32>,
          %get3A_602 = vector.shape_cast %get3A_601 : vector<1x16xf32> to vector<16xf32>
          %mul3A_603 = vector.broadcast %squeeze3A_598 : f32 to vector<16xf32>
          %mul3A_604 = arith.mulf %mul3A_603, %get3A_602 : vector<16xf32>
          %add3A_605 = arith.addf %get3A_572, %mul3A_604 : vector<16xf32>
          %slice3A_606 = vector.extract_strided_slice %get3A_568 {offsets = [4], sizes = [1], strides = [1]} : vector<16xf32> to vector<1xf32>
          %squeeze3A_607 = vector.extract %slice3A_606[0] : f32 from vector<1xf32>
          %get3A_608 = arith.index_cast %scan3A_564 : i32 to index
          %get3A_609 = arith.constant 64 : index
          %get3A_610 = tpu.vector_load %arg9[%get3A_608, %get3A_609] {strides = array<i32>} : memref<128x272xf32, #tpu.memory_space<vmem>>, vector<1x16xf32>,
          %get3A_611 = vector.shape_cast %get3A_610 : vector<1x16xf32> to vector<16xf32>
          %mul3A_612 = vector.broadcast %squeeze3A_607 : f32 to vector<16xf32>
          %mul3A_613 = arith.mulf %mul3A_612, %get3A_611 : vector<16xf32>
          %add3A_614 = arith.addf %mul3A_580, %mul3A_613 : vector<16xf32>
          %slice3A_615 = vector.extract_strided_slice %get3A_568 {offsets = [5], sizes = [1], strides = [1]} : vector<16xf32> to vector<1xf32>
          %squeeze3A_616 = vector.extract %slice3A_615[0] : f32 from vector<1xf32>
          %get3A_617 = arith.index_cast %scan3A_564 : i32 to index
          %get3A_618 = arith.constant 80 : index
          %get3A_619 = tpu.vector_load %arg9[%get3A_617, %get3A_618] {strides = array<i32>} : memref<128x272xf32, #tpu.memory_space<vmem>>, vector<1x16xf32>,
          %get3A_620 = vector.shape_cast %get3A_619 : vector<1x16xf32> to vector<16xf32>
          %mul3A_621 = vector.broadcast %squeeze3A_616 : f32 to vector<16xf32>
          %mul3A_622 = arith.mulf %mul3A_621, %get3A_620 : vector<16xf32>
          %add3A_623 = arith.addf %mul3A_588, %mul3A_622 : vector<16xf32>
          %slice3A_624 = vector.extract_strided_slice %get3A_568 {offsets = [6], sizes = [1], strides = [1]} : vector<16xf32> to vector<1xf32>
          %squeeze3A_625 = vector.extract %slice3A_624[0] : f32 from vector<1xf32>
          %get3A_626 = arith.index_cast %scan3A_564 : i32 to index
          %get3A_627 = arith.constant 96 : index
          %get3A_628 = tpu.vector_load %arg9[%get3A_626, %get3A_627] {strides = array<i32>} : memref<128x272xf32, #tpu.memory_space<vmem>>, vector<1x16xf32>,
          %get3A_629 = vector.shape_cast %get3A_628 : vector<1x16xf32> to vector<16xf32>
          %mul3A_630 = vector.broadcast %squeeze3A_625 : f32 to vector<16xf32>
          %mul3A_631 = arith.mulf %mul3A_630, %get3A_629 : vector<16xf32>
          %add3A_632 = arith.addf %mul3A_596, %mul3A_631 : vector<16xf32>
          %slice3A_633 = vector.extract_strided_slice %get3A_568 {offsets = [7], sizes = [1], strides = [1]} : vector<16xf32> to vector<1xf32>
          %squeeze3A_634 = vector.extract %slice3A_633[0] : f32 from vector<1xf32>
          %get3A_635 = arith.index_cast %scan3A_564 : i32 to index
          %get3A_636 = arith.constant 112 : index
          %get3A_637 = tpu.vector_load %arg9[%get3A_635, %get3A_636] {strides = array<i32>} : memref<128x272xf32, #tpu.memory_space<vmem>>, vector<1x16xf32>,
          %get3A_638 = vector.shape_cast %get3A_637 : vector<1x16xf32> to vector<16xf32>
          %mul3A_639 = vector.broadcast %squeeze3A_634 : f32 to vector<16xf32>
          %mul3A_640 = arith.mulf %mul3A_639, %get3A_638 : vector<16xf32>
          %add3A_641 = arith.addf %add3A_605, %mul3A_640 : vector<16xf32>
          %slice3A_642 = vector.extract_strided_slice %get3A_568 {offsets = [8], sizes = [1], strides = [1]} : vector<16xf32> to vector<1xf32>
          %squeeze3A_643 = vector.extract %slice3A_642[0] : f32 from vector<1xf32>
          %get3A_644 = arith.index_cast %scan3A_564 : i32 to index
          %get3A_645 = arith.constant 128 : index
          %get3A_646 = tpu.vector_load %arg9[%get3A_644, %get3A_645] {strides = array<i32>} : memref<128x272xf32, #tpu.memory_space<vmem>>, vector<1x16xf32>,
          %get3A_647 = vector.shape_cast %get3A_646 : vector<1x16xf32> to vector<16xf32>
          %mul3A_648 = vector.broadcast %squeeze3A_643 : f32 to vector<16xf32>
          %mul3A_649 = arith.mulf %mul3A_648, %get3A_647 : vector<16xf32>
          %add3A_650 = arith.addf %add3A_614, %mul3A_649 : vector<16xf32>
          %slice3A_651 = vector.extract_strided_slice %get3A_568 {offsets = [9], sizes = [1], strides = [1]} : vector<16xf32> to vector<1xf32>
          %squeeze3A_652 = vector.extract %slice3A_651[0] : f32 from vector<1xf32>
          %get3A_653 = arith.index_cast %scan3A_564 : i32 to index
          %get3A_654 = arith.constant 144 : index
          %get3A_655 = tpu.vector_load %arg9[%get3A_653, %get3A_654] {strides = array<i32>} : memref<128x272xf32, #tpu.memory_space<vmem>>, vector<1x16xf32>,
          %get3A_656 = vector.shape_cast %get3A_655 : vector<1x16xf32> to vector<16xf32>
          %mul3A_657 = vector.broadcast %squeeze3A_652 : f32 to vector<16xf32>
          %mul3A_658 = arith.mulf %mul3A_657, %get3A_656 : vector<16xf32>
          %add3A_659 = arith.addf %add3A_623, %mul3A_658 : vector<16xf32>
          %slice3A_660 = vector.extract_strided_slice %get3A_568 {offsets = [10], sizes = [1], strides = [1]} : vector<16xf32> to vector<1xf32>
          %squeeze3A_661 = vector.extract %slice3A_660[0] : f32 from vector<1xf32>
          %get3A_662 = arith.index_cast %scan3A_564 : i32 to index
          %get3A_663 = arith.constant 160 : index
          %get3A_664 = tpu.vector_load %arg9[%get3A_662, %get3A_663] {strides = array<i32>} : memref<128x272xf32, #tpu.memory_space<vmem>>, vector<1x16xf32>,
          %get3A_665 = vector.shape_cast %get3A_664 : vector<1x16xf32> to vector<16xf32>
          %mul3A_666 = vector.broadcast %squeeze3A_661 : f32 to vector<16xf32>
          %mul3A_667 = arith.mulf %mul3A_666, %get3A_665 : vector<16xf32>
          %add3A_668 = arith.addf %add3A_632, %mul3A_667 : vector<16xf32>
          %slice3A_669 = vector.extract_strided_slice %get3A_568 {offsets = [11], sizes = [1], strides = [1]} : vector<16xf32> to vector<1xf32>
          %squeeze3A_670 = vector.extract %slice3A_669[0] : f32 from vector<1xf32>
          %get3A_671 = arith.index_cast %scan3A_564 : i32 to index
          %get3A_672 = arith.constant 176 : index
          %get3A_673 = tpu.vector_load %arg9[%get3A_671, %get3A_672] {strides = array<i32>} : memref<128x272xf32, #tpu.memory_space<vmem>>, vector<1x16xf32>,
          %get3A_674 = vector.shape_cast %get3A_673 : vector<1x16xf32> to vector<16xf32>
          %mul3A_675 = vector.broadcast %squeeze3A_670 : f32 to vector<16xf32>
          %mul3A_676 = arith.mulf %mul3A_675, %get3A_674 : vector<16xf32>
          %add3A_677 = arith.addf %add3A_641, %mul3A_676 : vector<16xf32>
          %slice3A_678 = vector.extract_strided_slice %get3A_568 {offsets = [12], sizes = [1], strides = [1]} : vector<16xf32> to vector<1xf32>
          %squeeze3A_679 = vector.extract %slice3A_678[0] : f32 from vector<1xf32>
          %get3A_680 = arith.index_cast %scan3A_564 : i32 to index
          %get3A_681 = arith.constant 192 : index
          %get3A_682 = tpu.vector_load %arg9[%get3A_680, %get3A_681] {strides = array<i32>} : memref<128x272xf32, #tpu.memory_space<vmem>>, vector<1x16xf32>,
          %get3A_683 = vector.shape_cast %get3A_682 : vector<1x16xf32> to vector<16xf32>
          %mul3A_684 = vector.broadcast %squeeze3A_679 : f32 to vector<16xf32>
          %mul3A_685 = arith.mulf %mul3A_684, %get3A_683 : vector<16xf32>
          %add3A_686 = arith.addf %add3A_650, %mul3A_685 : vector<16xf32>
          %slice3A_687 = vector.extract_strided_slice %get3A_568 {offsets = [13], sizes = [1], strides = [1]} : vector<16xf32> to vector<1xf32>
          %squeeze3A_688 = vector.extract %slice3A_687[0] : f32 from vector<1xf32>
          %get3A_689 = arith.index_cast %scan3A_564 : i32 to index
          %get3A_690 = arith.constant 208 : index
          %get3A_691 = tpu.vector_load %arg9[%get3A_689, %get3A_690] {strides = array<i32>} : memref<128x272xf32, #tpu.memory_space<vmem>>, vector<1x16xf32>,
          %get3A_692 = vector.shape_cast %get3A_691 : vector<1x16xf32> to vector<16xf32>
          %mul3A_693 = vector.broadcast %squeeze3A_688 : f32 to vector<16xf32>
          %mul3A_694 = arith.mulf %mul3A_693, %get3A_692 : vector<16xf32>
          %add3A_695 = arith.addf %add3A_659, %mul3A_694 : vector<16xf32>
          %slice3A_696 = vector.extract_strided_slice %get3A_568 {offsets = [14], sizes = [1], strides = [1]} : vector<16xf32> to vector<1xf32>
          %squeeze3A_697 = vector.extract %slice3A_696[0] : f32 from vector<1xf32>
          %get3A_698 = arith.index_cast %scan3A_564 : i32 to index
          %get3A_699 = arith.constant 224 : index
          %get3A_700 = tpu.vector_load %arg9[%get3A_698, %get3A_699] {strides = array<i32>} : memref<128x272xf32, #tpu.memory_space<vmem>>, vector<1x16xf32>,
          %get3A_701 = vector.shape_cast %get3A_700 : vector<1x16xf32> to vector<16xf32>
          %mul3A_702 = vector.broadcast %squeeze3A_697 : f32 to vector<16xf32>
          %mul3A_703 = arith.mulf %mul3A_702, %get3A_701 : vector<16xf32>
          %add3A_704 = arith.addf %add3A_668, %mul3A_703 : vector<16xf32>
          %slice3A_705 = vector.extract_strided_slice %get3A_568 {offsets = [15], sizes = [1], strides = [1]} : vector<16xf32> to vector<1xf32>
          %squeeze3A_706 = vector.extract %slice3A_705[0] : f32 from vector<1xf32>
          %get3A_707 = arith.index_cast %scan3A_564 : i32 to index
          %get3A_708 = arith.constant 240 : index
          %get3A_709 = tpu.vector_load %arg9[%get3A_707, %get3A_708] {strides = array<i32>} : memref<128x272xf32, #tpu.memory_space<vmem>>, vector<1x16xf32>,
          %get3A_710 = vector.shape_cast %get3A_709 : vector<1x16xf32> to vector<16xf32>
          %mul3A_711 = vector.broadcast %squeeze3A_706 : f32 to vector<16xf32>
          %mul3A_712 = arith.mulf %mul3A_711, %get3A_710 : vector<16xf32>
          %add3A_713 = arith.addf %add3A_677, %mul3A_712 : vector<16xf32>
          %add3A_714 = arith.addf %add3A_713, %add3A_686 : vector<16xf32>
          %add3A_715 = arith.addf %add3A_695, %add3A_704 : vector<16xf32>
          %add3A_716 = arith.addf %add3A_714, %add3A_715 : vector<16xf32>
          %swap3A_717 = arith.index_cast %scan3A_564 : i32 to index
          %swap3A_718 = arith.constant 0 : index
          %swap3A_719 = tpu.vector_load %arg13[%swap3A_717, %swap3A_718] {strides = array<i32>} : memref<128x32xf32, #tpu.memory_space<vmem>>, vector<1x16xf32>,
          %swap3A_720 = vector.shape_cast %swap3A_719 : vector<1x16xf32> to vector<16xf32>
          %swap3A_721 = vector.shape_cast %add3A_716 : vector<16xf32> to vector<1x16xf32>
          tpu.vector_store %arg13[%swap3A_717, %swap3A_718], %swap3A_721 {strides = array<i32>} : memref<128x32xf32, #tpu.memory_space<vmem>>, vector<1x16xf32>,
        }
        %scan3A_90 = arith.constant 128 : i32
        %run_scoped3A = arith.constant 1 : i32
        "tpu.region"() ({
          %run_scoped3A_91 = tpu.sem_alloc : memref<!tpu.dma_semaphore, #tpu.memory_space<semaphore_mem>>
          %dma_start3A = arith.constant 0 : i32
          %dma_start3A_92 = tpu.memref_slice %arg7[%run_scoped3A, %dma_start3A] : memref<2x128xi32, #tpu.memory_space<vmem>> -> memref<1x128xi32, #tpu.memory_space<vmem>>
          %dma_start3A_93 = tpu.memref_squeeze %dma_start3A_92 : memref<1x128xi32, #tpu.memory_space<vmem>> -> memref<128xi32, #tpu.memory_space<vmem>>
          %dma_start3A_94 = arith.constant 0 : i32
          %dma_start3A_95 = arith.constant 0 : i32
          %dma_start3A_96 = tpu.memref_slice %arg15[%dma_start3A_94, %dma_start3A_95] : memref<10240x32xf32, #tpu.memory_space<vmem_shared>> -> memref<10240x32xf32, #tpu.memory_space<vmem_shared>>
          tpu.enqueue_indirect_dma source(%arg13 : memref<128x32xf32, #tpu.memory_space<vmem>>) target(%dma_start3A_96 : memref<10240x32xf32, #tpu.memory_space<vmem_shared>>) offsets(%dma_start3A_93 : memref<128xi32, #tpu.memory_space<vmem>>) semaphore(%run_scoped3A_91 : memref<!tpu.dma_semaphore, #tpu.memory_space<semaphore_mem>>) {add = true}
          %dma_wait3A_97 = arith.constant 0 : i32
          %dma_wait3A_98 = tpu.memref_slice %arg7[%run_scoped3A, %dma_wait3A_97] : memref<2x128xi32, #tpu.memory_space<vmem>> -> memref<1x128xi32, #tpu.memory_space<vmem>>
          %dma_wait3A_99 = tpu.memref_squeeze %dma_wait3A_98 : memref<1x128xi32, #tpu.memory_space<vmem>> -> memref<128xi32, #tpu.memory_space<vmem>>
          %dma_wait3A_100 = arith.constant 0 : i32
          %dma_wait3A_101 = arith.constant 0 : i32
          %dma_wait3A_102 = tpu.memref_slice %arg15[%dma_wait3A_100, %dma_wait3A_101] : memref<10240x32xf32, #tpu.memory_space<vmem_shared>> -> memref<10240x32xf32, #tpu.memory_space<vmem_shared>>
          tpu.wait_indirect_dma semaphore(%run_scoped3A_91 : memref<!tpu.dma_semaphore, #tpu.memory_space<semaphore_mem>>) src(%arg13 : memref<128x32xf32, #tpu.memory_space<vmem>>) dst(%dma_wait3A_102 : memref<10240x32xf32, #tpu.memory_space<vmem_shared>>)
          tpu.yield
        }) : () -> ()
      } else {
      }
      %add3A_69 = arith.constant 3 : i32
      %add3A_70 = arith.addi %mul3A_40, %add3A_69 : i32
      %mul3A_71 = arith.constant 32 : i32
      %mul3A_72 = arith.muli %add3A_70, %mul3A_71 : i32
      %add3A_73 = arith.addi %add3A, %mul3A_72 : i32
      %lt3A_74 = arith.constant 1250 : i32
      %lt3A_75 = arith.cmpi slt, %add3A_73, %lt3A_74 : i32
      %convert_element_type3A_76 = arith.extui %lt3A_75 : i1 to i32
      %cond3A_77 = arith.constant 0 : i32
      %cond3A_78 = arith.cmpi ne, %convert_element_type3A_76, %cond3A_77 : i32
      scf.if %cond3A_78 {
        %mul3A_79 = arith.constant 128 : i32
        %mul3A_80 = arith.muli %add3A_73, %mul3A_79 : i32
        %multiple_of3A_81 = tpu.assume_multiple %mul3A_80, 128 : i32
        "tpu.region"() ({
          %run_scoped3A = tpu.sem_alloc : memref<!tpu.dma_semaphore, #tpu.memory_space<semaphore_mem>>
          %dma_start3A_88 = arith.constant 0 : i32
          %dma_start3A_89 = tpu.memref_slice %arg3[%dma_start3A_88, %multiple_of3A_81] : memref<2x160000xi32, #tpu.memory_space<hbm>> -> memref<2x128xi32, #tpu.memory_space<hbm>>
          %dma_start3A_90 = arith.constant 0 : i32
          %dma_start3A_91 = tpu.memref_slice %arg3[%dma_start3A_90, %multiple_of3A_81] : memref<2x160000xi32, #tpu.memory_space<hbm>> -> memref<2x128xi32, #tpu.memory_space<hbm>>
          tpu.enqueue_dma source(%dma_start3A_91 : memref<2x128xi32, #tpu.memory_space<hbm>>) target(%arg7 : memref<2x128xi32, #tpu.memory_space<vmem>>) target_semaphore(%run_scoped3A : memref<!tpu.dma_semaphore, #tpu.memory_space<semaphore_mem>>)
          %dma_wait3A = arith.constant 0 : i32
          %dma_wait3A_92 = tpu.memref_slice %arg3[%dma_wait3A, %multiple_of3A_81] : memref<2x160000xi32, #tpu.memory_space<hbm>> -> memref<2x128xi32, #tpu.memory_space<hbm>>
          %dma_wait3A_93 = arith.constant 0 : i32
          %dma_wait3A_94 = tpu.memref_slice %arg3[%dma_wait3A_93, %multiple_of3A_81] : memref<2x160000xi32, #tpu.memory_space<hbm>> -> memref<2x128xi32, #tpu.memory_space<hbm>>
          tpu.wait_dma2 semaphore(%run_scoped3A : memref<!tpu.dma_semaphore, #tpu.memory_space<semaphore_mem>>) src(%dma_wait3A_94 : memref<2x128xi32, #tpu.memory_space<hbm>>) dst(%arg7 : memref<2x128xi32, #tpu.memory_space<vmem>>)
          tpu.yield
        }) : () -> ()
        "tpu.region"() ({
          %run_scoped3A = tpu.sem_alloc : memref<!tpu.dma_semaphore, #tpu.memory_space<semaphore_mem>>
          %dma_start3A_88 = arith.constant 0 : i32
          %dma_start3A_89 = tpu.memref_slice %arg4[%multiple_of3A_81, %dma_start3A_88] : memref<160000x16xf32, #tpu.memory_space<hbm>> -> memref<128x16xf32, #tpu.memory_space<hbm>>
          %dma_start3A_90 = arith.constant 0 : i32
          %dma_start3A_91 = tpu.memref_slice %arg4[%multiple_of3A_81, %dma_start3A_90] : memref<160000x16xf32, #tpu.memory_space<hbm>> -> memref<128x16xf32, #tpu.memory_space<hbm>>
          tpu.enqueue_dma source(%dma_start3A_91 : memref<128x16xf32, #tpu.memory_space<hbm>>) target(%arg11 : memref<128x16xf32, #tpu.memory_space<vmem>>) target_semaphore(%run_scoped3A : memref<!tpu.dma_semaphore, #tpu.memory_space<semaphore_mem>>)
          %dma_wait3A = arith.constant 0 : i32
          %dma_wait3A_92 = tpu.memref_slice %arg4[%multiple_of3A_81, %dma_wait3A] : memref<160000x16xf32, #tpu.memory_space<hbm>> -> memref<128x16xf32, #tpu.memory_space<hbm>>
          %dma_wait3A_93 = arith.constant 0 : i32
          %dma_wait3A_94 = tpu.memref_slice %arg4[%multiple_of3A_81, %dma_wait3A_93] : memref<160000x16xf32, #tpu.memory_space<hbm>> -> memref<128x16xf32, #tpu.memory_space<hbm>>
          tpu.wait_dma2 semaphore(%run_scoped3A : memref<!tpu.dma_semaphore, #tpu.memory_space<semaphore_mem>>) src(%dma_wait3A_94 : memref<128x16xf32, #tpu.memory_space<hbm>>) dst(%arg11 : memref<128x16xf32, #tpu.memory_space<vmem>>)
          tpu.yield
        }) : () -> ()
        %dma_start3A = arith.constant 0 : i32
        %dma_start3A_82 = arith.constant 0 : i32
        %dma_start3A_83 = tpu.memref_slice %arg7[%dma_start3A, %dma_start3A_82] : memref<2x128xi32, #tpu.memory_space<vmem>> -> memref<1x128xi32, #tpu.memory_space<vmem>>
        %dma_start3A_84 = tpu.memref_squeeze %dma_start3A_83 : memref<1x128xi32, #tpu.memory_space<vmem>> -> memref<128xi32, #tpu.memory_space<vmem>>
        %dma_start3A_85 = arith.constant 0 : i32
        %dma_start3A_86 = arith.constant 0 : i32
        %dma_start3A_87 = tpu.memref_slice %arg2[%dma_start3A_85, %dma_start3A_86] : memref<10000x272xf32, #tpu.memory_space<hbm>> -> memref<10000x272xf32, #tpu.memory_space<hbm>>
        tpu.enqueue_indirect_dma source(%dma_start3A_87 : memref<10000x272xf32, #tpu.memory_space<hbm>>) target(%arg9 : memref<128x272xf32, #tpu.memory_space<vmem>>) offsets(%dma_start3A_84 : memref<128xi32, #tpu.memory_space<vmem>>) semaphore(%arg17 : memref<!tpu.dma_semaphore, #tpu.memory_space<semaphore_mem>>)
      } else {
      }
    }
    %scan3A_36 = arith.constant 20 : i32
    %barrier3A_37 = arith.constant 0 : index
    tpu.barrier barrier_id(%barrier3A_37)
    "tpu.region"() ({
      %run_scoped3A = tpu.sem_alloc : memref<!tpu.dma_semaphore, #tpu.memory_space<semaphore_mem>>
      %dma_start3A = arith.constant 0 : i32
      %dma_start3A_38 = tpu.memref_slice %arg5[%arg0, %multiple_of3A, %dma_start3A] : memref<2x10240x32xf32, #tpu.memory_space<hbm>> -> memref<1x640x32xf32, #tpu.memory_space<hbm>>
      %dma_start3A_39 = tpu.memref_squeeze %dma_start3A_38 : memref<1x640x32xf32, #tpu.memory_space<hbm>> -> memref<640x32xf32, #tpu.memory_space<hbm>>
      %dma_start3A_40 = arith.constant 0 : i32
      %dma_start3A_41 = tpu.memref_slice %arg15[%multiple_of3A, %dma_start3A_40] : memref<10240x32xf32, #tpu.memory_space<vmem_shared>> -> memref<640x32xf32, #tpu.memory_space<vmem_shared>>
      tpu.enqueue_dma source(%dma_start3A_41 : memref<640x32xf32, #tpu.memory_space<vmem_shared>>) target(%dma_start3A_39 : memref<640x32xf32, #tpu.memory_space<hbm>>) target_semaphore(%run_scoped3A : memref<!tpu.dma_semaphore, #tpu.memory_space<semaphore_mem>>)
      %dma_wait3A = arith.constant 0 : i32
      %dma_wait3A_42 = tpu.memref_slice %arg5[%arg0, %multiple_of3A, %dma_wait3A] : memref<2x10240x32xf32, #tpu.memory_space<hbm>> -> memref<1x640x32xf32, #tpu.memory_space<hbm>>
      %dma_wait3A_43 = tpu.memref_squeeze %dma_wait3A_42 : memref<1x640x32xf32, #tpu.memory_space<hbm>> -> memref<640x32xf32, #tpu.memory_space<hbm>>
      %dma_wait3A_44 = arith.constant 0 : i32
      %dma_wait3A_45 = tpu.memref_slice %arg15[%multiple_of3A, %dma_wait3A_44] : memref<10240x32xf32, #tpu.memory_space<vmem_shared>> -> memref<640x32xf32, #tpu.memory_space<vmem_shared>>
      tpu.wait_dma2 semaphore(%run_scoped3A : memref<!tpu.dma_semaphore, #tpu.memory_space<semaphore_mem>>) src(%dma_wait3A_45 : memref<640x32xf32, #tpu.memory_space<vmem_shared>>) dst(%dma_wait3A_43 : memref<640x32xf32, #tpu.memory_space<hbm>>)
      tpu.yield
    }) : () -> ()
    return
  }
}

#map = affine_map<(d0, d1) -> (0, 0)>
#map1 = affine_map<(d0, d1) -> (0, 0, 0)>
module attributes {stable_mosaic.version = 14 : i64} {
  func.func @_edge_pass(%arg0: i32, %arg1: i32, %arg2: memref<10000x272xf32, #tpu.memory_space<hbm>>, %arg3: memref<2x160000xi32, #tpu.memory_space<hbm>>, %arg4: memref<160000x16xf32, #tpu.memory_space<hbm>>, %arg5: memref<2x10240x32xf32, #tpu.memory_space<hbm>>, %arg6: memref<2x128xi32, #tpu.memory_space<vmem>>, %arg7: memref<2x128xi32, #tpu.memory_space<vmem>>, %arg8: memref<128x272xf32, #tpu.memory_space<vmem>>, %arg9: memref<128x272xf32, #tpu.memory_space<vmem>>, %arg10: memref<128x16xf32, #tpu.memory_space<vmem>>, %arg11: memref<128x16xf32, #tpu.memory_space<vmem>>, %arg12: memref<128x32xf32, #tpu.memory_space<vmem>>, %arg13: memref<128x32xf32, #tpu.memory_space<vmem>>, %arg14: memref<640x32xf32, #tpu.memory_space<vmem>>, %arg15: memref<10240x32xf32, #tpu.memory_space<vmem_shared>>, %arg16: memref<!tpu.dma_semaphore, #tpu.memory_space<semaphore_mem>>, %arg17: memref<!tpu.dma_semaphore, #tpu.memory_space<semaphore_mem>>) attributes {dimension_semantics = [#tpu.dimension_semantics<core_parallel>, #tpu.dimension_semantics<subcore_parallel>], iteration_bounds = array<i64: 2, 16>, scalar_prefetch = 0 : i64, scratch_operands = 12 : i64, tpu.core_type = #tpu.core_type<sc_vector_subcore>, window_params = [{transform_indices = #map}, {transform_indices = #map}, {transform_indices = #map}, {transform_indices = #map1}]} {
    %mul3A = arith.constant 2 : i32
    %mul3A_0 = arith.muli %arg1, %mul3A : i32
    %add3A = arith.addi %mul3A_0, %arg0 : i32
    %mul3A_1 = arith.constant 640 : i32
    %mul3A_2 = arith.muli %arg1, %mul3A_1 : i32
    %multiple_of3A = tpu.assume_multiple %mul3A_2, 8 : i32
    %broadcast_in_dim3A = arith.constant 0.000000e+00 : f32
    %broadcast_in_dim3A_3 = vector.broadcast %broadcast_in_dim3A : f32 to vector<16xf32>
    %scan3A = arith.constant 0 : i32
    %scan3A_4 = arith.constant 0 : i32
    %scan3A_5 = arith.constant 640 : i32
    %scan3A_6 = arith.addi %scan3A_4, %scan3A_5 : i32
    %scan3A_7 = arith.constant 4 : i32
    scf.for %scan3A_38 = %scan3A_4 to %scan3A_6 step %scan3A_7  : i32 {
      %swap3A = arith.index_cast %scan3A_38 : i32 to index
      %swap3A_39 = arith.constant 0 : index
      %swap3A_40 = tpu.vector_load %arg14[%swap3A, %swap3A_39] {strides = array<i32>} : memref<640x32xf32, #tpu.memory_space<vmem>>, vector<1x16xf32>,
      %swap3A_41 = vector.shape_cast %swap3A_40 : vector<1x16xf32> to vector<16xf32>
      %swap3A_42 = vector.shape_cast %broadcast_in_dim3A_3 : vector<16xf32> to vector<1x16xf32>
      tpu.vector_store %arg14[%swap3A, %swap3A_39], %swap3A_42 {strides = array<i32>} : memref<640x32xf32, #tpu.memory_space<vmem>>, vector<1x16xf32>,
      %swap3A_43 = arith.index_cast %scan3A_38 : i32 to index
      %swap3A_44 = arith.constant 16 : index
      %swap3A_45 = tpu.vector_load %arg14[%swap3A_43, %swap3A_44] {strides = array<i32>} : memref<640x32xf32, #tpu.memory_space<vmem>>, vector<1x16xf32>,
      %swap3A_46 = vector.shape_cast %swap3A_45 : vector<1x16xf32> to vector<16xf32>
      %swap3A_47 = vector.shape_cast %broadcast_in_dim3A_3 : vector<16xf32> to vector<1x16xf32>
      tpu.vector_store %arg14[%swap3A_43, %swap3A_44], %swap3A_47 {strides = array<i32>} : memref<640x32xf32, #tpu.memory_space<vmem>>, vector<1x16xf32>,
      %scan3A_48 = arith.constant 1 : i32
      %scan3A_49 = arith.addi %scan3A_38, %scan3A_48 : i32
      %swap3A_50 = arith.index_cast %scan3A_49 : i32 to index
      %swap3A_51 = arith.constant 0 : index
      %swap3A_52 = tpu.vector_load %arg14[%swap3A_50, %swap3A_51] {strides = array<i32>} : memref<640x32xf32, #tpu.memory_space<vmem>>, vector<1x16xf32>,
      %swap3A_53 = vector.shape_cast %swap3A_52 : vector<1x16xf32> to vector<16xf32>
      %swap3A_54 = vector.shape_cast %broadcast_in_dim3A_3 : vector<16xf32> to vector<1x16xf32>
      tpu.vector_store %arg14[%swap3A_50, %swap3A_51], %swap3A_54 {strides = array<i32>} : memref<640x32xf32, #tpu.memory_space<vmem>>, vector<1x16xf32>,
      %swap3A_55 = arith.index_cast %scan3A_49 : i32 to index
      %swap3A_56 = arith.constant 16 : index
      %swap3A_57 = tpu.vector_load %arg14[%swap3A_55, %swap3A_56] {strides = array<i32>} : memref<640x32xf32, #tpu.memory_space<vmem>>, vector<1x16xf32>,
      %swap3A_58 = vector.shape_cast %swap3A_57 : vector<1x16xf32> to vector<16xf32>
      %swap3A_59 = vector.shape_cast %broadcast_in_dim3A_3 : vector<16xf32> to vector<1x16xf32>
      tpu.vector_store %arg14[%swap3A_55, %swap3A_56], %swap3A_59 {strides = array<i32>} : memref<640x32xf32, #tpu.memory_space<vmem>>, vector<1x16xf32>,
      %scan3A_60 = arith.constant 2 : i32
      %scan3A_61 = arith.addi %scan3A_38, %scan3A_60 : i32
      %swap3A_62 = arith.index_cast %scan3A_61 : i32 to index
      %swap3A_63 = arith.constant 0 : index
      %swap3A_64 = tpu.vector_load %arg14[%swap3A_62, %swap3A_63] {strides = array<i32>} : memref<640x32xf32, #tpu.memory_space<vmem>>, vector<1x16xf32>,
      %swap3A_65 = vector.shape_cast %swap3A_64 : vector<1x16xf32> to vector<16xf32>
      %swap3A_66 = vector.shape_cast %broadcast_in_dim3A_3 : vector<16xf32> to vector<1x16xf32>
      tpu.vector_store %arg14[%swap3A_62, %swap3A_63], %swap3A_66 {strides = array<i32>} : memref<640x32xf32, #tpu.memory_space<vmem>>, vector<1x16xf32>,
      %swap3A_67 = arith.index_cast %scan3A_61 : i32 to index
      %swap3A_68 = arith.constant 16 : index
      %swap3A_69 = tpu.vector_load %arg14[%swap3A_67, %swap3A_68] {strides = array<i32>} : memref<640x32xf32, #tpu.memory_space<vmem>>, vector<1x16xf32>,
      %swap3A_70 = vector.shape_cast %swap3A_69 : vector<1x16xf32> to vector<16xf32>
      %swap3A_71 = vector.shape_cast %broadcast_in_dim3A_3 : vector<16xf32> to vector<1x16xf32>
      tpu.vector_store %arg14[%swap3A_67, %swap3A_68], %swap3A_71 {strides = array<i32>} : memref<640x32xf32, #tpu.memory_space<vmem>>, vector<1x16xf32>,
      %scan3A_72 = arith.constant 3 : i32
      %scan3A_73 = arith.addi %scan3A_38, %scan3A_72 : i32
      %swap3A_74 = arith.index_cast %scan3A_73 : i32 to index
      %swap3A_75 = arith.constant 0 : index
      %swap3A_76 = tpu.vector_load %arg14[%swap3A_74, %swap3A_75] {strides = array<i32>} : memref<640x32xf32, #tpu.memory_space<vmem>>, vector<1x16xf32>,
      %swap3A_77 = vector.shape_cast %swap3A_76 : vector<1x16xf32> to vector<16xf32>
      %swap3A_78 = vector.shape_cast %broadcast_in_dim3A_3 : vector<16xf32> to vector<1x16xf32>
      tpu.vector_store %arg14[%swap3A_74, %swap3A_75], %swap3A_78 {strides = array<i32>} : memref<640x32xf32, #tpu.memory_space<vmem>>, vector<1x16xf32>,
      %swap3A_79 = arith.index_cast %scan3A_73 : i32 to index
      %swap3A_80 = arith.constant 16 : index
      %swap3A_81 = tpu.vector_load %arg14[%swap3A_79, %swap3A_80] {strides = array<i32>} : memref<640x32xf32, #tpu.memory_space<vmem>>, vector<1x16xf32>,
      %swap3A_82 = vector.shape_cast %swap3A_81 : vector<1x16xf32> to vector<16xf32>
      %swap3A_83 = vector.shape_cast %broadcast_in_dim3A_3 : vector<16xf32> to vector<1x16xf32>
      tpu.vector_store %arg14[%swap3A_79, %swap3A_80], %swap3A_83 {strides = array<i32>} : memref<640x32xf32, #tpu.memory_space<vmem>>, vector<1x16xf32>,
    }
    %scan3A_8 = arith.constant 640 : i32
    "tpu.region"() ({
      %run_scoped3A = tpu.sem_alloc : memref<!tpu.dma_semaphore, #tpu.memory_space<semaphore_mem>>
      %dma_start3A = arith.constant 0 : i32
      %dma_start3A_38 = tpu.memref_slice %arg15[%multiple_of3A, %dma_start3A] : memref<10240x32xf32, #tpu.memory_space<vmem_shared>> -> memref<640x32xf32, #tpu.memory_space<vmem_shared>>
      %dma_start3A_39 = arith.constant 0 : i32
      %dma_start3A_40 = tpu.memref_slice %arg15[%multiple_of3A, %dma_start3A_39] : memref<10240x32xf32, #tpu.memory_space<vmem_shared>> -> memref<640x32xf32, #tpu.memory_space<vmem_shared>>
      tpu.enqueue_dma source(%arg14 : memref<640x32xf32, #tpu.memory_space<vmem>>) target(%dma_start3A_40 : memref<640x32xf32, #tpu.memory_space<vmem_shared>>) target_semaphore(%run_scoped3A : memref<!tpu.dma_semaphore, #tpu.memory_space<semaphore_mem>>)
      %dma_wait3A = arith.constant 0 : i32
      %dma_wait3A_41 = tpu.memref_slice %arg15[%multiple_of3A, %dma_wait3A] : memref<10240x32xf32, #tpu.memory_space<vmem_shared>> -> memref<640x32xf32, #tpu.memory_space<vmem_shared>>
      %dma_wait3A_42 = arith.constant 0 : i32
      %dma_wait3A_43 = tpu.memref_slice %arg15[%multiple_of3A, %dma_wait3A_42] : memref<10240x32xf32, #tpu.memory_space<vmem_shared>> -> memref<640x32xf32, #tpu.memory_space<vmem_shared>>
      tpu.wait_dma2 semaphore(%run_scoped3A : memref<!tpu.dma_semaphore, #tpu.memory_space<semaphore_mem>>) src(%arg14 : memref<640x32xf32, #tpu.memory_space<vmem>>) dst(%dma_wait3A_43 : memref<640x32xf32, #tpu.memory_space<vmem_shared>>)
      tpu.yield
    }) : () -> ()
    %iota3A = tpu.iota {dimensions = array<i32: 0>} : vector<16xi32>
    %eq3A = arith.constant 0 : i32
    %eq3A_9 = vector.broadcast %eq3A : i32 to vector<16xi32>
    %eq3A_10 = arith.cmpi eq, %iota3A, %eq3A_9 : vector<16xi32>
    %jit3A = arith.constant 1.000000e+00 : f32
    %jit3A_11 = arith.constant 0.000000e+00 : f32
    %broadcast_in_dim3A_12 = vector.broadcast %jit3A : f32 to vector<16xf32>
    %broadcast_in_dim3A_13 = vector.broadcast %jit3A_11 : f32 to vector<16xf32>
    %select_n3A = arith.select %eq3A_10, %broadcast_in_dim3A_12, %broadcast_in_dim3A_13 : vector<16xi1>, vector<16xf32>
    %scan3A_14 = arith.constant 0 : i32
    %scan3A_15 = arith.constant 0 : i32
    %scan3A_16 = arith.constant 128 : i32
    %scan3A_17 = arith.addi %scan3A_15, %scan3A_16 : i32
    %scan3A_18 = arith.constant 1 : i32
    scf.for %scan3A_38 = %scan3A_15 to %scan3A_17 step %scan3A_18  : i32 {
      %swap3A = arith.index_cast %scan3A_38 : i32 to index
      %swap3A_39 = arith.constant 16 : index
      %swap3A_40 = tpu.vector_load %arg12[%swap3A, %swap3A_39] {strides = array<i32>} : memref<128x32xf32, #tpu.memory_space<vmem>>, vector<1x16xf32>,
      %swap3A_41 = vector.shape_cast %swap3A_40 : vector<1x16xf32> to vector<16xf32>
      %swap3A_42 = vector.shape_cast %select_n3A : vector<16xf32> to vector<1x16xf32>
      tpu.vector_store %arg12[%swap3A, %swap3A_39], %swap3A_42 {strides = array<i32>} : memref<128x32xf32, #tpu.memory_space<vmem>>, vector<1x16xf32>,
      %swap3A_43 = arith.index_cast %scan3A_38 : i32 to index
      %swap3A_44 = arith.constant 16 : index
      %swap3A_45 = tpu.vector_load %arg13[%swap3A_43, %swap3A_44] {strides = array<i32>} : memref<128x32xf32, #tpu.memory_space<vmem>>, vector<1x16xf32>,
      %swap3A_46 = vector.shape_cast %swap3A_45 : vector<1x16xf32> to vector<16xf32>
      %swap3A_47 = vector.shape_cast %select_n3A : vector<16xf32> to vector<1x16xf32>
      tpu.vector_store %arg13[%swap3A_43, %swap3A_44], %swap3A_47 {strides = array<i32>} : memref<128x32xf32, #tpu.memory_space<vmem>>, vector<1x16xf32>,
    }
    %scan3A_19 = arith.constant 128 : i32
    %barrier3A = arith.constant 0 : index
    tpu.barrier barrier_id(%barrier3A)
    %add3A_20 = arith.constant 0 : i32
    %add3A_21 = arith.addi %add3A, %add3A_20 : i32
    %lt3A = arith.constant 1250 : i32
    %lt3A_22 = arith.cmpi slt, %add3A_21, %lt3A : i32
    %convert_element_type3A = arith.extui %lt3A_22 : i1 to i32
    %cond3A = arith.constant 0 : i32
    %cond3A_23 = arith.cmpi ne, %convert_element_type3A, %cond3A : i32
    scf.if %cond3A_23 {
      %mul3A_38 = arith.constant 128 : i32
      %mul3A_39 = arith.muli %add3A_21, %mul3A_38 : i32
      %multiple_of3A_40 = tpu.assume_multiple %mul3A_39, 128 : i32
      "tpu.region"() ({
        %run_scoped3A = tpu.sem_alloc : memref<!tpu.dma_semaphore, #tpu.memory_space<semaphore_mem>>
        %dma_start3A_47 = arith.constant 0 : i32
        %dma_start3A_48 = tpu.memref_slice %arg3[%dma_start3A_47, %multiple_of3A_40] : memref<2x160000xi32, #tpu.memory_space<hbm>> -> memref<2x128xi32, #tpu.memory_space<hbm>>
        %dma_start3A_49 = arith.constant 0 : i32
        %dma_start3A_50 = tpu.memref_slice %arg3[%dma_start3A_49, %multiple_of3A_40] : memref<2x160000xi32, #tpu.memory_space<hbm>> -> memref<2x128xi32, #tpu.memory_space<hbm>>
        tpu.enqueue_dma source(%dma_start3A_50 : memref<2x128xi32, #tpu.memory_space<hbm>>) target(%arg6 : memref<2x128xi32, #tpu.memory_space<vmem>>) target_semaphore(%run_scoped3A : memref<!tpu.dma_semaphore, #tpu.memory_space<semaphore_mem>>)
        %dma_wait3A = arith.constant 0 : i32
        %dma_wait3A_51 = tpu.memref_slice %arg3[%dma_wait3A, %multiple_of3A_40] : memref<2x160000xi32, #tpu.memory_space<hbm>> -> memref<2x128xi32, #tpu.memory_space<hbm>>
        %dma_wait3A_52 = arith.constant 0 : i32
        %dma_wait3A_53 = tpu.memref_slice %arg3[%dma_wait3A_52, %multiple_of3A_40] : memref<2x160000xi32, #tpu.memory_space<hbm>> -> memref<2x128xi32, #tpu.memory_space<hbm>>
        tpu.wait_dma2 semaphore(%run_scoped3A : memref<!tpu.dma_semaphore, #tpu.memory_space<semaphore_mem>>) src(%dma_wait3A_53 : memref<2x128xi32, #tpu.memory_space<hbm>>) dst(%arg6 : memref<2x128xi32, #tpu.memory_space<vmem>>)
        tpu.yield
      }) : () -> ()
      "tpu.region"() ({
        %run_scoped3A = tpu.sem_alloc : memref<!tpu.dma_semaphore, #tpu.memory_space<semaphore_mem>>
        %dma_start3A_47 = arith.constant 0 : i32
        %dma_start3A_48 = tpu.memref_slice %arg4[%multiple_of3A_40, %dma_start3A_47] : memref<160000x16xf32, #tpu.memory_space<hbm>> -> memref<128x16xf32, #tpu.memory_space<hbm>>
        %dma_start3A_49 = arith.constant 0 : i32
        %dma_start3A_50 = tpu.memref_slice %arg4[%multiple_of3A_40, %dma_start3A_49] : memref<160000x16xf32, #tpu.memory_space<hbm>> -> memref<128x16xf32, #tpu.memory_space<hbm>>
        tpu.enqueue_dma source(%dma_start3A_50 : memref<128x16xf32, #tpu.memory_space<hbm>>) target(%arg10 : memref<128x16xf32, #tpu.memory_space<vmem>>) target_semaphore(%run_scoped3A : memref<!tpu.dma_semaphore, #tpu.memory_space<semaphore_mem>>)
        %dma_wait3A = arith.constant 0 : i32
        %dma_wait3A_51 = tpu.memref_slice %arg4[%multiple_of3A_40, %dma_wait3A] : memref<160000x16xf32, #tpu.memory_space<hbm>> -> memref<128x16xf32, #tpu.memory_space<hbm>>
        %dma_wait3A_52 = arith.constant 0 : i32
        %dma_wait3A_53 = tpu.memref_slice %arg4[%multiple_of3A_40, %dma_wait3A_52] : memref<160000x16xf32, #tpu.memory_space<hbm>> -> memref<128x16xf32, #tpu.memory_space<hbm>>
        tpu.wait_dma2 semaphore(%run_scoped3A : memref<!tpu.dma_semaphore, #tpu.memory_space<semaphore_mem>>) src(%dma_wait3A_53 : memref<128x16xf32, #tpu.memory_space<hbm>>) dst(%arg10 : memref<128x16xf32, #tpu.memory_space<vmem>>)
        tpu.yield
      }) : () -> ()
      %dma_start3A = arith.constant 0 : i32
      %dma_start3A_41 = arith.constant 0 : i32
      %dma_start3A_42 = tpu.memref_slice %arg6[%dma_start3A, %dma_start3A_41] : memref<2x128xi32, #tpu.memory_space<vmem>> -> memref<1x128xi32, #tpu.memory_space<vmem>>
      %dma_start3A_43 = tpu.memref_squeeze %dma_start3A_42 : memref<1x128xi32, #tpu.memory_space<vmem>> -> memref<128xi32, #tpu.memory_space<vmem>>
      %dma_start3A_44 = arith.constant 0 : i32
      %dma_start3A_45 = arith.constant 0 : i32
      %dma_start3A_46 = tpu.memref_slice %arg2[%dma_start3A_44, %dma_start3A_45] : memref<10000x272xf32, #tpu.memory_space<hbm>> -> memref<10000x272xf32, #tpu.memory_space<hbm>>
      tpu.enqueue_indirect_dma source(%dma_start3A_46 : memref<10000x272xf32, #tpu.memory_space<hbm>>) target(%arg8 : memref<128x272xf32, #tpu.memory_space<vmem>>) offsets(%dma_start3A_43 : memref<128xi32, #tpu.memory_space<vmem>>) semaphore(%arg16 : memref<!tpu.dma_semaphore, #tpu.memory_space<semaphore_mem>>)
    } else {
    }
    %add3A_24 = arith.constant 32 : i32
    %add3A_25 = arith.addi %add3A, %add3A_24 : i32
    %lt3A_26 = arith.constant 1250 : i32
    %lt3A_27 = arith.cmpi slt, %add3A_25, %lt3A_26 : i32
    %convert_element_type3A_28 = arith.extui %lt3A_27 : i1 to i32
    %cond3A_29 = arith.constant 0 : i32
    %cond3A_30 = arith.cmpi ne, %convert_element_type3A_28, %cond3A_29 : i32
    scf.if %cond3A_30 {
      %mul3A_38 = arith.constant 128 : i32
      %mul3A_39 = arith.muli %add3A_25, %mul3A_38 : i32
      %multiple_of3A_40 = tpu.assume_multiple %mul3A_39, 128 : i32
      "tpu.region"() ({
        %run_scoped3A = tpu.sem_alloc : memref<!tpu.dma_semaphore, #tpu.memory_space<semaphore_mem>>
        %dma_start3A_47 = arith.constant 0 : i32
        %dma_start3A_48 = tpu.memref_slice %arg3[%dma_start3A_47, %multiple_of3A_40] : memref<2x160000xi32, #tpu.memory_space<hbm>> -> memref<2x128xi32, #tpu.memory_space<hbm>>
        %dma_start3A_49 = arith.constant 0 : i32
        %dma_start3A_50 = tpu.memref_slice %arg3[%dma_start3A_49, %multiple_of3A_40] : memref<2x160000xi32, #tpu.memory_space<hbm>> -> memref<2x128xi32, #tpu.memory_space<hbm>>
        tpu.enqueue_dma source(%dma_start3A_50 : memref<2x128xi32, #tpu.memory_space<hbm>>) target(%arg7 : memref<2x128xi32, #tpu.memory_space<vmem>>) target_semaphore(%run_scoped3A : memref<!tpu.dma_semaphore, #tpu.memory_space<semaphore_mem>>)
        %dma_wait3A = arith.constant 0 : i32
        %dma_wait3A_51 = tpu.memref_slice %arg3[%dma_wait3A, %multiple_of3A_40] : memref<2x160000xi32, #tpu.memory_space<hbm>> -> memref<2x128xi32, #tpu.memory_space<hbm>>
        %dma_wait3A_52 = arith.constant 0 : i32
        %dma_wait3A_53 = tpu.memref_slice %arg3[%dma_wait3A_52, %multiple_of3A_40] : memref<2x160000xi32, #tpu.memory_space<hbm>> -> memref<2x128xi32, #tpu.memory_space<hbm>>
        tpu.wait_dma2 semaphore(%run_scoped3A : memref<!tpu.dma_semaphore, #tpu.memory_space<semaphore_mem>>) src(%dma_wait3A_53 : memref<2x128xi32, #tpu.memory_space<hbm>>) dst(%arg7 : memref<2x128xi32, #tpu.memory_space<vmem>>)
        tpu.yield
      }) : () -> ()
      "tpu.region"() ({
        %run_scoped3A = tpu.sem_alloc : memref<!tpu.dma_semaphore, #tpu.memory_space<semaphore_mem>>
        %dma_start3A_47 = arith.constant 0 : i32
        %dma_start3A_48 = tpu.memref_slice %arg4[%multiple_of3A_40, %dma_start3A_47] : memref<160000x16xf32, #tpu.memory_space<hbm>> -> memref<128x16xf32, #tpu.memory_space<hbm>>
        %dma_start3A_49 = arith.constant 0 : i32
        %dma_start3A_50 = tpu.memref_slice %arg4[%multiple_of3A_40, %dma_start3A_49] : memref<160000x16xf32, #tpu.memory_space<hbm>> -> memref<128x16xf32, #tpu.memory_space<hbm>>
        tpu.enqueue_dma source(%dma_start3A_50 : memref<128x16xf32, #tpu.memory_space<hbm>>) target(%arg11 : memref<128x16xf32, #tpu.memory_space<vmem>>) target_semaphore(%run_scoped3A : memref<!tpu.dma_semaphore, #tpu.memory_space<semaphore_mem>>)
        %dma_wait3A = arith.constant 0 : i32
        %dma_wait3A_51 = tpu.memref_slice %arg4[%multiple_of3A_40, %dma_wait3A] : memref<160000x16xf32, #tpu.memory_space<hbm>> -> memref<128x16xf32, #tpu.memory_space<hbm>>
        %dma_wait3A_52 = arith.constant 0 : i32
        %dma_wait3A_53 = tpu.memref_slice %arg4[%multiple_of3A_40, %dma_wait3A_52] : memref<160000x16xf32, #tpu.memory_space<hbm>> -> memref<128x16xf32, #tpu.memory_space<hbm>>
        tpu.wait_dma2 semaphore(%run_scoped3A : memref<!tpu.dma_semaphore, #tpu.memory_space<semaphore_mem>>) src(%dma_wait3A_53 : memref<128x16xf32, #tpu.memory_space<hbm>>) dst(%arg11 : memref<128x16xf32, #tpu.memory_space<vmem>>)
        tpu.yield
      }) : () -> ()
      %dma_start3A = arith.constant 0 : i32
      %dma_start3A_41 = arith.constant 0 : i32
      %dma_start3A_42 = tpu.memref_slice %arg7[%dma_start3A, %dma_start3A_41] : memref<2x128xi32, #tpu.memory_space<vmem>> -> memref<1x128xi32, #tpu.memory_space<vmem>>
      %dma_start3A_43 = tpu.memref_squeeze %dma_start3A_42 : memref<1x128xi32, #tpu.memory_space<vmem>> -> memref<128xi32, #tpu.memory_space<vmem>>
      %dma_start3A_44 = arith.constant 0 : i32
      %dma_start3A_45 = arith.constant 0 : i32
      %dma_start3A_46 = tpu.memref_slice %arg2[%dma_start3A_44, %dma_start3A_45] : memref<10000x272xf32, #tpu.memory_space<hbm>> -> memref<10000x272xf32, #tpu.memory_space<hbm>>
      tpu.enqueue_indirect_dma source(%dma_start3A_46 : memref<10000x272xf32, #tpu.memory_space<hbm>>) target(%arg9 : memref<128x272xf32, #tpu.memory_space<vmem>>) offsets(%dma_start3A_43 : memref<128xi32, #tpu.memory_space<vmem>>) semaphore(%arg17 : memref<!tpu.dma_semaphore, #tpu.memory_space<semaphore_mem>>)
    } else {
    }
    %scan3A_31 = arith.constant 0 : i32
    %scan3A_32 = arith.constant 0 : i32
    %scan3A_33 = arith.constant 20 : i32
    %scan3A_34 = arith.addi %scan3A_32, %scan3A_33 : i32
    %scan3A_35 = arith.constant 1 : i32
    scf.for %scan3A_38 = %scan3A_32 to %scan3A_34 step %scan3A_35  : i32 {
      %mul3A_39 = arith.constant 2 : i32
      %mul3A_40 = arith.muli %mul3A_39, %scan3A_38 : i32
      %mul3A_41 = arith.constant 32 : i32
      %mul3A_42 = arith.muli %mul3A_40, %mul3A_41 : i32
      %add3A_43 = arith.addi %add3A, %mul3A_42 : i32
      %lt3A_44 = arith.constant 1250 : i32
      %lt3A_45 = arith.cmpi slt, %add3A_43, %lt3A_44 : i32
      %convert_element_type3A_46 = arith.extui %lt3A_45 : i1 to i32
      %cond3A_47 = arith.constant 0 : i32
      %cond3A_48 = arith.cmpi ne, %convert_element_type3A_46, %cond3A_47 : i32
      scf.if %cond3A_48 {
        %dma_wait3A = arith.constant 0 : i32
        %dma_wait3A_79 = arith.constant 0 : i32
        %dma_wait3A_80 = tpu.memref_slice %arg6[%dma_wait3A, %dma_wait3A_79] : memref<2x128xi32, #tpu.memory_space<vmem>> -> memref<1x128xi32, #tpu.memory_space<vmem>>
        %dma_wait3A_81 = tpu.memref_squeeze %dma_wait3A_80 : memref<1x128xi32, #tpu.memory_space<vmem>> -> memref<128xi32, #tpu.memory_space<vmem>>
        %dma_wait3A_82 = arith.constant 0 : i32
        %dma_wait3A_83 = arith.constant 0 : i32
        %dma_wait3A_84 = tpu.memref_slice %arg2[%dma_wait3A_82, %dma_wait3A_83] : memref<10000x272xf32, #tpu.memory_space<hbm>> -> memref<10000x272xf32, #tpu.memory_space<hbm>>
        tpu.wait_indirect_dma semaphore(%arg16 : memref<!tpu.dma_semaphore, #tpu.memory_space<semaphore_mem>>) src(%dma_wait3A_84 : memref<10000x272xf32, #tpu.memory_space<hbm>>) dst(%arg8 : memref<128x272xf32, #tpu.memory_space<vmem>>)
        %scan3A_85 = arith.constant 0 : i32
        %scan3A_86 = arith.constant 0 : i32
        %scan3A_87 = arith.constant 128 : i32
        %scan3A_88 = arith.addi %scan3A_86, %scan3A_87 : i32
        %scan3A_89 = arith.constant 4 : i32
        scf.for %scan3A_91 = %scan3A_86 to %scan3A_88 step %scan3A_89  : i32 {
          %get3A = arith.index_cast %scan3A_91 : i32 to index
          %get3A_92 = arith.constant 0 : index
          %get3A_93 = tpu.vector_load %arg10[%get3A, %get3A_92] {strides = array<i32>} : memref<128x16xf32, #tpu.memory_space<vmem>>, vector<1x16xf32>,
          %get3A_94 = vector.shape_cast %get3A_93 : vector<1x16xf32> to vector<16xf32>
          %get3A_95 = arith.index_cast %scan3A_91 : i32 to index
          %get3A_96 = arith.constant 256 : index
          %get3A_97 = tpu.vector_load %arg8[%get3A_95, %get3A_96] {strides = array<i32>} : memref<128x272xf32, #tpu.memory_space<vmem>>, vector<1x16xf32>,
          %get3A_98 = vector.shape_cast %get3A_97 : vector<1x16xf32> to vector<16xf32>
          %slice3A = vector.extract_strided_slice %get3A_94 {offsets = [0], sizes = [1], strides = [1]} : vector<16xf32> to vector<1xf32>
          %squeeze3A = vector.extract %slice3A[0] : f32 from vector<1xf32>
          %get3A_99 = arith.index_cast %scan3A_91 : i32 to index
          %get3A_100 = arith.constant 0 : index
          %get3A_101 = tpu.vector_load %arg8[%get3A_99, %get3A_100] {strides = array<i32>} : memref<128x272xf32, #tpu.memory_space<vmem>>, vector<1x16xf32>,
          %get3A_102 = vector.shape_cast %get3A_101 : vector<1x16xf32> to vector<16xf32>
          %mul3A_103 = vector.broadcast %squeeze3A : f32 to vector<16xf32>
          %mul3A_104 = arith.mulf %mul3A_103, %get3A_102 : vector<16xf32>
          %slice3A_105 = vector.extract_strided_slice %get3A_94 {offsets = [1], sizes = [1], strides = [1]} : vector<16xf32> to vector<1xf32>
          %squeeze3A_106 = vector.extract %slice3A_105[0] : f32 from vector<1xf32>
          %get3A_107 = arith.index_cast %scan3A_91 : i32 to index
          %get3A_108 = arith.constant 16 : index
          %get3A_109 = tpu.vector_load %arg8[%get3A_107, %get3A_108] {strides = array<i32>} : memref<128x272xf32, #tpu.memory_space<vmem>>, vector<1x16xf32>,
          %get3A_110 = vector.shape_cast %get3A_109 : vector<1x16xf32> to vector<16xf32>
          %mul3A_111 = vector.broadcast %squeeze3A_106 : f32 to vector<16xf32>
          %mul3A_112 = arith.mulf %mul3A_111, %get3A_110 : vector<16xf32>
          %slice3A_113 = vector.extract_strided_slice %get3A_94 {offsets = [2], sizes = [1], strides = [1]} : vector<16xf32> to vector<1xf32>
          %squeeze3A_114 = vector.extract %slice3A_113[0] : f32 from vector<1xf32>
          %get3A_115 = arith.index_cast %scan3A_91 : i32 to index
          %get3A_116 = arith.constant 32 : index
          %get3A_117 = tpu.vector_load %arg8[%get3A_115, %get3A_116] {strides = array<i32>} : memref<128x272xf32, #tpu.memory_space<vmem>>, vector<1x16xf32>,
          %get3A_118 = vector.shape_cast %get3A_117 : vector<1x16xf32> to vector<16xf32>
          %mul3A_119 = vector.broadcast %squeeze3A_114 : f32 to vector<16xf32>
          %mul3A_120 = arith.mulf %mul3A_119, %get3A_118 : vector<16xf32>
          %slice3A_121 = vector.extract_strided_slice %get3A_94 {offsets = [3], sizes = [1], strides = [1]} : vector<16xf32> to vector<1xf32>
          %squeeze3A_122 = vector.extract %slice3A_121[0] : f32 from vector<1xf32>
          %get3A_123 = arith.index_cast %scan3A_91 : i32 to index
          %get3A_124 = arith.constant 48 : index
          %get3A_125 = tpu.vector_load %arg8[%get3A_123, %get3A_124] {strides = array<i32>} : memref<128x272xf32, #tpu.memory_space<vmem>>, vector<1x16xf32>,
          %get3A_126 = vector.shape_cast %get3A_125 : vector<1x16xf32> to vector<16xf32>
          %mul3A_127 = vector.broadcast %squeeze3A_122 : f32 to vector<16xf32>
          %mul3A_128 = arith.mulf %mul3A_127, %get3A_126 : vector<16xf32>
          %add3A_129 = arith.addf %get3A_98, %mul3A_128 : vector<16xf32>
          %slice3A_130 = vector.extract_strided_slice %get3A_94 {offsets = [4], sizes = [1], strides = [1]} : vector<16xf32> to vector<1xf32>
          %squeeze3A_131 = vector.extract %slice3A_130[0] : f32 from vector<1xf32>
          %get3A_132 = arith.index_cast %scan3A_91 : i32 to index
          %get3A_133 = arith.constant 64 : index
          %get3A_134 = tpu.vector_load %arg8[%get3A_132, %get3A_133] {strides = array<i32>} : memref<128x272xf32, #tpu.memory_space<vmem>>, vector<1x16xf32>,
          %get3A_135 = vector.shape_cast %get3A_134 : vector<1x16xf32> to vector<16xf32>
          %mul3A_136 = vector.broadcast %squeeze3A_131 : f32 to vector<16xf32>
          %mul3A_137 = arith.mulf %mul3A_136, %get3A_135 : vector<16xf32>
          %add3A_138 = arith.addf %mul3A_104, %mul3A_137 : vector<16xf32>
          %slice3A_139 = vector.extract_strided_slice %get3A_94 {offsets = [5], sizes = [1], strides = [1]} : vector<16xf32> to vector<1xf32>
          %squeeze3A_140 = vector.extract %slice3A_139[0] : f32 from vector<1xf32>
          %get3A_141 = arith.index_cast %scan3A_91 : i32 to index
          %get3A_142 = arith.constant 80 : index
          %get3A_143 = tpu.vector_load %arg8[%get3A_141, %get3A_142] {strides = array<i32>} : memref<128x272xf32, #tpu.memory_space<vmem>>, vector<1x16xf32>,
          %get3A_144 = vector.shape_cast %get3A_143 : vector<1x16xf32> to vector<16xf32>
          %mul3A_145 = vector.broadcast %squeeze3A_140 : f32 to vector<16xf32>
          %mul3A_146 = arith.mulf %mul3A_145, %get3A_144 : vector<16xf32>
          %add3A_147 = arith.addf %mul3A_112, %mul3A_146 : vector<16xf32>
          %slice3A_148 = vector.extract_strided_slice %get3A_94 {offsets = [6], sizes = [1], strides = [1]} : vector<16xf32> to vector<1xf32>
          %squeeze3A_149 = vector.extract %slice3A_148[0] : f32 from vector<1xf32>
          %get3A_150 = arith.index_cast %scan3A_91 : i32 to index
          %get3A_151 = arith.constant 96 : index
          %get3A_152 = tpu.vector_load %arg8[%get3A_150, %get3A_151] {strides = array<i32>} : memref<128x272xf32, #tpu.memory_space<vmem>>, vector<1x16xf32>,
          %get3A_153 = vector.shape_cast %get3A_152 : vector<1x16xf32> to vector<16xf32>
          %mul3A_154 = vector.broadcast %squeeze3A_149 : f32 to vector<16xf32>
          %mul3A_155 = arith.mulf %mul3A_154, %get3A_153 : vector<16xf32>
          %add3A_156 = arith.addf %mul3A_120, %mul3A_155 : vector<16xf32>
          %slice3A_157 = vector.extract_strided_slice %get3A_94 {offsets = [7], sizes = [1], strides = [1]} : vector<16xf32> to vector<1xf32>
          %squeeze3A_158 = vector.extract %slice3A_157[0] : f32 from vector<1xf32>
          %get3A_159 = arith.index_cast %scan3A_91 : i32 to index
          %get3A_160 = arith.constant 112 : index
          %get3A_161 = tpu.vector_load %arg8[%get3A_159, %get3A_160] {strides = array<i32>} : memref<128x272xf32, #tpu.memory_space<vmem>>, vector<1x16xf32>,
          %get3A_162 = vector.shape_cast %get3A_161 : vector<1x16xf32> to vector<16xf32>
          %mul3A_163 = vector.broadcast %squeeze3A_158 : f32 to vector<16xf32>
          %mul3A_164 = arith.mulf %mul3A_163, %get3A_162 : vector<16xf32>
          %add3A_165 = arith.addf %add3A_129, %mul3A_164 : vector<16xf32>
          %slice3A_166 = vector.extract_strided_slice %get3A_94 {offsets = [8], sizes = [1], strides = [1]} : vector<16xf32> to vector<1xf32>
          %squeeze3A_167 = vector.extract %slice3A_166[0] : f32 from vector<1xf32>
          %get3A_168 = arith.index_cast %scan3A_91 : i32 to index
          %get3A_169 = arith.constant 128 : index
          %get3A_170 = tpu.vector_load %arg8[%get3A_168, %get3A_169] {strides = array<i32>} : memref<128x272xf32, #tpu.memory_space<vmem>>, vector<1x16xf32>,
          %get3A_171 = vector.shape_cast %get3A_170 : vector<1x16xf32> to vector<16xf32>
          %mul3A_172 = vector.broadcast %squeeze3A_167 : f32 to vector<16xf32>
          %mul3A_173 = arith.mulf %mul3A_172, %get3A_171 : vector<16xf32>
          %add3A_174 = arith.addf %add3A_138, %mul3A_173 : vector<16xf32>
          %slice3A_175 = vector.extract_strided_slice %get3A_94 {offsets = [9], sizes = [1], strides = [1]} : vector<16xf32> to vector<1xf32>
          %squeeze3A_176 = vector.extract %slice3A_175[0] : f32 from vector<1xf32>
          %get3A_177 = arith.index_cast %scan3A_91 : i32 to index
          %get3A_178 = arith.constant 144 : index
          %get3A_179 = tpu.vector_load %arg8[%get3A_177, %get3A_178] {strides = array<i32>} : memref<128x272xf32, #tpu.memory_space<vmem>>, vector<1x16xf32>,
          %get3A_180 = vector.shape_cast %get3A_179 : vector<1x16xf32> to vector<16xf32>
          %mul3A_181 = vector.broadcast %squeeze3A_176 : f32 to vector<16xf32>
          %mul3A_182 = arith.mulf %mul3A_181, %get3A_180 : vector<16xf32>
          %add3A_183 = arith.addf %add3A_147, %mul3A_182 : vector<16xf32>
          %slice3A_184 = vector.extract_strided_slice %get3A_94 {offsets = [10], sizes = [1], strides = [1]} : vector<16xf32> to vector<1xf32>
          %squeeze3A_185 = vector.extract %slice3A_184[0] : f32 from vector<1xf32>
          %get3A_186 = arith.index_cast %scan3A_91 : i32 to index
          %get3A_187 = arith.constant 160 : index
          %get3A_188 = tpu.vector_load %arg8[%get3A_186, %get3A_187] {strides = array<i32>} : memref<128x272xf32, #tpu.memory_space<vmem>>, vector<1x16xf32>,
          %get3A_189 = vector.shape_cast %get3A_188 : vector<1x16xf32> to vector<16xf32>
          %mul3A_190 = vector.broadcast %squeeze3A_185 : f32 to vector<16xf32>
          %mul3A_191 = arith.mulf %mul3A_190, %get3A_189 : vector<16xf32>
          %add3A_192 = arith.addf %add3A_156, %mul3A_191 : vector<16xf32>
          %slice3A_193 = vector.extract_strided_slice %get3A_94 {offsets = [11], sizes = [1], strides = [1]} : vector<16xf32> to vector<1xf32>
          %squeeze3A_194 = vector.extract %slice3A_193[0] : f32 from vector<1xf32>
          %get3A_195 = arith.index_cast %scan3A_91 : i32 to index
          %get3A_196 = arith.constant 176 : index
          %get3A_197 = tpu.vector_load %arg8[%get3A_195, %get3A_196] {strides = array<i32>} : memref<128x272xf32, #tpu.memory_space<vmem>>, vector<1x16xf32>,
          %get3A_198 = vector.shape_cast %get3A_197 : vector<1x16xf32> to vector<16xf32>
          %mul3A_199 = vector.broadcast %squeeze3A_194 : f32 to vector<16xf32>
          %mul3A_200 = arith.mulf %mul3A_199, %get3A_198 : vector<16xf32>
          %add3A_201 = arith.addf %add3A_165, %mul3A_200 : vector<16xf32>
          %slice3A_202 = vector.extract_strided_slice %get3A_94 {offsets = [12], sizes = [1], strides = [1]} : vector<16xf32> to vector<1xf32>
          %squeeze3A_203 = vector.extract %slice3A_202[0] : f32 from vector<1xf32>
          %get3A_204 = arith.index_cast %scan3A_91 : i32 to index
          %get3A_205 = arith.constant 192 : index
          %get3A_206 = tpu.vector_load %arg8[%get3A_204, %get3A_205] {strides = array<i32>} : memref<128x272xf32, #tpu.memory_space<vmem>>, vector<1x16xf32>,
          %get3A_207 = vector.shape_cast %get3A_206 : vector<1x16xf32> to vector<16xf32>
          %mul3A_208 = vector.broadcast %squeeze3A_203 : f32 to vector<16xf32>
          %mul3A_209 = arith.mulf %mul3A_208, %get3A_207 : vector<16xf32>
          %add3A_210 = arith.addf %add3A_174, %mul3A_209 : vector<16xf32>
          %slice3A_211 = vector.extract_strided_slice %get3A_94 {offsets = [13], sizes = [1], strides = [1]} : vector<16xf32> to vector<1xf32>
          %squeeze3A_212 = vector.extract %slice3A_211[0] : f32 from vector<1xf32>
          %get3A_213 = arith.index_cast %scan3A_91 : i32 to index
          %get3A_214 = arith.constant 208 : index
          %get3A_215 = tpu.vector_load %arg8[%get3A_213, %get3A_214] {strides = array<i32>} : memref<128x272xf32, #tpu.memory_space<vmem>>, vector<1x16xf32>,
          %get3A_216 = vector.shape_cast %get3A_215 : vector<1x16xf32> to vector<16xf32>
          %mul3A_217 = vector.broadcast %squeeze3A_212 : f32 to vector<16xf32>
          %mul3A_218 = arith.mulf %mul3A_217, %get3A_216 : vector<16xf32>
          %add3A_219 = arith.addf %add3A_183, %mul3A_218 : vector<16xf32>
          %slice3A_220 = vector.extract_strided_slice %get3A_94 {offsets = [14], sizes = [1], strides = [1]} : vector<16xf32> to vector<1xf32>
          %squeeze3A_221 = vector.extract %slice3A_220[0] : f32 from vector<1xf32>
          %get3A_222 = arith.index_cast %scan3A_91 : i32 to index
          %get3A_223 = arith.constant 224 : index
          %get3A_224 = tpu.vector_load %arg8[%get3A_222, %get3A_223] {strides = array<i32>} : memref<128x272xf32, #tpu.memory_space<vmem>>, vector<1x16xf32>,
          %get3A_225 = vector.shape_cast %get3A_224 : vector<1x16xf32> to vector<16xf32>
          %mul3A_226 = vector.broadcast %squeeze3A_221 : f32 to vector<16xf32>
          %mul3A_227 = arith.mulf %mul3A_226, %get3A_225 : vector<16xf32>
          %add3A_228 = arith.addf %add3A_192, %mul3A_227 : vector<16xf32>
          %slice3A_229 = vector.extract_strided_slice %get3A_94 {offsets = [15], sizes = [1], strides = [1]} : vector<16xf32> to vector<1xf32>
          %squeeze3A_230 = vector.extract %slice3A_229[0] : f32 from vector<1xf32>
          %get3A_231 = arith.index_cast %scan3A_91 : i32 to index
          %get3A_232 = arith.constant 240 : index
          %get3A_233 = tpu.vector_load %arg8[%get3A_231, %get3A_232] {strides = array<i32>} : memref<128x272xf32, #tpu.memory_space<vmem>>, vector<1x16xf32>,
          %get3A_234 = vector.shape_cast %get3A_233 : vector<1x16xf32> to vector<16xf32>
          %mul3A_235 = vector.broadcast %squeeze3A_230 : f32 to vector<16xf32>
          %mul3A_236 = arith.mulf %mul3A_235, %get3A_234 : vector<16xf32>
          %add3A_237 = arith.addf %add3A_201, %mul3A_236 : vector<16xf32>
          %add3A_238 = arith.addf %add3A_237, %add3A_210 : vector<16xf32>
          %add3A_239 = arith.addf %add3A_219, %add3A_228 : vector<16xf32>
          %add3A_240 = arith.addf %add3A_238, %add3A_239 : vector<16xf32>
          %swap3A = arith.index_cast %scan3A_91 : i32 to index
          %swap3A_241 = arith.constant 0 : index
          %swap3A_242 = tpu.vector_load %arg12[%swap3A, %swap3A_241] {strides = array<i32>} : memref<128x32xf32, #tpu.memory_space<vmem>>, vector<1x16xf32>,
          %swap3A_243 = vector.shape_cast %swap3A_242 : vector<1x16xf32> to vector<16xf32>
          %swap3A_244 = vector.shape_cast %add3A_240 : vector<16xf32> to vector<1x16xf32>
          tpu.vector_store %arg12[%swap3A, %swap3A_241], %swap3A_244 {strides = array<i32>} : memref<128x32xf32, #tpu.memory_space<vmem>>, vector<1x16xf32>,
          %scan3A_245 = arith.constant 1 : i32
          %scan3A_246 = arith.addi %scan3A_91, %scan3A_245 : i32
          %get3A_247 = arith.index_cast %scan3A_246 : i32 to index
          %get3A_248 = arith.constant 0 : index
          %get3A_249 = tpu.vector_load %arg10[%get3A_247, %get3A_248] {strides = array<i32>} : memref<128x16xf32, #tpu.memory_space<vmem>>, vector<1x16xf32>,
          %get3A_250 = vector.shape_cast %get3A_249 : vector<1x16xf32> to vector<16xf32>
          %get3A_251 = arith.index_cast %scan3A_246 : i32 to index
          %get3A_252 = arith.constant 256 : index
          %get3A_253 = tpu.vector_load %arg8[%get3A_251, %get3A_252] {strides = array<i32>} : memref<128x272xf32, #tpu.memory_space<vmem>>, vector<1x16xf32>,
          %get3A_254 = vector.shape_cast %get3A_253 : vector<1x16xf32> to vector<16xf32>
          %slice3A_255 = vector.extract_strided_slice %get3A_250 {offsets = [0], sizes = [1], strides = [1]} : vector<16xf32> to vector<1xf32>
          %squeeze3A_256 = vector.extract %slice3A_255[0] : f32 from vector<1xf32>
          %get3A_257 = arith.index_cast %scan3A_246 : i32 to index
          %get3A_258 = arith.constant 0 : index
          %get3A_259 = tpu.vector_load %arg8[%get3A_257, %get3A_258] {strides = array<i32>} : memref<128x272xf32, #tpu.memory_space<vmem>>, vector<1x16xf32>,
          %get3A_260 = vector.shape_cast %get3A_259 : vector<1x16xf32> to vector<16xf32>
          %mul3A_261 = vector.broadcast %squeeze3A_256 : f32 to vector<16xf32>
          %mul3A_262 = arith.mulf %mul3A_261, %get3A_260 : vector<16xf32>
          %slice3A_263 = vector.extract_strided_slice %get3A_250 {offsets = [1], sizes = [1], strides = [1]} : vector<16xf32> to vector<1xf32>
          %squeeze3A_264 = vector.extract %slice3A_263[0] : f32 from vector<1xf32>
          %get3A_265 = arith.index_cast %scan3A_246 : i32 to index
          %get3A_266 = arith.constant 16 : index
          %get3A_267 = tpu.vector_load %arg8[%get3A_265, %get3A_266] {strides = array<i32>} : memref<128x272xf32, #tpu.memory_space<vmem>>, vector<1x16xf32>,
          %get3A_268 = vector.shape_cast %get3A_267 : vector<1x16xf32> to vector<16xf32>
          %mul3A_269 = vector.broadcast %squeeze3A_264 : f32 to vector<16xf32>
          %mul3A_270 = arith.mulf %mul3A_269, %get3A_268 : vector<16xf32>
          %slice3A_271 = vector.extract_strided_slice %get3A_250 {offsets = [2], sizes = [1], strides = [1]} : vector<16xf32> to vector<1xf32>
          %squeeze3A_272 = vector.extract %slice3A_271[0] : f32 from vector<1xf32>
          %get3A_273 = arith.index_cast %scan3A_246 : i32 to index
          %get3A_274 = arith.constant 32 : index
          %get3A_275 = tpu.vector_load %arg8[%get3A_273, %get3A_274] {strides = array<i32>} : memref<128x272xf32, #tpu.memory_space<vmem>>, vector<1x16xf32>,
          %get3A_276 = vector.shape_cast %get3A_275 : vector<1x16xf32> to vector<16xf32>
          %mul3A_277 = vector.broadcast %squeeze3A_272 : f32 to vector<16xf32>
          %mul3A_278 = arith.mulf %mul3A_277, %get3A_276 : vector<16xf32>
          %slice3A_279 = vector.extract_strided_slice %get3A_250 {offsets = [3], sizes = [1], strides = [1]} : vector<16xf32> to vector<1xf32>
          %squeeze3A_280 = vector.extract %slice3A_279[0] : f32 from vector<1xf32>
          %get3A_281 = arith.index_cast %scan3A_246 : i32 to index
          %get3A_282 = arith.constant 48 : index
          %get3A_283 = tpu.vector_load %arg8[%get3A_281, %get3A_282] {strides = array<i32>} : memref<128x272xf32, #tpu.memory_space<vmem>>, vector<1x16xf32>,
          %get3A_284 = vector.shape_cast %get3A_283 : vector<1x16xf32> to vector<16xf32>
          %mul3A_285 = vector.broadcast %squeeze3A_280 : f32 to vector<16xf32>
          %mul3A_286 = arith.mulf %mul3A_285, %get3A_284 : vector<16xf32>
          %add3A_287 = arith.addf %get3A_254, %mul3A_286 : vector<16xf32>
          %slice3A_288 = vector.extract_strided_slice %get3A_250 {offsets = [4], sizes = [1], strides = [1]} : vector<16xf32> to vector<1xf32>
          %squeeze3A_289 = vector.extract %slice3A_288[0] : f32 from vector<1xf32>
          %get3A_290 = arith.index_cast %scan3A_246 : i32 to index
          %get3A_291 = arith.constant 64 : index
          %get3A_292 = tpu.vector_load %arg8[%get3A_290, %get3A_291] {strides = array<i32>} : memref<128x272xf32, #tpu.memory_space<vmem>>, vector<1x16xf32>,
          %get3A_293 = vector.shape_cast %get3A_292 : vector<1x16xf32> to vector<16xf32>
          %mul3A_294 = vector.broadcast %squeeze3A_289 : f32 to vector<16xf32>
          %mul3A_295 = arith.mulf %mul3A_294, %get3A_293 : vector<16xf32>
          %add3A_296 = arith.addf %mul3A_262, %mul3A_295 : vector<16xf32>
          %slice3A_297 = vector.extract_strided_slice %get3A_250 {offsets = [5], sizes = [1], strides = [1]} : vector<16xf32> to vector<1xf32>
          %squeeze3A_298 = vector.extract %slice3A_297[0] : f32 from vector<1xf32>
          %get3A_299 = arith.index_cast %scan3A_246 : i32 to index
          %get3A_300 = arith.constant 80 : index
          %get3A_301 = tpu.vector_load %arg8[%get3A_299, %get3A_300] {strides = array<i32>} : memref<128x272xf32, #tpu.memory_space<vmem>>, vector<1x16xf32>,
          %get3A_302 = vector.shape_cast %get3A_301 : vector<1x16xf32> to vector<16xf32>
          %mul3A_303 = vector.broadcast %squeeze3A_298 : f32 to vector<16xf32>
          %mul3A_304 = arith.mulf %mul3A_303, %get3A_302 : vector<16xf32>
          %add3A_305 = arith.addf %mul3A_270, %mul3A_304 : vector<16xf32>
          %slice3A_306 = vector.extract_strided_slice %get3A_250 {offsets = [6], sizes = [1], strides = [1]} : vector<16xf32> to vector<1xf32>
          %squeeze3A_307 = vector.extract %slice3A_306[0] : f32 from vector<1xf32>
          %get3A_308 = arith.index_cast %scan3A_246 : i32 to index
          %get3A_309 = arith.constant 96 : index
          %get3A_310 = tpu.vector_load %arg8[%get3A_308, %get3A_309] {strides = array<i32>} : memref<128x272xf32, #tpu.memory_space<vmem>>, vector<1x16xf32>,
          %get3A_311 = vector.shape_cast %get3A_310 : vector<1x16xf32> to vector<16xf32>
          %mul3A_312 = vector.broadcast %squeeze3A_307 : f32 to vector<16xf32>
          %mul3A_313 = arith.mulf %mul3A_312, %get3A_311 : vector<16xf32>
          %add3A_314 = arith.addf %mul3A_278, %mul3A_313 : vector<16xf32>
          %slice3A_315 = vector.extract_strided_slice %get3A_250 {offsets = [7], sizes = [1], strides = [1]} : vector<16xf32> to vector<1xf32>
          %squeeze3A_316 = vector.extract %slice3A_315[0] : f32 from vector<1xf32>
          %get3A_317 = arith.index_cast %scan3A_246 : i32 to index
          %get3A_318 = arith.constant 112 : index
          %get3A_319 = tpu.vector_load %arg8[%get3A_317, %get3A_318] {strides = array<i32>} : memref<128x272xf32, #tpu.memory_space<vmem>>, vector<1x16xf32>,
          %get3A_320 = vector.shape_cast %get3A_319 : vector<1x16xf32> to vector<16xf32>
          %mul3A_321 = vector.broadcast %squeeze3A_316 : f32 to vector<16xf32>
          %mul3A_322 = arith.mulf %mul3A_321, %get3A_320 : vector<16xf32>
          %add3A_323 = arith.addf %add3A_287, %mul3A_322 : vector<16xf32>
          %slice3A_324 = vector.extract_strided_slice %get3A_250 {offsets = [8], sizes = [1], strides = [1]} : vector<16xf32> to vector<1xf32>
          %squeeze3A_325 = vector.extract %slice3A_324[0] : f32 from vector<1xf32>
          %get3A_326 = arith.index_cast %scan3A_246 : i32 to index
          %get3A_327 = arith.constant 128 : index
          %get3A_328 = tpu.vector_load %arg8[%get3A_326, %get3A_327] {strides = array<i32>} : memref<128x272xf32, #tpu.memory_space<vmem>>, vector<1x16xf32>,
          %get3A_329 = vector.shape_cast %get3A_328 : vector<1x16xf32> to vector<16xf32>
          %mul3A_330 = vector.broadcast %squeeze3A_325 : f32 to vector<16xf32>
          %mul3A_331 = arith.mulf %mul3A_330, %get3A_329 : vector<16xf32>
          %add3A_332 = arith.addf %add3A_296, %mul3A_331 : vector<16xf32>
          %slice3A_333 = vector.extract_strided_slice %get3A_250 {offsets = [9], sizes = [1], strides = [1]} : vector<16xf32> to vector<1xf32>
          %squeeze3A_334 = vector.extract %slice3A_333[0] : f32 from vector<1xf32>
          %get3A_335 = arith.index_cast %scan3A_246 : i32 to index
          %get3A_336 = arith.constant 144 : index
          %get3A_337 = tpu.vector_load %arg8[%get3A_335, %get3A_336] {strides = array<i32>} : memref<128x272xf32, #tpu.memory_space<vmem>>, vector<1x16xf32>,
          %get3A_338 = vector.shape_cast %get3A_337 : vector<1x16xf32> to vector<16xf32>
          %mul3A_339 = vector.broadcast %squeeze3A_334 : f32 to vector<16xf32>
          %mul3A_340 = arith.mulf %mul3A_339, %get3A_338 : vector<16xf32>
          %add3A_341 = arith.addf %add3A_305, %mul3A_340 : vector<16xf32>
          %slice3A_342 = vector.extract_strided_slice %get3A_250 {offsets = [10], sizes = [1], strides = [1]} : vector<16xf32> to vector<1xf32>
          %squeeze3A_343 = vector.extract %slice3A_342[0] : f32 from vector<1xf32>
          %get3A_344 = arith.index_cast %scan3A_246 : i32 to index
          %get3A_345 = arith.constant 160 : index
          %get3A_346 = tpu.vector_load %arg8[%get3A_344, %get3A_345] {strides = array<i32>} : memref<128x272xf32, #tpu.memory_space<vmem>>, vector<1x16xf32>,
          %get3A_347 = vector.shape_cast %get3A_346 : vector<1x16xf32> to vector<16xf32>
          %mul3A_348 = vector.broadcast %squeeze3A_343 : f32 to vector<16xf32>
          %mul3A_349 = arith.mulf %mul3A_348, %get3A_347 : vector<16xf32>
          %add3A_350 = arith.addf %add3A_314, %mul3A_349 : vector<16xf32>
          %slice3A_351 = vector.extract_strided_slice %get3A_250 {offsets = [11], sizes = [1], strides = [1]} : vector<16xf32> to vector<1xf32>
          %squeeze3A_352 = vector.extract %slice3A_351[0] : f32 from vector<1xf32>
          %get3A_353 = arith.index_cast %scan3A_246 : i32 to index
          %get3A_354 = arith.constant 176 : index
          %get3A_355 = tpu.vector_load %arg8[%get3A_353, %get3A_354] {strides = array<i32>} : memref<128x272xf32, #tpu.memory_space<vmem>>, vector<1x16xf32>,
          %get3A_356 = vector.shape_cast %get3A_355 : vector<1x16xf32> to vector<16xf32>
          %mul3A_357 = vector.broadcast %squeeze3A_352 : f32 to vector<16xf32>
          %mul3A_358 = arith.mulf %mul3A_357, %get3A_356 : vector<16xf32>
          %add3A_359 = arith.addf %add3A_323, %mul3A_358 : vector<16xf32>
          %slice3A_360 = vector.extract_strided_slice %get3A_250 {offsets = [12], sizes = [1], strides = [1]} : vector<16xf32> to vector<1xf32>
          %squeeze3A_361 = vector.extract %slice3A_360[0] : f32 from vector<1xf32>
          %get3A_362 = arith.index_cast %scan3A_246 : i32 to index
          %get3A_363 = arith.constant 192 : index
          %get3A_364 = tpu.vector_load %arg8[%get3A_362, %get3A_363] {strides = array<i32>} : memref<128x272xf32, #tpu.memory_space<vmem>>, vector<1x16xf32>,
          %get3A_365 = vector.shape_cast %get3A_364 : vector<1x16xf32> to vector<16xf32>
          %mul3A_366 = vector.broadcast %squeeze3A_361 : f32 to vector<16xf32>
          %mul3A_367 = arith.mulf %mul3A_366, %get3A_365 : vector<16xf32>
          %add3A_368 = arith.addf %add3A_332, %mul3A_367 : vector<16xf32>
          %slice3A_369 = vector.extract_strided_slice %get3A_250 {offsets = [13], sizes = [1], strides = [1]} : vector<16xf32> to vector<1xf32>
          %squeeze3A_370 = vector.extract %slice3A_369[0] : f32 from vector<1xf32>
          %get3A_371 = arith.index_cast %scan3A_246 : i32 to index
          %get3A_372 = arith.constant 208 : index
          %get3A_373 = tpu.vector_load %arg8[%get3A_371, %get3A_372] {strides = array<i32>} : memref<128x272xf32, #tpu.memory_space<vmem>>, vector<1x16xf32>,
          %get3A_374 = vector.shape_cast %get3A_373 : vector<1x16xf32> to vector<16xf32>
          %mul3A_375 = vector.broadcast %squeeze3A_370 : f32 to vector<16xf32>
          %mul3A_376 = arith.mulf %mul3A_375, %get3A_374 : vector<16xf32>
          %add3A_377 = arith.addf %add3A_341, %mul3A_376 : vector<16xf32>
          %slice3A_378 = vector.extract_strided_slice %get3A_250 {offsets = [14], sizes = [1], strides = [1]} : vector<16xf32> to vector<1xf32>
          %squeeze3A_379 = vector.extract %slice3A_378[0] : f32 from vector<1xf32>
          %get3A_380 = arith.index_cast %scan3A_246 : i32 to index
          %get3A_381 = arith.constant 224 : index
          %get3A_382 = tpu.vector_load %arg8[%get3A_380, %get3A_381] {strides = array<i32>} : memref<128x272xf32, #tpu.memory_space<vmem>>, vector<1x16xf32>,
          %get3A_383 = vector.shape_cast %get3A_382 : vector<1x16xf32> to vector<16xf32>
          %mul3A_384 = vector.broadcast %squeeze3A_379 : f32 to vector<16xf32>
          %mul3A_385 = arith.mulf %mul3A_384, %get3A_383 : vector<16xf32>
          %add3A_386 = arith.addf %add3A_350, %mul3A_385 : vector<16xf32>
          %slice3A_387 = vector.extract_strided_slice %get3A_250 {offsets = [15], sizes = [1], strides = [1]} : vector<16xf32> to vector<1xf32>
          %squeeze3A_388 = vector.extract %slice3A_387[0] : f32 from vector<1xf32>
          %get3A_389 = arith.index_cast %scan3A_246 : i32 to index
          %get3A_390 = arith.constant 240 : index
          %get3A_391 = tpu.vector_load %arg8[%get3A_389, %get3A_390] {strides = array<i32>} : memref<128x272xf32, #tpu.memory_space<vmem>>, vector<1x16xf32>,
          %get3A_392 = vector.shape_cast %get3A_391 : vector<1x16xf32> to vector<16xf32>
          %mul3A_393 = vector.broadcast %squeeze3A_388 : f32 to vector<16xf32>
          %mul3A_394 = arith.mulf %mul3A_393, %get3A_392 : vector<16xf32>
          %add3A_395 = arith.addf %add3A_359, %mul3A_394 : vector<16xf32>
          %add3A_396 = arith.addf %add3A_395, %add3A_368 : vector<16xf32>
          %add3A_397 = arith.addf %add3A_377, %add3A_386 : vector<16xf32>
          %add3A_398 = arith.addf %add3A_396, %add3A_397 : vector<16xf32>
          %swap3A_399 = arith.index_cast %scan3A_246 : i32 to index
          %swap3A_400 = arith.constant 0 : index
          %swap3A_401 = tpu.vector_load %arg12[%swap3A_399, %swap3A_400] {strides = array<i32>} : memref<128x32xf32, #tpu.memory_space<vmem>>, vector<1x16xf32>,
          %swap3A_402 = vector.shape_cast %swap3A_401 : vector<1x16xf32> to vector<16xf32>
          %swap3A_403 = vector.shape_cast %add3A_398 : vector<16xf32> to vector<1x16xf32>
          tpu.vector_store %arg12[%swap3A_399, %swap3A_400], %swap3A_403 {strides = array<i32>} : memref<128x32xf32, #tpu.memory_space<vmem>>, vector<1x16xf32>,
          %scan3A_404 = arith.constant 2 : i32
          %scan3A_405 = arith.addi %scan3A_91, %scan3A_404 : i32
          %get3A_406 = arith.index_cast %scan3A_405 : i32 to index
          %get3A_407 = arith.constant 0 : index
          %get3A_408 = tpu.vector_load %arg10[%get3A_406, %get3A_407] {strides = array<i32>} : memref<128x16xf32, #tpu.memory_space<vmem>>, vector<1x16xf32>,
          %get3A_409 = vector.shape_cast %get3A_408 : vector<1x16xf32> to vector<16xf32>
          %get3A_410 = arith.index_cast %scan3A_405 : i32 to index
          %get3A_411 = arith.constant 256 : index
          %get3A_412 = tpu.vector_load %arg8[%get3A_410, %get3A_411] {strides = array<i32>} : memref<128x272xf32, #tpu.memory_space<vmem>>, vector<1x16xf32>,
          %get3A_413 = vector.shape_cast %get3A_412 : vector<1x16xf32> to vector<16xf32>
          %slice3A_414 = vector.extract_strided_slice %get3A_409 {offsets = [0], sizes = [1], strides = [1]} : vector<16xf32> to vector<1xf32>
          %squeeze3A_415 = vector.extract %slice3A_414[0] : f32 from vector<1xf32>
          %get3A_416 = arith.index_cast %scan3A_405 : i32 to index
          %get3A_417 = arith.constant 0 : index
          %get3A_418 = tpu.vector_load %arg8[%get3A_416, %get3A_417] {strides = array<i32>} : memref<128x272xf32, #tpu.memory_space<vmem>>, vector<1x16xf32>,
          %get3A_419 = vector.shape_cast %get3A_418 : vector<1x16xf32> to vector<16xf32>
          %mul3A_420 = vector.broadcast %squeeze3A_415 : f32 to vector<16xf32>
          %mul3A_421 = arith.mulf %mul3A_420, %get3A_419 : vector<16xf32>
          %slice3A_422 = vector.extract_strided_slice %get3A_409 {offsets = [1], sizes = [1], strides = [1]} : vector<16xf32> to vector<1xf32>
          %squeeze3A_423 = vector.extract %slice3A_422[0] : f32 from vector<1xf32>
          %get3A_424 = arith.index_cast %scan3A_405 : i32 to index
          %get3A_425 = arith.constant 16 : index
          %get3A_426 = tpu.vector_load %arg8[%get3A_424, %get3A_425] {strides = array<i32>} : memref<128x272xf32, #tpu.memory_space<vmem>>, vector<1x16xf32>,
          %get3A_427 = vector.shape_cast %get3A_426 : vector<1x16xf32> to vector<16xf32>
          %mul3A_428 = vector.broadcast %squeeze3A_423 : f32 to vector<16xf32>
          %mul3A_429 = arith.mulf %mul3A_428, %get3A_427 : vector<16xf32>
          %slice3A_430 = vector.extract_strided_slice %get3A_409 {offsets = [2], sizes = [1], strides = [1]} : vector<16xf32> to vector<1xf32>
          %squeeze3A_431 = vector.extract %slice3A_430[0] : f32 from vector<1xf32>
          %get3A_432 = arith.index_cast %scan3A_405 : i32 to index
          %get3A_433 = arith.constant 32 : index
          %get3A_434 = tpu.vector_load %arg8[%get3A_432, %get3A_433] {strides = array<i32>} : memref<128x272xf32, #tpu.memory_space<vmem>>, vector<1x16xf32>,
          %get3A_435 = vector.shape_cast %get3A_434 : vector<1x16xf32> to vector<16xf32>
          %mul3A_436 = vector.broadcast %squeeze3A_431 : f32 to vector<16xf32>
          %mul3A_437 = arith.mulf %mul3A_436, %get3A_435 : vector<16xf32>
          %slice3A_438 = vector.extract_strided_slice %get3A_409 {offsets = [3], sizes = [1], strides = [1]} : vector<16xf32> to vector<1xf32>
          %squeeze3A_439 = vector.extract %slice3A_438[0] : f32 from vector<1xf32>
          %get3A_440 = arith.index_cast %scan3A_405 : i32 to index
          %get3A_441 = arith.constant 48 : index
          %get3A_442 = tpu.vector_load %arg8[%get3A_440, %get3A_441] {strides = array<i32>} : memref<128x272xf32, #tpu.memory_space<vmem>>, vector<1x16xf32>,
          %get3A_443 = vector.shape_cast %get3A_442 : vector<1x16xf32> to vector<16xf32>
          %mul3A_444 = vector.broadcast %squeeze3A_439 : f32 to vector<16xf32>
          %mul3A_445 = arith.mulf %mul3A_444, %get3A_443 : vector<16xf32>
          %add3A_446 = arith.addf %get3A_413, %mul3A_445 : vector<16xf32>
          %slice3A_447 = vector.extract_strided_slice %get3A_409 {offsets = [4], sizes = [1], strides = [1]} : vector<16xf32> to vector<1xf32>
          %squeeze3A_448 = vector.extract %slice3A_447[0] : f32 from vector<1xf32>
          %get3A_449 = arith.index_cast %scan3A_405 : i32 to index
          %get3A_450 = arith.constant 64 : index
          %get3A_451 = tpu.vector_load %arg8[%get3A_449, %get3A_450] {strides = array<i32>} : memref<128x272xf32, #tpu.memory_space<vmem>>, vector<1x16xf32>,
          %get3A_452 = vector.shape_cast %get3A_451 : vector<1x16xf32> to vector<16xf32>
          %mul3A_453 = vector.broadcast %squeeze3A_448 : f32 to vector<16xf32>
          %mul3A_454 = arith.mulf %mul3A_453, %get3A_452 : vector<16xf32>
          %add3A_455 = arith.addf %mul3A_421, %mul3A_454 : vector<16xf32>
          %slice3A_456 = vector.extract_strided_slice %get3A_409 {offsets = [5], sizes = [1], strides = [1]} : vector<16xf32> to vector<1xf32>
          %squeeze3A_457 = vector.extract %slice3A_456[0] : f32 from vector<1xf32>
          %get3A_458 = arith.index_cast %scan3A_405 : i32 to index
          %get3A_459 = arith.constant 80 : index
          %get3A_460 = tpu.vector_load %arg8[%get3A_458, %get3A_459] {strides = array<i32>} : memref<128x272xf32, #tpu.memory_space<vmem>>, vector<1x16xf32>,
          %get3A_461 = vector.shape_cast %get3A_460 : vector<1x16xf32> to vector<16xf32>
          %mul3A_462 = vector.broadcast %squeeze3A_457 : f32 to vector<16xf32>
          %mul3A_463 = arith.mulf %mul3A_462, %get3A_461 : vector<16xf32>
          %add3A_464 = arith.addf %mul3A_429, %mul3A_463 : vector<16xf32>
          %slice3A_465 = vector.extract_strided_slice %get3A_409 {offsets = [6], sizes = [1], strides = [1]} : vector<16xf32> to vector<1xf32>
          %squeeze3A_466 = vector.extract %slice3A_465[0] : f32 from vector<1xf32>
          %get3A_467 = arith.index_cast %scan3A_405 : i32 to index
          %get3A_468 = arith.constant 96 : index
          %get3A_469 = tpu.vector_load %arg8[%get3A_467, %get3A_468] {strides = array<i32>} : memref<128x272xf32, #tpu.memory_space<vmem>>, vector<1x16xf32>,
          %get3A_470 = vector.shape_cast %get3A_469 : vector<1x16xf32> to vector<16xf32>
          %mul3A_471 = vector.broadcast %squeeze3A_466 : f32 to vector<16xf32>
          %mul3A_472 = arith.mulf %mul3A_471, %get3A_470 : vector<16xf32>
          %add3A_473 = arith.addf %mul3A_437, %mul3A_472 : vector<16xf32>
          %slice3A_474 = vector.extract_strided_slice %get3A_409 {offsets = [7], sizes = [1], strides = [1]} : vector<16xf32> to vector<1xf32>
          %squeeze3A_475 = vector.extract %slice3A_474[0] : f32 from vector<1xf32>
          %get3A_476 = arith.index_cast %scan3A_405 : i32 to index
          %get3A_477 = arith.constant 112 : index
          %get3A_478 = tpu.vector_load %arg8[%get3A_476, %get3A_477] {strides = array<i32>} : memref<128x272xf32, #tpu.memory_space<vmem>>, vector<1x16xf32>,
          %get3A_479 = vector.shape_cast %get3A_478 : vector<1x16xf32> to vector<16xf32>
          %mul3A_480 = vector.broadcast %squeeze3A_475 : f32 to vector<16xf32>
          %mul3A_481 = arith.mulf %mul3A_480, %get3A_479 : vector<16xf32>
          %add3A_482 = arith.addf %add3A_446, %mul3A_481 : vector<16xf32>
          %slice3A_483 = vector.extract_strided_slice %get3A_409 {offsets = [8], sizes = [1], strides = [1]} : vector<16xf32> to vector<1xf32>
          %squeeze3A_484 = vector.extract %slice3A_483[0] : f32 from vector<1xf32>
          %get3A_485 = arith.index_cast %scan3A_405 : i32 to index
          %get3A_486 = arith.constant 128 : index
          %get3A_487 = tpu.vector_load %arg8[%get3A_485, %get3A_486] {strides = array<i32>} : memref<128x272xf32, #tpu.memory_space<vmem>>, vector<1x16xf32>,
          %get3A_488 = vector.shape_cast %get3A_487 : vector<1x16xf32> to vector<16xf32>
          %mul3A_489 = vector.broadcast %squeeze3A_484 : f32 to vector<16xf32>
          %mul3A_490 = arith.mulf %mul3A_489, %get3A_488 : vector<16xf32>
          %add3A_491 = arith.addf %add3A_455, %mul3A_490 : vector<16xf32>
          %slice3A_492 = vector.extract_strided_slice %get3A_409 {offsets = [9], sizes = [1], strides = [1]} : vector<16xf32> to vector<1xf32>
          %squeeze3A_493 = vector.extract %slice3A_492[0] : f32 from vector<1xf32>
          %get3A_494 = arith.index_cast %scan3A_405 : i32 to index
          %get3A_495 = arith.constant 144 : index
          %get3A_496 = tpu.vector_load %arg8[%get3A_494, %get3A_495] {strides = array<i32>} : memref<128x272xf32, #tpu.memory_space<vmem>>, vector<1x16xf32>,
          %get3A_497 = vector.shape_cast %get3A_496 : vector<1x16xf32> to vector<16xf32>
          %mul3A_498 = vector.broadcast %squeeze3A_493 : f32 to vector<16xf32>
          %mul3A_499 = arith.mulf %mul3A_498, %get3A_497 : vector<16xf32>
          %add3A_500 = arith.addf %add3A_464, %mul3A_499 : vector<16xf32>
          %slice3A_501 = vector.extract_strided_slice %get3A_409 {offsets = [10], sizes = [1], strides = [1]} : vector<16xf32> to vector<1xf32>
          %squeeze3A_502 = vector.extract %slice3A_501[0] : f32 from vector<1xf32>
          %get3A_503 = arith.index_cast %scan3A_405 : i32 to index
          %get3A_504 = arith.constant 160 : index
          %get3A_505 = tpu.vector_load %arg8[%get3A_503, %get3A_504] {strides = array<i32>} : memref<128x272xf32, #tpu.memory_space<vmem>>, vector<1x16xf32>,
          %get3A_506 = vector.shape_cast %get3A_505 : vector<1x16xf32> to vector<16xf32>
          %mul3A_507 = vector.broadcast %squeeze3A_502 : f32 to vector<16xf32>
          %mul3A_508 = arith.mulf %mul3A_507, %get3A_506 : vector<16xf32>
          %add3A_509 = arith.addf %add3A_473, %mul3A_508 : vector<16xf32>
          %slice3A_510 = vector.extract_strided_slice %get3A_409 {offsets = [11], sizes = [1], strides = [1]} : vector<16xf32> to vector<1xf32>
          %squeeze3A_511 = vector.extract %slice3A_510[0] : f32 from vector<1xf32>
          %get3A_512 = arith.index_cast %scan3A_405 : i32 to index
          %get3A_513 = arith.constant 176 : index
          %get3A_514 = tpu.vector_load %arg8[%get3A_512, %get3A_513] {strides = array<i32>} : memref<128x272xf32, #tpu.memory_space<vmem>>, vector<1x16xf32>,
          %get3A_515 = vector.shape_cast %get3A_514 : vector<1x16xf32> to vector<16xf32>
          %mul3A_516 = vector.broadcast %squeeze3A_511 : f32 to vector<16xf32>
          %mul3A_517 = arith.mulf %mul3A_516, %get3A_515 : vector<16xf32>
          %add3A_518 = arith.addf %add3A_482, %mul3A_517 : vector<16xf32>
          %slice3A_519 = vector.extract_strided_slice %get3A_409 {offsets = [12], sizes = [1], strides = [1]} : vector<16xf32> to vector<1xf32>
          %squeeze3A_520 = vector.extract %slice3A_519[0] : f32 from vector<1xf32>
          %get3A_521 = arith.index_cast %scan3A_405 : i32 to index
          %get3A_522 = arith.constant 192 : index
          %get3A_523 = tpu.vector_load %arg8[%get3A_521, %get3A_522] {strides = array<i32>} : memref<128x272xf32, #tpu.memory_space<vmem>>, vector<1x16xf32>,
          %get3A_524 = vector.shape_cast %get3A_523 : vector<1x16xf32> to vector<16xf32>
          %mul3A_525 = vector.broadcast %squeeze3A_520 : f32 to vector<16xf32>
          %mul3A_526 = arith.mulf %mul3A_525, %get3A_524 : vector<16xf32>
          %add3A_527 = arith.addf %add3A_491, %mul3A_526 : vector<16xf32>
          %slice3A_528 = vector.extract_strided_slice %get3A_409 {offsets = [13], sizes = [1], strides = [1]} : vector<16xf32> to vector<1xf32>
          %squeeze3A_529 = vector.extract %slice3A_528[0] : f32 from vector<1xf32>
          %get3A_530 = arith.index_cast %scan3A_405 : i32 to index
          %get3A_531 = arith.constant 208 : index
          %get3A_532 = tpu.vector_load %arg8[%get3A_530, %get3A_531] {strides = array<i32>} : memref<128x272xf32, #tpu.memory_space<vmem>>, vector<1x16xf32>,
          %get3A_533 = vector.shape_cast %get3A_532 : vector<1x16xf32> to vector<16xf32>
          %mul3A_534 = vector.broadcast %squeeze3A_529 : f32 to vector<16xf32>
          %mul3A_535 = arith.mulf %mul3A_534, %get3A_533 : vector<16xf32>
          %add3A_536 = arith.addf %add3A_500, %mul3A_535 : vector<16xf32>
          %slice3A_537 = vector.extract_strided_slice %get3A_409 {offsets = [14], sizes = [1], strides = [1]} : vector<16xf32> to vector<1xf32>
          %squeeze3A_538 = vector.extract %slice3A_537[0] : f32 from vector<1xf32>
          %get3A_539 = arith.index_cast %scan3A_405 : i32 to index
          %get3A_540 = arith.constant 224 : index
          %get3A_541 = tpu.vector_load %arg8[%get3A_539, %get3A_540] {strides = array<i32>} : memref<128x272xf32, #tpu.memory_space<vmem>>, vector<1x16xf32>,
          %get3A_542 = vector.shape_cast %get3A_541 : vector<1x16xf32> to vector<16xf32>
          %mul3A_543 = vector.broadcast %squeeze3A_538 : f32 to vector<16xf32>
          %mul3A_544 = arith.mulf %mul3A_543, %get3A_542 : vector<16xf32>
          %add3A_545 = arith.addf %add3A_509, %mul3A_544 : vector<16xf32>
          %slice3A_546 = vector.extract_strided_slice %get3A_409 {offsets = [15], sizes = [1], strides = [1]} : vector<16xf32> to vector<1xf32>
          %squeeze3A_547 = vector.extract %slice3A_546[0] : f32 from vector<1xf32>
          %get3A_548 = arith.index_cast %scan3A_405 : i32 to index
          %get3A_549 = arith.constant 240 : index
          %get3A_550 = tpu.vector_load %arg8[%get3A_548, %get3A_549] {strides = array<i32>} : memref<128x272xf32, #tpu.memory_space<vmem>>, vector<1x16xf32>,
          %get3A_551 = vector.shape_cast %get3A_550 : vector<1x16xf32> to vector<16xf32>
          %mul3A_552 = vector.broadcast %squeeze3A_547 : f32 to vector<16xf32>
          %mul3A_553 = arith.mulf %mul3A_552, %get3A_551 : vector<16xf32>
          %add3A_554 = arith.addf %add3A_518, %mul3A_553 : vector<16xf32>
          %add3A_555 = arith.addf %add3A_554, %add3A_527 : vector<16xf32>
          %add3A_556 = arith.addf %add3A_536, %add3A_545 : vector<16xf32>
          %add3A_557 = arith.addf %add3A_555, %add3A_556 : vector<16xf32>
          %swap3A_558 = arith.index_cast %scan3A_405 : i32 to index
          %swap3A_559 = arith.constant 0 : index
          %swap3A_560 = tpu.vector_load %arg12[%swap3A_558, %swap3A_559] {strides = array<i32>} : memref<128x32xf32, #tpu.memory_space<vmem>>, vector<1x16xf32>,
          %swap3A_561 = vector.shape_cast %swap3A_560 : vector<1x16xf32> to vector<16xf32>
          %swap3A_562 = vector.shape_cast %add3A_557 : vector<16xf32> to vector<1x16xf32>
          tpu.vector_store %arg12[%swap3A_558, %swap3A_559], %swap3A_562 {strides = array<i32>} : memref<128x32xf32, #tpu.memory_space<vmem>>, vector<1x16xf32>,
          %scan3A_563 = arith.constant 3 : i32
          %scan3A_564 = arith.addi %scan3A_91, %scan3A_563 : i32
          %get3A_565 = arith.index_cast %scan3A_564 : i32 to index
          %get3A_566 = arith.constant 0 : index
          %get3A_567 = tpu.vector_load %arg10[%get3A_565, %get3A_566] {strides = array<i32>} : memref<128x16xf32, #tpu.memory_space<vmem>>, vector<1x16xf32>,
          %get3A_568 = vector.shape_cast %get3A_567 : vector<1x16xf32> to vector<16xf32>
          %get3A_569 = arith.index_cast %scan3A_564 : i32 to index
          %get3A_570 = arith.constant 256 : index
          %get3A_571 = tpu.vector_load %arg8[%get3A_569, %get3A_570] {strides = array<i32>} : memref<128x272xf32, #tpu.memory_space<vmem>>, vector<1x16xf32>,
          %get3A_572 = vector.shape_cast %get3A_571 : vector<1x16xf32> to vector<16xf32>
          %slice3A_573 = vector.extract_strided_slice %get3A_568 {offsets = [0], sizes = [1], strides = [1]} : vector<16xf32> to vector<1xf32>
          %squeeze3A_574 = vector.extract %slice3A_573[0] : f32 from vector<1xf32>
          %get3A_575 = arith.index_cast %scan3A_564 : i32 to index
          %get3A_576 = arith.constant 0 : index
          %get3A_577 = tpu.vector_load %arg8[%get3A_575, %get3A_576] {strides = array<i32>} : memref<128x272xf32, #tpu.memory_space<vmem>>, vector<1x16xf32>,
          %get3A_578 = vector.shape_cast %get3A_577 : vector<1x16xf32> to vector<16xf32>
          %mul3A_579 = vector.broadcast %squeeze3A_574 : f32 to vector<16xf32>
          %mul3A_580 = arith.mulf %mul3A_579, %get3A_578 : vector<16xf32>
          %slice3A_581 = vector.extract_strided_slice %get3A_568 {offsets = [1], sizes = [1], strides = [1]} : vector<16xf32> to vector<1xf32>
          %squeeze3A_582 = vector.extract %slice3A_581[0] : f32 from vector<1xf32>
          %get3A_583 = arith.index_cast %scan3A_564 : i32 to index
          %get3A_584 = arith.constant 16 : index
          %get3A_585 = tpu.vector_load %arg8[%get3A_583, %get3A_584] {strides = array<i32>} : memref<128x272xf32, #tpu.memory_space<vmem>>, vector<1x16xf32>,
          %get3A_586 = vector.shape_cast %get3A_585 : vector<1x16xf32> to vector<16xf32>
          %mul3A_587 = vector.broadcast %squeeze3A_582 : f32 to vector<16xf32>
          %mul3A_588 = arith.mulf %mul3A_587, %get3A_586 : vector<16xf32>
          %slice3A_589 = vector.extract_strided_slice %get3A_568 {offsets = [2], sizes = [1], strides = [1]} : vector<16xf32> to vector<1xf32>
          %squeeze3A_590 = vector.extract %slice3A_589[0] : f32 from vector<1xf32>
          %get3A_591 = arith.index_cast %scan3A_564 : i32 to index
          %get3A_592 = arith.constant 32 : index
          %get3A_593 = tpu.vector_load %arg8[%get3A_591, %get3A_592] {strides = array<i32>} : memref<128x272xf32, #tpu.memory_space<vmem>>, vector<1x16xf32>,
          %get3A_594 = vector.shape_cast %get3A_593 : vector<1x16xf32> to vector<16xf32>
          %mul3A_595 = vector.broadcast %squeeze3A_590 : f32 to vector<16xf32>
          %mul3A_596 = arith.mulf %mul3A_595, %get3A_594 : vector<16xf32>
          %slice3A_597 = vector.extract_strided_slice %get3A_568 {offsets = [3], sizes = [1], strides = [1]} : vector<16xf32> to vector<1xf32>
          %squeeze3A_598 = vector.extract %slice3A_597[0] : f32 from vector<1xf32>
          %get3A_599 = arith.index_cast %scan3A_564 : i32 to index
          %get3A_600 = arith.constant 48 : index
          %get3A_601 = tpu.vector_load %arg8[%get3A_599, %get3A_600] {strides = array<i32>} : memref<128x272xf32, #tpu.memory_space<vmem>>, vector<1x16xf32>,
          %get3A_602 = vector.shape_cast %get3A_601 : vector<1x16xf32> to vector<16xf32>
          %mul3A_603 = vector.broadcast %squeeze3A_598 : f32 to vector<16xf32>
          %mul3A_604 = arith.mulf %mul3A_603, %get3A_602 : vector<16xf32>
          %add3A_605 = arith.addf %get3A_572, %mul3A_604 : vector<16xf32>
          %slice3A_606 = vector.extract_strided_slice %get3A_568 {offsets = [4], sizes = [1], strides = [1]} : vector<16xf32> to vector<1xf32>
          %squeeze3A_607 = vector.extract %slice3A_606[0] : f32 from vector<1xf32>
          %get3A_608 = arith.index_cast %scan3A_564 : i32 to index
          %get3A_609 = arith.constant 64 : index
          %get3A_610 = tpu.vector_load %arg8[%get3A_608, %get3A_609] {strides = array<i32>} : memref<128x272xf32, #tpu.memory_space<vmem>>, vector<1x16xf32>,
          %get3A_611 = vector.shape_cast %get3A_610 : vector<1x16xf32> to vector<16xf32>
          %mul3A_612 = vector.broadcast %squeeze3A_607 : f32 to vector<16xf32>
          %mul3A_613 = arith.mulf %mul3A_612, %get3A_611 : vector<16xf32>
          %add3A_614 = arith.addf %mul3A_580, %mul3A_613 : vector<16xf32>
          %slice3A_615 = vector.extract_strided_slice %get3A_568 {offsets = [5], sizes = [1], strides = [1]} : vector<16xf32> to vector<1xf32>
          %squeeze3A_616 = vector.extract %slice3A_615[0] : f32 from vector<1xf32>
          %get3A_617 = arith.index_cast %scan3A_564 : i32 to index
          %get3A_618 = arith.constant 80 : index
          %get3A_619 = tpu.vector_load %arg8[%get3A_617, %get3A_618] {strides = array<i32>} : memref<128x272xf32, #tpu.memory_space<vmem>>, vector<1x16xf32>,
          %get3A_620 = vector.shape_cast %get3A_619 : vector<1x16xf32> to vector<16xf32>
          %mul3A_621 = vector.broadcast %squeeze3A_616 : f32 to vector<16xf32>
          %mul3A_622 = arith.mulf %mul3A_621, %get3A_620 : vector<16xf32>
          %add3A_623 = arith.addf %mul3A_588, %mul3A_622 : vector<16xf32>
          %slice3A_624 = vector.extract_strided_slice %get3A_568 {offsets = [6], sizes = [1], strides = [1]} : vector<16xf32> to vector<1xf32>
          %squeeze3A_625 = vector.extract %slice3A_624[0] : f32 from vector<1xf32>
          %get3A_626 = arith.index_cast %scan3A_564 : i32 to index
          %get3A_627 = arith.constant 96 : index
          %get3A_628 = tpu.vector_load %arg8[%get3A_626, %get3A_627] {strides = array<i32>} : memref<128x272xf32, #tpu.memory_space<vmem>>, vector<1x16xf32>,
          %get3A_629 = vector.shape_cast %get3A_628 : vector<1x16xf32> to vector<16xf32>
          %mul3A_630 = vector.broadcast %squeeze3A_625 : f32 to vector<16xf32>
          %mul3A_631 = arith.mulf %mul3A_630, %get3A_629 : vector<16xf32>
          %add3A_632 = arith.addf %mul3A_596, %mul3A_631 : vector<16xf32>
          %slice3A_633 = vector.extract_strided_slice %get3A_568 {offsets = [7], sizes = [1], strides = [1]} : vector<16xf32> to vector<1xf32>
          %squeeze3A_634 = vector.extract %slice3A_633[0] : f32 from vector<1xf32>
          %get3A_635 = arith.index_cast %scan3A_564 : i32 to index
          %get3A_636 = arith.constant 112 : index
          %get3A_637 = tpu.vector_load %arg8[%get3A_635, %get3A_636] {strides = array<i32>} : memref<128x272xf32, #tpu.memory_space<vmem>>, vector<1x16xf32>,
          %get3A_638 = vector.shape_cast %get3A_637 : vector<1x16xf32> to vector<16xf32>
          %mul3A_639 = vector.broadcast %squeeze3A_634 : f32 to vector<16xf32>
          %mul3A_640 = arith.mulf %mul3A_639, %get3A_638 : vector<16xf32>
          %add3A_641 = arith.addf %add3A_605, %mul3A_640 : vector<16xf32>
          %slice3A_642 = vector.extract_strided_slice %get3A_568 {offsets = [8], sizes = [1], strides = [1]} : vector<16xf32> to vector<1xf32>
          %squeeze3A_643 = vector.extract %slice3A_642[0] : f32 from vector<1xf32>
          %get3A_644 = arith.index_cast %scan3A_564 : i32 to index
          %get3A_645 = arith.constant 128 : index
          %get3A_646 = tpu.vector_load %arg8[%get3A_644, %get3A_645] {strides = array<i32>} : memref<128x272xf32, #tpu.memory_space<vmem>>, vector<1x16xf32>,
          %get3A_647 = vector.shape_cast %get3A_646 : vector<1x16xf32> to vector<16xf32>
          %mul3A_648 = vector.broadcast %squeeze3A_643 : f32 to vector<16xf32>
          %mul3A_649 = arith.mulf %mul3A_648, %get3A_647 : vector<16xf32>
          %add3A_650 = arith.addf %add3A_614, %mul3A_649 : vector<16xf32>
          %slice3A_651 = vector.extract_strided_slice %get3A_568 {offsets = [9], sizes = [1], strides = [1]} : vector<16xf32> to vector<1xf32>
          %squeeze3A_652 = vector.extract %slice3A_651[0] : f32 from vector<1xf32>
          %get3A_653 = arith.index_cast %scan3A_564 : i32 to index
          %get3A_654 = arith.constant 144 : index
          %get3A_655 = tpu.vector_load %arg8[%get3A_653, %get3A_654] {strides = array<i32>} : memref<128x272xf32, #tpu.memory_space<vmem>>, vector<1x16xf32>,
          %get3A_656 = vector.shape_cast %get3A_655 : vector<1x16xf32> to vector<16xf32>
          %mul3A_657 = vector.broadcast %squeeze3A_652 : f32 to vector<16xf32>
          %mul3A_658 = arith.mulf %mul3A_657, %get3A_656 : vector<16xf32>
          %add3A_659 = arith.addf %add3A_623, %mul3A_658 : vector<16xf32>
          %slice3A_660 = vector.extract_strided_slice %get3A_568 {offsets = [10], sizes = [1], strides = [1]} : vector<16xf32> to vector<1xf32>
          %squeeze3A_661 = vector.extract %slice3A_660[0] : f32 from vector<1xf32>
          %get3A_662 = arith.index_cast %scan3A_564 : i32 to index
          %get3A_663 = arith.constant 160 : index
          %get3A_664 = tpu.vector_load %arg8[%get3A_662, %get3A_663] {strides = array<i32>} : memref<128x272xf32, #tpu.memory_space<vmem>>, vector<1x16xf32>,
          %get3A_665 = vector.shape_cast %get3A_664 : vector<1x16xf32> to vector<16xf32>
          %mul3A_666 = vector.broadcast %squeeze3A_661 : f32 to vector<16xf32>
          %mul3A_667 = arith.mulf %mul3A_666, %get3A_665 : vector<16xf32>
          %add3A_668 = arith.addf %add3A_632, %mul3A_667 : vector<16xf32>
          %slice3A_669 = vector.extract_strided_slice %get3A_568 {offsets = [11], sizes = [1], strides = [1]} : vector<16xf32> to vector<1xf32>
          %squeeze3A_670 = vector.extract %slice3A_669[0] : f32 from vector<1xf32>
          %get3A_671 = arith.index_cast %scan3A_564 : i32 to index
          %get3A_672 = arith.constant 176 : index
          %get3A_673 = tpu.vector_load %arg8[%get3A_671, %get3A_672] {strides = array<i32>} : memref<128x272xf32, #tpu.memory_space<vmem>>, vector<1x16xf32>,
          %get3A_674 = vector.shape_cast %get3A_673 : vector<1x16xf32> to vector<16xf32>
          %mul3A_675 = vector.broadcast %squeeze3A_670 : f32 to vector<16xf32>
          %mul3A_676 = arith.mulf %mul3A_675, %get3A_674 : vector<16xf32>
          %add3A_677 = arith.addf %add3A_641, %mul3A_676 : vector<16xf32>
          %slice3A_678 = vector.extract_strided_slice %get3A_568 {offsets = [12], sizes = [1], strides = [1]} : vector<16xf32> to vector<1xf32>
          %squeeze3A_679 = vector.extract %slice3A_678[0] : f32 from vector<1xf32>
          %get3A_680 = arith.index_cast %scan3A_564 : i32 to index
          %get3A_681 = arith.constant 192 : index
          %get3A_682 = tpu.vector_load %arg8[%get3A_680, %get3A_681] {strides = array<i32>} : memref<128x272xf32, #tpu.memory_space<vmem>>, vector<1x16xf32>,
          %get3A_683 = vector.shape_cast %get3A_682 : vector<1x16xf32> to vector<16xf32>
          %mul3A_684 = vector.broadcast %squeeze3A_679 : f32 to vector<16xf32>
          %mul3A_685 = arith.mulf %mul3A_684, %get3A_683 : vector<16xf32>
          %add3A_686 = arith.addf %add3A_650, %mul3A_685 : vector<16xf32>
          %slice3A_687 = vector.extract_strided_slice %get3A_568 {offsets = [13], sizes = [1], strides = [1]} : vector<16xf32> to vector<1xf32>
          %squeeze3A_688 = vector.extract %slice3A_687[0] : f32 from vector<1xf32>
          %get3A_689 = arith.index_cast %scan3A_564 : i32 to index
          %get3A_690 = arith.constant 208 : index
          %get3A_691 = tpu.vector_load %arg8[%get3A_689, %get3A_690] {strides = array<i32>} : memref<128x272xf32, #tpu.memory_space<vmem>>, vector<1x16xf32>,
          %get3A_692 = vector.shape_cast %get3A_691 : vector<1x16xf32> to vector<16xf32>
          %mul3A_693 = vector.broadcast %squeeze3A_688 : f32 to vector<16xf32>
          %mul3A_694 = arith.mulf %mul3A_693, %get3A_692 : vector<16xf32>
          %add3A_695 = arith.addf %add3A_659, %mul3A_694 : vector<16xf32>
          %slice3A_696 = vector.extract_strided_slice %get3A_568 {offsets = [14], sizes = [1], strides = [1]} : vector<16xf32> to vector<1xf32>
          %squeeze3A_697 = vector.extract %slice3A_696[0] : f32 from vector<1xf32>
          %get3A_698 = arith.index_cast %scan3A_564 : i32 to index
          %get3A_699 = arith.constant 224 : index
          %get3A_700 = tpu.vector_load %arg8[%get3A_698, %get3A_699] {strides = array<i32>} : memref<128x272xf32, #tpu.memory_space<vmem>>, vector<1x16xf32>,
          %get3A_701 = vector.shape_cast %get3A_700 : vector<1x16xf32> to vector<16xf32>
          %mul3A_702 = vector.broadcast %squeeze3A_697 : f32 to vector<16xf32>
          %mul3A_703 = arith.mulf %mul3A_702, %get3A_701 : vector<16xf32>
          %add3A_704 = arith.addf %add3A_668, %mul3A_703 : vector<16xf32>
          %slice3A_705 = vector.extract_strided_slice %get3A_568 {offsets = [15], sizes = [1], strides = [1]} : vector<16xf32> to vector<1xf32>
          %squeeze3A_706 = vector.extract %slice3A_705[0] : f32 from vector<1xf32>
          %get3A_707 = arith.index_cast %scan3A_564 : i32 to index
          %get3A_708 = arith.constant 240 : index
          %get3A_709 = tpu.vector_load %arg8[%get3A_707, %get3A_708] {strides = array<i32>} : memref<128x272xf32, #tpu.memory_space<vmem>>, vector<1x16xf32>,
          %get3A_710 = vector.shape_cast %get3A_709 : vector<1x16xf32> to vector<16xf32>
          %mul3A_711 = vector.broadcast %squeeze3A_706 : f32 to vector<16xf32>
          %mul3A_712 = arith.mulf %mul3A_711, %get3A_710 : vector<16xf32>
          %add3A_713 = arith.addf %add3A_677, %mul3A_712 : vector<16xf32>
          %add3A_714 = arith.addf %add3A_713, %add3A_686 : vector<16xf32>
          %add3A_715 = arith.addf %add3A_695, %add3A_704 : vector<16xf32>
          %add3A_716 = arith.addf %add3A_714, %add3A_715 : vector<16xf32>
          %swap3A_717 = arith.index_cast %scan3A_564 : i32 to index
          %swap3A_718 = arith.constant 0 : index
          %swap3A_719 = tpu.vector_load %arg12[%swap3A_717, %swap3A_718] {strides = array<i32>} : memref<128x32xf32, #tpu.memory_space<vmem>>, vector<1x16xf32>,
          %swap3A_720 = vector.shape_cast %swap3A_719 : vector<1x16xf32> to vector<16xf32>
          %swap3A_721 = vector.shape_cast %add3A_716 : vector<16xf32> to vector<1x16xf32>
          tpu.vector_store %arg12[%swap3A_717, %swap3A_718], %swap3A_721 {strides = array<i32>} : memref<128x32xf32, #tpu.memory_space<vmem>>, vector<1x16xf32>,
        }
        %scan3A_90 = arith.constant 128 : i32
        %run_scoped3A = arith.constant 1 : i32
        "tpu.region"() ({
          %run_scoped3A_91 = tpu.sem_alloc : memref<!tpu.dma_semaphore, #tpu.memory_space<semaphore_mem>>
          %dma_start3A = arith.constant 0 : i32
          %dma_start3A_92 = tpu.memref_slice %arg6[%run_scoped3A, %dma_start3A] : memref<2x128xi32, #tpu.memory_space<vmem>> -> memref<1x128xi32, #tpu.memory_space<vmem>>
          %dma_start3A_93 = tpu.memref_squeeze %dma_start3A_92 : memref<1x128xi32, #tpu.memory_space<vmem>> -> memref<128xi32, #tpu.memory_space<vmem>>
          %dma_start3A_94 = arith.constant 0 : i32
          %dma_start3A_95 = arith.constant 0 : i32
          %dma_start3A_96 = tpu.memref_slice %arg15[%dma_start3A_94, %dma_start3A_95] : memref<10240x32xf32, #tpu.memory_space<vmem_shared>> -> memref<10240x32xf32, #tpu.memory_space<vmem_shared>>
          tpu.enqueue_indirect_dma source(%arg12 : memref<128x32xf32, #tpu.memory_space<vmem>>) target(%dma_start3A_96 : memref<10240x32xf32, #tpu.memory_space<vmem_shared>>) offsets(%dma_start3A_93 : memref<128xi32, #tpu.memory_space<vmem>>) semaphore(%run_scoped3A_91 : memref<!tpu.dma_semaphore, #tpu.memory_space<semaphore_mem>>) {add = true}
          %dma_wait3A_97 = arith.constant 0 : i32
          %dma_wait3A_98 = tpu.memref_slice %arg6[%run_scoped3A, %dma_wait3A_97] : memref<2x128xi32, #tpu.memory_space<vmem>> -> memref<1x128xi32, #tpu.memory_space<vmem>>
          %dma_wait3A_99 = tpu.memref_squeeze %dma_wait3A_98 : memref<1x128xi32, #tpu.memory_space<vmem>> -> memref<128xi32, #tpu.memory_space<vmem>>
          %dma_wait3A_100 = arith.constant 0 : i32
          %dma_wait3A_101 = arith.constant 0 : i32
          %dma_wait3A_102 = tpu.memref_slice %arg15[%dma_wait3A_100, %dma_wait3A_101] : memref<10240x32xf32, #tpu.memory_space<vmem_shared>> -> memref<10240x32xf32, #tpu.memory_space<vmem_shared>>
          tpu.wait_indirect_dma semaphore(%run_scoped3A_91 : memref<!tpu.dma_semaphore, #tpu.memory_space<semaphore_mem>>) src(%arg12 : memref<128x32xf32, #tpu.memory_space<vmem>>) dst(%dma_wait3A_102 : memref<10240x32xf32, #tpu.memory_space<vmem_shared>>)
          tpu.yield
        }) : () -> ()
      } else {
      }
      %add3A_49 = arith.constant 2 : i32
      %add3A_50 = arith.addi %mul3A_40, %add3A_49 : i32
      %mul3A_51 = arith.constant 32 : i32
      %mul3A_52 = arith.muli %add3A_50, %mul3A_51 : i32
      %add3A_53 = arith.addi %add3A, %mul3A_52 : i32
      %lt3A_54 = arith.constant 1250 : i32
      %lt3A_55 = arith.cmpi slt, %add3A_53, %lt3A_54 : i32
      %convert_element_type3A_56 = arith.extui %lt3A_55 : i1 to i32
      %cond3A_57 = arith.constant 0 : i32
      %cond3A_58 = arith.cmpi ne, %convert_element_type3A_56, %cond3A_57 : i32
      scf.if %cond3A_58 {
        %mul3A_79 = arith.constant 128 : i32
        %mul3A_80 = arith.muli %add3A_53, %mul3A_79 : i32
        %multiple_of3A_81 = tpu.assume_multiple %mul3A_80, 128 : i32
        "tpu.region"() ({
          %run_scoped3A = tpu.sem_alloc : memref<!tpu.dma_semaphore, #tpu.memory_space<semaphore_mem>>
          %dma_start3A_88 = arith.constant 0 : i32
          %dma_start3A_89 = tpu.memref_slice %arg3[%dma_start3A_88, %multiple_of3A_81] : memref<2x160000xi32, #tpu.memory_space<hbm>> -> memref<2x128xi32, #tpu.memory_space<hbm>>
          %dma_start3A_90 = arith.constant 0 : i32
          %dma_start3A_91 = tpu.memref_slice %arg3[%dma_start3A_90, %multiple_of3A_81] : memref<2x160000xi32, #tpu.memory_space<hbm>> -> memref<2x128xi32, #tpu.memory_space<hbm>>
          tpu.enqueue_dma source(%dma_start3A_91 : memref<2x128xi32, #tpu.memory_space<hbm>>) target(%arg6 : memref<2x128xi32, #tpu.memory_space<vmem>>) target_semaphore(%run_scoped3A : memref<!tpu.dma_semaphore, #tpu.memory_space<semaphore_mem>>)
          %dma_wait3A = arith.constant 0 : i32
          %dma_wait3A_92 = tpu.memref_slice %arg3[%dma_wait3A, %multiple_of3A_81] : memref<2x160000xi32, #tpu.memory_space<hbm>> -> memref<2x128xi32, #tpu.memory_space<hbm>>
          %dma_wait3A_93 = arith.constant 0 : i32
          %dma_wait3A_94 = tpu.memref_slice %arg3[%dma_wait3A_93, %multiple_of3A_81] : memref<2x160000xi32, #tpu.memory_space<hbm>> -> memref<2x128xi32, #tpu.memory_space<hbm>>
          tpu.wait_dma2 semaphore(%run_scoped3A : memref<!tpu.dma_semaphore, #tpu.memory_space<semaphore_mem>>) src(%dma_wait3A_94 : memref<2x128xi32, #tpu.memory_space<hbm>>) dst(%arg6 : memref<2x128xi32, #tpu.memory_space<vmem>>)
          tpu.yield
        }) : () -> ()
        "tpu.region"() ({
          %run_scoped3A = tpu.sem_alloc : memref<!tpu.dma_semaphore, #tpu.memory_space<semaphore_mem>>
          %dma_start3A_88 = arith.constant 0 : i32
          %dma_start3A_89 = tpu.memref_slice %arg4[%multiple_of3A_81, %dma_start3A_88] : memref<160000x16xf32, #tpu.memory_space<hbm>> -> memref<128x16xf32, #tpu.memory_space<hbm>>
          %dma_start3A_90 = arith.constant 0 : i32
          %dma_start3A_91 = tpu.memref_slice %arg4[%multiple_of3A_81, %dma_start3A_90] : memref<160000x16xf32, #tpu.memory_space<hbm>> -> memref<128x16xf32, #tpu.memory_space<hbm>>
          tpu.enqueue_dma source(%dma_start3A_91 : memref<128x16xf32, #tpu.memory_space<hbm>>) target(%arg10 : memref<128x16xf32, #tpu.memory_space<vmem>>) target_semaphore(%run_scoped3A : memref<!tpu.dma_semaphore, #tpu.memory_space<semaphore_mem>>)
          %dma_wait3A = arith.constant 0 : i32
          %dma_wait3A_92 = tpu.memref_slice %arg4[%multiple_of3A_81, %dma_wait3A] : memref<160000x16xf32, #tpu.memory_space<hbm>> -> memref<128x16xf32, #tpu.memory_space<hbm>>
          %dma_wait3A_93 = arith.constant 0 : i32
          %dma_wait3A_94 = tpu.memref_slice %arg4[%multiple_of3A_81, %dma_wait3A_93] : memref<160000x16xf32, #tpu.memory_space<hbm>> -> memref<128x16xf32, #tpu.memory_space<hbm>>
          tpu.wait_dma2 semaphore(%run_scoped3A : memref<!tpu.dma_semaphore, #tpu.memory_space<semaphore_mem>>) src(%dma_wait3A_94 : memref<128x16xf32, #tpu.memory_space<hbm>>) dst(%arg10 : memref<128x16xf32, #tpu.memory_space<vmem>>)
          tpu.yield
        }) : () -> ()
        %dma_start3A = arith.constant 0 : i32
        %dma_start3A_82 = arith.constant 0 : i32
        %dma_start3A_83 = tpu.memref_slice %arg6[%dma_start3A, %dma_start3A_82] : memref<2x128xi32, #tpu.memory_space<vmem>> -> memref<1x128xi32, #tpu.memory_space<vmem>>
        %dma_start3A_84 = tpu.memref_squeeze %dma_start3A_83 : memref<1x128xi32, #tpu.memory_space<vmem>> -> memref<128xi32, #tpu.memory_space<vmem>>
        %dma_start3A_85 = arith.constant 0 : i32
        %dma_start3A_86 = arith.constant 0 : i32
        %dma_start3A_87 = tpu.memref_slice %arg2[%dma_start3A_85, %dma_start3A_86] : memref<10000x272xf32, #tpu.memory_space<hbm>> -> memref<10000x272xf32, #tpu.memory_space<hbm>>
        tpu.enqueue_indirect_dma source(%dma_start3A_87 : memref<10000x272xf32, #tpu.memory_space<hbm>>) target(%arg8 : memref<128x272xf32, #tpu.memory_space<vmem>>) offsets(%dma_start3A_84 : memref<128xi32, #tpu.memory_space<vmem>>) semaphore(%arg16 : memref<!tpu.dma_semaphore, #tpu.memory_space<semaphore_mem>>)
      } else {
      }
      %add3A_59 = arith.constant 1 : i32
      %add3A_60 = arith.addi %mul3A_40, %add3A_59 : i32
      %mul3A_61 = arith.constant 32 : i32
      %mul3A_62 = arith.muli %add3A_60, %mul3A_61 : i32
      %add3A_63 = arith.addi %add3A, %mul3A_62 : i32
      %lt3A_64 = arith.constant 1250 : i32
      %lt3A_65 = arith.cmpi slt, %add3A_63, %lt3A_64 : i32
      %convert_element_type3A_66 = arith.extui %lt3A_65 : i1 to i32
      %cond3A_67 = arith.constant 0 : i32
      %cond3A_68 = arith.cmpi ne, %convert_element_type3A_66, %cond3A_67 : i32
      scf.if %cond3A_68 {
        %dma_wait3A = arith.constant 0 : i32
        %dma_wait3A_79 = arith.constant 0 : i32
        %dma_wait3A_80 = tpu.memref_slice %arg7[%dma_wait3A, %dma_wait3A_79] : memref<2x128xi32, #tpu.memory_space<vmem>> -> memref<1x128xi32, #tpu.memory_space<vmem>>
        %dma_wait3A_81 = tpu.memref_squeeze %dma_wait3A_80 : memref<1x128xi32, #tpu.memory_space<vmem>> -> memref<128xi32, #tpu.memory_space<vmem>>
        %dma_wait3A_82 = arith.constant 0 : i32
        %dma_wait3A_83 = arith.constant 0 : i32
        %dma_wait3A_84 = tpu.memref_slice %arg2[%dma_wait3A_82, %dma_wait3A_83] : memref<10000x272xf32, #tpu.memory_space<hbm>> -> memref<10000x272xf32, #tpu.memory_space<hbm>>
        tpu.wait_indirect_dma semaphore(%arg17 : memref<!tpu.dma_semaphore, #tpu.memory_space<semaphore_mem>>) src(%dma_wait3A_84 : memref<10000x272xf32, #tpu.memory_space<hbm>>) dst(%arg9 : memref<128x272xf32, #tpu.memory_space<vmem>>)
        %scan3A_85 = arith.constant 0 : i32
        %scan3A_86 = arith.constant 0 : i32
        %scan3A_87 = arith.constant 128 : i32
        %scan3A_88 = arith.addi %scan3A_86, %scan3A_87 : i32
        %scan3A_89 = arith.constant 4 : i32
        scf.for %scan3A_91 = %scan3A_86 to %scan3A_88 step %scan3A_89  : i32 {
          %get3A = arith.index_cast %scan3A_91 : i32 to index
          %get3A_92 = arith.constant 0 : index
          %get3A_93 = tpu.vector_load %arg11[%get3A, %get3A_92] {strides = array<i32>} : memref<128x16xf32, #tpu.memory_space<vmem>>, vector<1x16xf32>,
          %get3A_94 = vector.shape_cast %get3A_93 : vector<1x16xf32> to vector<16xf32>
          %get3A_95 = arith.index_cast %scan3A_91 : i32 to index
          %get3A_96 = arith.constant 256 : index
          %get3A_97 = tpu.vector_load %arg9[%get3A_95, %get3A_96] {strides = array<i32>} : memref<128x272xf32, #tpu.memory_space<vmem>>, vector<1x16xf32>,
          %get3A_98 = vector.shape_cast %get3A_97 : vector<1x16xf32> to vector<16xf32>
          %slice3A = vector.extract_strided_slice %get3A_94 {offsets = [0], sizes = [1], strides = [1]} : vector<16xf32> to vector<1xf32>
          %squeeze3A = vector.extract %slice3A[0] : f32 from vector<1xf32>
          %get3A_99 = arith.index_cast %scan3A_91 : i32 to index
          %get3A_100 = arith.constant 0 : index
          %get3A_101 = tpu.vector_load %arg9[%get3A_99, %get3A_100] {strides = array<i32>} : memref<128x272xf32, #tpu.memory_space<vmem>>, vector<1x16xf32>,
          %get3A_102 = vector.shape_cast %get3A_101 : vector<1x16xf32> to vector<16xf32>
          %mul3A_103 = vector.broadcast %squeeze3A : f32 to vector<16xf32>
          %mul3A_104 = arith.mulf %mul3A_103, %get3A_102 : vector<16xf32>
          %slice3A_105 = vector.extract_strided_slice %get3A_94 {offsets = [1], sizes = [1], strides = [1]} : vector<16xf32> to vector<1xf32>
          %squeeze3A_106 = vector.extract %slice3A_105[0] : f32 from vector<1xf32>
          %get3A_107 = arith.index_cast %scan3A_91 : i32 to index
          %get3A_108 = arith.constant 16 : index
          %get3A_109 = tpu.vector_load %arg9[%get3A_107, %get3A_108] {strides = array<i32>} : memref<128x272xf32, #tpu.memory_space<vmem>>, vector<1x16xf32>,
          %get3A_110 = vector.shape_cast %get3A_109 : vector<1x16xf32> to vector<16xf32>
          %mul3A_111 = vector.broadcast %squeeze3A_106 : f32 to vector<16xf32>
          %mul3A_112 = arith.mulf %mul3A_111, %get3A_110 : vector<16xf32>
          %slice3A_113 = vector.extract_strided_slice %get3A_94 {offsets = [2], sizes = [1], strides = [1]} : vector<16xf32> to vector<1xf32>
          %squeeze3A_114 = vector.extract %slice3A_113[0] : f32 from vector<1xf32>
          %get3A_115 = arith.index_cast %scan3A_91 : i32 to index
          %get3A_116 = arith.constant 32 : index
          %get3A_117 = tpu.vector_load %arg9[%get3A_115, %get3A_116] {strides = array<i32>} : memref<128x272xf32, #tpu.memory_space<vmem>>, vector<1x16xf32>,
          %get3A_118 = vector.shape_cast %get3A_117 : vector<1x16xf32> to vector<16xf32>
          %mul3A_119 = vector.broadcast %squeeze3A_114 : f32 to vector<16xf32>
          %mul3A_120 = arith.mulf %mul3A_119, %get3A_118 : vector<16xf32>
          %slice3A_121 = vector.extract_strided_slice %get3A_94 {offsets = [3], sizes = [1], strides = [1]} : vector<16xf32> to vector<1xf32>
          %squeeze3A_122 = vector.extract %slice3A_121[0] : f32 from vector<1xf32>
          %get3A_123 = arith.index_cast %scan3A_91 : i32 to index
          %get3A_124 = arith.constant 48 : index
          %get3A_125 = tpu.vector_load %arg9[%get3A_123, %get3A_124] {strides = array<i32>} : memref<128x272xf32, #tpu.memory_space<vmem>>, vector<1x16xf32>,
          %get3A_126 = vector.shape_cast %get3A_125 : vector<1x16xf32> to vector<16xf32>
          %mul3A_127 = vector.broadcast %squeeze3A_122 : f32 to vector<16xf32>
          %mul3A_128 = arith.mulf %mul3A_127, %get3A_126 : vector<16xf32>
          %add3A_129 = arith.addf %get3A_98, %mul3A_128 : vector<16xf32>
          %slice3A_130 = vector.extract_strided_slice %get3A_94 {offsets = [4], sizes = [1], strides = [1]} : vector<16xf32> to vector<1xf32>
          %squeeze3A_131 = vector.extract %slice3A_130[0] : f32 from vector<1xf32>
          %get3A_132 = arith.index_cast %scan3A_91 : i32 to index
          %get3A_133 = arith.constant 64 : index
          %get3A_134 = tpu.vector_load %arg9[%get3A_132, %get3A_133] {strides = array<i32>} : memref<128x272xf32, #tpu.memory_space<vmem>>, vector<1x16xf32>,
          %get3A_135 = vector.shape_cast %get3A_134 : vector<1x16xf32> to vector<16xf32>
          %mul3A_136 = vector.broadcast %squeeze3A_131 : f32 to vector<16xf32>
          %mul3A_137 = arith.mulf %mul3A_136, %get3A_135 : vector<16xf32>
          %add3A_138 = arith.addf %mul3A_104, %mul3A_137 : vector<16xf32>
          %slice3A_139 = vector.extract_strided_slice %get3A_94 {offsets = [5], sizes = [1], strides = [1]} : vector<16xf32> to vector<1xf32>
          %squeeze3A_140 = vector.extract %slice3A_139[0] : f32 from vector<1xf32>
          %get3A_141 = arith.index_cast %scan3A_91 : i32 to index
          %get3A_142 = arith.constant 80 : index
          %get3A_143 = tpu.vector_load %arg9[%get3A_141, %get3A_142] {strides = array<i32>} : memref<128x272xf32, #tpu.memory_space<vmem>>, vector<1x16xf32>,
          %get3A_144 = vector.shape_cast %get3A_143 : vector<1x16xf32> to vector<16xf32>
          %mul3A_145 = vector.broadcast %squeeze3A_140 : f32 to vector<16xf32>
          %mul3A_146 = arith.mulf %mul3A_145, %get3A_144 : vector<16xf32>
          %add3A_147 = arith.addf %mul3A_112, %mul3A_146 : vector<16xf32>
          %slice3A_148 = vector.extract_strided_slice %get3A_94 {offsets = [6], sizes = [1], strides = [1]} : vector<16xf32> to vector<1xf32>
          %squeeze3A_149 = vector.extract %slice3A_148[0] : f32 from vector<1xf32>
          %get3A_150 = arith.index_cast %scan3A_91 : i32 to index
          %get3A_151 = arith.constant 96 : index
          %get3A_152 = tpu.vector_load %arg9[%get3A_150, %get3A_151] {strides = array<i32>} : memref<128x272xf32, #tpu.memory_space<vmem>>, vector<1x16xf32>,
          %get3A_153 = vector.shape_cast %get3A_152 : vector<1x16xf32> to vector<16xf32>
          %mul3A_154 = vector.broadcast %squeeze3A_149 : f32 to vector<16xf32>
          %mul3A_155 = arith.mulf %mul3A_154, %get3A_153 : vector<16xf32>
          %add3A_156 = arith.addf %mul3A_120, %mul3A_155 : vector<16xf32>
          %slice3A_157 = vector.extract_strided_slice %get3A_94 {offsets = [7], sizes = [1], strides = [1]} : vector<16xf32> to vector<1xf32>
          %squeeze3A_158 = vector.extract %slice3A_157[0] : f32 from vector<1xf32>
          %get3A_159 = arith.index_cast %scan3A_91 : i32 to index
          %get3A_160 = arith.constant 112 : index
          %get3A_161 = tpu.vector_load %arg9[%get3A_159, %get3A_160] {strides = array<i32>} : memref<128x272xf32, #tpu.memory_space<vmem>>, vector<1x16xf32>,
          %get3A_162 = vector.shape_cast %get3A_161 : vector<1x16xf32> to vector<16xf32>
          %mul3A_163 = vector.broadcast %squeeze3A_158 : f32 to vector<16xf32>
          %mul3A_164 = arith.mulf %mul3A_163, %get3A_162 : vector<16xf32>
          %add3A_165 = arith.addf %add3A_129, %mul3A_164 : vector<16xf32>
          %slice3A_166 = vector.extract_strided_slice %get3A_94 {offsets = [8], sizes = [1], strides = [1]} : vector<16xf32> to vector<1xf32>
          %squeeze3A_167 = vector.extract %slice3A_166[0] : f32 from vector<1xf32>
          %get3A_168 = arith.index_cast %scan3A_91 : i32 to index
          %get3A_169 = arith.constant 128 : index
          %get3A_170 = tpu.vector_load %arg9[%get3A_168, %get3A_169] {strides = array<i32>} : memref<128x272xf32, #tpu.memory_space<vmem>>, vector<1x16xf32>,
          %get3A_171 = vector.shape_cast %get3A_170 : vector<1x16xf32> to vector<16xf32>
          %mul3A_172 = vector.broadcast %squeeze3A_167 : f32 to vector<16xf32>
          %mul3A_173 = arith.mulf %mul3A_172, %get3A_171 : vector<16xf32>
          %add3A_174 = arith.addf %add3A_138, %mul3A_173 : vector<16xf32>
          %slice3A_175 = vector.extract_strided_slice %get3A_94 {offsets = [9], sizes = [1], strides = [1]} : vector<16xf32> to vector<1xf32>
          %squeeze3A_176 = vector.extract %slice3A_175[0] : f32 from vector<1xf32>
          %get3A_177 = arith.index_cast %scan3A_91 : i32 to index
          %get3A_178 = arith.constant 144 : index
          %get3A_179 = tpu.vector_load %arg9[%get3A_177, %get3A_178] {strides = array<i32>} : memref<128x272xf32, #tpu.memory_space<vmem>>, vector<1x16xf32>,
          %get3A_180 = vector.shape_cast %get3A_179 : vector<1x16xf32> to vector<16xf32>
          %mul3A_181 = vector.broadcast %squeeze3A_176 : f32 to vector<16xf32>
          %mul3A_182 = arith.mulf %mul3A_181, %get3A_180 : vector<16xf32>
          %add3A_183 = arith.addf %add3A_147, %mul3A_182 : vector<16xf32>
          %slice3A_184 = vector.extract_strided_slice %get3A_94 {offsets = [10], sizes = [1], strides = [1]} : vector<16xf32> to vector<1xf32>
          %squeeze3A_185 = vector.extract %slice3A_184[0] : f32 from vector<1xf32>
          %get3A_186 = arith.index_cast %scan3A_91 : i32 to index
          %get3A_187 = arith.constant 160 : index
          %get3A_188 = tpu.vector_load %arg9[%get3A_186, %get3A_187] {strides = array<i32>} : memref<128x272xf32, #tpu.memory_space<vmem>>, vector<1x16xf32>,
          %get3A_189 = vector.shape_cast %get3A_188 : vector<1x16xf32> to vector<16xf32>
          %mul3A_190 = vector.broadcast %squeeze3A_185 : f32 to vector<16xf32>
          %mul3A_191 = arith.mulf %mul3A_190, %get3A_189 : vector<16xf32>
          %add3A_192 = arith.addf %add3A_156, %mul3A_191 : vector<16xf32>
          %slice3A_193 = vector.extract_strided_slice %get3A_94 {offsets = [11], sizes = [1], strides = [1]} : vector<16xf32> to vector<1xf32>
          %squeeze3A_194 = vector.extract %slice3A_193[0] : f32 from vector<1xf32>
          %get3A_195 = arith.index_cast %scan3A_91 : i32 to index
          %get3A_196 = arith.constant 176 : index
          %get3A_197 = tpu.vector_load %arg9[%get3A_195, %get3A_196] {strides = array<i32>} : memref<128x272xf32, #tpu.memory_space<vmem>>, vector<1x16xf32>,
          %get3A_198 = vector.shape_cast %get3A_197 : vector<1x16xf32> to vector<16xf32>
          %mul3A_199 = vector.broadcast %squeeze3A_194 : f32 to vector<16xf32>
          %mul3A_200 = arith.mulf %mul3A_199, %get3A_198 : vector<16xf32>
          %add3A_201 = arith.addf %add3A_165, %mul3A_200 : vector<16xf32>
          %slice3A_202 = vector.extract_strided_slice %get3A_94 {offsets = [12], sizes = [1], strides = [1]} : vector<16xf32> to vector<1xf32>
          %squeeze3A_203 = vector.extract %slice3A_202[0] : f32 from vector<1xf32>
          %get3A_204 = arith.index_cast %scan3A_91 : i32 to index
          %get3A_205 = arith.constant 192 : index
          %get3A_206 = tpu.vector_load %arg9[%get3A_204, %get3A_205] {strides = array<i32>} : memref<128x272xf32, #tpu.memory_space<vmem>>, vector<1x16xf32>,
          %get3A_207 = vector.shape_cast %get3A_206 : vector<1x16xf32> to vector<16xf32>
          %mul3A_208 = vector.broadcast %squeeze3A_203 : f32 to vector<16xf32>
          %mul3A_209 = arith.mulf %mul3A_208, %get3A_207 : vector<16xf32>
          %add3A_210 = arith.addf %add3A_174, %mul3A_209 : vector<16xf32>
          %slice3A_211 = vector.extract_strided_slice %get3A_94 {offsets = [13], sizes = [1], strides = [1]} : vector<16xf32> to vector<1xf32>
          %squeeze3A_212 = vector.extract %slice3A_211[0] : f32 from vector<1xf32>
          %get3A_213 = arith.index_cast %scan3A_91 : i32 to index
          %get3A_214 = arith.constant 208 : index
          %get3A_215 = tpu.vector_load %arg9[%get3A_213, %get3A_214] {strides = array<i32>} : memref<128x272xf32, #tpu.memory_space<vmem>>, vector<1x16xf32>,
          %get3A_216 = vector.shape_cast %get3A_215 : vector<1x16xf32> to vector<16xf32>
          %mul3A_217 = vector.broadcast %squeeze3A_212 : f32 to vector<16xf32>
          %mul3A_218 = arith.mulf %mul3A_217, %get3A_216 : vector<16xf32>
          %add3A_219 = arith.addf %add3A_183, %mul3A_218 : vector<16xf32>
          %slice3A_220 = vector.extract_strided_slice %get3A_94 {offsets = [14], sizes = [1], strides = [1]} : vector<16xf32> to vector<1xf32>
          %squeeze3A_221 = vector.extract %slice3A_220[0] : f32 from vector<1xf32>
          %get3A_222 = arith.index_cast %scan3A_91 : i32 to index
          %get3A_223 = arith.constant 224 : index
          %get3A_224 = tpu.vector_load %arg9[%get3A_222, %get3A_223] {strides = array<i32>} : memref<128x272xf32, #tpu.memory_space<vmem>>, vector<1x16xf32>,
          %get3A_225 = vector.shape_cast %get3A_224 : vector<1x16xf32> to vector<16xf32>
          %mul3A_226 = vector.broadcast %squeeze3A_221 : f32 to vector<16xf32>
          %mul3A_227 = arith.mulf %mul3A_226, %get3A_225 : vector<16xf32>
          %add3A_228 = arith.addf %add3A_192, %mul3A_227 : vector<16xf32>
          %slice3A_229 = vector.extract_strided_slice %get3A_94 {offsets = [15], sizes = [1], strides = [1]} : vector<16xf32> to vector<1xf32>
          %squeeze3A_230 = vector.extract %slice3A_229[0] : f32 from vector<1xf32>
          %get3A_231 = arith.index_cast %scan3A_91 : i32 to index
          %get3A_232 = arith.constant 240 : index
          %get3A_233 = tpu.vector_load %arg9[%get3A_231, %get3A_232] {strides = array<i32>} : memref<128x272xf32, #tpu.memory_space<vmem>>, vector<1x16xf32>,
          %get3A_234 = vector.shape_cast %get3A_233 : vector<1x16xf32> to vector<16xf32>
          %mul3A_235 = vector.broadcast %squeeze3A_230 : f32 to vector<16xf32>
          %mul3A_236 = arith.mulf %mul3A_235, %get3A_234 : vector<16xf32>
          %add3A_237 = arith.addf %add3A_201, %mul3A_236 : vector<16xf32>
          %add3A_238 = arith.addf %add3A_237, %add3A_210 : vector<16xf32>
          %add3A_239 = arith.addf %add3A_219, %add3A_228 : vector<16xf32>
          %add3A_240 = arith.addf %add3A_238, %add3A_239 : vector<16xf32>
          %swap3A = arith.index_cast %scan3A_91 : i32 to index
          %swap3A_241 = arith.constant 0 : index
          %swap3A_242 = tpu.vector_load %arg13[%swap3A, %swap3A_241] {strides = array<i32>} : memref<128x32xf32, #tpu.memory_space<vmem>>, vector<1x16xf32>,
          %swap3A_243 = vector.shape_cast %swap3A_242 : vector<1x16xf32> to vector<16xf32>
          %swap3A_244 = vector.shape_cast %add3A_240 : vector<16xf32> to vector<1x16xf32>
          tpu.vector_store %arg13[%swap3A, %swap3A_241], %swap3A_244 {strides = array<i32>} : memref<128x32xf32, #tpu.memory_space<vmem>>, vector<1x16xf32>,
          %scan3A_245 = arith.constant 1 : i32
          %scan3A_246 = arith.addi %scan3A_91, %scan3A_245 : i32
          %get3A_247 = arith.index_cast %scan3A_246 : i32 to index
          %get3A_248 = arith.constant 0 : index
          %get3A_249 = tpu.vector_load %arg11[%get3A_247, %get3A_248] {strides = array<i32>} : memref<128x16xf32, #tpu.memory_space<vmem>>, vector<1x16xf32>,
          %get3A_250 = vector.shape_cast %get3A_249 : vector<1x16xf32> to vector<16xf32>
          %get3A_251 = arith.index_cast %scan3A_246 : i32 to index
          %get3A_252 = arith.constant 256 : index
          %get3A_253 = tpu.vector_load %arg9[%get3A_251, %get3A_252] {strides = array<i32>} : memref<128x272xf32, #tpu.memory_space<vmem>>, vector<1x16xf32>,
          %get3A_254 = vector.shape_cast %get3A_253 : vector<1x16xf32> to vector<16xf32>
          %slice3A_255 = vector.extract_strided_slice %get3A_250 {offsets = [0], sizes = [1], strides = [1]} : vector<16xf32> to vector<1xf32>
          %squeeze3A_256 = vector.extract %slice3A_255[0] : f32 from vector<1xf32>
          %get3A_257 = arith.index_cast %scan3A_246 : i32 to index
          %get3A_258 = arith.constant 0 : index
          %get3A_259 = tpu.vector_load %arg9[%get3A_257, %get3A_258] {strides = array<i32>} : memref<128x272xf32, #tpu.memory_space<vmem>>, vector<1x16xf32>,
          %get3A_260 = vector.shape_cast %get3A_259 : vector<1x16xf32> to vector<16xf32>
          %mul3A_261 = vector.broadcast %squeeze3A_256 : f32 to vector<16xf32>
          %mul3A_262 = arith.mulf %mul3A_261, %get3A_260 : vector<16xf32>
          %slice3A_263 = vector.extract_strided_slice %get3A_250 {offsets = [1], sizes = [1], strides = [1]} : vector<16xf32> to vector<1xf32>
          %squeeze3A_264 = vector.extract %slice3A_263[0] : f32 from vector<1xf32>
          %get3A_265 = arith.index_cast %scan3A_246 : i32 to index
          %get3A_266 = arith.constant 16 : index
          %get3A_267 = tpu.vector_load %arg9[%get3A_265, %get3A_266] {strides = array<i32>} : memref<128x272xf32, #tpu.memory_space<vmem>>, vector<1x16xf32>,
          %get3A_268 = vector.shape_cast %get3A_267 : vector<1x16xf32> to vector<16xf32>
          %mul3A_269 = vector.broadcast %squeeze3A_264 : f32 to vector<16xf32>
          %mul3A_270 = arith.mulf %mul3A_269, %get3A_268 : vector<16xf32>
          %slice3A_271 = vector.extract_strided_slice %get3A_250 {offsets = [2], sizes = [1], strides = [1]} : vector<16xf32> to vector<1xf32>
          %squeeze3A_272 = vector.extract %slice3A_271[0] : f32 from vector<1xf32>
          %get3A_273 = arith.index_cast %scan3A_246 : i32 to index
          %get3A_274 = arith.constant 32 : index
          %get3A_275 = tpu.vector_load %arg9[%get3A_273, %get3A_274] {strides = array<i32>} : memref<128x272xf32, #tpu.memory_space<vmem>>, vector<1x16xf32>,
          %get3A_276 = vector.shape_cast %get3A_275 : vector<1x16xf32> to vector<16xf32>
          %mul3A_277 = vector.broadcast %squeeze3A_272 : f32 to vector<16xf32>
          %mul3A_278 = arith.mulf %mul3A_277, %get3A_276 : vector<16xf32>
          %slice3A_279 = vector.extract_strided_slice %get3A_250 {offsets = [3], sizes = [1], strides = [1]} : vector<16xf32> to vector<1xf32>
          %squeeze3A_280 = vector.extract %slice3A_279[0] : f32 from vector<1xf32>
          %get3A_281 = arith.index_cast %scan3A_246 : i32 to index
          %get3A_282 = arith.constant 48 : index
          %get3A_283 = tpu.vector_load %arg9[%get3A_281, %get3A_282] {strides = array<i32>} : memref<128x272xf32, #tpu.memory_space<vmem>>, vector<1x16xf32>,
          %get3A_284 = vector.shape_cast %get3A_283 : vector<1x16xf32> to vector<16xf32>
          %mul3A_285 = vector.broadcast %squeeze3A_280 : f32 to vector<16xf32>
          %mul3A_286 = arith.mulf %mul3A_285, %get3A_284 : vector<16xf32>
          %add3A_287 = arith.addf %get3A_254, %mul3A_286 : vector<16xf32>
          %slice3A_288 = vector.extract_strided_slice %get3A_250 {offsets = [4], sizes = [1], strides = [1]} : vector<16xf32> to vector<1xf32>
          %squeeze3A_289 = vector.extract %slice3A_288[0] : f32 from vector<1xf32>
          %get3A_290 = arith.index_cast %scan3A_246 : i32 to index
          %get3A_291 = arith.constant 64 : index
          %get3A_292 = tpu.vector_load %arg9[%get3A_290, %get3A_291] {strides = array<i32>} : memref<128x272xf32, #tpu.memory_space<vmem>>, vector<1x16xf32>,
          %get3A_293 = vector.shape_cast %get3A_292 : vector<1x16xf32> to vector<16xf32>
          %mul3A_294 = vector.broadcast %squeeze3A_289 : f32 to vector<16xf32>
          %mul3A_295 = arith.mulf %mul3A_294, %get3A_293 : vector<16xf32>
          %add3A_296 = arith.addf %mul3A_262, %mul3A_295 : vector<16xf32>
          %slice3A_297 = vector.extract_strided_slice %get3A_250 {offsets = [5], sizes = [1], strides = [1]} : vector<16xf32> to vector<1xf32>
          %squeeze3A_298 = vector.extract %slice3A_297[0] : f32 from vector<1xf32>
          %get3A_299 = arith.index_cast %scan3A_246 : i32 to index
          %get3A_300 = arith.constant 80 : index
          %get3A_301 = tpu.vector_load %arg9[%get3A_299, %get3A_300] {strides = array<i32>} : memref<128x272xf32, #tpu.memory_space<vmem>>, vector<1x16xf32>,
          %get3A_302 = vector.shape_cast %get3A_301 : vector<1x16xf32> to vector<16xf32>
          %mul3A_303 = vector.broadcast %squeeze3A_298 : f32 to vector<16xf32>
          %mul3A_304 = arith.mulf %mul3A_303, %get3A_302 : vector<16xf32>
          %add3A_305 = arith.addf %mul3A_270, %mul3A_304 : vector<16xf32>
          %slice3A_306 = vector.extract_strided_slice %get3A_250 {offsets = [6], sizes = [1], strides = [1]} : vector<16xf32> to vector<1xf32>
          %squeeze3A_307 = vector.extract %slice3A_306[0] : f32 from vector<1xf32>
          %get3A_308 = arith.index_cast %scan3A_246 : i32 to index
          %get3A_309 = arith.constant 96 : index
          %get3A_310 = tpu.vector_load %arg9[%get3A_308, %get3A_309] {strides = array<i32>} : memref<128x272xf32, #tpu.memory_space<vmem>>, vector<1x16xf32>,
          %get3A_311 = vector.shape_cast %get3A_310 : vector<1x16xf32> to vector<16xf32>
          %mul3A_312 = vector.broadcast %squeeze3A_307 : f32 to vector<16xf32>
          %mul3A_313 = arith.mulf %mul3A_312, %get3A_311 : vector<16xf32>
          %add3A_314 = arith.addf %mul3A_278, %mul3A_313 : vector<16xf32>
          %slice3A_315 = vector.extract_strided_slice %get3A_250 {offsets = [7], sizes = [1], strides = [1]} : vector<16xf32> to vector<1xf32>
          %squeeze3A_316 = vector.extract %slice3A_315[0] : f32 from vector<1xf32>
          %get3A_317 = arith.index_cast %scan3A_246 : i32 to index
          %get3A_318 = arith.constant 112 : index
          %get3A_319 = tpu.vector_load %arg9[%get3A_317, %get3A_318] {strides = array<i32>} : memref<128x272xf32, #tpu.memory_space<vmem>>, vector<1x16xf32>,
          %get3A_320 = vector.shape_cast %get3A_319 : vector<1x16xf32> to vector<16xf32>
          %mul3A_321 = vector.broadcast %squeeze3A_316 : f32 to vector<16xf32>
          %mul3A_322 = arith.mulf %mul3A_321, %get3A_320 : vector<16xf32>
          %add3A_323 = arith.addf %add3A_287, %mul3A_322 : vector<16xf32>
          %slice3A_324 = vector.extract_strided_slice %get3A_250 {offsets = [8], sizes = [1], strides = [1]} : vector<16xf32> to vector<1xf32>
          %squeeze3A_325 = vector.extract %slice3A_324[0] : f32 from vector<1xf32>
          %get3A_326 = arith.index_cast %scan3A_246 : i32 to index
          %get3A_327 = arith.constant 128 : index
          %get3A_328 = tpu.vector_load %arg9[%get3A_326, %get3A_327] {strides = array<i32>} : memref<128x272xf32, #tpu.memory_space<vmem>>, vector<1x16xf32>,
          %get3A_329 = vector.shape_cast %get3A_328 : vector<1x16xf32> to vector<16xf32>
          %mul3A_330 = vector.broadcast %squeeze3A_325 : f32 to vector<16xf32>
          %mul3A_331 = arith.mulf %mul3A_330, %get3A_329 : vector<16xf32>
          %add3A_332 = arith.addf %add3A_296, %mul3A_331 : vector<16xf32>
          %slice3A_333 = vector.extract_strided_slice %get3A_250 {offsets = [9], sizes = [1], strides = [1]} : vector<16xf32> to vector<1xf32>
          %squeeze3A_334 = vector.extract %slice3A_333[0] : f32 from vector<1xf32>
          %get3A_335 = arith.index_cast %scan3A_246 : i32 to index
          %get3A_336 = arith.constant 144 : index
          %get3A_337 = tpu.vector_load %arg9[%get3A_335, %get3A_336] {strides = array<i32>} : memref<128x272xf32, #tpu.memory_space<vmem>>, vector<1x16xf32>,
          %get3A_338 = vector.shape_cast %get3A_337 : vector<1x16xf32> to vector<16xf32>
          %mul3A_339 = vector.broadcast %squeeze3A_334 : f32 to vector<16xf32>
          %mul3A_340 = arith.mulf %mul3A_339, %get3A_338 : vector<16xf32>
          %add3A_341 = arith.addf %add3A_305, %mul3A_340 : vector<16xf32>
          %slice3A_342 = vector.extract_strided_slice %get3A_250 {offsets = [10], sizes = [1], strides = [1]} : vector<16xf32> to vector<1xf32>
          %squeeze3A_343 = vector.extract %slice3A_342[0] : f32 from vector<1xf32>
          %get3A_344 = arith.index_cast %scan3A_246 : i32 to index
          %get3A_345 = arith.constant 160 : index
          %get3A_346 = tpu.vector_load %arg9[%get3A_344, %get3A_345] {strides = array<i32>} : memref<128x272xf32, #tpu.memory_space<vmem>>, vector<1x16xf32>,
          %get3A_347 = vector.shape_cast %get3A_346 : vector<1x16xf32> to vector<16xf32>
          %mul3A_348 = vector.broadcast %squeeze3A_343 : f32 to vector<16xf32>
          %mul3A_349 = arith.mulf %mul3A_348, %get3A_347 : vector<16xf32>
          %add3A_350 = arith.addf %add3A_314, %mul3A_349 : vector<16xf32>
          %slice3A_351 = vector.extract_strided_slice %get3A_250 {offsets = [11], sizes = [1], strides = [1]} : vector<16xf32> to vector<1xf32>
          %squeeze3A_352 = vector.extract %slice3A_351[0] : f32 from vector<1xf32>
          %get3A_353 = arith.index_cast %scan3A_246 : i32 to index
          %get3A_354 = arith.constant 176 : index
          %get3A_355 = tpu.vector_load %arg9[%get3A_353, %get3A_354] {strides = array<i32>} : memref<128x272xf32, #tpu.memory_space<vmem>>, vector<1x16xf32>,
          %get3A_356 = vector.shape_cast %get3A_355 : vector<1x16xf32> to vector<16xf32>
          %mul3A_357 = vector.broadcast %squeeze3A_352 : f32 to vector<16xf32>
          %mul3A_358 = arith.mulf %mul3A_357, %get3A_356 : vector<16xf32>
          %add3A_359 = arith.addf %add3A_323, %mul3A_358 : vector<16xf32>
          %slice3A_360 = vector.extract_strided_slice %get3A_250 {offsets = [12], sizes = [1], strides = [1]} : vector<16xf32> to vector<1xf32>
          %squeeze3A_361 = vector.extract %slice3A_360[0] : f32 from vector<1xf32>
          %get3A_362 = arith.index_cast %scan3A_246 : i32 to index
          %get3A_363 = arith.constant 192 : index
          %get3A_364 = tpu.vector_load %arg9[%get3A_362, %get3A_363] {strides = array<i32>} : memref<128x272xf32, #tpu.memory_space<vmem>>, vector<1x16xf32>,
          %get3A_365 = vector.shape_cast %get3A_364 : vector<1x16xf32> to vector<16xf32>
          %mul3A_366 = vector.broadcast %squeeze3A_361 : f32 to vector<16xf32>
          %mul3A_367 = arith.mulf %mul3A_366, %get3A_365 : vector<16xf32>
          %add3A_368 = arith.addf %add3A_332, %mul3A_367 : vector<16xf32>
          %slice3A_369 = vector.extract_strided_slice %get3A_250 {offsets = [13], sizes = [1], strides = [1]} : vector<16xf32> to vector<1xf32>
          %squeeze3A_370 = vector.extract %slice3A_369[0] : f32 from vector<1xf32>
          %get3A_371 = arith.index_cast %scan3A_246 : i32 to index
          %get3A_372 = arith.constant 208 : index
          %get3A_373 = tpu.vector_load %arg9[%get3A_371, %get3A_372] {strides = array<i32>} : memref<128x272xf32, #tpu.memory_space<vmem>>, vector<1x16xf32>,
          %get3A_374 = vector.shape_cast %get3A_373 : vector<1x16xf32> to vector<16xf32>
          %mul3A_375 = vector.broadcast %squeeze3A_370 : f32 to vector<16xf32>
          %mul3A_376 = arith.mulf %mul3A_375, %get3A_374 : vector<16xf32>
          %add3A_377 = arith.addf %add3A_341, %mul3A_376 : vector<16xf32>
          %slice3A_378 = vector.extract_strided_slice %get3A_250 {offsets = [14], sizes = [1], strides = [1]} : vector<16xf32> to vector<1xf32>
          %squeeze3A_379 = vector.extract %slice3A_378[0] : f32 from vector<1xf32>
          %get3A_380 = arith.index_cast %scan3A_246 : i32 to index
          %get3A_381 = arith.constant 224 : index
          %get3A_382 = tpu.vector_load %arg9[%get3A_380, %get3A_381] {strides = array<i32>} : memref<128x272xf32, #tpu.memory_space<vmem>>, vector<1x16xf32>,
          %get3A_383 = vector.shape_cast %get3A_382 : vector<1x16xf32> to vector<16xf32>
          %mul3A_384 = vector.broadcast %squeeze3A_379 : f32 to vector<16xf32>
          %mul3A_385 = arith.mulf %mul3A_384, %get3A_383 : vector<16xf32>
          %add3A_386 = arith.addf %add3A_350, %mul3A_385 : vector<16xf32>
          %slice3A_387 = vector.extract_strided_slice %get3A_250 {offsets = [15], sizes = [1], strides = [1]} : vector<16xf32> to vector<1xf32>
          %squeeze3A_388 = vector.extract %slice3A_387[0] : f32 from vector<1xf32>
          %get3A_389 = arith.index_cast %scan3A_246 : i32 to index
          %get3A_390 = arith.constant 240 : index
          %get3A_391 = tpu.vector_load %arg9[%get3A_389, %get3A_390] {strides = array<i32>} : memref<128x272xf32, #tpu.memory_space<vmem>>, vector<1x16xf32>,
          %get3A_392 = vector.shape_cast %get3A_391 : vector<1x16xf32> to vector<16xf32>
          %mul3A_393 = vector.broadcast %squeeze3A_388 : f32 to vector<16xf32>
          %mul3A_394 = arith.mulf %mul3A_393, %get3A_392 : vector<16xf32>
          %add3A_395 = arith.addf %add3A_359, %mul3A_394 : vector<16xf32>
          %add3A_396 = arith.addf %add3A_395, %add3A_368 : vector<16xf32>
          %add3A_397 = arith.addf %add3A_377, %add3A_386 : vector<16xf32>
          %add3A_398 = arith.addf %add3A_396, %add3A_397 : vector<16xf32>
          %swap3A_399 = arith.index_cast %scan3A_246 : i32 to index
          %swap3A_400 = arith.constant 0 : index
          %swap3A_401 = tpu.vector_load %arg13[%swap3A_399, %swap3A_400] {strides = array<i32>} : memref<128x32xf32, #tpu.memory_space<vmem>>, vector<1x16xf32>,
          %swap3A_402 = vector.shape_cast %swap3A_401 : vector<1x16xf32> to vector<16xf32>
          %swap3A_403 = vector.shape_cast %add3A_398 : vector<16xf32> to vector<1x16xf32>
          tpu.vector_store %arg13[%swap3A_399, %swap3A_400], %swap3A_403 {strides = array<i32>} : memref<128x32xf32, #tpu.memory_space<vmem>>, vector<1x16xf32>,
          %scan3A_404 = arith.constant 2 : i32
          %scan3A_405 = arith.addi %scan3A_91, %scan3A_404 : i32
          %get3A_406 = arith.index_cast %scan3A_405 : i32 to index
          %get3A_407 = arith.constant 0 : index
          %get3A_408 = tpu.vector_load %arg11[%get3A_406, %get3A_407] {strides = array<i32>} : memref<128x16xf32, #tpu.memory_space<vmem>>, vector<1x16xf32>,
          %get3A_409 = vector.shape_cast %get3A_408 : vector<1x16xf32> to vector<16xf32>
          %get3A_410 = arith.index_cast %scan3A_405 : i32 to index
          %get3A_411 = arith.constant 256 : index
          %get3A_412 = tpu.vector_load %arg9[%get3A_410, %get3A_411] {strides = array<i32>} : memref<128x272xf32, #tpu.memory_space<vmem>>, vector<1x16xf32>,
          %get3A_413 = vector.shape_cast %get3A_412 : vector<1x16xf32> to vector<16xf32>
          %slice3A_414 = vector.extract_strided_slice %get3A_409 {offsets = [0], sizes = [1], strides = [1]} : vector<16xf32> to vector<1xf32>
          %squeeze3A_415 = vector.extract %slice3A_414[0] : f32 from vector<1xf32>
          %get3A_416 = arith.index_cast %scan3A_405 : i32 to index
          %get3A_417 = arith.constant 0 : index
          %get3A_418 = tpu.vector_load %arg9[%get3A_416, %get3A_417] {strides = array<i32>} : memref<128x272xf32, #tpu.memory_space<vmem>>, vector<1x16xf32>,
          %get3A_419 = vector.shape_cast %get3A_418 : vector<1x16xf32> to vector<16xf32>
          %mul3A_420 = vector.broadcast %squeeze3A_415 : f32 to vector<16xf32>
          %mul3A_421 = arith.mulf %mul3A_420, %get3A_419 : vector<16xf32>
          %slice3A_422 = vector.extract_strided_slice %get3A_409 {offsets = [1], sizes = [1], strides = [1]} : vector<16xf32> to vector<1xf32>
          %squeeze3A_423 = vector.extract %slice3A_422[0] : f32 from vector<1xf32>
          %get3A_424 = arith.index_cast %scan3A_405 : i32 to index
          %get3A_425 = arith.constant 16 : index
          %get3A_426 = tpu.vector_load %arg9[%get3A_424, %get3A_425] {strides = array<i32>} : memref<128x272xf32, #tpu.memory_space<vmem>>, vector<1x16xf32>,
          %get3A_427 = vector.shape_cast %get3A_426 : vector<1x16xf32> to vector<16xf32>
          %mul3A_428 = vector.broadcast %squeeze3A_423 : f32 to vector<16xf32>
          %mul3A_429 = arith.mulf %mul3A_428, %get3A_427 : vector<16xf32>
          %slice3A_430 = vector.extract_strided_slice %get3A_409 {offsets = [2], sizes = [1], strides = [1]} : vector<16xf32> to vector<1xf32>
          %squeeze3A_431 = vector.extract %slice3A_430[0] : f32 from vector<1xf32>
          %get3A_432 = arith.index_cast %scan3A_405 : i32 to index
          %get3A_433 = arith.constant 32 : index
          %get3A_434 = tpu.vector_load %arg9[%get3A_432, %get3A_433] {strides = array<i32>} : memref<128x272xf32, #tpu.memory_space<vmem>>, vector<1x16xf32>,
          %get3A_435 = vector.shape_cast %get3A_434 : vector<1x16xf32> to vector<16xf32>
          %mul3A_436 = vector.broadcast %squeeze3A_431 : f32 to vector<16xf32>
          %mul3A_437 = arith.mulf %mul3A_436, %get3A_435 : vector<16xf32>
          %slice3A_438 = vector.extract_strided_slice %get3A_409 {offsets = [3], sizes = [1], strides = [1]} : vector<16xf32> to vector<1xf32>
          %squeeze3A_439 = vector.extract %slice3A_438[0] : f32 from vector<1xf32>
          %get3A_440 = arith.index_cast %scan3A_405 : i32 to index
          %get3A_441 = arith.constant 48 : index
          %get3A_442 = tpu.vector_load %arg9[%get3A_440, %get3A_441] {strides = array<i32>} : memref<128x272xf32, #tpu.memory_space<vmem>>, vector<1x16xf32>,
          %get3A_443 = vector.shape_cast %get3A_442 : vector<1x16xf32> to vector<16xf32>
          %mul3A_444 = vector.broadcast %squeeze3A_439 : f32 to vector<16xf32>
          %mul3A_445 = arith.mulf %mul3A_444, %get3A_443 : vector<16xf32>
          %add3A_446 = arith.addf %get3A_413, %mul3A_445 : vector<16xf32>
          %slice3A_447 = vector.extract_strided_slice %get3A_409 {offsets = [4], sizes = [1], strides = [1]} : vector<16xf32> to vector<1xf32>
          %squeeze3A_448 = vector.extract %slice3A_447[0] : f32 from vector<1xf32>
          %get3A_449 = arith.index_cast %scan3A_405 : i32 to index
          %get3A_450 = arith.constant 64 : index
          %get3A_451 = tpu.vector_load %arg9[%get3A_449, %get3A_450] {strides = array<i32>} : memref<128x272xf32, #tpu.memory_space<vmem>>, vector<1x16xf32>,
          %get3A_452 = vector.shape_cast %get3A_451 : vector<1x16xf32> to vector<16xf32>
          %mul3A_453 = vector.broadcast %squeeze3A_448 : f32 to vector<16xf32>
          %mul3A_454 = arith.mulf %mul3A_453, %get3A_452 : vector<16xf32>
          %add3A_455 = arith.addf %mul3A_421, %mul3A_454 : vector<16xf32>
          %slice3A_456 = vector.extract_strided_slice %get3A_409 {offsets = [5], sizes = [1], strides = [1]} : vector<16xf32> to vector<1xf32>
          %squeeze3A_457 = vector.extract %slice3A_456[0] : f32 from vector<1xf32>
          %get3A_458 = arith.index_cast %scan3A_405 : i32 to index
          %get3A_459 = arith.constant 80 : index
          %get3A_460 = tpu.vector_load %arg9[%get3A_458, %get3A_459] {strides = array<i32>} : memref<128x272xf32, #tpu.memory_space<vmem>>, vector<1x16xf32>,
          %get3A_461 = vector.shape_cast %get3A_460 : vector<1x16xf32> to vector<16xf32>
          %mul3A_462 = vector.broadcast %squeeze3A_457 : f32 to vector<16xf32>
          %mul3A_463 = arith.mulf %mul3A_462, %get3A_461 : vector<16xf32>
          %add3A_464 = arith.addf %mul3A_429, %mul3A_463 : vector<16xf32>
          %slice3A_465 = vector.extract_strided_slice %get3A_409 {offsets = [6], sizes = [1], strides = [1]} : vector<16xf32> to vector<1xf32>
          %squeeze3A_466 = vector.extract %slice3A_465[0] : f32 from vector<1xf32>
          %get3A_467 = arith.index_cast %scan3A_405 : i32 to index
          %get3A_468 = arith.constant 96 : index
          %get3A_469 = tpu.vector_load %arg9[%get3A_467, %get3A_468] {strides = array<i32>} : memref<128x272xf32, #tpu.memory_space<vmem>>, vector<1x16xf32>,
          %get3A_470 = vector.shape_cast %get3A_469 : vector<1x16xf32> to vector<16xf32>
          %mul3A_471 = vector.broadcast %squeeze3A_466 : f32 to vector<16xf32>
          %mul3A_472 = arith.mulf %mul3A_471, %get3A_470 : vector<16xf32>
          %add3A_473 = arith.addf %mul3A_437, %mul3A_472 : vector<16xf32>
          %slice3A_474 = vector.extract_strided_slice %get3A_409 {offsets = [7], sizes = [1], strides = [1]} : vector<16xf32> to vector<1xf32>
          %squeeze3A_475 = vector.extract %slice3A_474[0] : f32 from vector<1xf32>
          %get3A_476 = arith.index_cast %scan3A_405 : i32 to index
          %get3A_477 = arith.constant 112 : index
          %get3A_478 = tpu.vector_load %arg9[%get3A_476, %get3A_477] {strides = array<i32>} : memref<128x272xf32, #tpu.memory_space<vmem>>, vector<1x16xf32>,
          %get3A_479 = vector.shape_cast %get3A_478 : vector<1x16xf32> to vector<16xf32>
          %mul3A_480 = vector.broadcast %squeeze3A_475 : f32 to vector<16xf32>
          %mul3A_481 = arith.mulf %mul3A_480, %get3A_479 : vector<16xf32>
          %add3A_482 = arith.addf %add3A_446, %mul3A_481 : vector<16xf32>
          %slice3A_483 = vector.extract_strided_slice %get3A_409 {offsets = [8], sizes = [1], strides = [1]} : vector<16xf32> to vector<1xf32>
          %squeeze3A_484 = vector.extract %slice3A_483[0] : f32 from vector<1xf32>
          %get3A_485 = arith.index_cast %scan3A_405 : i32 to index
          %get3A_486 = arith.constant 128 : index
          %get3A_487 = tpu.vector_load %arg9[%get3A_485, %get3A_486] {strides = array<i32>} : memref<128x272xf32, #tpu.memory_space<vmem>>, vector<1x16xf32>,
          %get3A_488 = vector.shape_cast %get3A_487 : vector<1x16xf32> to vector<16xf32>
          %mul3A_489 = vector.broadcast %squeeze3A_484 : f32 to vector<16xf32>
          %mul3A_490 = arith.mulf %mul3A_489, %get3A_488 : vector<16xf32>
          %add3A_491 = arith.addf %add3A_455, %mul3A_490 : vector<16xf32>
          %slice3A_492 = vector.extract_strided_slice %get3A_409 {offsets = [9], sizes = [1], strides = [1]} : vector<16xf32> to vector<1xf32>
          %squeeze3A_493 = vector.extract %slice3A_492[0] : f32 from vector<1xf32>
          %get3A_494 = arith.index_cast %scan3A_405 : i32 to index
          %get3A_495 = arith.constant 144 : index
          %get3A_496 = tpu.vector_load %arg9[%get3A_494, %get3A_495] {strides = array<i32>} : memref<128x272xf32, #tpu.memory_space<vmem>>, vector<1x16xf32>,
          %get3A_497 = vector.shape_cast %get3A_496 : vector<1x16xf32> to vector<16xf32>
          %mul3A_498 = vector.broadcast %squeeze3A_493 : f32 to vector<16xf32>
          %mul3A_499 = arith.mulf %mul3A_498, %get3A_497 : vector<16xf32>
          %add3A_500 = arith.addf %add3A_464, %mul3A_499 : vector<16xf32>
          %slice3A_501 = vector.extract_strided_slice %get3A_409 {offsets = [10], sizes = [1], strides = [1]} : vector<16xf32> to vector<1xf32>
          %squeeze3A_502 = vector.extract %slice3A_501[0] : f32 from vector<1xf32>
          %get3A_503 = arith.index_cast %scan3A_405 : i32 to index
          %get3A_504 = arith.constant 160 : index
          %get3A_505 = tpu.vector_load %arg9[%get3A_503, %get3A_504] {strides = array<i32>} : memref<128x272xf32, #tpu.memory_space<vmem>>, vector<1x16xf32>,
          %get3A_506 = vector.shape_cast %get3A_505 : vector<1x16xf32> to vector<16xf32>
          %mul3A_507 = vector.broadcast %squeeze3A_502 : f32 to vector<16xf32>
          %mul3A_508 = arith.mulf %mul3A_507, %get3A_506 : vector<16xf32>
          %add3A_509 = arith.addf %add3A_473, %mul3A_508 : vector<16xf32>
          %slice3A_510 = vector.extract_strided_slice %get3A_409 {offsets = [11], sizes = [1], strides = [1]} : vector<16xf32> to vector<1xf32>
          %squeeze3A_511 = vector.extract %slice3A_510[0] : f32 from vector<1xf32>
          %get3A_512 = arith.index_cast %scan3A_405 : i32 to index
          %get3A_513 = arith.constant 176 : index
          %get3A_514 = tpu.vector_load %arg9[%get3A_512, %get3A_513] {strides = array<i32>} : memref<128x272xf32, #tpu.memory_space<vmem>>, vector<1x16xf32>,
          %get3A_515 = vector.shape_cast %get3A_514 : vector<1x16xf32> to vector<16xf32>
          %mul3A_516 = vector.broadcast %squeeze3A_511 : f32 to vector<16xf32>
          %mul3A_517 = arith.mulf %mul3A_516, %get3A_515 : vector<16xf32>
          %add3A_518 = arith.addf %add3A_482, %mul3A_517 : vector<16xf32>
          %slice3A_519 = vector.extract_strided_slice %get3A_409 {offsets = [12], sizes = [1], strides = [1]} : vector<16xf32> to vector<1xf32>
          %squeeze3A_520 = vector.extract %slice3A_519[0] : f32 from vector<1xf32>
          %get3A_521 = arith.index_cast %scan3A_405 : i32 to index
          %get3A_522 = arith.constant 192 : index
          %get3A_523 = tpu.vector_load %arg9[%get3A_521, %get3A_522] {strides = array<i32>} : memref<128x272xf32, #tpu.memory_space<vmem>>, vector<1x16xf32>,
          %get3A_524 = vector.shape_cast %get3A_523 : vector<1x16xf32> to vector<16xf32>
          %mul3A_525 = vector.broadcast %squeeze3A_520 : f32 to vector<16xf32>
          %mul3A_526 = arith.mulf %mul3A_525, %get3A_524 : vector<16xf32>
          %add3A_527 = arith.addf %add3A_491, %mul3A_526 : vector<16xf32>
          %slice3A_528 = vector.extract_strided_slice %get3A_409 {offsets = [13], sizes = [1], strides = [1]} : vector<16xf32> to vector<1xf32>
          %squeeze3A_529 = vector.extract %slice3A_528[0] : f32 from vector<1xf32>
          %get3A_530 = arith.index_cast %scan3A_405 : i32 to index
          %get3A_531 = arith.constant 208 : index
          %get3A_532 = tpu.vector_load %arg9[%get3A_530, %get3A_531] {strides = array<i32>} : memref<128x272xf32, #tpu.memory_space<vmem>>, vector<1x16xf32>,
          %get3A_533 = vector.shape_cast %get3A_532 : vector<1x16xf32> to vector<16xf32>
          %mul3A_534 = vector.broadcast %squeeze3A_529 : f32 to vector<16xf32>
          %mul3A_535 = arith.mulf %mul3A_534, %get3A_533 : vector<16xf32>
          %add3A_536 = arith.addf %add3A_500, %mul3A_535 : vector<16xf32>
          %slice3A_537 = vector.extract_strided_slice %get3A_409 {offsets = [14], sizes = [1], strides = [1]} : vector<16xf32> to vector<1xf32>
          %squeeze3A_538 = vector.extract %slice3A_537[0] : f32 from vector<1xf32>
          %get3A_539 = arith.index_cast %scan3A_405 : i32 to index
          %get3A_540 = arith.constant 224 : index
          %get3A_541 = tpu.vector_load %arg9[%get3A_539, %get3A_540] {strides = array<i32>} : memref<128x272xf32, #tpu.memory_space<vmem>>, vector<1x16xf32>,
          %get3A_542 = vector.shape_cast %get3A_541 : vector<1x16xf32> to vector<16xf32>
          %mul3A_543 = vector.broadcast %squeeze3A_538 : f32 to vector<16xf32>
          %mul3A_544 = arith.mulf %mul3A_543, %get3A_542 : vector<16xf32>
          %add3A_545 = arith.addf %add3A_509, %mul3A_544 : vector<16xf32>
          %slice3A_546 = vector.extract_strided_slice %get3A_409 {offsets = [15], sizes = [1], strides = [1]} : vector<16xf32> to vector<1xf32>
          %squeeze3A_547 = vector.extract %slice3A_546[0] : f32 from vector<1xf32>
          %get3A_548 = arith.index_cast %scan3A_405 : i32 to index
          %get3A_549 = arith.constant 240 : index
          %get3A_550 = tpu.vector_load %arg9[%get3A_548, %get3A_549] {strides = array<i32>} : memref<128x272xf32, #tpu.memory_space<vmem>>, vector<1x16xf32>,
          %get3A_551 = vector.shape_cast %get3A_550 : vector<1x16xf32> to vector<16xf32>
          %mul3A_552 = vector.broadcast %squeeze3A_547 : f32 to vector<16xf32>
          %mul3A_553 = arith.mulf %mul3A_552, %get3A_551 : vector<16xf32>
          %add3A_554 = arith.addf %add3A_518, %mul3A_553 : vector<16xf32>
          %add3A_555 = arith.addf %add3A_554, %add3A_527 : vector<16xf32>
          %add3A_556 = arith.addf %add3A_536, %add3A_545 : vector<16xf32>
          %add3A_557 = arith.addf %add3A_555, %add3A_556 : vector<16xf32>
          %swap3A_558 = arith.index_cast %scan3A_405 : i32 to index
          %swap3A_559 = arith.constant 0 : index
          %swap3A_560 = tpu.vector_load %arg13[%swap3A_558, %swap3A_559] {strides = array<i32>} : memref<128x32xf32, #tpu.memory_space<vmem>>, vector<1x16xf32>,
          %swap3A_561 = vector.shape_cast %swap3A_560 : vector<1x16xf32> to vector<16xf32>
          %swap3A_562 = vector.shape_cast %add3A_557 : vector<16xf32> to vector<1x16xf32>
          tpu.vector_store %arg13[%swap3A_558, %swap3A_559], %swap3A_562 {strides = array<i32>} : memref<128x32xf32, #tpu.memory_space<vmem>>, vector<1x16xf32>,
          %scan3A_563 = arith.constant 3 : i32
          %scan3A_564 = arith.addi %scan3A_91, %scan3A_563 : i32
          %get3A_565 = arith.index_cast %scan3A_564 : i32 to index
          %get3A_566 = arith.constant 0 : index
          %get3A_567 = tpu.vector_load %arg11[%get3A_565, %get3A_566] {strides = array<i32>} : memref<128x16xf32, #tpu.memory_space<vmem>>, vector<1x16xf32>,
          %get3A_568 = vector.shape_cast %get3A_567 : vector<1x16xf32> to vector<16xf32>
          %get3A_569 = arith.index_cast %scan3A_564 : i32 to index
          %get3A_570 = arith.constant 256 : index
          %get3A_571 = tpu.vector_load %arg9[%get3A_569, %get3A_570] {strides = array<i32>} : memref<128x272xf32, #tpu.memory_space<vmem>>, vector<1x16xf32>,
          %get3A_572 = vector.shape_cast %get3A_571 : vector<1x16xf32> to vector<16xf32>
          %slice3A_573 = vector.extract_strided_slice %get3A_568 {offsets = [0], sizes = [1], strides = [1]} : vector<16xf32> to vector<1xf32>
          %squeeze3A_574 = vector.extract %slice3A_573[0] : f32 from vector<1xf32>
          %get3A_575 = arith.index_cast %scan3A_564 : i32 to index
          %get3A_576 = arith.constant 0 : index
          %get3A_577 = tpu.vector_load %arg9[%get3A_575, %get3A_576] {strides = array<i32>} : memref<128x272xf32, #tpu.memory_space<vmem>>, vector<1x16xf32>,
          %get3A_578 = vector.shape_cast %get3A_577 : vector<1x16xf32> to vector<16xf32>
          %mul3A_579 = vector.broadcast %squeeze3A_574 : f32 to vector<16xf32>
          %mul3A_580 = arith.mulf %mul3A_579, %get3A_578 : vector<16xf32>
          %slice3A_581 = vector.extract_strided_slice %get3A_568 {offsets = [1], sizes = [1], strides = [1]} : vector<16xf32> to vector<1xf32>
          %squeeze3A_582 = vector.extract %slice3A_581[0] : f32 from vector<1xf32>
          %get3A_583 = arith.index_cast %scan3A_564 : i32 to index
          %get3A_584 = arith.constant 16 : index
          %get3A_585 = tpu.vector_load %arg9[%get3A_583, %get3A_584] {strides = array<i32>} : memref<128x272xf32, #tpu.memory_space<vmem>>, vector<1x16xf32>,
          %get3A_586 = vector.shape_cast %get3A_585 : vector<1x16xf32> to vector<16xf32>
          %mul3A_587 = vector.broadcast %squeeze3A_582 : f32 to vector<16xf32>
          %mul3A_588 = arith.mulf %mul3A_587, %get3A_586 : vector<16xf32>
          %slice3A_589 = vector.extract_strided_slice %get3A_568 {offsets = [2], sizes = [1], strides = [1]} : vector<16xf32> to vector<1xf32>
          %squeeze3A_590 = vector.extract %slice3A_589[0] : f32 from vector<1xf32>
          %get3A_591 = arith.index_cast %scan3A_564 : i32 to index
          %get3A_592 = arith.constant 32 : index
          %get3A_593 = tpu.vector_load %arg9[%get3A_591, %get3A_592] {strides = array<i32>} : memref<128x272xf32, #tpu.memory_space<vmem>>, vector<1x16xf32>,
          %get3A_594 = vector.shape_cast %get3A_593 : vector<1x16xf32> to vector<16xf32>
          %mul3A_595 = vector.broadcast %squeeze3A_590 : f32 to vector<16xf32>
          %mul3A_596 = arith.mulf %mul3A_595, %get3A_594 : vector<16xf32>
          %slice3A_597 = vector.extract_strided_slice %get3A_568 {offsets = [3], sizes = [1], strides = [1]} : vector<16xf32> to vector<1xf32>
          %squeeze3A_598 = vector.extract %slice3A_597[0] : f32 from vector<1xf32>
          %get3A_599 = arith.index_cast %scan3A_564 : i32 to index
          %get3A_600 = arith.constant 48 : index
          %get3A_601 = tpu.vector_load %arg9[%get3A_599, %get3A_600] {strides = array<i32>} : memref<128x272xf32, #tpu.memory_space<vmem>>, vector<1x16xf32>,
          %get3A_602 = vector.shape_cast %get3A_601 : vector<1x16xf32> to vector<16xf32>
          %mul3A_603 = vector.broadcast %squeeze3A_598 : f32 to vector<16xf32>
          %mul3A_604 = arith.mulf %mul3A_603, %get3A_602 : vector<16xf32>
          %add3A_605 = arith.addf %get3A_572, %mul3A_604 : vector<16xf32>
          %slice3A_606 = vector.extract_strided_slice %get3A_568 {offsets = [4], sizes = [1], strides = [1]} : vector<16xf32> to vector<1xf32>
          %squeeze3A_607 = vector.extract %slice3A_606[0] : f32 from vector<1xf32>
          %get3A_608 = arith.index_cast %scan3A_564 : i32 to index
          %get3A_609 = arith.constant 64 : index
          %get3A_610 = tpu.vector_load %arg9[%get3A_608, %get3A_609] {strides = array<i32>} : memref<128x272xf32, #tpu.memory_space<vmem>>, vector<1x16xf32>,
          %get3A_611 = vector.shape_cast %get3A_610 : vector<1x16xf32> to vector<16xf32>
          %mul3A_612 = vector.broadcast %squeeze3A_607 : f32 to vector<16xf32>
          %mul3A_613 = arith.mulf %mul3A_612, %get3A_611 : vector<16xf32>
          %add3A_614 = arith.addf %mul3A_580, %mul3A_613 : vector<16xf32>
          %slice3A_615 = vector.extract_strided_slice %get3A_568 {offsets = [5], sizes = [1], strides = [1]} : vector<16xf32> to vector<1xf32>
          %squeeze3A_616 = vector.extract %slice3A_615[0] : f32 from vector<1xf32>
          %get3A_617 = arith.index_cast %scan3A_564 : i32 to index
          %get3A_618 = arith.constant 80 : index
          %get3A_619 = tpu.vector_load %arg9[%get3A_617, %get3A_618] {strides = array<i32>} : memref<128x272xf32, #tpu.memory_space<vmem>>, vector<1x16xf32>,
          %get3A_620 = vector.shape_cast %get3A_619 : vector<1x16xf32> to vector<16xf32>
          %mul3A_621 = vector.broadcast %squeeze3A_616 : f32 to vector<16xf32>
          %mul3A_622 = arith.mulf %mul3A_621, %get3A_620 : vector<16xf32>
          %add3A_623 = arith.addf %mul3A_588, %mul3A_622 : vector<16xf32>
          %slice3A_624 = vector.extract_strided_slice %get3A_568 {offsets = [6], sizes = [1], strides = [1]} : vector<16xf32> to vector<1xf32>
          %squeeze3A_625 = vector.extract %slice3A_624[0] : f32 from vector<1xf32>
          %get3A_626 = arith.index_cast %scan3A_564 : i32 to index
          %get3A_627 = arith.constant 96 : index
          %get3A_628 = tpu.vector_load %arg9[%get3A_626, %get3A_627] {strides = array<i32>} : memref<128x272xf32, #tpu.memory_space<vmem>>, vector<1x16xf32>,
          %get3A_629 = vector.shape_cast %get3A_628 : vector<1x16xf32> to vector<16xf32>
          %mul3A_630 = vector.broadcast %squeeze3A_625 : f32 to vector<16xf32>
          %mul3A_631 = arith.mulf %mul3A_630, %get3A_629 : vector<16xf32>
          %add3A_632 = arith.addf %mul3A_596, %mul3A_631 : vector<16xf32>
          %slice3A_633 = vector.extract_strided_slice %get3A_568 {offsets = [7], sizes = [1], strides = [1]} : vector<16xf32> to vector<1xf32>
          %squeeze3A_634 = vector.extract %slice3A_633[0] : f32 from vector<1xf32>
          %get3A_635 = arith.index_cast %scan3A_564 : i32 to index
          %get3A_636 = arith.constant 112 : index
          %get3A_637 = tpu.vector_load %arg9[%get3A_635, %get3A_636] {strides = array<i32>} : memref<128x272xf32, #tpu.memory_space<vmem>>, vector<1x16xf32>,
          %get3A_638 = vector.shape_cast %get3A_637 : vector<1x16xf32> to vector<16xf32>
          %mul3A_639 = vector.broadcast %squeeze3A_634 : f32 to vector<16xf32>
          %mul3A_640 = arith.mulf %mul3A_639, %get3A_638 : vector<16xf32>
          %add3A_641 = arith.addf %add3A_605, %mul3A_640 : vector<16xf32>
          %slice3A_642 = vector.extract_strided_slice %get3A_568 {offsets = [8], sizes = [1], strides = [1]} : vector<16xf32> to vector<1xf32>
          %squeeze3A_643 = vector.extract %slice3A_642[0] : f32 from vector<1xf32>
          %get3A_644 = arith.index_cast %scan3A_564 : i32 to index
          %get3A_645 = arith.constant 128 : index
          %get3A_646 = tpu.vector_load %arg9[%get3A_644, %get3A_645] {strides = array<i32>} : memref<128x272xf32, #tpu.memory_space<vmem>>, vector<1x16xf32>,
          %get3A_647 = vector.shape_cast %get3A_646 : vector<1x16xf32> to vector<16xf32>
          %mul3A_648 = vector.broadcast %squeeze3A_643 : f32 to vector<16xf32>
          %mul3A_649 = arith.mulf %mul3A_648, %get3A_647 : vector<16xf32>
          %add3A_650 = arith.addf %add3A_614, %mul3A_649 : vector<16xf32>
          %slice3A_651 = vector.extract_strided_slice %get3A_568 {offsets = [9], sizes = [1], strides = [1]} : vector<16xf32> to vector<1xf32>
          %squeeze3A_652 = vector.extract %slice3A_651[0] : f32 from vector<1xf32>
          %get3A_653 = arith.index_cast %scan3A_564 : i32 to index
          %get3A_654 = arith.constant 144 : index
          %get3A_655 = tpu.vector_load %arg9[%get3A_653, %get3A_654] {strides = array<i32>} : memref<128x272xf32, #tpu.memory_space<vmem>>, vector<1x16xf32>,
          %get3A_656 = vector.shape_cast %get3A_655 : vector<1x16xf32> to vector<16xf32>
          %mul3A_657 = vector.broadcast %squeeze3A_652 : f32 to vector<16xf32>
          %mul3A_658 = arith.mulf %mul3A_657, %get3A_656 : vector<16xf32>
          %add3A_659 = arith.addf %add3A_623, %mul3A_658 : vector<16xf32>
          %slice3A_660 = vector.extract_strided_slice %get3A_568 {offsets = [10], sizes = [1], strides = [1]} : vector<16xf32> to vector<1xf32>
          %squeeze3A_661 = vector.extract %slice3A_660[0] : f32 from vector<1xf32>
          %get3A_662 = arith.index_cast %scan3A_564 : i32 to index
          %get3A_663 = arith.constant 160 : index
          %get3A_664 = tpu.vector_load %arg9[%get3A_662, %get3A_663] {strides = array<i32>} : memref<128x272xf32, #tpu.memory_space<vmem>>, vector<1x16xf32>,
          %get3A_665 = vector.shape_cast %get3A_664 : vector<1x16xf32> to vector<16xf32>
          %mul3A_666 = vector.broadcast %squeeze3A_661 : f32 to vector<16xf32>
          %mul3A_667 = arith.mulf %mul3A_666, %get3A_665 : vector<16xf32>
          %add3A_668 = arith.addf %add3A_632, %mul3A_667 : vector<16xf32>
          %slice3A_669 = vector.extract_strided_slice %get3A_568 {offsets = [11], sizes = [1], strides = [1]} : vector<16xf32> to vector<1xf32>
          %squeeze3A_670 = vector.extract %slice3A_669[0] : f32 from vector<1xf32>
          %get3A_671 = arith.index_cast %scan3A_564 : i32 to index
          %get3A_672 = arith.constant 176 : index
          %get3A_673 = tpu.vector_load %arg9[%get3A_671, %get3A_672] {strides = array<i32>} : memref<128x272xf32, #tpu.memory_space<vmem>>, vector<1x16xf32>,
          %get3A_674 = vector.shape_cast %get3A_673 : vector<1x16xf32> to vector<16xf32>
          %mul3A_675 = vector.broadcast %squeeze3A_670 : f32 to vector<16xf32>
          %mul3A_676 = arith.mulf %mul3A_675, %get3A_674 : vector<16xf32>
          %add3A_677 = arith.addf %add3A_641, %mul3A_676 : vector<16xf32>
          %slice3A_678 = vector.extract_strided_slice %get3A_568 {offsets = [12], sizes = [1], strides = [1]} : vector<16xf32> to vector<1xf32>
          %squeeze3A_679 = vector.extract %slice3A_678[0] : f32 from vector<1xf32>
          %get3A_680 = arith.index_cast %scan3A_564 : i32 to index
          %get3A_681 = arith.constant 192 : index
          %get3A_682 = tpu.vector_load %arg9[%get3A_680, %get3A_681] {strides = array<i32>} : memref<128x272xf32, #tpu.memory_space<vmem>>, vector<1x16xf32>,
          %get3A_683 = vector.shape_cast %get3A_682 : vector<1x16xf32> to vector<16xf32>
          %mul3A_684 = vector.broadcast %squeeze3A_679 : f32 to vector<16xf32>
          %mul3A_685 = arith.mulf %mul3A_684, %get3A_683 : vector<16xf32>
          %add3A_686 = arith.addf %add3A_650, %mul3A_685 : vector<16xf32>
          %slice3A_687 = vector.extract_strided_slice %get3A_568 {offsets = [13], sizes = [1], strides = [1]} : vector<16xf32> to vector<1xf32>
          %squeeze3A_688 = vector.extract %slice3A_687[0] : f32 from vector<1xf32>
          %get3A_689 = arith.index_cast %scan3A_564 : i32 to index
          %get3A_690 = arith.constant 208 : index
          %get3A_691 = tpu.vector_load %arg9[%get3A_689, %get3A_690] {strides = array<i32>} : memref<128x272xf32, #tpu.memory_space<vmem>>, vector<1x16xf32>,
          %get3A_692 = vector.shape_cast %get3A_691 : vector<1x16xf32> to vector<16xf32>
          %mul3A_693 = vector.broadcast %squeeze3A_688 : f32 to vector<16xf32>
          %mul3A_694 = arith.mulf %mul3A_693, %get3A_692 : vector<16xf32>
          %add3A_695 = arith.addf %add3A_659, %mul3A_694 : vector<16xf32>
          %slice3A_696 = vector.extract_strided_slice %get3A_568 {offsets = [14], sizes = [1], strides = [1]} : vector<16xf32> to vector<1xf32>
          %squeeze3A_697 = vector.extract %slice3A_696[0] : f32 from vector<1xf32>
          %get3A_698 = arith.index_cast %scan3A_564 : i32 to index
          %get3A_699 = arith.constant 224 : index
          %get3A_700 = tpu.vector_load %arg9[%get3A_698, %get3A_699] {strides = array<i32>} : memref<128x272xf32, #tpu.memory_space<vmem>>, vector<1x16xf32>,
          %get3A_701 = vector.shape_cast %get3A_700 : vector<1x16xf32> to vector<16xf32>
          %mul3A_702 = vector.broadcast %squeeze3A_697 : f32 to vector<16xf32>
          %mul3A_703 = arith.mulf %mul3A_702, %get3A_701 : vector<16xf32>
          %add3A_704 = arith.addf %add3A_668, %mul3A_703 : vector<16xf32>
          %slice3A_705 = vector.extract_strided_slice %get3A_568 {offsets = [15], sizes = [1], strides = [1]} : vector<16xf32> to vector<1xf32>
          %squeeze3A_706 = vector.extract %slice3A_705[0] : f32 from vector<1xf32>
          %get3A_707 = arith.index_cast %scan3A_564 : i32 to index
          %get3A_708 = arith.constant 240 : index
          %get3A_709 = tpu.vector_load %arg9[%get3A_707, %get3A_708] {strides = array<i32>} : memref<128x272xf32, #tpu.memory_space<vmem>>, vector<1x16xf32>,
          %get3A_710 = vector.shape_cast %get3A_709 : vector<1x16xf32> to vector<16xf32>
          %mul3A_711 = vector.broadcast %squeeze3A_706 : f32 to vector<16xf32>
          %mul3A_712 = arith.mulf %mul3A_711, %get3A_710 : vector<16xf32>
          %add3A_713 = arith.addf %add3A_677, %mul3A_712 : vector<16xf32>
          %add3A_714 = arith.addf %add3A_713, %add3A_686 : vector<16xf32>
          %add3A_715 = arith.addf %add3A_695, %add3A_704 : vector<16xf32>
          %add3A_716 = arith.addf %add3A_714, %add3A_715 : vector<16xf32>
          %swap3A_717 = arith.index_cast %scan3A_564 : i32 to index
          %swap3A_718 = arith.constant 0 : index
          %swap3A_719 = tpu.vector_load %arg13[%swap3A_717, %swap3A_718] {strides = array<i32>} : memref<128x32xf32, #tpu.memory_space<vmem>>, vector<1x16xf32>,
          %swap3A_720 = vector.shape_cast %swap3A_719 : vector<1x16xf32> to vector<16xf32>
          %swap3A_721 = vector.shape_cast %add3A_716 : vector<16xf32> to vector<1x16xf32>
          tpu.vector_store %arg13[%swap3A_717, %swap3A_718], %swap3A_721 {strides = array<i32>} : memref<128x32xf32, #tpu.memory_space<vmem>>, vector<1x16xf32>,
        }
        %scan3A_90 = arith.constant 128 : i32
        %run_scoped3A = arith.constant 1 : i32
        "tpu.region"() ({
          %run_scoped3A_91 = tpu.sem_alloc : memref<!tpu.dma_semaphore, #tpu.memory_space<semaphore_mem>>
          %dma_start3A = arith.constant 0 : i32
          %dma_start3A_92 = tpu.memref_slice %arg7[%run_scoped3A, %dma_start3A] : memref<2x128xi32, #tpu.memory_space<vmem>> -> memref<1x128xi32, #tpu.memory_space<vmem>>
          %dma_start3A_93 = tpu.memref_squeeze %dma_start3A_92 : memref<1x128xi32, #tpu.memory_space<vmem>> -> memref<128xi32, #tpu.memory_space<vmem>>
          %dma_start3A_94 = arith.constant 0 : i32
          %dma_start3A_95 = arith.constant 0 : i32
          %dma_start3A_96 = tpu.memref_slice %arg15[%dma_start3A_94, %dma_start3A_95] : memref<10240x32xf32, #tpu.memory_space<vmem_shared>> -> memref<10240x32xf32, #tpu.memory_space<vmem_shared>>
          tpu.enqueue_indirect_dma source(%arg13 : memref<128x32xf32, #tpu.memory_space<vmem>>) target(%dma_start3A_96 : memref<10240x32xf32, #tpu.memory_space<vmem_shared>>) offsets(%dma_start3A_93 : memref<128xi32, #tpu.memory_space<vmem>>) semaphore(%run_scoped3A_91 : memref<!tpu.dma_semaphore, #tpu.memory_space<semaphore_mem>>) {add = true}
          %dma_wait3A_97 = arith.constant 0 : i32
          %dma_wait3A_98 = tpu.memref_slice %arg7[%run_scoped3A, %dma_wait3A_97] : memref<2x128xi32, #tpu.memory_space<vmem>> -> memref<1x128xi32, #tpu.memory_space<vmem>>
          %dma_wait3A_99 = tpu.memref_squeeze %dma_wait3A_98 : memref<1x128xi32, #tpu.memory_space<vmem>> -> memref<128xi32, #tpu.memory_space<vmem>>
          %dma_wait3A_100 = arith.constant 0 : i32
          %dma_wait3A_101 = arith.constant 0 : i32
          %dma_wait3A_102 = tpu.memref_slice %arg15[%dma_wait3A_100, %dma_wait3A_101] : memref<10240x32xf32, #tpu.memory_space<vmem_shared>> -> memref<10240x32xf32, #tpu.memory_space<vmem_shared>>
          tpu.wait_indirect_dma semaphore(%run_scoped3A_91 : memref<!tpu.dma_semaphore, #tpu.memory_space<semaphore_mem>>) src(%arg13 : memref<128x32xf32, #tpu.memory_space<vmem>>) dst(%dma_wait3A_102 : memref<10240x32xf32, #tpu.memory_space<vmem_shared>>)
          tpu.yield
        }) : () -> ()
      } else {
      }
      %add3A_69 = arith.constant 3 : i32
      %add3A_70 = arith.addi %mul3A_40, %add3A_69 : i32
      %mul3A_71 = arith.constant 32 : i32
      %mul3A_72 = arith.muli %add3A_70, %mul3A_71 : i32
      %add3A_73 = arith.addi %add3A, %mul3A_72 : i32
      %lt3A_74 = arith.constant 1250 : i32
      %lt3A_75 = arith.cmpi slt, %add3A_73, %lt3A_74 : i32
      %convert_element_type3A_76 = arith.extui %lt3A_75 : i1 to i32
      %cond3A_77 = arith.constant 0 : i32
      %cond3A_78 = arith.cmpi ne, %convert_element_type3A_76, %cond3A_77 : i32
      scf.if %cond3A_78 {
        %mul3A_79 = arith.constant 128 : i32
        %mul3A_80 = arith.muli %add3A_73, %mul3A_79 : i32
        %multiple_of3A_81 = tpu.assume_multiple %mul3A_80, 128 : i32
        "tpu.region"() ({
          %run_scoped3A = tpu.sem_alloc : memref<!tpu.dma_semaphore, #tpu.memory_space<semaphore_mem>>
          %dma_start3A_88 = arith.constant 0 : i32
          %dma_start3A_89 = tpu.memref_slice %arg3[%dma_start3A_88, %multiple_of3A_81] : memref<2x160000xi32, #tpu.memory_space<hbm>> -> memref<2x128xi32, #tpu.memory_space<hbm>>
          %dma_start3A_90 = arith.constant 0 : i32
          %dma_start3A_91 = tpu.memref_slice %arg3[%dma_start3A_90, %multiple_of3A_81] : memref<2x160000xi32, #tpu.memory_space<hbm>> -> memref<2x128xi32, #tpu.memory_space<hbm>>
          tpu.enqueue_dma source(%dma_start3A_91 : memref<2x128xi32, #tpu.memory_space<hbm>>) target(%arg7 : memref<2x128xi32, #tpu.memory_space<vmem>>) target_semaphore(%run_scoped3A : memref<!tpu.dma_semaphore, #tpu.memory_space<semaphore_mem>>)
          %dma_wait3A = arith.constant 0 : i32
          %dma_wait3A_92 = tpu.memref_slice %arg3[%dma_wait3A, %multiple_of3A_81] : memref<2x160000xi32, #tpu.memory_space<hbm>> -> memref<2x128xi32, #tpu.memory_space<hbm>>
          %dma_wait3A_93 = arith.constant 0 : i32
          %dma_wait3A_94 = tpu.memref_slice %arg3[%dma_wait3A_93, %multiple_of3A_81] : memref<2x160000xi32, #tpu.memory_space<hbm>> -> memref<2x128xi32, #tpu.memory_space<hbm>>
          tpu.wait_dma2 semaphore(%run_scoped3A : memref<!tpu.dma_semaphore, #tpu.memory_space<semaphore_mem>>) src(%dma_wait3A_94 : memref<2x128xi32, #tpu.memory_space<hbm>>) dst(%arg7 : memref<2x128xi32, #tpu.memory_space<vmem>>)
          tpu.yield
        }) : () -> ()
        "tpu.region"() ({
          %run_scoped3A = tpu.sem_alloc : memref<!tpu.dma_semaphore, #tpu.memory_space<semaphore_mem>>
          %dma_start3A_88 = arith.constant 0 : i32
          %dma_start3A_89 = tpu.memref_slice %arg4[%multiple_of3A_81, %dma_start3A_88] : memref<160000x16xf32, #tpu.memory_space<hbm>> -> memref<128x16xf32, #tpu.memory_space<hbm>>
          %dma_start3A_90 = arith.constant 0 : i32
          %dma_start3A_91 = tpu.memref_slice %arg4[%multiple_of3A_81, %dma_start3A_90] : memref<160000x16xf32, #tpu.memory_space<hbm>> -> memref<128x16xf32, #tpu.memory_space<hbm>>
          tpu.enqueue_dma source(%dma_start3A_91 : memref<128x16xf32, #tpu.memory_space<hbm>>) target(%arg11 : memref<128x16xf32, #tpu.memory_space<vmem>>) target_semaphore(%run_scoped3A : memref<!tpu.dma_semaphore, #tpu.memory_space<semaphore_mem>>)
          %dma_wait3A = arith.constant 0 : i32
          %dma_wait3A_92 = tpu.memref_slice %arg4[%multiple_of3A_81, %dma_wait3A] : memref<160000x16xf32, #tpu.memory_space<hbm>> -> memref<128x16xf32, #tpu.memory_space<hbm>>
          %dma_wait3A_93 = arith.constant 0 : i32
          %dma_wait3A_94 = tpu.memref_slice %arg4[%multiple_of3A_81, %dma_wait3A_93] : memref<160000x16xf32, #tpu.memory_space<hbm>> -> memref<128x16xf32, #tpu.memory_space<hbm>>
          tpu.wait_dma2 semaphore(%run_scoped3A : memref<!tpu.dma_semaphore, #tpu.memory_space<semaphore_mem>>) src(%dma_wait3A_94 : memref<128x16xf32, #tpu.memory_space<hbm>>) dst(%arg11 : memref<128x16xf32, #tpu.memory_space<vmem>>)
          tpu.yield
        }) : () -> ()
        %dma_start3A = arith.constant 0 : i32
        %dma_start3A_82 = arith.constant 0 : i32
        %dma_start3A_83 = tpu.memref_slice %arg7[%dma_start3A, %dma_start3A_82] : memref<2x128xi32, #tpu.memory_space<vmem>> -> memref<1x128xi32, #tpu.memory_space<vmem>>
        %dma_start3A_84 = tpu.memref_squeeze %dma_start3A_83 : memref<1x128xi32, #tpu.memory_space<vmem>> -> memref<128xi32, #tpu.memory_space<vmem>>
        %dma_start3A_85 = arith.constant 0 : i32
        %dma_start3A_86 = arith.constant 0 : i32
        %dma_start3A_87 = tpu.memref_slice %arg2[%dma_start3A_85, %dma_start3A_86] : memref<10000x272xf32, #tpu.memory_space<hbm>> -> memref<10000x272xf32, #tpu.memory_space<hbm>>
        tpu.enqueue_indirect_dma source(%dma_start3A_87 : memref<10000x272xf32, #tpu.memory_space<hbm>>) target(%arg9 : memref<128x272xf32, #tpu.memory_space<vmem>>) offsets(%dma_start3A_84 : memref<128xi32, #tpu.memory_space<vmem>>) semaphore(%arg17 : memref<!tpu.dma_semaphore, #tpu.memory_space<semaphore_mem>>)
      } else {
      }
    }
    %scan3A_36 = arith.constant 20 : i32
    %barrier3A_37 = arith.constant 0 : index
    tpu.barrier barrier_id(%barrier3A_37)
    "tpu.region"() ({
      %run_scoped3A = tpu.sem_alloc : memref<!tpu.dma_semaphore, #tpu.memory_space<semaphore_mem>>
      %dma_start3A = arith.constant 0 : i32
      %dma_start3A_38 = tpu.memref_slice %arg5[%arg0, %multiple_of3A, %dma_start3A] : memref<2x10240x32xf32, #tpu.memory_space<hbm>> -> memref<1x640x32xf32, #tpu.memory_space<hbm>>
      %dma_start3A_39 = tpu.memref_squeeze %dma_start3A_38 : memref<1x640x32xf32, #tpu.memory_space<hbm>> -> memref<640x32xf32, #tpu.memory_space<hbm>>
      %dma_start3A_40 = arith.constant 0 : i32
      %dma_start3A_41 = tpu.memref_slice %arg15[%multiple_of3A, %dma_start3A_40] : memref<10240x32xf32, #tpu.memory_space<vmem_shared>> -> memref<640x32xf32, #tpu.memory_space<vmem_shared>>
      tpu.enqueue_dma source(%dma_start3A_41 : memref<640x32xf32, #tpu.memory_space<vmem_shared>>) target(%dma_start3A_39 : memref<640x32xf32, #tpu.memory_space<hbm>>) target_semaphore(%run_scoped3A : memref<!tpu.dma_semaphore, #tpu.memory_space<semaphore_mem>>)
      %dma_wait3A = arith.constant 0 : i32
      %dma_wait3A_42 = tpu.memref_slice %arg5[%arg0, %multiple_of3A, %dma_wait3A] : memref<2x10240x32xf32, #tpu.memory_space<hbm>> -> memref<1x640x32xf32, #tpu.memory_space<hbm>>
      %dma_wait3A_43 = tpu.memref_squeeze %dma_wait3A_42 : memref<1x640x32xf32, #tpu.memory_space<hbm>> -> memref<640x32xf32, #tpu.memory_space<hbm>>
      %dma_wait3A_44 = arith.constant 0 : i32
      %dma_wait3A_45 = tpu.memref_slice %arg15[%multiple_of3A, %dma_wait3A_44] : memref<10240x32xf32, #tpu.memory_space<vmem_shared>> -> memref<640x32xf32, #tpu.memory_space<vmem_shared>>
      tpu.wait_dma2 semaphore(%run_scoped3A : memref<!tpu.dma_semaphore, #tpu.memory_space<semaphore_mem>>) src(%dma_wait3A_45 : memref<640x32xf32, #tpu.memory_space<vmem_shared>>) dst(%dma_wait3A_43 : memref<640x32xf32, #tpu.memory_space<hbm>>)
      tpu.yield
    }) : () -> ()
    return
  }
}

module attributes {stable_mosaic.version = 14 : i64} {
  func.func @_dense1_body(%arg0: i32, %arg1: memref<2000x128xf32, #tpu.memory_space<vmem>>, %arg2: memref<128x288xf32, #tpu.memory_space<vmem>>, %arg3: memref<1x16xf32, #tpu.memory_space<vmem>>, %arg4: memref<2000x272xf32, #tpu.memory_space<vmem>>, %arg5: memref<2000x16xf32, #tpu.memory_space<vmem>>) attributes {dimension_semantics = [#tpu.dimension_semantics<arbitrary>], iteration_bounds = array<i64: 5>, scalar_prefetch = 0 : i64, scratch_operands = 0 : i64, tpu.core_type = #tpu.core_type<tc>, window_params = [{transform_indices = @transform_0, window_bounds = array<i64: 2000, 128>}, {pipeline_mode = #tpu.pipeline_mode<synchronous>, transform_indices = @transform_1, window_bounds = array<i64: 128, 288>}, {pipeline_mode = #tpu.pipeline_mode<synchronous>, transform_indices = @transform_2, window_bounds = array<i64: 1, 16>}, {transform_indices = @transform_3, window_bounds = array<i64: 2000, 272>}, {transform_indices = @transform_4, window_bounds = array<i64: 2000, 16>}]} {
    %get3A = arith.constant 0 : index
    %get3A_0 = arith.constant 0 : index
    %get3A_1 = vector.load %arg1[%get3A, %get3A_0] : memref<2000x128xf32, #tpu.memory_space<vmem>>, vector<2000x128xf32>
    %get3A_2 = arith.constant 0 : index
    %get3A_3 = arith.constant 0 : index
    %get3A_4 = vector.load %arg2[%get3A_2, %get3A_3] : memref<128x288xf32, #tpu.memory_space<vmem>>, vector<128x288xf32>
    %dot_general3A = arith.constant dense<0.000000e+00> : vector<2000x288xf32>
    %dot_general3A_5 = tpu.matmul %get3A_1, %get3A_4, %dot_general3A {dimension_numbers = #tpu.dot_dimension_numbers<[1], [0], [0], [1], [0, 0, 1, 1], [], []>, transpose_lhs_hint = false} : vector<2000x128xf32>, vector<128x288xf32>, vector<2000x288xf32> -> vector<2000x288xf32>
    %slice3A = vector.extract_strided_slice %dot_general3A_5 {offsets = [0, 0], sizes = [2000, 272], strides = [1, 1]} : vector<2000x288xf32> to vector<2000x272xf32>
    %swap3A = arith.constant 0 : index
    %swap3A_6 = arith.constant 0 : index
    %swap3A_7 = vector.load %arg4[%swap3A, %swap3A_6] : memref<2000x272xf32, #tpu.memory_space<vmem>>, vector<2000x272xf32>
    tpu.vector_store %arg4[%swap3A, %swap3A_6], %slice3A {strides = array<i32>} : memref<2000x272xf32, #tpu.memory_space<vmem>>, vector<2000x272xf32>,
    %slice3A_8 = vector.extract_strided_slice %dot_general3A_5 {offsets = [0, 272], sizes = [2000, 16], strides = [1, 1]} : vector<2000x288xf32> to vector<2000x16xf32>
    %get3A_9 = arith.constant 0 : index
    %get3A_10 = arith.constant 0 : index
    %get3A_11 = vector.load %arg3[%get3A_9, %get3A_10] : memref<1x16xf32, #tpu.memory_space<vmem>>, vector<1x16xf32>
    %add3A = vector.broadcast %get3A_11 : vector<1x16xf32> to vector<2000x16xf32>
    %add3A_12 = arith.addf %slice3A_8, %add3A : vector<2000x16xf32>
    %swap3A_13 = arith.constant 0 : index
    %swap3A_14 = arith.constant 0 : index
    %swap3A_15 = vector.load %arg5[%swap3A_13, %swap3A_14] : memref<2000x16xf32, #tpu.memory_space<vmem>>, vector<2000x16xf32>
    tpu.vector_store %arg5[%swap3A_13, %swap3A_14], %add3A_12 {strides = array<i32>} : memref<2000x16xf32, #tpu.memory_space<vmem>>, vector<2000x16xf32>,
    return
  }
  func.func @transform_0(%arg0: i32) -> (i32, i32) {
    %c0_i32 = arith.constant 0 : i32
    %c0_i32_0 = arith.constant 0 : i32
    return %arg0, %c0_i32 : i32, i32
  }
  func.func @transform_1(%arg0: i32) -> (i32, i32) {
    %c0_i32 = arith.constant 0 : i32
    %c0_i32_0 = arith.constant 0 : i32
    %c0_i32_1 = arith.constant 0 : i32
    return %c0_i32, %c0_i32_0 : i32, i32
  }
  func.func @transform_2(%arg0: i32) -> (i32, i32) {
    %c0_i32 = arith.constant 0 : i32
    %c0_i32_0 = arith.constant 0 : i32
    %c0_i32_1 = arith.constant 0 : i32
    return %c0_i32, %c0_i32_0 : i32, i32
  }
  func.func @transform_3(%arg0: i32) -> (i32, i32) {
    %c0_i32 = arith.constant 0 : i32
    %c0_i32_0 = arith.constant 0 : i32
    return %arg0, %c0_i32 : i32, i32
  }
  func.func @transform_4(%arg0: i32) -> (i32, i32) {
    %c0_i32 = arith.constant 0 : i32
    %c0_i32_0 = arith.constant 0 : i32
    return %arg0, %c0_i32 : i32, i32
  }
}

module attributes {stable_mosaic.version = 14 : i64} {
  func.func @_mid_body(%arg0: i32, %arg1: memref<2x2000x32xf32, #tpu.memory_space<vmem>>, %arg2: memref<2000x16xf32, #tpu.memory_space<vmem>>, %arg3: memref<16x288xf32, #tpu.memory_space<vmem>>, %arg4: memref<1x16xf32, #tpu.memory_space<vmem>>, %arg5: memref<2000x272xf32, #tpu.memory_space<vmem>>, %arg6: memref<2000x16xf32, #tpu.memory_space<vmem>>) attributes {dimension_semantics = [#tpu.dimension_semantics<arbitrary>], iteration_bounds = array<i64: 5>, scalar_prefetch = 0 : i64, scratch_operands = 0 : i64, tpu.core_type = #tpu.core_type<tc>, window_params = [{transform_indices = @transform_0, window_bounds = array<i64: 2, 2000, 32>}, {transform_indices = @transform_1, window_bounds = array<i64: 2000, 16>}, {pipeline_mode = #tpu.pipeline_mode<synchronous>, transform_indices = @transform_2, window_bounds = array<i64: 16, 288>}, {pipeline_mode = #tpu.pipeline_mode<synchronous>, transform_indices = @transform_3, window_bounds = array<i64: 1, 16>}, {transform_indices = @transform_4, window_bounds = array<i64: 2000, 272>}, {transform_indices = @transform_5, window_bounds = array<i64: 2000, 16>}]} {
    %get3A = arith.constant 0 : index
    %get3A_0 = arith.constant 0 : index
    %get3A_1 = arith.constant 0 : index
    %get3A_2 = vector.load %arg1[%get3A, %get3A_0, %get3A_1] : memref<2x2000x32xf32, #tpu.memory_space<vmem>>, vector<1x2000x32xf32>
    %get3A_3 = vector.shape_cast %get3A_2 : vector<1x2000x32xf32> to vector<2000x32xf32>
    %get3A_4 = arith.constant 1 : index
    %get3A_5 = arith.constant 0 : index
    %get3A_6 = arith.constant 0 : index
    %get3A_7 = vector.load %arg1[%get3A_4, %get3A_5, %get3A_6] : memref<2x2000x32xf32, #tpu.memory_space<vmem>>, vector<1x2000x32xf32>
    %get3A_8 = vector.shape_cast %get3A_7 : vector<1x2000x32xf32> to vector<2000x32xf32>
    %slice3A = vector.extract_strided_slice %get3A_3 {offsets = [0, 0], sizes = [2000, 16], strides = [1, 1]} : vector<2000x32xf32> to vector<2000x16xf32>
    %slice3A_9 = vector.extract_strided_slice %get3A_8 {offsets = [0, 0], sizes = [2000, 16], strides = [1, 1]} : vector<2000x32xf32> to vector<2000x16xf32>
    %add3A = arith.addf %slice3A, %slice3A_9 : vector<2000x16xf32>
    %slice3A_10 = vector.extract_strided_slice %get3A_3 {offsets = [0, 16], sizes = [2000, 1], strides = [1, 1]} : vector<2000x32xf32> to vector<2000x1xf32>
    %slice3A_11 = vector.extract_strided_slice %get3A_8 {offsets = [0, 16], sizes = [2000, 1], strides = [1, 1]} : vector<2000x32xf32> to vector<2000x1xf32>
    %add3A_12 = arith.addf %slice3A_10, %slice3A_11 : vector<2000x1xf32>
    %max3A = arith.constant 1.000000e+00 : f32
    %max3A_13 = vector.broadcast %max3A : f32 to vector<2000x1xf32>
    %max3A_14 = arith.maximumf %add3A_12, %max3A_13 : vector<2000x1xf32>
    %div3A = vector.broadcast %max3A_14 : vector<2000x1xf32> to vector<2000x16xf32>
    %div3A_15 = arith.divf %add3A, %div3A : vector<2000x16xf32>
    %get3A_16 = arith.constant 0 : index
    %get3A_17 = arith.constant 0 : index
    %get3A_18 = vector.load %arg2[%get3A_16, %get3A_17] : memref<2000x16xf32, #tpu.memory_space<vmem>>, vector<2000x16xf32>
    %add3A_19 = arith.addf %div3A_15, %get3A_18 : vector<2000x16xf32>
    %max3A_20 = arith.constant 0.000000e+00 : f32
    %max3A_21 = vector.broadcast %max3A_20 : f32 to vector<2000x16xf32>
    %max3A_22 = arith.maximumf %add3A_19, %max3A_21 : vector<2000x16xf32>
    %get3A_23 = arith.constant 0 : index
    %get3A_24 = arith.constant 0 : index
    %get3A_25 = vector.load %arg3[%get3A_23, %get3A_24] : memref<16x288xf32, #tpu.memory_space<vmem>>, vector<16x288xf32>
    %dot_general3A = arith.constant dense<0.000000e+00> : vector<2000x288xf32>
    %dot_general3A_26 = tpu.matmul %max3A_22, %get3A_25, %dot_general3A {dimension_numbers = #tpu.dot_dimension_numbers<[1], [0], [0], [1], [0, 0, 1, 1], [], []>, transpose_lhs_hint = false} : vector<2000x16xf32>, vector<16x288xf32>, vector<2000x288xf32> -> vector<2000x288xf32>
    %slice3A_27 = vector.extract_strided_slice %dot_general3A_26 {offsets = [0, 0], sizes = [2000, 272], strides = [1, 1]} : vector<2000x288xf32> to vector<2000x272xf32>
    %swap3A = arith.constant 0 : index
    %swap3A_28 = arith.constant 0 : index
    %swap3A_29 = vector.load %arg5[%swap3A, %swap3A_28] : memref<2000x272xf32, #tpu.memory_space<vmem>>, vector<2000x272xf32>
    tpu.vector_store %arg5[%swap3A, %swap3A_28], %slice3A_27 {strides = array<i32>} : memref<2000x272xf32, #tpu.memory_space<vmem>>, vector<2000x272xf32>,
    %slice3A_30 = vector.extract_strided_slice %dot_general3A_26 {offsets = [0, 272], sizes = [2000, 16], strides = [1, 1]} : vector<2000x288xf32> to vector<2000x16xf32>
    %get3A_31 = arith.constant 0 : index
    %get3A_32 = arith.constant 0 : index
    %get3A_33 = vector.load %arg4[%get3A_31, %get3A_32] : memref<1x16xf32, #tpu.memory_space<vmem>>, vector<1x16xf32>
    %add3A_34 = vector.broadcast %get3A_33 : vector<1x16xf32> to vector<2000x16xf32>
    %add3A_35 = arith.addf %slice3A_30, %add3A_34 : vector<2000x16xf32>
    %swap3A_36 = arith.constant 0 : index
    %swap3A_37 = arith.constant 0 : index
    %swap3A_38 = vector.load %arg6[%swap3A_36, %swap3A_37] : memref<2000x16xf32, #tpu.memory_space<vmem>>, vector<2000x16xf32>
    tpu.vector_store %arg6[%swap3A_36, %swap3A_37], %add3A_35 {strides = array<i32>} : memref<2000x16xf32, #tpu.memory_space<vmem>>, vector<2000x16xf32>,
    return
  }
  func.func @transform_0(%arg0: i32) -> (i32, i32, i32) {
    %c0_i32 = arith.constant 0 : i32
    %c0_i32_0 = arith.constant 0 : i32
    %c0_i32_1 = arith.constant 0 : i32
    return %c0_i32, %arg0, %c0_i32_0 : i32, i32, i32
  }
  func.func @transform_1(%arg0: i32) -> (i32, i32) {
    %c0_i32 = arith.constant 0 : i32
    %c0_i32_0 = arith.constant 0 : i32
    return %arg0, %c0_i32 : i32, i32
  }
  func.func @transform_2(%arg0: i32) -> (i32, i32) {
    %c0_i32 = arith.constant 0 : i32
    %c0_i32_0 = arith.constant 0 : i32
    %c0_i32_1 = arith.constant 0 : i32
    return %c0_i32, %c0_i32_0 : i32, i32
  }
  func.func @transform_3(%arg0: i32) -> (i32, i32) {
    %c0_i32 = arith.constant 0 : i32
    %c0_i32_0 = arith.constant 0 : i32
    %c0_i32_1 = arith.constant 0 : i32
    return %c0_i32, %c0_i32_0 : i32, i32
  }
  func.func @transform_4(%arg0: i32) -> (i32, i32) {
    %c0_i32 = arith.constant 0 : i32
    %c0_i32_0 = arith.constant 0 : i32
    return %arg0, %c0_i32 : i32, i32
  }
  func.func @transform_5(%arg0: i32) -> (i32, i32) {
    %c0_i32 = arith.constant 0 : i32
    %c0_i32_0 = arith.constant 0 : i32
    return %arg0, %c0_i32 : i32, i32
  }
}

module attributes {stable_mosaic.version = 14 : i64} {
  func.func @_head_body(%arg0: i32, %arg1: memref<2x2000x32xf32, #tpu.memory_space<vmem>>, %arg2: memref<2000x16xf32, #tpu.memory_space<vmem>>, %arg3: memref<2000x8xf32, #tpu.memory_space<vmem>>, %arg4: memref<16x1xf32, #tpu.memory_space<vmem>>, %arg5: memref<8x1xf32, #tpu.memory_space<vmem>>, %arg6: memref<1x1xf32, #tpu.memory_space<vmem>>, %arg7: memref<2000x1xf32, #tpu.memory_space<vmem>>) attributes {dimension_semantics = [#tpu.dimension_semantics<arbitrary>], iteration_bounds = array<i64: 5>, scalar_prefetch = 0 : i64, scratch_operands = 0 : i64, tpu.core_type = #tpu.core_type<tc>, window_params = [{transform_indices = @transform_0, window_bounds = array<i64: 2, 2000, 32>}, {transform_indices = @transform_1, window_bounds = array<i64: 2000, 16>}, {transform_indices = @transform_2, window_bounds = array<i64: 2000, 8>}, {pipeline_mode = #tpu.pipeline_mode<synchronous>, transform_indices = @transform_3, window_bounds = array<i64: 16, 1>}, {pipeline_mode = #tpu.pipeline_mode<synchronous>, transform_indices = @transform_4, window_bounds = array<i64: 8, 1>}, {pipeline_mode = #tpu.pipeline_mode<synchronous>, transform_indices = @transform_5, window_bounds = array<i64: 1, 1>}, {transform_indices = @transform_6, window_bounds = array<i64: 2000, 1>}]} {
    %get3A = arith.constant 0 : index
    %get3A_0 = arith.constant 0 : index
    %get3A_1 = arith.constant 0 : index
    %get3A_2 = vector.load %arg1[%get3A, %get3A_0, %get3A_1] : memref<2x2000x32xf32, #tpu.memory_space<vmem>>, vector<1x2000x32xf32>
    %get3A_3 = vector.shape_cast %get3A_2 : vector<1x2000x32xf32> to vector<2000x32xf32>
    %get3A_4 = arith.constant 1 : index
    %get3A_5 = arith.constant 0 : index
    %get3A_6 = arith.constant 0 : index
    %get3A_7 = vector.load %arg1[%get3A_4, %get3A_5, %get3A_6] : memref<2x2000x32xf32, #tpu.memory_space<vmem>>, vector<1x2000x32xf32>
    %get3A_8 = vector.shape_cast %get3A_7 : vector<1x2000x32xf32> to vector<2000x32xf32>
    %slice3A = vector.extract_strided_slice %get3A_3 {offsets = [0, 0], sizes = [2000, 16], strides = [1, 1]} : vector<2000x32xf32> to vector<2000x16xf32>
    %slice3A_9 = vector.extract_strided_slice %get3A_8 {offsets = [0, 0], sizes = [2000, 16], strides = [1, 1]} : vector<2000x32xf32> to vector<2000x16xf32>
    %add3A = arith.addf %slice3A, %slice3A_9 : vector<2000x16xf32>
    %slice3A_10 = vector.extract_strided_slice %get3A_3 {offsets = [0, 16], sizes = [2000, 1], strides = [1, 1]} : vector<2000x32xf32> to vector<2000x1xf32>
    %slice3A_11 = vector.extract_strided_slice %get3A_8 {offsets = [0, 16], sizes = [2000, 1], strides = [1, 1]} : vector<2000x32xf32> to vector<2000x1xf32>
    %add3A_12 = arith.addf %slice3A_10, %slice3A_11 : vector<2000x1xf32>
    %max3A = arith.constant 1.000000e+00 : f32
    %max3A_13 = vector.broadcast %max3A : f32 to vector<2000x1xf32>
    %max3A_14 = arith.maximumf %add3A_12, %max3A_13 : vector<2000x1xf32>
    %div3A = vector.broadcast %max3A_14 : vector<2000x1xf32> to vector<2000x16xf32>
    %div3A_15 = arith.divf %add3A, %div3A : vector<2000x16xf32>
    %get3A_16 = arith.constant 0 : index
    %get3A_17 = arith.constant 0 : index
    %get3A_18 = vector.load %arg2[%get3A_16, %get3A_17] : memref<2000x16xf32, #tpu.memory_space<vmem>>, vector<2000x16xf32>
    %add3A_19 = arith.addf %div3A_15, %get3A_18 : vector<2000x16xf32>
    %max3A_20 = arith.constant 0.000000e+00 : f32
    %max3A_21 = vector.broadcast %max3A_20 : f32 to vector<2000x16xf32>
    %max3A_22 = arith.maximumf %add3A_19, %max3A_21 : vector<2000x16xf32>
    %get3A_23 = arith.constant 0 : index
    %get3A_24 = arith.constant 0 : index
    %get3A_25 = vector.load %arg4[%get3A_23, %get3A_24] : memref<16x1xf32, #tpu.memory_space<vmem>>, vector<16x1xf32>
    %dot_general3A = arith.constant dense<0.000000e+00> : vector<2000x1xf32>
    %dot_general3A_26 = tpu.matmul %max3A_22, %get3A_25, %dot_general3A {dimension_numbers = #tpu.dot_dimension_numbers<[1], [0], [0], [1], [0, 0, 1, 1], [], []>, transpose_lhs_hint = false} : vector<2000x16xf32>, vector<16x1xf32>, vector<2000x1xf32> -> vector<2000x1xf32>
    %get3A_27 = arith.constant 0 : index
    %get3A_28 = arith.constant 0 : index
    %get3A_29 = vector.load %arg3[%get3A_27, %get3A_28] : memref<2000x8xf32, #tpu.memory_space<vmem>>, vector<2000x8xf32>
    %get3A_30 = arith.constant 0 : index
    %get3A_31 = arith.constant 0 : index
    %get3A_32 = vector.load %arg5[%get3A_30, %get3A_31] : memref<8x1xf32, #tpu.memory_space<vmem>>, vector<8x1xf32>
    %dot_general3A_33 = arith.constant dense<0.000000e+00> : vector<2000x1xf32>
    %dot_general3A_34 = tpu.matmul %get3A_29, %get3A_32, %dot_general3A_33 {dimension_numbers = #tpu.dot_dimension_numbers<[1], [0], [0], [1], [0, 0, 1, 1], [], []>, transpose_lhs_hint = false} : vector<2000x8xf32>, vector<8x1xf32>, vector<2000x1xf32> -> vector<2000x1xf32>
    %add3A_35 = arith.addf %dot_general3A_26, %dot_general3A_34 : vector<2000x1xf32>
    %get3A_36 = arith.constant 0 : index
    %get3A_37 = arith.constant 0 : index
    %get3A_38 = vector.load %arg6[%get3A_36, %get3A_37] : memref<1x1xf32, #tpu.memory_space<vmem>>, vector<1x1xf32>
    %add3A_39 = vector.broadcast %get3A_38 : vector<1x1xf32> to vector<2000x1xf32>
    %add3A_40 = arith.addf %add3A_35, %add3A_39 : vector<2000x1xf32>
    %swap3A = arith.constant 0 : index
    %swap3A_41 = arith.constant 0 : index
    %swap3A_42 = vector.load %arg7[%swap3A, %swap3A_41] : memref<2000x1xf32, #tpu.memory_space<vmem>>, vector<2000x1xf32>
    tpu.vector_store %arg7[%swap3A, %swap3A_41], %add3A_40 {strides = array<i32>} : memref<2000x1xf32, #tpu.memory_space<vmem>>, vector<2000x1xf32>,
    return
  }
  func.func @transform_0(%arg0: i32) -> (i32, i32, i32) {
    %c0_i32 = arith.constant 0 : i32
    %c0_i32_0 = arith.constant 0 : i32
    %c0_i32_1 = arith.constant 0 : i32
    return %c0_i32, %arg0, %c0_i32_0 : i32, i32, i32
  }
  func.func @transform_1(%arg0: i32) -> (i32, i32) {
    %c0_i32 = arith.constant 0 : i32
    %c0_i32_0 = arith.constant 0 : i32
    return %arg0, %c0_i32 : i32, i32
  }
  func.func @transform_2(%arg0: i32) -> (i32, i32) {
    %c0_i32 = arith.constant 0 : i32
    %c0_i32_0 = arith.constant 0 : i32
    return %arg0, %c0_i32 : i32, i32
  }
  func.func @transform_3(%arg0: i32) -> (i32, i32) {
    %c0_i32 = arith.constant 0 : i32
    %c0_i32_0 = arith.constant 0 : i32
    %c0_i32_1 = arith.constant 0 : i32
    return %c0_i32, %c0_i32_0 : i32, i32
  }
  func.func @transform_4(%arg0: i32) -> (i32, i32) {
    %c0_i32 = arith.constant 0 : i32
    %c0_i32_0 = arith.constant 0 : i32
    %c0_i32_1 = arith.constant 0 : i32
    return %c0_i32, %c0_i32_0 : i32, i32
  }
  func.func @transform_5(%arg0: i32) -> (i32, i32) {
    %c0_i32 = arith.constant 0 : i32
    %c0_i32_0 = arith.constant 0 : i32
    %c0_i32_1 = arith.constant 0 : i32
    return %c0_i32, %c0_i32_0 : i32, i32
  }
  func.func @transform_6(%arg0: i32) -> (i32, i32) {
    %c0_i32 = arith.constant 0 : i32
    %c0_i32_0 = arith.constant 0 : i32
    return %arg0, %c0_i32 : i32, i32
  }
}

</mosaic_0001>

<sc_bundles>
// kernel: kernel.10.cloned.1.call-start
scs
__scs_entry_jumppad:
0x0: {  	(pc) =	sbr.rel $0x88, $3  }
0x1: {  	(tag) =	ssettag $0x0;
	lr =	simm.s32 $0x1  }
0x2: {  	[smem:$0x3F93] =	sst lr;
	_ =	strace $0xD0000000  }
0x3: {  	_ = 	snop  }
0x4: {  	_ = 	snop  }
0x5: {  	_ = 	snop  }
0x6: {  	_ = 	snop  }
0x7: {  	_ = 	snop  }
__scs_overlays_trampoline_lowered:
0x8: {  	[smem:$0x3FA2] =	sst s0  }
0x9: {  	[smem:$0x3FA3] =	sst s1  }
0xa: {  	[smem:$0x3FA4] =	sst s2  }
0xb: {  	[smem:$0x3FA5] =	sst s3  }
0xc: {  	[smem:$0x3FA6] =	sst s4  }
0xd: {  	[smem:$0x3FA7] =	sst s5  }
0xe: {  	[smem:$0x3FA8] =	sst s6  }
0xf: {  	[smem:$0x3FA9] =	sst s7  }
0x10: {  	[smem:$0x3FAA] =	sst s8  }
0x11: {  	[smem:$0x3FAB] =	sst s9;
	s0 =	simm.s32 @!p0 $0x0  }
0x12: {  	s1 =	sld [smem:$0x3F91];
	s0 =	simm.s32 @p0 $0x1  }
0x13: {  	[smem:$0x3FAC] =	sst s0;
	s0 =	simm.s32 @!p1 $0x0  }
0x14: {  	s2 =	sld [smem:$0x3F90];
	s0 =	simm.s32 @p1 $0x1  }
0x15: {  	[smem:$0x3FAD] =	sst s0;
	s0 =	simm.s32 @!p2 $0x0  }
0x16: {  	s3 =	sld [smem:$0x3FDB];
	s0 =	simm.s32 @p2 $0x1  }
0x17: {  	s4 =	simm.s32 $0x1BF5;
	[smem:$0x3FAF] =	sst s0  }
0x18: {  	s0 =	sld [smem:$0x3F92];
	_ =	swait.ge [sflag:s4], $0x0  }
0x19: {  	s7 =	sld [smem:$0x3F93]  }
0x1a: {  	s8 =	sadd.s32 $0xFFFFE003, lr  }
0x1b: {  	s9 =	sadd.s32 $0xFFFFFEF7, lr;
	s5 =	simm.s32 $0xFFFFFFFF;
	p2 =	slt.u32 s8, $0xFFFFF086  }
0x1c: {  	p1 =	slt.u32 s9, $0xF7A;
	s5 =	simm.s32 @!p2 $0x0  }
0x1d: {  	s5 =	simm.s32 @p1 $0x1;
	p0 =	seq.s32 s7, s2  }
0x1e: {  	s7 =	smul.u32 @!p0 $0xF7A, s2;
	p2 =	seq.s32 @!p0 s5, $0x0  }
0x1f: {  	s9 =	smul.u32 $0xF7A, s1;
	s8 =	simm.s32 @!p0 $0x1BF5;
	p2 =	por !p2, p0  }
0x20: {  	[sflag:s8] =	ssyncset.s32 @!p0 $0xFFFFF086;
	s6 =	sadd.s32 @!p0 s3, s7;
	s7 =	simm.s32 @!p0 $0x108  }
0x21: {  	s3 =	sadd.s32 s3, s9;
	s6 =	sadd.s32 @!p0 $0x88, s6;
	s7 =	simm.s32 @p2 $0x1082  }
0x22: {  	[simem:s7], [sflag:s8] =	dma.local @!p0 [hbm:s6], $0xF7A  }
0x23: {  	s9 =	sor.u32 $0xD0000000, s2;
	s6 =	simm.s32 $0x108;
	_ =	swait.ge @!p0 [sflag:s8], $0x0  }
0x24: {  	s3 =	sadd.s32 $0x88, s3;
	s6 =	simm.s32 @!p1 $0x1082;
	[sflag:s4] =	ssyncset.s32 $0xFFFFF086  }
0x25: {  	[simem:s6], [sflag:s4] =	dma.local [hbm:s3], $0xF7A  }
0x26: {  	[smem:$0x3F93] =	sst s1;
	(tag) =	ssettag s2;
	_ =	strace s9  }
0x27: {  	s1 =	sld [smem:$0x3FA3]  }
0x28: {  	s2 =	sld [smem:$0x3FA4]  }
0x29: {  	s4 =	sld [smem:$0x3FA6]  }
0x2a: {  	p0 =	seq.s32 s5, $0x0;
	s5 =	sld [smem:$0x3FA7]  }
0x2b: {  	s6 =	sld [smem:$0x3FA8]  }
0x2c: {  	s7 =	sld [smem:$0x3FA9]  }
0x2d: {  	s3 =	simm.s32 $0x108;
	s8 =	sld [smem:$0x3FAA]  }
0x2e: {  	s3 =	simm.s32 @!p0 $0x1082;
	s9 =	sld [smem:$0x3FAB]  }
0x2f: {  	lr =	sadd.s32 s0, s3;
	s0 =	sld [smem:$0x3FA2]  }
0x30: {  	s3 =	sld [smem:$0x3FA5]  }
0x31: {  	[smem:$0x3FAE] =	sst s10  }
0x32: {  	s10 =	sld [smem:$0x3FAC];
	_ =	sdelay $0x3  }
0x33: {  	p0 =	seq.s32 s10, $0x1;
	s10 =	sld [smem:$0x3FAE];
	_ =	sdelay $0x3  }
0x34: {  	[smem:$0x3FAE] =	sst s10  }
0x35: {  	s10 =	sld [smem:$0x3FAD];
	_ =	sdelay $0x3  }
0x36: {  	p1 =	seq.s32 s10, $0x1;
	s10 =	sld [smem:$0x3FAE];
	_ =	sdelay $0x3  }
0x37: {  	[smem:$0x3FAE] =	sst s10  }
0x38: {  	s10 =	sld [smem:$0x3FAF]  }
0x39: {  	_ = 	snop;
	(pc) =	sbr.ind lr, $3  }
0x3a: {  	_ = 	snop  }
0x3b: {  	_ = 	snop  }
0x3c: {  	p2 =	seq.s32 s10, $0x1;
	s10 =	sld [smem:$0x3FAE]  }
0x3d: {  	_ =	shalt  }
0x3e: {  	_ =	shalt  }
0x3f: {  	_ =	shalt  }
0x40: {  	_ =	shalt  }
0x41: {  	_ =	shalt  }
0x42: {  	_ =	shalt  }
0x43: {  	_ =	shalt  }
0x44: {  	_ =	shalt  }
0x45: {  	_ =	shalt  }
0x46: {  	_ =	shalt  }
0x47: {  	_ =	shalt  }
0x48: {  	_ =	shalt  }
0x49: {  	_ =	shalt  }
0x4a: {  	_ =	shalt  }
0x4b: {  	_ =	shalt  }
0x4c: {  	_ =	shalt  }
0x4d: {  	_ =	shalt  }
0x4e: {  	_ =	shalt  }
0x4f: {  	_ =	shalt  }
0x50: {  	_ =	shalt  }
0x51: {  	_ =	shalt  }
0x52: {  	_ =	shalt  }
0x53: {  	_ =	shalt  }
0x54: {  	_ =	shalt  }
0x55: {  	_ =	shalt  }
0x56: {  	_ =	shalt  }
0x57: {  	_ =	shalt  }
0x58: {  	_ =	shalt  }
0x59: {  	_ =	shalt  }
0x5a: {  	_ =	shalt  }
0x5b: {  	_ =	shalt  }
0x5c: {  	_ =	shalt  }
0x5d: {  	_ =	shalt  }
0x5e: {  	_ =	shalt  }
0x5f: {  	_ =	shalt  }
0x60: {  	_ =	shalt  }
0x61: {  	_ =	shalt  }
0x62: {  	_ =	shalt  }
0x63: {  	_ =	shalt  }
0x64: {  	_ =	shalt  }
0x65: {  	_ =	shalt  }
0x66: {  	_ =	shalt  }
0x67: {  	_ =	shalt  }
0x68: {  	_ =	shalt  }
0x69: {  	_ =	shalt  }
0x6a: {  	_ =	shalt  }
0x6b: {  	_ =	shalt  }
0x6c: {  	_ =	shalt  }
0x6d: {  	_ =	shalt  }
0x6e: {  	_ =	shalt  }
0x6f: {  	_ =	shalt  }
0x70: {  	_ =	shalt  }
0x71: {  	_ =	shalt  }
0x72: {  	_ =	shalt  }
0x73: {  	_ =	shalt  }
0x74: {  	_ =	shalt  }
0x75: {  	_ =	shalt  }
0x76: {  	_ =	shalt  }
0x77: {  	_ =	shalt  }
0x78: {  	_ =	shalt  }
0x79: {  	_ =	shalt  }
0x7a: {  	_ =	shalt  }
0x7b: {  	_ =	shalt  }
0x7c: {  	_ =	shalt  }
0x7d: {  	_ =	shalt  }
0x7e: {  	_ =	shalt  }
0x7f: {  	_ =	shalt  }
0x80: {  	_ =	shalt  }
0x81: {  	_ =	shalt  }
0x82: {  	_ =	shalt  }
0x83: {  	_ =	shalt  }
0x84: {  	_ =	shalt  }
0x85: {  	_ =	shalt  }
0x86: {  	_ =	shalt  }
0x87: {  	_ =	shalt  }
.Lfunc_end0:
.L_simem_size_0:
called_computation.1_lowered:
.L_overlay_start_0:
0x88: {  	s2 =	sld [smem:$0x3FD9]  }
0x89: {  	s3 =	sld [smem:$0x3FFE];
	_ =	sdelay $0x1  }
0x8a: {  	s1 =	srdreg.scid  }
0x8b: {  	s0 =	sand.u32 $0x1, s1  }
0x8c: {  	s16 =	sshll.u32 s0, $0xA;
	s2 =	sadd.s32 s3, s2  }
0x8d: {  	s2 =	sadd.s32 s2, s16  }
0x8e: {  	[smem:$0x3FBA] =	sst s2  }
0x8f: {  	_ = 	snop  }
0x90: {  	(tm) =	ssettm $0x1  }
0x91: {  	s17 =	sld [smem:$0x3FFB];
	_ =	sdelay $0x3  }
0x92: {  	_ =	strace s17  }
0x93: {  	s2 =	sld [smem:$0x3FFC];
	_ =	sdelay $0x3  }
0x94: {  	_ =	strace s2  }
0x95: {  	s2 =	sld [smem:$0x3FFD];
	_ =	sdelay $0x3  }
0x96: {  	_ =	strace s2  }
0x97: {  	_ =	strace $0x8FFFFFFF  }
0x98: {  	s18 =	sld [smem:$0x3FDB];
	_ =	sdelay $0x1  }
0x99: {  	s19 =	simm.s32 $_scs_section_size  }
0x9a: {  	s4 =	simm.s32 $_size__tile_overlayer_lowered;
	s5 =	simm.s32 $_tile_overlayer_lowered  }
0x9b: {  	s22 =	simm.s32 $0x1BFF;
	s21 =	sshll.u32 s5, $0x1;
	s2 =	sadd.s32 s19, s18  }
0x9c: {  	s6 =	simm.s32 $0x0;
	s20 =	sshll.u32 s4, $0x1;
	s4 =	sadd.s32 s21, s2  }
0x9d: {  	[timem:s6], [sflag:s22] =	dma.local [hbm:s4], s20  }
0x9e: {  	_ =	swait.ge [sflag:s22], s20  }
0x9f: {  	s3 =	ssub.s32 $0x0, s20;
	[sflag:s22] =	ssyncset.done $0x0  }
0xa0: {  	[sflag:s22] =	ssyncadd.s32 s3;
	_ =	sdelay $0x1  }
0xa1: {  	s23 =	simm.s32 $0x1B8B  }
0xa2: {  	_ =	swait.ge [sflag:s23], $0x1  }
0xa3: {  	[sflag:s23] =	ssyncset.done $0x0  }
0xa4: {  	s25 =	simm.s32 $0x1B8E;
	s24 =	sld [smem:$0x3FFE];
	[sflag:s23] =	ssyncadd.s32 $0xFFFFFFFF  }
0xa5: {  	s26 =	simm.s32 $execute0_lowered;
	[smem:$0x3FD2] =	sst s25  }
0xa6: {  	s4 =	sshll.u32 s26, $0x1;
	_ =	strace $0x80000049;
	[dreg:$0x1] =	wrdreg $0xFFFFFFFF  }
0xa7: {  	s28 =	simm.s32 $_size_execute0_lowered;
	s2 =	sadd.s32 s2, s4;
	[dreg:$0x0] =	wrdreg $0x0  }
0xa8: {  	s4 =	sshll.u32 s28, $0x1;
	[dreg:$0x2] =	wrdreg s2  }
0xa9: {  	[dreg:$0x3] =	wrdreg s4  }
0xaa: {  	[dreg:$0x4] =	wrdreg $0xC0  }
0xab: {  	_ =	task [dreg:s6], $0x5FFFF  }
0xac: {  	[dreg:$0x1] =	wrdreg $0xFFFFFFFF  }
0xad: {  	[dreg:$0x0] =	wrdreg $0x60  }
0xae: {  	[dreg:$0x2] =	wrdreg s24  }
0xaf: {  	[dreg:$0x3] =	wrdreg $0x192000  }
0xb0: {  	[dreg:$0x4] =	wrdreg $0x9  }
0xb1: {  	_ =	task.clear_ibuf [dreg:s6], $0x5FFFF;
	_ =	strace $0x90000049  }
0xb2: {  	s29 =	simm.s32 $0x9;
	_ =	strace $0x8000004B  }
0xb3: {  	_ =	swait.ge [sflag:s29], $0x1  }
0xb4: {  	[sflag:s29] =	ssyncadd.s32 $0xFFFFFFFF  }
0xb5: {  	_ =	strace $0x9000004B  }
0xb6: {  	_ =	sfence  }
0xb7: {  	s30 =	sld [smem:$0x0];
	_ =	sdelay $0x2  }
0xb8: {  	s31 =	sshll.u32 s1, $0xD;
	s1 =	sshrl.u32 s1, $0x2  }
0xb9: {  	s3 =	sand.u32 $0x4000, s31;
	s1 =	sadd.s32 s1, s30  }
0xba: {  	s0 =	sor.u32 s3, s0;
	s1 =	sshll.u32 s1, $0x11  }
0xbb: {  	s0 =	sor.u32 s1, s0  }
0xbc: {  	s0 =	sadd.s32 $0x8F2B, s0  }
0xbd: {  	[sflag:s0] =	ssyncadd.remote.s32 $0x1  }
0xbe: {  	_ =	sfence.sel $0xFFFF  }
0xbf: {  	[dreg:$0x0] =	wrdreg $0xFFFFFFFF;
	(pc) =	sbr.abs _section_cstart, $3  }
0xc0: {  	[dreg:$0x1] =	wrdreg $0xFFFFFFFF  }
0xc1: {  	_ =	task.clear_ibuf [dreg:s6], $0x2FFFF;
	_ =	strace $0x9FFFFFFF  }
0xc2: {  	(tm) =	ssettm $0x7FFFFFFF  }
0xc3: {  	_ =	shalt  }
tec
execute0_lowered:
.L_overlay_start_1:
0x0: {  	(tag) =	ssettag $0x1  }
0x1: {  	s0 =	rddreg [dreg:$0x0]  }
0x2: {  	s2 =	rddreg [dreg:$0x1]  }
0x3: {  	s4 =	srdreg.scid;
	s1 =	stileid.u32  }
0x4: {  	s3 =	simm.s32 $0x0;
	s18 =	simm.s32 $0x3;
	s19 =	simm.s32 $0x80  }
0x5: {  	s20 =	simm.s32 $0x27100;
	s28 =	simm.s32 $0x12200;
	s29 =	simm.s32 $0x2  }
0x6: {  	s30 =	simm.s32 $0x180;
	s31 =	simm.s32 $0x13200;
	s7 =	sand.u32 $0x1, s4  }
0x7: {  	s8 =	smul.u32 $0x5000, s1;
	[smem:$0x7FF] =	sst s3;
	s4 =	sadd.s32 $0x81C00, s0  }
0x8: {  	s5 =	sadd.s32 $0x2A00, s0;
	s6 =	sadd.s32 $0x273A00, s0;
	s14 =	sshll.u32 s1, $0x1  }
0x9: {  	s9 =	smul.u32 $0x50000, s7;
	_ =	strace $0x8000004A;
	s10 =	ssub.s32 $0x2, s7  }
0xa: {  	s13 =	sor.u32 s7, s14;
	s14 =	ssub.s32 $0x4C2, s14;
	s23 =	sshrl.u32 s10, $0x1  }
0xb: {  	s7 =	sadd.s32 s8, s2;
	s24 =	sshll.u32 s13, $0x4;
	s25 =	sshll.u32 s13, $0x8  }
0xc: {  	s26 =	sor.u32 $0x20, s13;
	s9 =	sadd.s32 s8, s9;
	s16 =	ssub.s32 s10, s23  }
.Ltmp0:
0xd: {  	s8 =	sadd.s32 s5, s24;
	s11 =	sshll.u32 s26, $0x4;
	(pc) =	sbr.rel .LBB2_1-.Ltmp0, $4  }
0xe: {  	s12 =	sshll.u32 s26, $0x8;
	s23 =	simm.s32 $0x100;
	s26 =	simm.s32 $0x1  }
0xf: {  	s9 =	sshrl.u32 s9, $0x3;
	s10 =	sadd.s32 s5, s11;
	s11 =	sadd.s32 s6, s12  }
0x10: {  	v0 =	vimm.f32 $0.0e+00;
	vm0 =	vcmask $0x300;
	s12 =	sor.u32 $0x40, s13;
	s13 =	sor.u32 $0x60, s13;
	s0 =	sadd.s32 s9, s0  }
0x11: {  	v1 =	vsel vm0, $0x3F800000, v0;
	s16 =	smax.u32 s16, $0x1;
	s9 =	sadd.s32 s6, s25;
	s15 =	sadd.s32 $0xC800, s0  }
.LBB2_13:
0x12: {  	s0 =	stileid.u32;
	s3 =	sadd.s32 $0x1, s3  }
0x13: {  	[bflag:$0x0] =	sbarrier.arrive $0xFFFF;
	s0 =	sshll.u32 s0, $0x6;
	p0 =	sne.s32 s3, s16  }
.Ltmp1:
0x14: {  	s1 =	sshrl.u32 s7, $0x3;
	s0 =	sor.u32 $0x1C03, s0;
	(pc) =	sbr.rel @!p0 .LBB2_14-.Ltmp1, $4  }
0x15: {  	[hbm:s15], [sflag:s0] =	dma.local [spmem:s1], $0xA00  }
0x16: {  	_ =	swait.ge [sflag:s18], $0xA00  }
0x17: {  	[sflag:s18] =	ssyncset.done $0x0  }
0x18: {  	[sflag:s18] =	ssyncadd.s32 $0xFFFFF600  }
.LBB2_1:
0x19: {  	s0 =	simm.s32 $0x14240  }
0x1a: {  	[tilespmem:s0+$0xFFFFFFC0] =	vst v0  }
0x1b: {  	[tilespmem:s0+$0x30] =	vst v0  }
0x1c: {  	[tilespmem:s0+$0x20] =	vst v0  }
0x1d: {  	[tilespmem:s0+$0x10] =	vst v0  }
0x1e: {  	[tilespmem:s0+$0x0] =	vst v0  }
0x1f: {  	[tilespmem:s0+$0xFFFFFFF0] =	vst v0  }
0x20: {  	s17 =	simm.s32 $0x0;
	[tilespmem:s0+$0xFFFFFFE0] =	vst v0  }
.LBB2_2:
0x21: {  	s17 =	sadd.s32 $0x4, s17;
	[tilespmem:s0+$0xFFFFFFD0] =	vst v0;
	s0 =	sadd.s32 $0x80, s0  }
0x22: {  	[tilespmem:s0+$0xFFFFFFC0] =	vst v0;
	p0 =	slt.u32 s17, $0x27C  }
0x23: {  	[tilespmem:s0+$0x30] =	vst v0  }
.Ltmp2:
0x24: {  	[tilespmem:s0+$0x20] =	vst v0;
	(pc) =	sbr.rel @p0 .LBB2_2-.Ltmp2, $4  }
0x25: {  	[tilespmem:s0+$0x10] =	vst v0  }
0x26: {  	[tilespmem:s0+$0x0] =	vst v0  }
0x27: {  	[tilespmem:s0+$0xFFFFFFF0] =	vst v0  }
0x28: {  	[tilespmem:s0+$0xFFFFFFE0] =	vst v0  }
0x29: {  	[tilespmem:s0+$0xFFFFFFD0] =	vst v0;
	s25 =	simm.s32 $0x14200  }
0x2a: {  	[spmem:s7] =	stream.linear.scatter [tilespmem:s25], [sflag:$0x3], $0x5000, $0x38;
	[tilespmem:$0x1E200] =	vst v63  }
0x2b: {  	_ =	swait.ge [sflag:s18], $0x5000  }
0x2c: {  	[sflag:s18] =	ssyncset.done $0x0  }
0x2d: {  	s0 =	simm.s32 $0x80;
	s17 =	simm.s32 $0x0;
	[sflag:s18] =	ssyncadd.s32 $0xFFFFB000  }
.LBB2_4:
0x2e: {  	p0 =	sne.s32 s0, $0x3F80;
	[tilespmem:s17+$0x12210] =	vst v1;
	s21 =	smov.u32 s0;
	s0 =	sadd.s32 $0x80, s0  }
.Ltmp3:
0x2f: {  	[tilespmem:s17+$0x13210] =	vst v1;
	(pc) =	sbr.rel @p0 .LBB2_4-.Ltmp3, $2  }
0x30: {  	_ =	sdelay $0x2  }
0x31: {  	s17 =	sshra.s32 s21, $0x2  }
0x32: {  	[tilespmem:s17+$0x12210] =	vst v1  }
0x33: {  	[tilespmem:s17+$0x13210] =	vst v1  }
0x34: {  	s0 =	simm.s32 $0x0;
	[bflag:$0x0] =	sbarrier.arrive $0xFFFF  }
0x35: {  	[tilespmem:s0], [sflag:$0x3] =	stream.strided.gather [hbm4b:s8+s19], $0x100, s20, s19, $0x38;
	[tilespmem:$0x1E200] =	vst v63  }
0x36: {  	_ =	swait.ge [sflag:s18], $0x100  }
0x37: {  	[sflag:s18] =	ssyncset.done $0x0  }
0x38: {  	s1 =	simm.s32 $0x11200;
	[sflag:s18] =	ssyncadd.s32 $0xFFFFFF00  }
0x39: {  	[tilespmem:s1], [sflag:$0x3] =	stream.linear.gather [hbm4b:s9+s0], $0x800, $0x38;
	[tilespmem:$0x1E200] =	vst v63  }
0x3a: {  	_ =	swait.ge [sflag:s18], $0x800  }
0x3b: {  	[sflag:s18] =	ssyncset.done $0x0  }
0x3c: {  	s22 =	simm.s32 $0x200;
	[sflag:s18] =	ssyncadd.s32 $0xFFFFF800  }
0x3d: {  	[tilespmem:s22], [sflag:$0x1] =	stream.indirect.gather [hbm4b:s4+s19], $0x110, s0, s19, $0xb8;
	[tilespmem:$0x1E200] =	vst v63  }
0x3e: {  	_ = 	snop  }
0x3f: {  	[tilespmem:s23], [sflag:$0x3] =	stream.strided.gather [hbm4b:s10+s19], $0x100, s20, s19, $0x38;
	[tilespmem:$0x1E200] =	vst v63  }
0x40: {  	_ =	swait.ge [sflag:s18], $0x100  }
0x41: {  	[sflag:s18] =	ssyncset.done $0x0  }
0x42: {  	s24 =	simm.s32 $0x11A00;
	[sflag:s18] =	ssyncadd.s32 $0xFFFFFF00  }
0x43: {  	[tilespmem:s24], [sflag:$0x3] =	stream.linear.gather [hbm4b:s11+s0], $0x800, $0x38;
	[tilespmem:$0x1E200] =	vst v63  }
.Ltmp4:
0x44: {  	_ = 	snop;
	(pc) =	sbr.rel .LBB2_6-.Ltmp4, $4  }
0x45: {  	_ =	swait.ge [sflag:s18], $0x800  }
0x46: {  	[sflag:s18] =	ssyncset.done $0x0  }
0x47: {  	s25 =	simm.s32 $0x8A00;
	[sflag:s18] =	ssyncadd.s32 $0xFFFFF800  }
0x48: {  	[tilespmem:s25], [sflag:$0x2] =	stream.indirect.gather [hbm4b:s4+s19], $0x110, s23, s19, $0xb8;
	[tilespmem:$0x1E200] =	vst v63  }
.LBB2_12:
0x49: {  	s1 =	sadd.s32 s13, s17  }
0x4a: {  	p0 =	sgt.u32 s1, $0x4E1  }
0x4b: {  	s17 =	sshll.u32 @!p0 s1, $0x4;
	s21 =	simm.s32 @!p0 $0x80  }
0x4c: {  	s22 =	simm.s32 @!p0 $0x27100;
	s24 =	simm.s32 @!p0 $0x100;
	s17 =	sadd.s32 @!p0 s5, s17  }
0x4d: {  	[tilespmem:s24], [sflag:$0x3] =	stream.strided.gather @!p0 [hbm4b:s17+s21], $0x100, s22, s21, $0x38;
	[tilespmem:$0x1E200] =	vst v63  }
0x4e: {  	s17 =	simm.s32 @!p0 $0x3  }
0x4f: {  	_ =	swait.ge @!p0 [sflag:s17], $0x100  }
0x50: {  	s1 =	sshll.u32 @!p0 s1, $0x8;
	s25 =	simm.s32 @!p0 $0x11A00;
	[sflag:s17] =	ssyncset.done @!p0 $0x0  }
0x51: {  	s1 =	sadd.s32 @!p0 s6, s1;
	s22 =	simm.s32 @!p0 $0x0;
	[sflag:s17] =	ssyncadd.s32 @!p0 $0xFFFFFF00  }
0x52: {  	[tilespmem:s25], [sflag:$0x3] =	stream.linear.gather @!p0 [hbm4b:s1+s22], $0x800, $0x38;
	[tilespmem:$0x1E200] =	vst v63  }
0x53: {  	_ =	swait.ge @!p0 [sflag:s17], $0x800  }
0x54: {  	[sflag:s17] =	ssyncset.done @!p0 $0x0  }
0x55: {  	s0 =	sadd.s32 $0x1, s0;
	s1 =	simm.s32 @!p0 $0x8A00;
	[sflag:s17] =	ssyncadd.s32 @!p0 $0xFFFFF800  }
0x56: {  	[tilespmem:s1], [sflag:$0x2] =	stream.indirect.gather @!p0 [hbm4b:s4+s21], $0x110, s24, s21, $0xb8;
	[tilespmem:$0x1E200] =	vst v63  }
0x57: {  	p0 =	sne.s32 s0, $0x14  }
.Ltmp5:
0x58: {  	_ = 	snop;
	(pc) =	sbr.rel @!p0 .LBB2_13-.Ltmp5, $1  }
0x59: {  	_ =	sdelay $0x3  }
.LBB2_6:
0x5a: {  	_ =	swait.ge [sflag:s26], $0x8800;
	s17 =	sshll.u32 s0, $0x6  }
0x5b: {  	s21 =	simm.s32 $0xFFFFFFFC;
	s22 =	simm.s32 $0x420;
	[sflag:s26] =	ssyncset.done $0x0  }
0x5c: {  	s24 =	simm.s32 $0x11220;
	s25 =	simm.s32 $0x12240;
	[sflag:s26] =	ssyncadd.s32 $0xFFFF7800  }
.LBB2_7:
0x5d: {  	v2 =	vld [tilespmem:s24+$0xFFFFFFE0]  }
0x5e: {  	v3 =	vld [tilespmem:s22+$0xFFFFFEE0]  }
0x5f: {  	v4 =	vld [tilespmem:s22+$0xFFFFFDE0]  }
0x60: {  	v5 =	vld [tilespmem:s22+$0xFFFFFDF0]  }
0x61: {  	v6 =	vld [tilespmem:s22+$0xFFFFFE00]  }
0x62: {  	v7 =	vld [tilespmem:s22+$0xFFFFFE10];
	v9 =	vbroadcast v2, $0x0;
	v10 =	vbroadcast v2, $0x1  }
0x63: {  	v8 =	vld [tilespmem:s22+$0xFFFFFE20];
	v12 =	vbroadcast v2, $0x2;
	v13 =	vbroadcast v2, $0x3  }
0x64: {  	v11 =	vld [tilespmem:s22+$0xFFFFFE30];
	v21 =	vbroadcast v2, $0x4;
	v22 =	vbroadcast v2, $0x5  }
0x65: {  	v14 =	vld [tilespmem:s22+$0xFFFFFE40];
	v16 =	vbroadcast v2, $0x6;
	v17 =	vbroadcast v2, $0x7  }
0x66: {  	v62 =	vld [tilespmem:s22+$0xFFFFFE50];
	v26 =	vbroadcast v2, $0x8;
	v27 =	vbroadcast v2, $0x9  }
0x67: {  	v63 =	vld [tilespmem:s22+$0xFFFFFE60];
	v29 =	vbroadcast v2, $0xA;
	v30 =	vbroadcast v2, $0xB  }
0x68: {  	v15 =	vld [tilespmem:s22+$0xFFFFFE70];
	v36 =	vbroadcast v2, $0xC;
	v37 =	vbroadcast v2, $0xD  }
0x69: {  	v18 =	vld [tilespmem:s22+$0xFFFFFE80];
	v38 =	vbroadcast v2, $0xE;
	v2 =	vbroadcast v2, $0xF  }
0x6a: {  	v23 =	vld [tilespmem:s22+$0xFFFFFE90];
	v4 =	vmul.f32 v4, v9;
	v5 =	vmul.f32 v5, v10  }
0x6b: {  	v28 =	vld [tilespmem:s22+$0xFFFFFEB0];
	v6 =	vmul.f32 v6, v12;
	v7 =	vmul.f32 v7, v13  }
0x6c: {  	v33 =	vld [tilespmem:s22+$0xFFFFFED0];
	v8 =	vmul.f32 v8, v21;
	v11 =	vmul.f32 v11, v22  }
0x6d: {  	v25 =	vld [tilespmem:s22+$0xFFFFFEA0];
	v24 =	vmul.f32 v14, v16;
	v9 =	vmul.f32 v62, v17  }
0x6e: {  	v19 =	vld [tilespmem:s22+$0xFFFFFEC0];
	v31 =	vmul.f32 v63, v26;
	v32 =	vmul.f32 v15, v27  }
0x6f: {  	v34 =	vmul.f32 v18, v29;
	v35 =	vmul.f32 v23, v30;
	v3 =	vadd.f32 v7, v3  }
0x70: {  	v39 =	vmul.f32 v28, v37;
	v4 =	vadd.f32 v8, v4;
	v5 =	vadd.f32 v11, v5  }
0x71: {  	v2 =	vmul.f32 v33, v2;
	v6 =	vadd.f32 v24, v6;
	v3 =	vadd.f32 v9, v3  }
0x72: {  	v7 =	vmul.f32 v25, v36;
	v4 =	vadd.f32 v31, v4;
	v5 =	vadd.f32 v32, v5  }
0x73: {  	v8 =	vmul.f32 v19, v38;
	v6 =	vadd.f32 v34, v6;
	v3 =	vadd.f32 v35, v3  }
0x74: {  	v4 =	vadd.f32 v7, v4;
	v5 =	vadd.f32 v39, v5  }
0x75: {  	v6 =	vadd.f32 v8, v6;
	v2 =	vadd.f32 v2, v3;
	_ =	sdelay $0x1  }
0x76: {  	v3 =	vadd.f32 v6, v5;
	v2 =	vadd.f32 v2, v4;
	_ =	sdelay $0x1  }
0x77: {  	v2 =	vadd.f32 v2, v3;
	_ =	sdelay $0x1  }
0x78: {  	[tilespmem:s25+$0xFFFFFFC0] =	vst v2  }
0x79: {  	v2 =	vld [tilespmem:s24+$0xFFFFFFF0]  }
0x7a: {  	v3 =	vld [tilespmem:s22+$0xFFFFFFF0]  }
0x7b: {  	v40 =	vld [tilespmem:s22+$0xFFFFFEF0]  }
0x7c: {  	v41 =	vld [tilespmem:s22+$0xFFFFFF00]  }
0x7d: {  	v42 =	vld [tilespmem:s22+$0xFFFFFF10]  }
0x7e: {  	v43 =	vld [tilespmem:s22+$0xFFFFFF20];
	v45 =	vbroadcast v2, $0x0;
	v46 =	vbroadcast v2, $0x1  }
0x7f: {  	v44 =	vld [tilespmem:s22+$0xFFFFFF30];
	v48 =	vbroadcast v2, $0x2;
	v49 =	vbroadcast v2, $0x3  }
0x80: {  	v47 =	vld [tilespmem:s22+$0xFFFFFF40];
	v53 =	vbroadcast v2, $0x4;
	v54 =	vbroadcast v2, $0x5  }
0x81: {  	v50 =	vld [tilespmem:s22+$0xFFFFFF50];
	v56 =	vbroadcast v2, $0x6;
	v57 =	vbroadcast v2, $0x7  }
0x82: {  	v51 =	vld [tilespmem:s22+$0xFFFFFF60];
	v62 =	vbroadcast v2, $0x8;
	v63 =	vbroadcast v2, $0x9  }
0x83: {  	v52 =	vld [tilespmem:s22+$0xFFFFFF70];
	v22 =	vbroadcast v2, $0xA;
	v23 =	vbroadcast v2, $0xB  }
0x84: {  	v55 =	vld [tilespmem:s22+$0xFFFFFF80];
	v30 =	vbroadcast v2, $0xC;
	v31 =	vbroadcast v2, $0xD  }
0x85: {  	v58 =	vld [tilespmem:s22+$0xFFFFFF90];
	v32 =	vbroadcast v2, $0xE;
	v2 =	vbroadcast v2, $0xF  }
0x86: {  	v59 =	vld [tilespmem:s22+$0xFFFFFFA0];
	v4 =	vmul.f32 v40, v45;
	v5 =	vmul.f32 v41, v46  }
0x87: {  	v21 =	vld [tilespmem:s22+$0xFFFFFFC0];
	v6 =	vmul.f32 v42, v48;
	v7 =	vmul.f32 v43, v49  }
0x88: {  	v27 =	vld [tilespmem:s22+$0xFFFFFFE0];
	v8 =	vmul.f32 v44, v53;
	v11 =	vmul.f32 v47, v54  }
0x89: {  	v61 =	vld [tilespmem:s22+$0xFFFFFFB0];
	v60 =	vmul.f32 v50, v56;
	v9 =	vmul.f32 v51, v57  }
0x8a: {  	v24 =	vld [tilespmem:s22+$0xFFFFFFD0];
	v25 =	vmul.f32 v52, v62;
	v26 =	vmul.f32 v55, v63  }
0x8b: {  	v28 =	vmul.f32 v58, v22;
	v29 =	vmul.f32 v59, v23;
	v3 =	vadd.f32 v7, v3  }
0x8c: {  	v33 =	vmul.f32 v21, v31;
	v4 =	vadd.f32 v8, v4;
	v5 =	vadd.f32 v11, v5  }
0x8d: {  	v2 =	vmul.f32 v27, v2;
	v6 =	vadd.f32 v60, v6;
	v3 =	vadd.f32 v9, v3  }
0x8e: {  	v7 =	vmul.f32 v61, v30;
	v4 =	vadd.f32 v25, v4;
	v5 =	vadd.f32 v26, v5  }
0x8f: {  	v8 =	vmul.f32 v24, v32;
	v6 =	vadd.f32 v28, v6;
	v3 =	vadd.f32 v29, v3  }
0x90: {  	v4 =	vadd.f32 v7, v4;
	v5 =	vadd.f32 v33, v5  }
0x91: {  	v6 =	vadd.f32 v8, v6;
	v2 =	vadd.f32 v2, v3;
	_ =	sdelay $0x1  }
0x92: {  	v3 =	vadd.f32 v6, v5;
	v2 =	vadd.f32 v2, v4;
	_ =	sdelay $0x1  }
0x93: {  	v2 =	vadd.f32 v2, v3;
	_ =	sdelay $0x1  }
0x94: {  	[tilespmem:s25+$0xFFFFFFE0] =	vst v2  }
0x95: {  	v2 =	vld [tilespmem:s24+$0x0]  }
0x96: {  	v3 =	vld [tilespmem:s22+$0x100]  }
0x97: {  	v34 =	vld [tilespmem:s22+$0x0]  }
0x98: {  	v35 =	vld [tilespmem:s22+$0x10]  }
0x99: {  	v36 =	vld [tilespmem:s22+$0x20]  }
0x9a: {  	v37 =	vld [tilespmem:s22+$0x30];
	v39 =	vbroadcast v2, $0x0;
	v40 =	vbroadcast v2, $0x1  }
0x9b: {  	v38 =	vld [tilespmem:s22+$0x40];
	v42 =	vbroadcast v2, $0x2;
	v43 =	vbroadcast v2, $0x3  }
0x9c: {  	v41 =	vld [tilespmem:s22+$0x50];
	v47 =	vbroadcast v2, $0x4;
	v48 =	vbroadcast v2, $0x5  }
0x9d: {  	v44 =	vld [tilespmem:s22+$0x60];
	v50 =	vbroadcast v2, $0x6;
	v51 =	vbroadcast v2, $0x7  }
0x9e: {  	v45 =	vld [tilespmem:s22+$0x70];
	v56 =	vbroadcast v2, $0x8;
	v57 =	vbroadcast v2, $0x9  }
0x9f: {  	v46 =	vld [tilespmem:s22+$0x80];
	v59 =	vbroadcast v2, $0xA;
	v60 =	vbroadcast v2, $0xB  }
0xa0: {  	v49 =	vld [tilespmem:s22+$0x90];
	v23 =	vbroadcast v2, $0xC;
	v24 =	vbroadcast v2, $0xD  }
0xa1: {  	v52 =	vld [tilespmem:s22+$0xA0];
	v25 =	vbroadcast v2, $0xE;
	v2 =	vbroadcast v2, $0xF  }
0xa2: {  	v53 =	vld [tilespmem:s22+$0xB0];
	v4 =	vmul.f32 v34, v39;
	v5 =	vmul.f32 v35, v40  }
0xa3: {  	v58 =	vld [tilespmem:s22+$0xD0];
	v6 =	vmul.f32 v36, v42;
	v7 =	vmul.f32 v37, v43  }
0xa4: {  	v20 =	vld [tilespmem:s22+$0xF0];
	v8 =	vmul.f32 v38, v47;
	v11 =	vmul.f32 v41, v48  }
0xa5: {  	v55 =	vld [tilespmem:s22+$0xC0];
	v54 =	vmul.f32 v44, v50;
	v9 =	vmul.f32 v45, v51  }
0xa6: {  	v61 =	vld [tilespmem:s22+$0xE0];
	v62 =	vmul.f32 v46, v56;
	v63 =	vmul.f32 v49, v57  }
0xa7: {  	v21 =	vmul.f32 v52, v59;
	v22 =	vmul.f32 v53, v60;
	v3 =	vadd.f32 v7, v3  }
0xa8: {  	v26 =	vmul.f32 v58, v24;
	v4 =	vadd.f32 v8, v4;
	v5 =	vadd.f32 v11, v5  }
0xa9: {  	v2 =	vmul.f32 v20, v2;
	v6 =	vadd.f32 v54, v6;
	v3 =	vadd.f32 v9, v3  }
0xaa: {  	v7 =	vmul.f32 v55, v23;
	v4 =	vadd.f32 v62, v4;
	v5 =	vadd.f32 v63, v5  }
0xab: {  	v8 =	vmul.f32 v61, v25;
	v6 =	vadd.f32 v21, v6;
	v3 =	vadd.f32 v22, v3  }
0xac: {  	v4 =	vadd.f32 v7, v4;
	v5 =	vadd.f32 v26, v5  }
0xad: {  	v6 =	vadd.f32 v8, v6;
	v2 =	vadd.f32 v2, v3;
	_ =	sdelay $0x1  }
0xae: {  	v3 =	vadd.f32 v6, v5;
	v2 =	vadd.f32 v2, v4;
	_ =	sdelay $0x1  }
0xaf: {  	v2 =	vadd.f32 v2, v3;
	_ =	sdelay $0x1  }
0xb0: {  	[tilespmem:s25+$0x0] =	vst v2  }
0xb1: {  	v2 =	vld [tilespmem:s24+$0x10]  }
0xb2: {  	v3 =	vld [tilespmem:s22+$0x210]  }
0xb3: {  	v27 =	vld [tilespmem:s22+$0x110]  }
0xb4: {  	v28 =	vld [tilespmem:s22+$0x120]  }
0xb5: {  	v29 =	vld [tilespmem:s22+$0x130]  }
0xb6: {  	v30 =	vld [tilespmem:s22+$0x140];
	v32 =	vbroadcast v2, $0x0;
	v33 =	vbroadcast v2, $0x1  }
0xb7: {  	v31 =	vld [tilespmem:s22+$0x150];
	v35 =	vbroadcast v2, $0x2;
	v36 =	vbroadcast v2, $0x3  }
0xb8: {  	v34 =	vld [tilespmem:s22+$0x160];
	v40 =	vbroadcast v2, $0x4;
	v41 =	vbroadcast v2, $0x5  }
0xb9: {  	v37 =	vld [tilespmem:s22+$0x170];
	v43 =	vbroadcast v2, $0x6;
	v44 =	vbroadcast v2, $0x7  }
0xba: {  	v38 =	vld [tilespmem:s22+$0x180];
	v49 =	vbroadcast v2, $0x8;
	v50 =	vbroadcast v2, $0x9  }
0xbb: {  	v39 =	vld [tilespmem:s22+$0x190];
	v52 =	vbroadcast v2, $0xA;
	v53 =	vbroadcast v2, $0xB  }
0xbc: {  	v42 =	vld [tilespmem:s22+$0x1A0];
	v60 =	vbroadcast v2, $0xC;
	v61 =	vbroadcast v2, $0xD  }
0xbd: {  	v45 =	vld [tilespmem:s22+$0x1B0];
	v62 =	vbroadcast v2, $0xE;
	v2 =	vbroadcast v2, $0xF  }
0xbe: {  	v46 =	vld [tilespmem:s22+$0x1C0];
	v4 =	vmul.f32 v27, v32;
	v5 =	vmul.f32 v28, v33  }
0xbf: {  	v51 =	vld [tilespmem:s22+$0x1E0];
	v6 =	vmul.f32 v29, v35;
	v7 =	vmul.f32 v30, v36  }
0xc0: {  	v57 =	vld [tilespmem:s22+$0x200];
	v8 =	vmul.f32 v31, v40;
	v11 =	vmul.f32 v34, v41  }
0xc1: {  	v48 =	vld [tilespmem:s22+$0x1D0];
	v47 =	vmul.f32 v37, v43;
	v9 =	vmul.f32 v38, v44  }
0xc2: {  	v54 =	vld [tilespmem:s22+$0x1F0];
	v55 =	vmul.f32 v39, v49;
	v56 =	vmul.f32 v42, v50  }
0xc3: {  	v58 =	vmul.f32 v45, v52;
	v59 =	vmul.f32 v46, v53;
	v3 =	vadd.f32 v7, v3  }
0xc4: {  	v63 =	vmul.f32 v51, v61;
	v4 =	vadd.f32 v8, v4;
	v5 =	vadd.f32 v11, v5  }
0xc5: {  	v2 =	vmul.f32 v57, v2;
	v6 =	vadd.f32 v47, v6;
	v3 =	vadd.f32 v9, v3  }
0xc6: {  	v7 =	vmul.f32 v48, v60;
	v4 =	vadd.f32 v55, v4;
	v5 =	vadd.f32 v56, v5  }
0xc7: {  	v8 =	vmul.f32 v54, v62;
	v6 =	vadd.f32 v58, v6;
	v3 =	vadd.f32 v59, v3  }
0xc8: {  	v4 =	vadd.f32 v7, v4;
	v5 =	vadd.f32 v63, v5  }
0xc9: {  	s21 =	sadd.s32 $0x4, s21;
	v6 =	vadd.f32 v8, v6;
	v2 =	vadd.f32 v2, v3  }
0xca: {  	p0 =	slt.u32 s21, $0x7C  }
.Ltmp6:
0xcb: {  	v3 =	vadd.f32 v6, v5;
	v2 =	vadd.f32 v2, v4;
	(pc) =	sbr.rel @p0 .LBB2_7-.Ltmp6, $3  }
0xcc: {  	_ = 	snop  }
0xcd: {  	v2 =	vadd.f32 v2, v3;
	_ =	sdelay $0x1  }
0xce: {  	s22 =	sadd.s32 $0x440, s22;
	s24 =	sadd.s32 $0x40, s24;
	[tilespmem:s25+$0x20] =	vst v2;
	s25 =	sadd.s32 $0x80, s25  }
0xcf: {  	[spmem:s2] =	stream.indirect.scatter.add.f32 [tilespmem:s28], [sflag:$0x3], $0x20, s19, s19, $0xb8;
	[tilespmem:$0x1E200] =	vst v63  }
0xd0: {  	s21 =	sadd.s32 s12, s17;
	_ =	swait.ge [sflag:s18], $0x1000  }
0xd1: {  	p0 =	sgt.u32 s21, $0x4E1;
	[sflag:s18] =	ssyncset.done $0x0  }
0xd2: {  	s22 =	sshll.u32 @!p0 s21, $0x4;
	s24 =	simm.s32 @!p0 $0x80;
	s25 =	simm.s32 @!p0 $0x27100  }
0xd3: {  	s1 =	simm.s32 @!p0 $0x0;
	[sflag:s18] =	ssyncadd.s32 $0xFFFFF000;
	s22 =	sadd.s32 @!p0 s5, s22  }
0xd4: {  	[tilespmem:s1], [sflag:$0x3] =	stream.strided.gather @!p0 [hbm4b:s22+s24], $0x100, s25, s24, $0x38;
	[tilespmem:$0x1E200] =	vst v63  }
0xd5: {  	s22 =	simm.s32 @!p0 $0x3  }
0xd6: {  	_ =	swait.ge @!p0 [sflag:s22], $0x100  }
0xd7: {  	s21 =	sshll.u32 @!p0 s21, $0x8;
	[sflag:s22] =	ssyncset.done @!p0 $0x0  }
0xd8: {  	s21 =	sadd.s32 @!p0 s6, s21;
	s25 =	simm.s32 @!p0 $0x11200;
	[sflag:s22] =	ssyncadd.s32 @!p0 $0xFFFFFF00  }
0xd9: {  	[tilespmem:s25], [sflag:$0x3] =	stream.linear.gather @!p0 [hbm4b:s21+s1], $0x800, $0x38;
	[tilespmem:$0x1E200] =	vst v63  }
0xda: {  	_ =	swait.ge @!p0 [sflag:s22], $0x800  }
0xdb: {  	[sflag:s22] =	ssyncset.done @!p0 $0x0  }
0xdc: {  	s21 =	simm.s32 @!p0 $0x200;
	[sflag:s22] =	ssyncadd.s32 @!p0 $0xFFFFF800  }
0xdd: {  	[tilespmem:s21], [sflag:$0x1] =	stream.indirect.gather @!p0 [hbm4b:s4+s24], $0x110, s1, s24, $0xb8;
	[tilespmem:$0x1E200] =	vst v63  }
0xde: {  	p0 =	sge.u32 s17, s14  }
.Ltmp7:
0xdf: {  	_ = 	snop;
	(pc) =	sbr.rel @p0 .LBB2_12-.Ltmp7, $1  }
0xe0: {  	_ =	sdelay $0x3  }
0xe1: {  	_ =	swait.ge [sflag:s29], $0x8800  }
0xe2: {  	s21 =	simm.s32 $0xFFFFFFFC;
	s22 =	simm.s32 $0x8C20;
	[sflag:s29] =	ssyncset.done $0x0  }
0xe3: {  	s24 =	simm.s32 $0x11A20;
	s25 =	simm.s32 $0x13240;
	[sflag:s29] =	ssyncadd.s32 $0xFFFF7800  }
.LBB2_10:
0xe4: {  	v2 =	vld [tilespmem:s24+$0xFFFFFFE0]  }
0xe5: {  	v3 =	vld [tilespmem:s22+$0xFFFFFEE0]  }
0xe6: {  	v4 =	vld [tilespmem:s22+$0xFFFFFDE0]  }
0xe7: {  	v5 =	vld [tilespmem:s22+$0xFFFFFDF0]  }
0xe8: {  	v6 =	vld [tilespmem:s22+$0xFFFFFE00]  }
0xe9: {  	v7 =	vld [tilespmem:s22+$0xFFFFFE10];
	v9 =	vbroadcast v2, $0x0;
	v10 =	vbroadcast v2, $0x1  }
0xea: {  	v8 =	vld [tilespmem:s22+$0xFFFFFE20];
	v12 =	vbroadcast v2, $0x2;
	v13 =	vbroadcast v2, $0x3  }
0xeb: {  	v11 =	vld [tilespmem:s22+$0xFFFFFE30];
	v21 =	vbroadcast v2, $0x4;
	v22 =	vbroadcast v2, $0x5  }
0xec: {  	v14 =	vld [tilespmem:s22+$0xFFFFFE40];
	v16 =	vbroadcast v2, $0x6;
	v17 =	vbroadcast v2, $0x7  }
0xed: {  	v62 =	vld [tilespmem:s22+$0xFFFFFE50];
	v26 =	vbroadcast v2, $0x8;
	v27 =	vbroadcast v2, $0x9  }
0xee: {  	v63 =	vld [tilespmem:s22+$0xFFFFFE60];
	v29 =	vbroadcast v2, $0xA;
	v30 =	vbroadcast v2, $0xB  }
0xef: {  	v15 =	vld [tilespmem:s22+$0xFFFFFE70];
	v36 =	vbroadcast v2, $0xC;
	v37 =	vbroadcast v2, $0xD  }
0xf0: {  	v18 =	vld [tilespmem:s22+$0xFFFFFE80];
	v38 =	vbroadcast v2, $0xE;
	v2 =	vbroadcast v2, $0xF  }
0xf1: {  	v23 =	vld [tilespmem:s22+$0xFFFFFE90];
	v4 =	vmul.f32 v4, v9;
	v5 =	vmul.f32 v5, v10  }
0xf2: {  	v28 =	vld [tilespmem:s22+$0xFFFFFEB0];
	v6 =	vmul.f32 v6, v12;
	v7 =	vmul.f32 v7, v13  }
0xf3: {  	v33 =	vld [tilespmem:s22+$0xFFFFFED0];
	v8 =	vmul.f32 v8, v21;
	v11 =	vmul.f32 v11, v22  }
0xf4: {  	v25 =	vld [tilespmem:s22+$0xFFFFFEA0];
	v24 =	vmul.f32 v14, v16;
	v9 =	vmul.f32 v62, v17  }
0xf5: {  	v19 =	vld [tilespmem:s22+$0xFFFFFEC0];
	v31 =	vmul.f32 v63, v26;
	v32 =	vmul.f32 v15, v27  }
0xf6: {  	v34 =	vmul.f32 v18, v29;
	v35 =	vmul.f32 v23, v30;
	v3 =	vadd.f32 v7, v3  }
0xf7: {  	v39 =	vmul.f32 v28, v37;
	v4 =	vadd.f32 v8, v4;
	v5 =	vadd.f32 v11, v5  }
0xf8: {  	v2 =	vmul.f32 v33, v2;
	v6 =	vadd.f32 v24, v6;
	v3 =	vadd.f32 v9, v3  }
0xf9: {  	v7 =	vmul.f32 v25, v36;
	v4 =	vadd.f32 v31, v4;
	v5 =	vadd.f32 v32, v5  }
0xfa: {  	v8 =	vmul.f32 v19, v38;
	v6 =	vadd.f32 v34, v6;
	v3 =	vadd.f32 v35, v3  }
0xfb: {  	v4 =	vadd.f32 v7, v4;
	v5 =	vadd.f32 v39, v5  }
0xfc: {  	v6 =	vadd.f32 v8, v6;
	v2 =	vadd.f32 v2, v3;
	_ =	sdelay $0x1  }
0xfd: {  	v3 =	vadd.f32 v6, v5;
	v2 =	vadd.f32 v2, v4;
	_ =	sdelay $0x1  }
0xfe: {  	v2 =	vadd.f32 v2, v3;
	_ =	sdelay $0x1  }
0xff: {  	[tilespmem:s25+$0xFFFFFFC0] =	vst v2  }
0x100: {  	v2 =	vld [tilespmem:s24+$0xFFFFFFF0]  }
0x101: {  	v3 =	vld [tilespmem:s22+$0xFFFFFFF0]  }
0x102: {  	v40 =	vld [tilespmem:s22+$0xFFFFFEF0]  }
0x103: {  	v41 =	vld [tilespmem:s22+$0xFFFFFF00]  }
0x104: {  	v42 =	vld [tilespmem:s22+$0xFFFFFF10]  }
0x105: {  	v43 =	vld [tilespmem:s22+$0xFFFFFF20];
	v45 =	vbroadcast v2, $0x0;
	v46 =	vbroadcast v2, $0x1  }
0x106: {  	v44 =	vld [tilespmem:s22+$0xFFFFFF30];
	v48 =	vbroadcast v2, $0x2;
	v49 =	vbroadcast v2, $0x3  }
0x107: {  	v47 =	vld [tilespmem:s22+$0xFFFFFF40];
	v53 =	vbroadcast v2, $0x4;
	v54 =	vbroadcast v2, $0x5  }
0x108: {  	v50 =	vld [tilespmem:s22+$0xFFFFFF50];
	v56 =	vbroadcast v2, $0x6;
	v57 =	vbroadcast v2, $0x7  }
0x109: {  	v51 =	vld [tilespmem:s22+$0xFFFFFF60];
	v62 =	vbroadcast v2, $0x8;
	v63 =	vbroadcast v2, $0x9  }
0x10a: {  	v52 =	vld [tilespmem:s22+$0xFFFFFF70];
	v22 =	vbroadcast v2, $0xA;
	v23 =	vbroadcast v2, $0xB  }
0x10b: {  	v55 =	vld [tilespmem:s22+$0xFFFFFF80];
	v30 =	vbroadcast v2, $0xC;
	v31 =	vbroadcast v2, $0xD  }
0x10c: {  	v58 =	vld [tilespmem:s22+$0xFFFFFF90];
	v32 =	vbroadcast v2, $0xE;
	v2 =	vbroadcast v2, $0xF  }
0x10d: {  	v59 =	vld [tilespmem:s22+$0xFFFFFFA0];
	v4 =	vmul.f32 v40, v45;
	v5 =	vmul.f32 v41, v46  }
0x10e: {  	v21 =	vld [tilespmem:s22+$0xFFFFFFC0];
	v6 =	vmul.f32 v42, v48;
	v7 =	vmul.f32 v43, v49  }
0x10f: {  	v27 =	vld [tilespmem:s22+$0xFFFFFFE0];
	v8 =	vmul.f32 v44, v53;
	v11 =	vmul.f32 v47, v54  }
0x110: {  	v61 =	vld [tilespmem:s22+$0xFFFFFFB0];
	v60 =	vmul.f32 v50, v56;
	v9 =	vmul.f32 v51, v57  }
0x111: {  	v24 =	vld [tilespmem:s22+$0xFFFFFFD0];
	v25 =	vmul.f32 v52, v62;
	v26 =	vmul.f32 v55, v63  }
0x112: {  	v28 =	vmul.f32 v58, v22;
	v29 =	vmul.f32 v59, v23;
	v3 =	vadd.f32 v7, v3  }
0x113: {  	v33 =	vmul.f32 v21, v31;
	v4 =	vadd.f32 v8, v4;
	v5 =	vadd.f32 v11, v5  }
0x114: {  	v2 =	vmul.f32 v27, v2;
	v6 =	vadd.f32 v60, v6;
	v3 =	vadd.f32 v9, v3  }
0x115: {  	v7 =	vmul.f32 v61, v30;
	v4 =	vadd.f32 v25, v4;
	v5 =	vadd.f32 v26, v5  }
0x116: {  	v8 =	vmul.f32 v24, v32;
	v6 =	vadd.f32 v28, v6;
	v3 =	vadd.f32 v29, v3  }
0x117: {  	v4 =	vadd.f32 v7, v4;
	v5 =	vadd.f32 v33, v5  }
0x118: {  	v6 =	vadd.f32 v8, v6;
	v2 =	vadd.f32 v2, v3;
	_ =	sdelay $0x1  }
0x119: {  	v3 =	vadd.f32 v6, v5;
	v2 =	vadd.f32 v2, v4;
	_ =	sdelay $0x1  }
0x11a: {  	v2 =	vadd.f32 v2, v3;
	_ =	sdelay $0x1  }
0x11b: {  	[tilespmem:s25+$0xFFFFFFE0] =	vst v2  }
0x11c: {  	v2 =	vld [tilespmem:s24+$0x0]  }
0x11d: {  	v3 =	vld [tilespmem:s22+$0x100]  }
0x11e: {  	v34 =	vld [tilespmem:s22+$0x0]  }
0x11f: {  	v35 =	vld [tilespmem:s22+$0x10]  }
0x120: {  	v36 =	vld [tilespmem:s22+$0x20]  }
0x121: {  	v37 =	vld [tilespmem:s22+$0x30];
	v39 =	vbroadcast v2, $0x0;
	v40 =	vbroadcast v2, $0x1  }
0x122: {  	v38 =	vld [tilespmem:s22+$0x40];
	v42 =	vbroadcast v2, $0x2;
	v43 =	vbroadcast v2, $0x3  }
0x123: {  	v41 =	vld [tilespmem:s22+$0x50];
	v47 =	vbroadcast v2, $0x4;
	v48 =	vbroadcast v2, $0x5  }
0x124: {  	v44 =	vld [tilespmem:s22+$0x60];
	v50 =	vbroadcast v2, $0x6;
	v51 =	vbroadcast v2, $0x7  }
0x125: {  	v45 =	vld [tilespmem:s22+$0x70];
	v56 =	vbroadcast v2, $0x8;
	v57 =	vbroadcast v2, $0x9  }
0x126: {  	v46 =	vld [tilespmem:s22+$0x80];
	v59 =	vbroadcast v2, $0xA;
	v60 =	vbroadcast v2, $0xB  }
0x127: {  	v49 =	vld [tilespmem:s22+$0x90];
	v23 =	vbroadcast v2, $0xC;
	v24 =	vbroadcast v2, $0xD  }
0x128: {  	v52 =	vld [tilespmem:s22+$0xA0];
	v25 =	vbroadcast v2, $0xE;
	v2 =	vbroadcast v2, $0xF  }
0x129: {  	v53 =	vld [tilespmem:s22+$0xB0];
	v4 =	vmul.f32 v34, v39;
	v5 =	vmul.f32 v35, v40  }
0x12a: {  	v58 =	vld [tilespmem:s22+$0xD0];
	v6 =	vmul.f32 v36, v42;
	v7 =	vmul.f32 v37, v43  }
0x12b: {  	v20 =	vld [tilespmem:s22+$0xF0];
	v8 =	vmul.f32 v38, v47;
	v11 =	vmul.f32 v41, v48  }
0x12c: {  	v55 =	vld [tilespmem:s22+$0xC0];
	v54 =	vmul.f32 v44, v50;
	v9 =	vmul.f32 v45, v51  }
0x12d: {  	v61 =	vld [tilespmem:s22+$0xE0];
	v62 =	vmul.f32 v46, v56;
	v63 =	vmul.f32 v49, v57  }
0x12e: {  	v21 =	vmul.f32 v52, v59;
	v22 =	vmul.f32 v53, v60;
	v3 =	vadd.f32 v7, v3  }
0x12f: {  	v26 =	vmul.f32 v58, v24;
	v4 =	vadd.f32 v8, v4;
	v5 =	vadd.f32 v11, v5  }
0x130: {  	v2 =	vmul.f32 v20, v2;
	v6 =	vadd.f32 v54, v6;
	v3 =	vadd.f32 v9, v3  }
0x131: {  	v7 =	vmul.f32 v55, v23;
	v4 =	vadd.f32 v62, v4;
	v5 =	vadd.f32 v63, v5  }
0x132: {  	v8 =	vmul.f32 v61, v25;
	v6 =	vadd.f32 v21, v6;
	v3 =	vadd.f32 v22, v3  }
0x133: {  	v4 =	vadd.f32 v7, v4;
	v5 =	vadd.f32 v26, v5  }
0x134: {  	v6 =	vadd.f32 v8, v6;
	v2 =	vadd.f32 v2, v3;
	_ =	sdelay $0x1  }
0x135: {  	v3 =	vadd.f32 v6, v5;
	v2 =	vadd.f32 v2, v4;
	_ =	sdelay $0x1  }
0x136: {  	v2 =	vadd.f32 v2, v3;
	_ =	sdelay $0x1  }
0x137: {  	[tilespmem:s25+$0x0] =	vst v2  }
0x138: {  	v2 =	vld [tilespmem:s24+$0x10]  }
0x139: {  	v3 =	vld [tilespmem:s22+$0x210]  }
0x13a: {  	v27 =	vld [tilespmem:s22+$0x110]  }
0x13b: {  	v28 =	vld [tilespmem:s22+$0x120]  }
0x13c: {  	v29 =	vld [tilespmem:s22+$0x130]  }
0x13d: {  	v30 =	vld [tilespmem:s22+$0x140];
	v32 =	vbroadcast v2, $0x0;
	v33 =	vbroadcast v2, $0x1  }
0x13e: {  	v31 =	vld [tilespmem:s22+$0x150];
	v35 =	vbroadcast v2, $0x2;
	v36 =	vbroadcast v2, $0x3  }
0x13f: {  	v34 =	vld [tilespmem:s22+$0x160];
	v40 =	vbroadcast v2, $0x4;
	v41 =	vbroadcast v2, $0x5  }
0x140: {  	v37 =	vld [tilespmem:s22+$0x170];
	v43 =	vbroadcast v2, $0x6;
	v44 =	vbroadcast v2, $0x7  }
0x141: {  	v38 =	vld [tilespmem:s22+$0x180];
	v49 =	vbroadcast v2, $0x8;
	v50 =	vbroadcast v2, $0x9  }
0x142: {  	v39 =	vld [tilespmem:s22+$0x190];
	v52 =	vbroadcast v2, $0xA;
	v53 =	vbroadcast v2, $0xB  }
0x143: {  	v42 =	vld [tilespmem:s22+$0x1A0];
	v60 =	vbroadcast v2, $0xC;
	v61 =	vbroadcast v2, $0xD  }
0x144: {  	v45 =	vld [tilespmem:s22+$0x1B0];
	v62 =	vbroadcast v2, $0xE;
	v2 =	vbroadcast v2, $0xF  }
0x145: {  	v46 =	vld [tilespmem:s22+$0x1C0];
	v4 =	vmul.f32 v27, v32;
	v5 =	vmul.f32 v28, v33  }
0x146: {  	v51 =	vld [tilespmem:s22+$0x1E0];
	v6 =	vmul.f32 v29, v35;
	v7 =	vmul.f32 v30, v36  }
0x147: {  	v57 =	vld [tilespmem:s22+$0x200];
	v8 =	vmul.f32 v31, v40;
	v11 =	vmul.f32 v34, v41  }
0x148: {  	v48 =	vld [tilespmem:s22+$0x1D0];
	v47 =	vmul.f32 v37, v43;
	v9 =	vmul.f32 v38, v44  }
0x149: {  	v54 =	vld [tilespmem:s22+$0x1F0];
	v55 =	vmul.f32 v39, v49;
	v56 =	vmul.f32 v42, v50  }
0x14a: {  	v58 =	vmul.f32 v45, v52;
	v59 =	vmul.f32 v46, v53;
	v3 =	vadd.f32 v7, v3  }
0x14b: {  	v63 =	vmul.f32 v51, v61;
	v4 =	vadd.f32 v8, v4;
	v5 =	vadd.f32 v11, v5  }
0x14c: {  	v2 =	vmul.f32 v57, v2;
	v6 =	vadd.f32 v47, v6;
	v3 =	vadd.f32 v9, v3  }
0x14d: {  	v7 =	vmul.f32 v48, v60;
	v4 =	vadd.f32 v55, v4;
	v5 =	vadd.f32 v56, v5  }
0x14e: {  	v8 =	vmul.f32 v54, v62;
	v6 =	vadd.f32 v58, v6;
	v3 =	vadd.f32 v59, v3  }
0x14f: {  	v4 =	vadd.f32 v7, v4;
	v5 =	vadd.f32 v63, v5  }
0x150: {  	s21 =	sadd.s32 $0x4, s21;
	v6 =	vadd.f32 v8, v6;
	v2 =	vadd.f32 v2, v3  }
0x151: {  	p0 =	slt.u32 s21, $0x7C  }
.Ltmp8:
0x152: {  	v3 =	vadd.f32 v6, v5;
	v2 =	vadd.f32 v2, v4;
	(pc) =	sbr.rel @p0 .LBB2_10-.Ltmp8, $3  }
0x153: {  	_ = 	snop  }
0x154: {  	v2 =	vadd.f32 v2, v3;
	_ =	sdelay $0x1  }
0x155: {  	s22 =	sadd.s32 $0x440, s22;
	s24 =	sadd.s32 $0x40, s24;
	[tilespmem:s25+$0x20] =	vst v2;
	s25 =	sadd.s32 $0x80, s25  }
.Ltmp9:
0x156: {  	(pc) =	sbr.rel .LBB2_12-.Ltmp9, $4  }
0x157: {  	[spmem:s2] =	stream.indirect.scatter.add.f32 [tilespmem:s31], [sflag:$0x3], $0x20, s30, s19, $0xb8;
	[tilespmem:$0x1E200] =	vst v63  }
0x158: {  	_ =	swait.ge [sflag:s18], $0x1000  }
0x159: {  	[sflag:s18] =	ssyncset.done $0x0  }
0x15a: {  	[sflag:s18] =	ssyncadd.s32 $0xFFFFF000  }
.LBB2_14:
0x15b: {  	_ =	sfence.sel $0x180000  }
0x15c: {  	[bflag:$0x0] =	sbarrier.arrive $0xFFFF  }
0x15d: {  	_ =	strace $0x9000004A  }
0x15e: {  	s0 =	stileid.u32;
	[bflag:$0x2] =	sbarrier.arrive $0xFFFF  }
0x15f: {  	p0 =	sne.s32 s0, $0x0;
	s0 =	rddreg [dreg:$0x2]  }
0x160: {  	s0 =	sadd.s32 @!p0 $0x100000, s0  }
0x161: {  	[sflag:s0] =	ssyncadd.tile.s32 @!p0 $0x1;
	_ =	shalt  }
.Lfunc_end2:
_tile_overlayer_lowered:
.L_overlay_start_2:
0x162: {  	(tag) =	ssettag $0x2  }
0x163: {  	s0 =	rddreg [dreg:$0x0];
	s2 =	stileid.u32  }
0x164: {  	s1 =	rddreg [dreg:$0x1];
	p0 =	sne.s32 s2, $0x0  }
0x165: {  	s3 =	rddreg [dreg:$0x2];
	[bflag:$0x3] =	sbarrier.arrive $0xFFFF;
	s2 =	simm.s32 @!p0 $0x1C03  }
0x166: {  	[timem:s3], [sflag:s2] =	dma.local @!p0 [hbm:s0], s1  }
0x167: {  	s0 =	simm.s32 @!p0 $0x3  }
0x168: {  	_ =	swait.ge @!p0 [sflag:s0], s1  }
0x169: {  	s1 =	ssub.s32 @!p0 $0x0, s1;
	[sflag:s0] =	ssyncset.done @!p0 $0x0  }
0x16a: {  	[sflag:s0] =	ssyncadd.s32 @!p0 s1  }
0x16b: {  	[bflag:$0x3] =	sbarrier.arrive $0xFFFF  }
0x16c: {  	_ =	shalt  }

// kernel: kernel.7.cloned.1.call-start
scs
__scs_entry_jumppad:
0x0: {  	(pc) =	sbr.rel $0x88, $3  }
0x1: {  	(tag) =	ssettag $0x0;
	lr =	simm.s32 $0x1  }
0x2: {  	[smem:$0x3F93] =	sst lr;
	_ =	strace $0xD0000000  }
0x3: {  	_ = 	snop  }
0x4: {  	_ = 	snop  }
0x5: {  	_ = 	snop  }
0x6: {  	_ = 	snop  }
0x7: {  	_ = 	snop  }
__scs_overlays_trampoline_lowered:
0x8: {  	[smem:$0x3FA2] =	sst s0  }
0x9: {  	[smem:$0x3FA3] =	sst s1  }
0xa: {  	[smem:$0x3FA4] =	sst s2  }
0xb: {  	[smem:$0x3FA5] =	sst s3  }
0xc: {  	[smem:$0x3FA6] =	sst s4  }
0xd: {  	[smem:$0x3FA7] =	sst s5  }
0xe: {  	[smem:$0x3FA8] =	sst s6  }
0xf: {  	[smem:$0x3FA9] =	sst s7  }
0x10: {  	[smem:$0x3FAA] =	sst s8  }
0x11: {  	[smem:$0x3FAB] =	sst s9;
	s0 =	simm.s32 @!p0 $0x0  }
0x12: {  	s1 =	sld [smem:$0x3F91];
	s0 =	simm.s32 @p0 $0x1  }
0x13: {  	[smem:$0x3FAC] =	sst s0;
	s0 =	simm.s32 @!p1 $0x0  }
0x14: {  	s2 =	sld [smem:$0x3F90];
	s0 =	simm.s32 @p1 $0x1  }
0x15: {  	[smem:$0x3FAD] =	sst s0;
	s0 =	simm.s32 @!p2 $0x0  }
0x16: {  	s3 =	sld [smem:$0x3FDB];
	s0 =	simm.s32 @p2 $0x1  }
0x17: {  	s4 =	simm.s32 $0x1BF5;
	[smem:$0x3FAF] =	sst s0  }
0x18: {  	s0 =	sld [smem:$0x3F92];
	_ =	swait.ge [sflag:s4], $0x0  }
0x19: {  	s7 =	sld [smem:$0x3F93]  }
0x1a: {  	s8 =	sadd.s32 $0xFFFFE003, lr  }
0x1b: {  	s9 =	sadd.s32 $0xFFFFFEF7, lr;
	s5 =	simm.s32 $0xFFFFFFFF;
	p2 =	slt.u32 s8, $0xFFFFF086  }
0x1c: {  	p1 =	slt.u32 s9, $0xF7A;
	s5 =	simm.s32 @!p2 $0x0  }
0x1d: {  	s5 =	simm.s32 @p1 $0x1;
	p0 =	seq.s32 s7, s2  }
0x1e: {  	s7 =	smul.u32 @!p0 $0xF7A, s2;
	p2 =	seq.s32 @!p0 s5, $0x0  }
0x1f: {  	s9 =	smul.u32 $0xF7A, s1;
	s8 =	simm.s32 @!p0 $0x1BF5;
	p2 =	por !p2, p0  }
0x20: {  	[sflag:s8] =	ssyncset.s32 @!p0 $0xFFFFF086;
	s6 =	sadd.s32 @!p0 s3, s7;
	s7 =	simm.s32 @!p0 $0x108  }
0x21: {  	s3 =	sadd.s32 s3, s9;
	s6 =	sadd.s32 @!p0 $0x88, s6;
	s7 =	simm.s32 @p2 $0x1082  }
0x22: {  	[simem:s7], [sflag:s8] =	dma.local @!p0 [hbm:s6], $0xF7A  }
0x23: {  	s9 =	sor.u32 $0xD0000000, s2;
	s6 =	simm.s32 $0x108;
	_ =	swait.ge @!p0 [sflag:s8], $0x0  }
0x24: {  	s3 =	sadd.s32 $0x88, s3;
	s6 =	simm.s32 @!p1 $0x1082;
	[sflag:s4] =	ssyncset.s32 $0xFFFFF086  }
0x25: {  	[simem:s6], [sflag:s4] =	dma.local [hbm:s3], $0xF7A  }
0x26: {  	[smem:$0x3F93] =	sst s1;
	(tag) =	ssettag s2;
	_ =	strace s9  }
0x27: {  	s1 =	sld [smem:$0x3FA3]  }
0x28: {  	s2 =	sld [smem:$0x3FA4]  }
0x29: {  	s4 =	sld [smem:$0x3FA6]  }
0x2a: {  	p0 =	seq.s32 s5, $0x0;
	s5 =	sld [smem:$0x3FA7]  }
0x2b: {  	s6 =	sld [smem:$0x3FA8]  }
0x2c: {  	s7 =	sld [smem:$0x3FA9]  }
0x2d: {  	s3 =	simm.s32 $0x108;
	s8 =	sld [smem:$0x3FAA]  }
0x2e: {  	s3 =	simm.s32 @!p0 $0x1082;
	s9 =	sld [smem:$0x3FAB]  }
0x2f: {  	lr =	sadd.s32 s0, s3;
	s0 =	sld [smem:$0x3FA2]  }
0x30: {  	s3 =	sld [smem:$0x3FA5]  }
0x31: {  	[smem:$0x3FAE] =	sst s10  }
0x32: {  	s10 =	sld [smem:$0x3FAC];
	_ =	sdelay $0x3  }
0x33: {  	p0 =	seq.s32 s10, $0x1;
	s10 =	sld [smem:$0x3FAE];
	_ =	sdelay $0x3  }
0x34: {  	[smem:$0x3FAE] =	sst s10  }
0x35: {  	s10 =	sld [smem:$0x3FAD];
	_ =	sdelay $0x3  }
0x36: {  	p1 =	seq.s32 s10, $0x1;
	s10 =	sld [smem:$0x3FAE];
	_ =	sdelay $0x3  }
0x37: {  	[smem:$0x3FAE] =	sst s10  }
0x38: {  	s10 =	sld [smem:$0x3FAF]  }
0x39: {  	_ = 	snop;
	(pc) =	sbr.ind lr, $3  }
0x3a: {  	_ = 	snop  }
0x3b: {  	_ = 	snop  }
0x3c: {  	p2 =	seq.s32 s10, $0x1;
	s10 =	sld [smem:$0x3FAE]  }
0x3d: {  	_ =	shalt  }
0x3e: {  	_ =	shalt  }
0x3f: {  	_ =	shalt  }
0x40: {  	_ =	shalt  }
0x41: {  	_ =	shalt  }
0x42: {  	_ =	shalt  }
0x43: {  	_ =	shalt  }
0x44: {  	_ =	shalt  }
0x45: {  	_ =	shalt  }
0x46: {  	_ =	shalt  }
0x47: {  	_ =	shalt  }
0x48: {  	_ =	shalt  }
0x49: {  	_ =	shalt  }
0x4a: {  	_ =	shalt  }
0x4b: {  	_ =	shalt  }
0x4c: {  	_ =	shalt  }
0x4d: {  	_ =	shalt  }
0x4e: {  	_ =	shalt  }
0x4f: {  	_ =	shalt  }
0x50: {  	_ =	shalt  }
0x51: {  	_ =	shalt  }
0x52: {  	_ =	shalt  }
0x53: {  	_ =	shalt  }
0x54: {  	_ =	shalt  }
0x55: {  	_ =	shalt  }
0x56: {  	_ =	shalt  }
0x57: {  	_ =	shalt  }
0x58: {  	_ =	shalt  }
0x59: {  	_ =	shalt  }
0x5a: {  	_ =	shalt  }
0x5b: {  	_ =	shalt  }
0x5c: {  	_ =	shalt  }
0x5d: {  	_ =	shalt  }
0x5e: {  	_ =	shalt  }
0x5f: {  	_ =	shalt  }
0x60: {  	_ =	shalt  }
0x61: {  	_ =	shalt  }
0x62: {  	_ =	shalt  }
0x63: {  	_ =	shalt  }
0x64: {  	_ =	shalt  }
0x65: {  	_ =	shalt  }
0x66: {  	_ =	shalt  }
0x67: {  	_ =	shalt  }
0x68: {  	_ =	shalt  }
0x69: {  	_ =	shalt  }
0x6a: {  	_ =	shalt  }
0x6b: {  	_ =	shalt  }
0x6c: {  	_ =	shalt  }
0x6d: {  	_ =	shalt  }
0x6e: {  	_ =	shalt  }
0x6f: {  	_ =	shalt  }
0x70: {  	_ =	shalt  }
0x71: {  	_ =	shalt  }
0x72: {  	_ =	shalt  }
0x73: {  	_ =	shalt  }
0x74: {  	_ =	shalt  }
0x75: {  	_ =	shalt  }
0x76: {  	_ =	shalt  }
0x77: {  	_ =	shalt  }
0x78: {  	_ =	shalt  }
0x79: {  	_ =	shalt  }
0x7a: {  	_ =	shalt  }
0x7b: {  	_ =	shalt  }
0x7c: {  	_ =	shalt  }
0x7d: {  	_ =	shalt  }
0x7e: {  	_ =	shalt  }
0x7f: {  	_ =	shalt  }
0x80: {  	_ =	shalt  }
0x81: {  	_ =	shalt  }
0x82: {  	_ =	shalt  }
0x83: {  	_ =	shalt  }
0x84: {  	_ =	shalt  }
0x85: {  	_ =	shalt  }
0x86: {  	_ =	shalt  }
0x87: {  	_ =	shalt  }
.Lfunc_end0:
.L_simem_size_0:
called_computation_lowered:
.L_overlay_start_0:
0x88: {  	s2 =	sld [smem:$0x3FD9]  }
0x89: {  	s3 =	sld [smem:$0x3FFE];
	_ =	sdelay $0x1  }
0x8a: {  	s1 =	srdreg.scid  }
0x8b: {  	s0 =	sand.u32 $0x1, s1  }
0x8c: {  	s16 =	sshll.u32 s0, $0xA;
	s2 =	sadd.s32 s3, s2  }
0x8d: {  	s2 =	sadd.s32 s2, s16  }
0x8e: {  	[smem:$0x3FBA] =	sst s2  }
0x8f: {  	_ = 	snop  }
0x90: {  	(tm) =	ssettm $0x1  }
0x91: {  	s17 =	sld [smem:$0x3FFB];
	_ =	sdelay $0x3  }
0x92: {  	_ =	strace s17  }
0x93: {  	s2 =	sld [smem:$0x3FFC];
	_ =	sdelay $0x3  }
0x94: {  	_ =	strace s2  }
0x95: {  	s2 =	sld [smem:$0x3FFD];
	_ =	sdelay $0x3  }
0x96: {  	_ =	strace s2  }
0x97: {  	_ =	strace $0x8FFFFFFF  }
0x98: {  	s18 =	sld [smem:$0x3FDB];
	_ =	sdelay $0x1  }
0x99: {  	s19 =	simm.s32 $_scs_section_size  }
0x9a: {  	s4 =	simm.s32 $_size__tile_overlayer_lowered;
	s5 =	simm.s32 $_tile_overlayer_lowered  }
0x9b: {  	s22 =	simm.s32 $0x1BFF;
	s21 =	sshll.u32 s5, $0x1;
	s2 =	sadd.s32 s19, s18  }
0x9c: {  	s6 =	simm.s32 $0x0;
	s20 =	sshll.u32 s4, $0x1;
	s4 =	sadd.s32 s21, s2  }
0x9d: {  	[timem:s6], [sflag:s22] =	dma.local [hbm:s4], s20  }
0x9e: {  	_ =	swait.ge [sflag:s22], s20  }
0x9f: {  	s3 =	ssub.s32 $0x0, s20;
	[sflag:s22] =	ssyncset.done $0x0  }
0xa0: {  	[sflag:s22] =	ssyncadd.s32 s3;
	_ =	sdelay $0x1  }
0xa1: {  	s23 =	simm.s32 $0x1B8B  }
0xa2: {  	_ =	swait.ge [sflag:s23], $0x1  }
0xa3: {  	[sflag:s23] =	ssyncset.done $0x0  }
0xa4: {  	s25 =	simm.s32 $0x1B8E;
	s24 =	sld [smem:$0x3FFE];
	[sflag:s23] =	ssyncadd.s32 $0xFFFFFFFF  }
0xa5: {  	s26 =	simm.s32 $execute0_lowered;
	[smem:$0x3FD2] =	sst s25  }
0xa6: {  	s4 =	sshll.u32 s26, $0x1;
	_ =	strace $0x80000046;
	[dreg:$0x1] =	wrdreg $0xFFFFFFFF  }
0xa7: {  	s28 =	simm.s32 $_size_execute0_lowered;
	s2 =	sadd.s32 s2, s4;
	[dreg:$0x0] =	wrdreg $0x0  }
0xa8: {  	s4 =	sshll.u32 s28, $0x1;
	[dreg:$0x2] =	wrdreg s2  }
0xa9: {  	[dreg:$0x3] =	wrdreg s4  }
0xaa: {  	[dreg:$0x4] =	wrdreg $0xC0  }
0xab: {  	_ =	task [dreg:s6], $0x5FFFF  }
0xac: {  	[dreg:$0x1] =	wrdreg $0xFFFFFFFF  }
0xad: {  	[dreg:$0x0] =	wrdreg $0x60  }
0xae: {  	[dreg:$0x2] =	wrdreg s24  }
0xaf: {  	[dreg:$0x3] =	wrdreg $0x192000  }
0xb0: {  	[dreg:$0x4] =	wrdreg $0x9  }
0xb1: {  	_ =	task.clear_ibuf [dreg:s6], $0x5FFFF;
	_ =	strace $0x90000046  }
0xb2: {  	s29 =	simm.s32 $0x9;
	_ =	strace $0x80000048  }
0xb3: {  	_ =	swait.ge [sflag:s29], $0x1  }
0xb4: {  	[sflag:s29] =	ssyncadd.s32 $0xFFFFFFFF  }
0xb5: {  	_ =	strace $0x90000048  }
0xb6: {  	_ =	sfence  }
0xb7: {  	s30 =	sld [smem:$0x0];
	_ =	sdelay $0x2  }
0xb8: {  	s31 =	sshll.u32 s1, $0xD;
	s1 =	sshrl.u32 s1, $0x2  }
0xb9: {  	s3 =	sand.u32 $0x4000, s31;
	s1 =	sadd.s32 s1, s30  }
0xba: {  	s0 =	sor.u32 s3, s0;
	s1 =	sshll.u32 s1, $0x11  }
0xbb: {  	s0 =	sor.u32 s1, s0  }
0xbc: {  	s0 =	sadd.s32 $0x8F2B, s0  }
0xbd: {  	[sflag:s0] =	ssyncadd.remote.s32 $0x1  }
0xbe: {  	_ =	sfence.sel $0xFFFF  }
0xbf: {  	[dreg:$0x0] =	wrdreg $0xFFFFFFFF;
	(pc) =	sbr.abs _section_cstart, $3  }
0xc0: {  	[dreg:$0x1] =	wrdreg $0xFFFFFFFF  }
0xc1: {  	_ =	task.clear_ibuf [dreg:s6], $0x2FFFF;
	_ =	strace $0x9FFFFFFF  }
0xc2: {  	(tm) =	ssettm $0x7FFFFFFF  }
0xc3: {  	_ =	shalt  }
tec
execute0_lowered:
.L_overlay_start_1:
0x0: {  	(tag) =	ssettag $0x1  }
0x1: {  	s0 =	rddreg [dreg:$0x0]  }
0x2: {  	s2 =	rddreg [dreg:$0x1]  }
0x3: {  	s4 =	srdreg.scid;
	s1 =	stileid.u32  }
0x4: {  	s3 =	simm.s32 $0x0;
	s18 =	simm.s32 $0x3;
	s19 =	simm.s32 $0x80  }
0x5: {  	s20 =	simm.s32 $0x27100;
	s28 =	simm.s32 $0x12200;
	s29 =	simm.s32 $0x2  }
0x6: {  	s30 =	simm.s32 $0x180;
	s31 =	simm.s32 $0x13200;
	s7 =	sand.u32 $0x1, s4  }
0x7: {  	s8 =	smul.u32 $0x5000, s1;
	[smem:$0x7FF] =	sst s3;
	s4 =	sadd.s32 $0x77E00, s0  }
0x8: {  	s5 =	sadd.s32 $0x2A00, s0;
	s6 =	sadd.s32 $0x273A00, s0;
	s14 =	sshll.u32 s1, $0x1  }
0x9: {  	s9 =	smul.u32 $0x50000, s7;
	_ =	strace $0x80000047;
	s10 =	ssub.s32 $0x2, s7  }
0xa: {  	s13 =	sor.u32 s7, s14;
	s14 =	ssub.s32 $0x4C2, s14;
	s23 =	sshrl.u32 s10, $0x1  }
0xb: {  	s7 =	sadd.s32 s8, s2;
	s24 =	sshll.u32 s13, $0x4;
	s25 =	sshll.u32 s13, $0x8  }
0xc: {  	s26 =	sor.u32 $0x20, s13;
	s9 =	sadd.s32 s8, s9;
	s16 =	ssub.s32 s10, s23  }
.Ltmp0:
0xd: {  	s8 =	sadd.s32 s5, s24;
	s11 =	sshll.u32 s26, $0x4;
	(pc) =	sbr.rel .LBB2_1-.Ltmp0, $4  }
0xe: {  	s12 =	sshll.u32 s26, $0x8;
	s23 =	simm.s32 $0x100;
	s26 =	simm.s32 $0x1  }
0xf: {  	s9 =	sshrl.u32 s9, $0x3;
	s10 =	sadd.s32 s5, s11;
	s11 =	sadd.s32 s6, s12  }
0x10: {  	v0 =	vimm.f32 $0.0e+00;
	vm0 =	vcmask $0x300;
	s12 =	sor.u32 $0x40, s13;
	s13 =	sor.u32 $0x60, s13;
	s0 =	sadd.s32 s9, s0  }
0x11: {  	v1 =	vsel vm0, $0x3F800000, v0;
	s16 =	smax.u32 s16, $0x1;
	s9 =	sadd.s32 s6, s25;
	s15 =	sadd.s32 $0xC800, s0  }
.LBB2_13:
0x12: {  	s0 =	stileid.u32;
	s3 =	sadd.s32 $0x1, s3  }
0x13: {  	[bflag:$0x0] =	sbarrier.arrive $0xFFFF;
	s0 =	sshll.u32 s0, $0x6;
	p0 =	sne.s32 s3, s16  }
.Ltmp1:
0x14: {  	s1 =	sshrl.u32 s7, $0x3;
	s0 =	sor.u32 $0x1C03, s0;
	(pc) =	sbr.rel @!p0 .LBB2_14-.Ltmp1, $4  }
0x15: {  	[hbm:s15], [sflag:s0] =	dma.local [spmem:s1], $0xA00  }
0x16: {  	_ =	swait.ge [sflag:s18], $0xA00  }
0x17: {  	[sflag:s18] =	ssyncset.done $0x0  }
0x18: {  	[sflag:s18] =	ssyncadd.s32 $0xFFFFF600  }
.LBB2_1:
0x19: {  	s0 =	simm.s32 $0x14240  }
0x1a: {  	[tilespmem:s0+$0xFFFFFFC0] =	vst v0  }
0x1b: {  	[tilespmem:s0+$0x30] =	vst v0  }
0x1c: {  	[tilespmem:s0+$0x20] =	vst v0  }
0x1d: {  	[tilespmem:s0+$0x10] =	vst v0  }
0x1e: {  	[tilespmem:s0+$0x0] =	vst v0  }
0x1f: {  	[tilespmem:s0+$0xFFFFFFF0] =	vst v0  }
0x20: {  	s17 =	simm.s32 $0x0;
	[tilespmem:s0+$0xFFFFFFE0] =	vst v0  }
.LBB2_2:
0x21: {  	s17 =	sadd.s32 $0x4, s17;
	[tilespmem:s0+$0xFFFFFFD0] =	vst v0;
	s0 =	sadd.s32 $0x80, s0  }
0x22: {  	[tilespmem:s0+$0xFFFFFFC0] =	vst v0;
	p0 =	slt.u32 s17, $0x27C  }
0x23: {  	[tilespmem:s0+$0x30] =	vst v0  }
.Ltmp2:
0x24: {  	[tilespmem:s0+$0x20] =	vst v0;
	(pc) =	sbr.rel @p0 .LBB2_2-.Ltmp2, $4  }
0x25: {  	[tilespmem:s0+$0x10] =	vst v0  }
0x26: {  	[tilespmem:s0+$0x0] =	vst v0  }
0x27: {  	[tilespmem:s0+$0xFFFFFFF0] =	vst v0  }
0x28: {  	[tilespmem:s0+$0xFFFFFFE0] =	vst v0  }
0x29: {  	[tilespmem:s0+$0xFFFFFFD0] =	vst v0;
	s25 =	simm.s32 $0x14200  }
0x2a: {  	[spmem:s7] =	stream.linear.scatter [tilespmem:s25], [sflag:$0x3], $0x5000, $0x38;
	[tilespmem:$0x1E200] =	vst v63  }
0x2b: {  	_ =	swait.ge [sflag:s18], $0x5000  }
0x2c: {  	[sflag:s18] =	ssyncset.done $0x0  }
0x2d: {  	s0 =	simm.s32 $0x80;
	s17 =	simm.s32 $0x0;
	[sflag:s18] =	ssyncadd.s32 $0xFFFFB000  }
.LBB2_4:
0x2e: {  	p0 =	sne.s32 s0, $0x3F80;
	[tilespmem:s17+$0x12210] =	vst v1;
	s21 =	smov.u32 s0;
	s0 =	sadd.s32 $0x80, s0  }
.Ltmp3:
0x2f: {  	[tilespmem:s17+$0x13210] =	vst v1;
	(pc) =	sbr.rel @p0 .LBB2_4-.Ltmp3, $2  }
0x30: {  	_ =	sdelay $0x2  }
0x31: {  	s17 =	sshra.s32 s21, $0x2  }
0x32: {  	[tilespmem:s17+$0x12210] =	vst v1  }
0x33: {  	[tilespmem:s17+$0x13210] =	vst v1  }
0x34: {  	s0 =	simm.s32 $0x0;
	[bflag:$0x0] =	sbarrier.arrive $0xFFFF  }
0x35: {  	[tilespmem:s0], [sflag:$0x3] =	stream.strided.gather [hbm4b:s8+s19], $0x100, s20, s19, $0x38;
	[tilespmem:$0x1E200] =	vst v63  }
0x36: {  	_ =	swait.ge [sflag:s18], $0x100  }
0x37: {  	[sflag:s18] =	ssyncset.done $0x0  }
0x38: {  	s1 =	simm.s32 $0x11200;
	[sflag:s18] =	ssyncadd.s32 $0xFFFFFF00  }
0x39: {  	[tilespmem:s1], [sflag:$0x3] =	stream.linear.gather [hbm4b:s9+s0], $0x800, $0x38;
	[tilespmem:$0x1E200] =	vst v63  }
0x3a: {  	_ =	swait.ge [sflag:s18], $0x800  }
0x3b: {  	[sflag:s18] =	ssyncset.done $0x0  }
0x3c: {  	s22 =	simm.s32 $0x200;
	[sflag:s18] =	ssyncadd.s32 $0xFFFFF800  }
0x3d: {  	[tilespmem:s22], [sflag:$0x1] =	stream.indirect.gather [hbm4b:s4+s19], $0x110, s0, s19, $0xb8;
	[tilespmem:$0x1E200] =	vst v63  }
0x3e: {  	_ = 	snop  }
0x3f: {  	[tilespmem:s23], [sflag:$0x3] =	stream.strided.gather [hbm4b:s10+s19], $0x100, s20, s19, $0x38;
	[tilespmem:$0x1E200] =	vst v63  }
0x40: {  	_ =	swait.ge [sflag:s18], $0x100  }
0x41: {  	[sflag:s18] =	ssyncset.done $0x0  }
0x42: {  	s24 =	simm.s32 $0x11A00;
	[sflag:s18] =	ssyncadd.s32 $0xFFFFFF00  }
0x43: {  	[tilespmem:s24], [sflag:$0x3] =	stream.linear.gather [hbm4b:s11+s0], $0x800, $0x38;
	[tilespmem:$0x1E200] =	vst v63  }
.Ltmp4:
0x44: {  	_ = 	snop;
	(pc) =	sbr.rel .LBB2_6-.Ltmp4, $4  }
0x45: {  	_ =	swait.ge [sflag:s18], $0x800  }
0x46: {  	[sflag:s18] =	ssyncset.done $0x0  }
0x47: {  	s25 =	simm.s32 $0x8A00;
	[sflag:s18] =	ssyncadd.s32 $0xFFFFF800  }
0x48: {  	[tilespmem:s25], [sflag:$0x2] =	stream.indirect.gather [hbm4b:s4+s19], $0x110, s23, s19, $0xb8;
	[tilespmem:$0x1E200] =	vst v63  }
.LBB2_12:
0x49: {  	s1 =	sadd.s32 s13, s17  }
0x4a: {  	p0 =	sgt.u32 s1, $0x4E1  }
0x4b: {  	s17 =	sshll.u32 @!p0 s1, $0x4;
	s21 =	simm.s32 @!p0 $0x80  }
0x4c: {  	s22 =	simm.s32 @!p0 $0x27100;
	s24 =	simm.s32 @!p0 $0x100;
	s17 =	sadd.s32 @!p0 s5, s17  }
0x4d: {  	[tilespmem:s24], [sflag:$0x3] =	stream.strided.gather @!p0 [hbm4b:s17+s21], $0x100, s22, s21, $0x38;
	[tilespmem:$0x1E200] =	vst v63  }
0x4e: {  	s17 =	simm.s32 @!p0 $0x3  }
0x4f: {  	_ =	swait.ge @!p0 [sflag:s17], $0x100  }
0x50: {  	s1 =	sshll.u32 @!p0 s1, $0x8;
	s25 =	simm.s32 @!p0 $0x11A00;
	[sflag:s17] =	ssyncset.done @!p0 $0x0  }
0x51: {  	s1 =	sadd.s32 @!p0 s6, s1;
	s22 =	simm.s32 @!p0 $0x0;
	[sflag:s17] =	ssyncadd.s32 @!p0 $0xFFFFFF00  }
0x52: {  	[tilespmem:s25], [sflag:$0x3] =	stream.linear.gather @!p0 [hbm4b:s1+s22], $0x800, $0x38;
	[tilespmem:$0x1E200] =	vst v63  }
0x53: {  	_ =	swait.ge @!p0 [sflag:s17], $0x800  }
0x54: {  	[sflag:s17] =	ssyncset.done @!p0 $0x0  }
0x55: {  	s0 =	sadd.s32 $0x1, s0;
	s1 =	simm.s32 @!p0 $0x8A00;
	[sflag:s17] =	ssyncadd.s32 @!p0 $0xFFFFF800  }
0x56: {  	[tilespmem:s1], [sflag:$0x2] =	stream.indirect.gather @!p0 [hbm4b:s4+s21], $0x110, s24, s21, $0xb8;
	[tilespmem:$0x1E200] =	vst v63  }
0x57: {  	p0 =	sne.s32 s0, $0x14  }
.Ltmp5:
0x58: {  	_ = 	snop;
	(pc) =	sbr.rel @!p0 .LBB2_13-.Ltmp5, $1  }
0x59: {  	_ =	sdelay $0x3  }
.LBB2_6:
0x5a: {  	_ =	swait.ge [sflag:s26], $0x8800;
	s17 =	sshll.u32 s0, $0x6  }
0x5b: {  	s21 =	simm.s32 $0xFFFFFFFC;
	s22 =	simm.s32 $0x420;
	[sflag:s26] =	ssyncset.done $0x0  }
0x5c: {  	s24 =	simm.s32 $0x11220;
	s25 =	simm.s32 $0x12240;
	[sflag:s26] =	ssyncadd.s32 $0xFFFF7800  }
.LBB2_7:
0x5d: {  	v2 =	vld [tilespmem:s24+$0xFFFFFFE0]  }
0x5e: {  	v3 =	vld [tilespmem:s22+$0xFFFFFEE0]  }
0x5f: {  	v4 =	vld [tilespmem:s22+$0xFFFFFDE0]  }
0x60: {  	v5 =	vld [tilespmem:s22+$0xFFFFFDF0]  }
0x61: {  	v6 =	vld [tilespmem:s22+$0xFFFFFE00]  }
0x62: {  	v7 =	vld [tilespmem:s22+$0xFFFFFE10];
	v9 =	vbroadcast v2, $0x0;
	v10 =	vbroadcast v2, $0x1  }
0x63: {  	v8 =	vld [tilespmem:s22+$0xFFFFFE20];
	v12 =	vbroadcast v2, $0x2;
	v13 =	vbroadcast v2, $0x3  }
0x64: {  	v11 =	vld [tilespmem:s22+$0xFFFFFE30];
	v21 =	vbroadcast v2, $0x4;
	v22 =	vbroadcast v2, $0x5  }
0x65: {  	v14 =	vld [tilespmem:s22+$0xFFFFFE40];
	v16 =	vbroadcast v2, $0x6;
	v17 =	vbroadcast v2, $0x7  }
0x66: {  	v62 =	vld [tilespmem:s22+$0xFFFFFE50];
	v26 =	vbroadcast v2, $0x8;
	v27 =	vbroadcast v2, $0x9  }
0x67: {  	v63 =	vld [tilespmem:s22+$0xFFFFFE60];
	v29 =	vbroadcast v2, $0xA;
	v30 =	vbroadcast v2, $0xB  }
0x68: {  	v15 =	vld [tilespmem:s22+$0xFFFFFE70];
	v36 =	vbroadcast v2, $0xC;
	v37 =	vbroadcast v2, $0xD  }
0x69: {  	v18 =	vld [tilespmem:s22+$0xFFFFFE80];
	v38 =	vbroadcast v2, $0xE;
	v2 =	vbroadcast v2, $0xF  }
0x6a: {  	v23 =	vld [tilespmem:s22+$0xFFFFFE90];
	v4 =	vmul.f32 v4, v9;
	v5 =	vmul.f32 v5, v10  }
0x6b: {  	v28 =	vld [tilespmem:s22+$0xFFFFFEB0];
	v6 =	vmul.f32 v6, v12;
	v7 =	vmul.f32 v7, v13  }
0x6c: {  	v33 =	vld [tilespmem:s22+$0xFFFFFED0];
	v8 =	vmul.f32 v8, v21;
	v11 =	vmul.f32 v11, v22  }
0x6d: {  	v25 =	vld [tilespmem:s22+$0xFFFFFEA0];
	v24 =	vmul.f32 v14, v16;
	v9 =	vmul.f32 v62, v17  }
0x6e: {  	v19 =	vld [tilespmem:s22+$0xFFFFFEC0];
	v31 =	vmul.f32 v63, v26;
	v32 =	vmul.f32 v15, v27  }
0x6f: {  	v34 =	vmul.f32 v18, v29;
	v35 =	vmul.f32 v23, v30;
	v3 =	vadd.f32 v7, v3  }
0x70: {  	v39 =	vmul.f32 v28, v37;
	v4 =	vadd.f32 v8, v4;
	v5 =	vadd.f32 v11, v5  }
0x71: {  	v2 =	vmul.f32 v33, v2;
	v6 =	vadd.f32 v24, v6;
	v3 =	vadd.f32 v9, v3  }
0x72: {  	v7 =	vmul.f32 v25, v36;
	v4 =	vadd.f32 v31, v4;
	v5 =	vadd.f32 v32, v5  }
0x73: {  	v8 =	vmul.f32 v19, v38;
	v6 =	vadd.f32 v34, v6;
	v3 =	vadd.f32 v35, v3  }
0x74: {  	v4 =	vadd.f32 v7, v4;
	v5 =	vadd.f32 v39, v5  }
0x75: {  	v6 =	vadd.f32 v8, v6;
	v2 =	vadd.f32 v2, v3;
	_ =	sdelay $0x1  }
0x76: {  	v3 =	vadd.f32 v6, v5;
	v2 =	vadd.f32 v2, v4;
	_ =	sdelay $0x1  }
0x77: {  	v2 =	vadd.f32 v2, v3;
	_ =	sdelay $0x1  }
0x78: {  	[tilespmem:s25+$0xFFFFFFC0] =	vst v2  }
0x79: {  	v2 =	vld [tilespmem:s24+$0xFFFFFFF0]  }
0x7a: {  	v3 =	vld [tilespmem:s22+$0xFFFFFFF0]  }
0x7b: {  	v40 =	vld [tilespmem:s22+$0xFFFFFEF0]  }
0x7c: {  	v41 =	vld [tilespmem:s22+$0xFFFFFF00]  }
0x7d: {  	v42 =	vld [tilespmem:s22+$0xFFFFFF10]  }
0x7e: {  	v43 =	vld [tilespmem:s22+$0xFFFFFF20];
	v45 =	vbroadcast v2, $0x0;
	v46 =	vbroadcast v2, $0x1  }
0x7f: {  	v44 =	vld [tilespmem:s22+$0xFFFFFF30];
	v48 =	vbroadcast v2, $0x2;
	v49 =	vbroadcast v2, $0x3  }
0x80: {  	v47 =	vld [tilespmem:s22+$0xFFFFFF40];
	v53 =	vbroadcast v2, $0x4;
	v54 =	vbroadcast v2, $0x5  }
0x81: {  	v50 =	vld [tilespmem:s22+$0xFFFFFF50];
	v56 =	vbroadcast v2, $0x6;
	v57 =	vbroadcast v2, $0x7  }
0x82: {  	v51 =	vld [tilespmem:s22+$0xFFFFFF60];
	v62 =	vbroadcast v2, $0x8;
	v63 =	vbroadcast v2, $0x9  }
0x83: {  	v52 =	vld [tilespmem:s22+$0xFFFFFF70];
	v22 =	vbroadcast v2, $0xA;
	v23 =	vbroadcast v2, $0xB  }
0x84: {  	v55 =	vld [tilespmem:s22+$0xFFFFFF80];
	v30 =	vbroadcast v2, $0xC;
	v31 =	vbroadcast v2, $0xD  }
0x85: {  	v58 =	vld [tilespmem:s22+$0xFFFFFF90];
	v32 =	vbroadcast v2, $0xE;
	v2 =	vbroadcast v2, $0xF  }
0x86: {  	v59 =	vld [tilespmem:s22+$0xFFFFFFA0];
	v4 =	vmul.f32 v40, v45;
	v5 =	vmul.f32 v41, v46  }
0x87: {  	v21 =	vld [tilespmem:s22+$0xFFFFFFC0];
	v6 =	vmul.f32 v42, v48;
	v7 =	vmul.f32 v43, v49  }
0x88: {  	v27 =	vld [tilespmem:s22+$0xFFFFFFE0];
	v8 =	vmul.f32 v44, v53;
	v11 =	vmul.f32 v47, v54  }
0x89: {  	v61 =	vld [tilespmem:s22+$0xFFFFFFB0];
	v60 =	vmul.f32 v50, v56;
	v9 =	vmul.f32 v51, v57  }
0x8a: {  	v24 =	vld [tilespmem:s22+$0xFFFFFFD0];
	v25 =	vmul.f32 v52, v62;
	v26 =	vmul.f32 v55, v63  }
0x8b: {  	v28 =	vmul.f32 v58, v22;
	v29 =	vmul.f32 v59, v23;
	v3 =	vadd.f32 v7, v3  }
0x8c: {  	v33 =	vmul.f32 v21, v31;
	v4 =	vadd.f32 v8, v4;
	v5 =	vadd.f32 v11, v5  }
0x8d: {  	v2 =	vmul.f32 v27, v2;
	v6 =	vadd.f32 v60, v6;
	v3 =	vadd.f32 v9, v3  }
0x8e: {  	v7 =	vmul.f32 v61, v30;
	v4 =	vadd.f32 v25, v4;
	v5 =	vadd.f32 v26, v5  }
0x8f: {  	v8 =	vmul.f32 v24, v32;
	v6 =	vadd.f32 v28, v6;
	v3 =	vadd.f32 v29, v3  }
0x90: {  	v4 =	vadd.f32 v7, v4;
	v5 =	vadd.f32 v33, v5  }
0x91: {  	v6 =	vadd.f32 v8, v6;
	v2 =	vadd.f32 v2, v3;
	_ =	sdelay $0x1  }
0x92: {  	v3 =	vadd.f32 v6, v5;
	v2 =	vadd.f32 v2, v4;
	_ =	sdelay $0x1  }
0x93: {  	v2 =	vadd.f32 v2, v3;
	_ =	sdelay $0x1  }
0x94: {  	[tilespmem:s25+$0xFFFFFFE0] =	vst v2  }
0x95: {  	v2 =	vld [tilespmem:s24+$0x0]  }
0x96: {  	v3 =	vld [tilespmem:s22+$0x100]  }
0x97: {  	v34 =	vld [tilespmem:s22+$0x0]  }
0x98: {  	v35 =	vld [tilespmem:s22+$0x10]  }
0x99: {  	v36 =	vld [tilespmem:s22+$0x20]  }
0x9a: {  	v37 =	vld [tilespmem:s22+$0x30];
	v39 =	vbroadcast v2, $0x0;
	v40 =	vbroadcast v2, $0x1  }
0x9b: {  	v38 =	vld [tilespmem:s22+$0x40];
	v42 =	vbroadcast v2, $0x2;
	v43 =	vbroadcast v2, $0x3  }
0x9c: {  	v41 =	vld [tilespmem:s22+$0x50];
	v47 =	vbroadcast v2, $0x4;
	v48 =	vbroadcast v2, $0x5  }
0x9d: {  	v44 =	vld [tilespmem:s22+$0x60];
	v50 =	vbroadcast v2, $0x6;
	v51 =	vbroadcast v2, $0x7  }
0x9e: {  	v45 =	vld [tilespmem:s22+$0x70];
	v56 =	vbroadcast v2, $0x8;
	v57 =	vbroadcast v2, $0x9  }
0x9f: {  	v46 =	vld [tilespmem:s22+$0x80];
	v59 =	vbroadcast v2, $0xA;
	v60 =	vbroadcast v2, $0xB  }
0xa0: {  	v49 =	vld [tilespmem:s22+$0x90];
	v23 =	vbroadcast v2, $0xC;
	v24 =	vbroadcast v2, $0xD  }
0xa1: {  	v52 =	vld [tilespmem:s22+$0xA0];
	v25 =	vbroadcast v2, $0xE;
	v2 =	vbroadcast v2, $0xF  }
0xa2: {  	v53 =	vld [tilespmem:s22+$0xB0];
	v4 =	vmul.f32 v34, v39;
	v5 =	vmul.f32 v35, v40  }
0xa3: {  	v58 =	vld [tilespmem:s22+$0xD0];
	v6 =	vmul.f32 v36, v42;
	v7 =	vmul.f32 v37, v43  }
0xa4: {  	v20 =	vld [tilespmem:s22+$0xF0];
	v8 =	vmul.f32 v38, v47;
	v11 =	vmul.f32 v41, v48  }
0xa5: {  	v55 =	vld [tilespmem:s22+$0xC0];
	v54 =	vmul.f32 v44, v50;
	v9 =	vmul.f32 v45, v51  }
0xa6: {  	v61 =	vld [tilespmem:s22+$0xE0];
	v62 =	vmul.f32 v46, v56;
	v63 =	vmul.f32 v49, v57  }
0xa7: {  	v21 =	vmul.f32 v52, v59;
	v22 =	vmul.f32 v53, v60;
	v3 =	vadd.f32 v7, v3  }
0xa8: {  	v26 =	vmul.f32 v58, v24;
	v4 =	vadd.f32 v8, v4;
	v5 =	vadd.f32 v11, v5  }
0xa9: {  	v2 =	vmul.f32 v20, v2;
	v6 =	vadd.f32 v54, v6;
	v3 =	vadd.f32 v9, v3  }
0xaa: {  	v7 =	vmul.f32 v55, v23;
	v4 =	vadd.f32 v62, v4;
	v5 =	vadd.f32 v63, v5  }
0xab: {  	v8 =	vmul.f32 v61, v25;
	v6 =	vadd.f32 v21, v6;
	v3 =	vadd.f32 v22, v3  }
0xac: {  	v4 =	vadd.f32 v7, v4;
	v5 =	vadd.f32 v26, v5  }
0xad: {  	v6 =	vadd.f32 v8, v6;
	v2 =	vadd.f32 v2, v3;
	_ =	sdelay $0x1  }
0xae: {  	v3 =	vadd.f32 v6, v5;
	v2 =	vadd.f32 v2, v4;
	_ =	sdelay $0x1  }
0xaf: {  	v2 =	vadd.f32 v2, v3;
	_ =	sdelay $0x1  }
0xb0: {  	[tilespmem:s25+$0x0] =	vst v2  }
0xb1: {  	v2 =	vld [tilespmem:s24+$0x10]  }
0xb2: {  	v3 =	vld [tilespmem:s22+$0x210]  }
0xb3: {  	v27 =	vld [tilespmem:s22+$0x110]  }
0xb4: {  	v28 =	vld [tilespmem:s22+$0x120]  }
0xb5: {  	v29 =	vld [tilespmem:s22+$0x130]  }
0xb6: {  	v30 =	vld [tilespmem:s22+$0x140];
	v32 =	vbroadcast v2, $0x0;
	v33 =	vbroadcast v2, $0x1  }
0xb7: {  	v31 =	vld [tilespmem:s22+$0x150];
	v35 =	vbroadcast v2, $0x2;
	v36 =	vbroadcast v2, $0x3  }
0xb8: {  	v34 =	vld [tilespmem:s22+$0x160];
	v40 =	vbroadcast v2, $0x4;
	v41 =	vbroadcast v2, $0x5  }
0xb9: {  	v37 =	vld [tilespmem:s22+$0x170];
	v43 =	vbroadcast v2, $0x6;
	v44 =	vbroadcast v2, $0x7  }
0xba: {  	v38 =	vld [tilespmem:s22+$0x180];
	v49 =	vbroadcast v2, $0x8;
	v50 =	vbroadcast v2, $0x9  }
0xbb: {  	v39 =	vld [tilespmem:s22+$0x190];
	v52 =	vbroadcast v2, $0xA;
	v53 =	vbroadcast v2, $0xB  }
0xbc: {  	v42 =	vld [tilespmem:s22+$0x1A0];
	v60 =	vbroadcast v2, $0xC;
	v61 =	vbroadcast v2, $0xD  }
0xbd: {  	v45 =	vld [tilespmem:s22+$0x1B0];
	v62 =	vbroadcast v2, $0xE;
	v2 =	vbroadcast v2, $0xF  }
0xbe: {  	v46 =	vld [tilespmem:s22+$0x1C0];
	v4 =	vmul.f32 v27, v32;
	v5 =	vmul.f32 v28, v33  }
0xbf: {  	v51 =	vld [tilespmem:s22+$0x1E0];
	v6 =	vmul.f32 v29, v35;
	v7 =	vmul.f32 v30, v36  }
0xc0: {  	v57 =	vld [tilespmem:s22+$0x200];
	v8 =	vmul.f32 v31, v40;
	v11 =	vmul.f32 v34, v41  }
0xc1: {  	v48 =	vld [tilespmem:s22+$0x1D0];
	v47 =	vmul.f32 v37, v43;
	v9 =	vmul.f32 v38, v44  }
0xc2: {  	v54 =	vld [tilespmem:s22+$0x1F0];
	v55 =	vmul.f32 v39, v49;
	v56 =	vmul.f32 v42, v50  }
0xc3: {  	v58 =	vmul.f32 v45, v52;
	v59 =	vmul.f32 v46, v53;
	v3 =	vadd.f32 v7, v3  }
0xc4: {  	v63 =	vmul.f32 v51, v61;
	v4 =	vadd.f32 v8, v4;
	v5 =	vadd.f32 v11, v5  }
0xc5: {  	v2 =	vmul.f32 v57, v2;
	v6 =	vadd.f32 v47, v6;
	v3 =	vadd.f32 v9, v3  }
0xc6: {  	v7 =	vmul.f32 v48, v60;
	v4 =	vadd.f32 v55, v4;
	v5 =	vadd.f32 v56, v5  }
0xc7: {  	v8 =	vmul.f32 v54, v62;
	v6 =	vadd.f32 v58, v6;
	v3 =	vadd.f32 v59, v3  }
0xc8: {  	v4 =	vadd.f32 v7, v4;
	v5 =	vadd.f32 v63, v5  }
0xc9: {  	s21 =	sadd.s32 $0x4, s21;
	v6 =	vadd.f32 v8, v6;
	v2 =	vadd.f32 v2, v3  }
0xca: {  	p0 =	slt.u32 s21, $0x7C  }
.Ltmp6:
0xcb: {  	v3 =	vadd.f32 v6, v5;
	v2 =	vadd.f32 v2, v4;
	(pc) =	sbr.rel @p0 .LBB2_7-.Ltmp6, $3  }
0xcc: {  	_ = 	snop  }
0xcd: {  	v2 =	vadd.f32 v2, v3;
	_ =	sdelay $0x1  }
0xce: {  	s22 =	sadd.s32 $0x440, s22;
	s24 =	sadd.s32 $0x40, s24;
	[tilespmem:s25+$0x20] =	vst v2;
	s25 =	sadd.s32 $0x80, s25  }
0xcf: {  	[spmem:s2] =	stream.indirect.scatter.add.f32 [tilespmem:s28], [sflag:$0x3], $0x20, s19, s19, $0xb8;
	[tilespmem:$0x1E200] =	vst v63  }
0xd0: {  	s21 =	sadd.s32 s12, s17;
	_ =	swait.ge [sflag:s18], $0x1000  }
0xd1: {  	p0 =	sgt.u32 s21, $0x4E1;
	[sflag:s18] =	ssyncset.done $0x0  }
0xd2: {  	s22 =	sshll.u32 @!p0 s21, $0x4;
	s24 =	simm.s32 @!p0 $0x80;
	s25 =	simm.s32 @!p0 $0x27100  }
0xd3: {  	s1 =	simm.s32 @!p0 $0x0;
	[sflag:s18] =	ssyncadd.s32 $0xFFFFF000;
	s22 =	sadd.s32 @!p0 s5, s22  }
0xd4: {  	[tilespmem:s1], [sflag:$0x3] =	stream.strided.gather @!p0 [hbm4b:s22+s24], $0x100, s25, s24, $0x38;
	[tilespmem:$0x1E200] =	vst v63  }
0xd5: {  	s22 =	simm.s32 @!p0 $0x3  }
0xd6: {  	_ =	swait.ge @!p0 [sflag:s22], $0x100  }
0xd7: {  	s21 =	sshll.u32 @!p0 s21, $0x8;
	[sflag:s22] =	ssyncset.done @!p0 $0x0  }
0xd8: {  	s21 =	sadd.s32 @!p0 s6, s21;
	s25 =	simm.s32 @!p0 $0x11200;
	[sflag:s22] =	ssyncadd.s32 @!p0 $0xFFFFFF00  }
0xd9: {  	[tilespmem:s25], [sflag:$0x3] =	stream.linear.gather @!p0 [hbm4b:s21+s1], $0x800, $0x38;
	[tilespmem:$0x1E200] =	vst v63  }
0xda: {  	_ =	swait.ge @!p0 [sflag:s22], $0x800  }
0xdb: {  	[sflag:s22] =	ssyncset.done @!p0 $0x0  }
0xdc: {  	s21 =	simm.s32 @!p0 $0x200;
	[sflag:s22] =	ssyncadd.s32 @!p0 $0xFFFFF800  }
0xdd: {  	[tilespmem:s21], [sflag:$0x1] =	stream.indirect.gather @!p0 [hbm4b:s4+s24], $0x110, s1, s24, $0xb8;
	[tilespmem:$0x1E200] =	vst v63  }
0xde: {  	p0 =	sge.u32 s17, s14  }
.Ltmp7:
0xdf: {  	_ = 	snop;
	(pc) =	sbr.rel @p0 .LBB2_12-.Ltmp7, $1  }
0xe0: {  	_ =	sdelay $0x3  }
0xe1: {  	_ =	swait.ge [sflag:s29], $0x8800  }
0xe2: {  	s21 =	simm.s32 $0xFFFFFFFC;
	s22 =	simm.s32 $0x8C20;
	[sflag:s29] =	ssyncset.done $0x0  }
0xe3: {  	s24 =	simm.s32 $0x11A20;
	s25 =	simm.s32 $0x13240;
	[sflag:s29] =	ssyncadd.s32 $0xFFFF7800  }
.LBB2_10:
0xe4: {  	v2 =	vld [tilespmem:s24+$0xFFFFFFE0]  }
0xe5: {  	v3 =	vld [tilespmem:s22+$0xFFFFFEE0]  }
0xe6: {  	v4 =	vld [tilespmem:s22+$0xFFFFFDE0]  }
0xe7: {  	v5 =	vld [tilespmem:s22+$0xFFFFFDF0]  }
0xe8: {  	v6 =	vld [tilespmem:s22+$0xFFFFFE00]  }
0xe9: {  	v7 =	vld [tilespmem:s22+$0xFFFFFE10];
	v9 =	vbroadcast v2, $0x0;
	v10 =	vbroadcast v2, $0x1  }
0xea: {  	v8 =	vld [tilespmem:s22+$0xFFFFFE20];
	v12 =	vbroadcast v2, $0x2;
	v13 =	vbroadcast v2, $0x3  }
0xeb: {  	v11 =	vld [tilespmem:s22+$0xFFFFFE30];
	v21 =	vbroadcast v2, $0x4;
	v22 =	vbroadcast v2, $0x5  }
0xec: {  	v14 =	vld [tilespmem:s22+$0xFFFFFE40];
	v16 =	vbroadcast v2, $0x6;
	v17 =	vbroadcast v2, $0x7  }
0xed: {  	v62 =	vld [tilespmem:s22+$0xFFFFFE50];
	v26 =	vbroadcast v2, $0x8;
	v27 =	vbroadcast v2, $0x9  }
0xee: {  	v63 =	vld [tilespmem:s22+$0xFFFFFE60];
	v29 =	vbroadcast v2, $0xA;
	v30 =	vbroadcast v2, $0xB  }
0xef: {  	v15 =	vld [tilespmem:s22+$0xFFFFFE70];
	v36 =	vbroadcast v2, $0xC;
	v37 =	vbroadcast v2, $0xD  }
0xf0: {  	v18 =	vld [tilespmem:s22+$0xFFFFFE80];
	v38 =	vbroadcast v2, $0xE;
	v2 =	vbroadcast v2, $0xF  }
0xf1: {  	v23 =	vld [tilespmem:s22+$0xFFFFFE90];
	v4 =	vmul.f32 v4, v9;
	v5 =	vmul.f32 v5, v10  }
0xf2: {  	v28 =	vld [tilespmem:s22+$0xFFFFFEB0];
	v6 =	vmul.f32 v6, v12;
	v7 =	vmul.f32 v7, v13  }
0xf3: {  	v33 =	vld [tilespmem:s22+$0xFFFFFED0];
	v8 =	vmul.f32 v8, v21;
	v11 =	vmul.f32 v11, v22  }
0xf4: {  	v25 =	vld [tilespmem:s22+$0xFFFFFEA0];
	v24 =	vmul.f32 v14, v16;
	v9 =	vmul.f32 v62, v17  }
0xf5: {  	v19 =	vld [tilespmem:s22+$0xFFFFFEC0];
	v31 =	vmul.f32 v63, v26;
	v32 =	vmul.f32 v15, v27  }
0xf6: {  	v34 =	vmul.f32 v18, v29;
	v35 =	vmul.f32 v23, v30;
	v3 =	vadd.f32 v7, v3  }
0xf7: {  	v39 =	vmul.f32 v28, v37;
	v4 =	vadd.f32 v8, v4;
	v5 =	vadd.f32 v11, v5  }
0xf8: {  	v2 =	vmul.f32 v33, v2;
	v6 =	vadd.f32 v24, v6;
	v3 =	vadd.f32 v9, v3  }
0xf9: {  	v7 =	vmul.f32 v25, v36;
	v4 =	vadd.f32 v31, v4;
	v5 =	vadd.f32 v32, v5  }
0xfa: {  	v8 =	vmul.f32 v19, v38;
	v6 =	vadd.f32 v34, v6;
	v3 =	vadd.f32 v35, v3  }
0xfb: {  	v4 =	vadd.f32 v7, v4;
	v5 =	vadd.f32 v39, v5  }
0xfc: {  	v6 =	vadd.f32 v8, v6;
	v2 =	vadd.f32 v2, v3;
	_ =	sdelay $0x1  }
0xfd: {  	v3 =	vadd.f32 v6, v5;
	v2 =	vadd.f32 v2, v4;
	_ =	sdelay $0x1  }
0xfe: {  	v2 =	vadd.f32 v2, v3;
	_ =	sdelay $0x1  }
0xff: {  	[tilespmem:s25+$0xFFFFFFC0] =	vst v2  }
0x100: {  	v2 =	vld [tilespmem:s24+$0xFFFFFFF0]  }
0x101: {  	v3 =	vld [tilespmem:s22+$0xFFFFFFF0]  }
0x102: {  	v40 =	vld [tilespmem:s22+$0xFFFFFEF0]  }
0x103: {  	v41 =	vld [tilespmem:s22+$0xFFFFFF00]  }
0x104: {  	v42 =	vld [tilespmem:s22+$0xFFFFFF10]  }
0x105: {  	v43 =	vld [tilespmem:s22+$0xFFFFFF20];
	v45 =	vbroadcast v2, $0x0;
	v46 =	vbroadcast v2, $0x1  }
0x106: {  	v44 =	vld [tilespmem:s22+$0xFFFFFF30];
	v48 =	vbroadcast v2, $0x2;
	v49 =	vbroadcast v2, $0x3  }
0x107: {  	v47 =	vld [tilespmem:s22+$0xFFFFFF40];
	v53 =	vbroadcast v2, $0x4;
	v54 =	vbroadcast v2, $0x5  }
0x108: {  	v50 =	vld [tilespmem:s22+$0xFFFFFF50];
	v56 =	vbroadcast v2, $0x6;
	v57 =	vbroadcast v2, $0x7  }
0x109: {  	v51 =	vld [tilespmem:s22+$0xFFFFFF60];
	v62 =	vbroadcast v2, $0x8;
	v63 =	vbroadcast v2, $0x9  }
0x10a: {  	v52 =	vld [tilespmem:s22+$0xFFFFFF70];
	v22 =	vbroadcast v2, $0xA;
	v23 =	vbroadcast v2, $0xB  }
0x10b: {  	v55 =	vld [tilespmem:s22+$0xFFFFFF80];
	v30 =	vbroadcast v2, $0xC;
	v31 =	vbroadcast v2, $0xD  }
0x10c: {  	v58 =	vld [tilespmem:s22+$0xFFFFFF90];
	v32 =	vbroadcast v2, $0xE;
	v2 =	vbroadcast v2, $0xF  }
0x10d: {  	v59 =	vld [tilespmem:s22+$0xFFFFFFA0];
	v4 =	vmul.f32 v40, v45;
	v5 =	vmul.f32 v41, v46  }
0x10e: {  	v21 =	vld [tilespmem:s22+$0xFFFFFFC0];
	v6 =	vmul.f32 v42, v48;
	v7 =	vmul.f32 v43, v49  }
0x10f: {  	v27 =	vld [tilespmem:s22+$0xFFFFFFE0];
	v8 =	vmul.f32 v44, v53;
	v11 =	vmul.f32 v47, v54  }
0x110: {  	v61 =	vld [tilespmem:s22+$0xFFFFFFB0];
	v60 =	vmul.f32 v50, v56;
	v9 =	vmul.f32 v51, v57  }
0x111: {  	v24 =	vld [tilespmem:s22+$0xFFFFFFD0];
	v25 =	vmul.f32 v52, v62;
	v26 =	vmul.f32 v55, v63  }
0x112: {  	v28 =	vmul.f32 v58, v22;
	v29 =	vmul.f32 v59, v23;
	v3 =	vadd.f32 v7, v3  }
0x113: {  	v33 =	vmul.f32 v21, v31;
	v4 =	vadd.f32 v8, v4;
	v5 =	vadd.f32 v11, v5  }
0x114: {  	v2 =	vmul.f32 v27, v2;
	v6 =	vadd.f32 v60, v6;
	v3 =	vadd.f32 v9, v3  }
0x115: {  	v7 =	vmul.f32 v61, v30;
	v4 =	vadd.f32 v25, v4;
	v5 =	vadd.f32 v26, v5  }
0x116: {  	v8 =	vmul.f32 v24, v32;
	v6 =	vadd.f32 v28, v6;
	v3 =	vadd.f32 v29, v3  }
0x117: {  	v4 =	vadd.f32 v7, v4;
	v5 =	vadd.f32 v33, v5  }
0x118: {  	v6 =	vadd.f32 v8, v6;
	v2 =	vadd.f32 v2, v3;
	_ =	sdelay $0x1  }
0x119: {  	v3 =	vadd.f32 v6, v5;
	v2 =	vadd.f32 v2, v4;
	_ =	sdelay $0x1  }
0x11a: {  	v2 =	vadd.f32 v2, v3;
	_ =	sdelay $0x1  }
0x11b: {  	[tilespmem:s25+$0xFFFFFFE0] =	vst v2  }
0x11c: {  	v2 =	vld [tilespmem:s24+$0x0]  }
0x11d: {  	v3 =	vld [tilespmem:s22+$0x100]  }
0x11e: {  	v34 =	vld [tilespmem:s22+$0x0]  }
0x11f: {  	v35 =	vld [tilespmem:s22+$0x10]  }
0x120: {  	v36 =	vld [tilespmem:s22+$0x20]  }
0x121: {  	v37 =	vld [tilespmem:s22+$0x30];
	v39 =	vbroadcast v2, $0x0;
	v40 =	vbroadcast v2, $0x1  }
0x122: {  	v38 =	vld [tilespmem:s22+$0x40];
	v42 =	vbroadcast v2, $0x2;
	v43 =	vbroadcast v2, $0x3  }
0x123: {  	v41 =	vld [tilespmem:s22+$0x50];
	v47 =	vbroadcast v2, $0x4;
	v48 =	vbroadcast v2, $0x5  }
0x124: {  	v44 =	vld [tilespmem:s22+$0x60];
	v50 =	vbroadcast v2, $0x6;
	v51 =	vbroadcast v2, $0x7  }
0x125: {  	v45 =	vld [tilespmem:s22+$0x70];
	v56 =	vbroadcast v2, $0x8;
	v57 =	vbroadcast v2, $0x9  }
0x126: {  	v46 =	vld [tilespmem:s22+$0x80];
	v59 =	vbroadcast v2, $0xA;
	v60 =	vbroadcast v2, $0xB  }
0x127: {  	v49 =	vld [tilespmem:s22+$0x90];
	v23 =	vbroadcast v2, $0xC;
	v24 =	vbroadcast v2, $0xD  }
0x128: {  	v52 =	vld [tilespmem:s22+$0xA0];
	v25 =	vbroadcast v2, $0xE;
	v2 =	vbroadcast v2, $0xF  }
0x129: {  	v53 =	vld [tilespmem:s22+$0xB0];
	v4 =	vmul.f32 v34, v39;
	v5 =	vmul.f32 v35, v40  }
0x12a: {  	v58 =	vld [tilespmem:s22+$0xD0];
	v6 =	vmul.f32 v36, v42;
	v7 =	vmul.f32 v37, v43  }
0x12b: {  	v20 =	vld [tilespmem:s22+$0xF0];
	v8 =	vmul.f32 v38, v47;
	v11 =	vmul.f32 v41, v48  }
0x12c: {  	v55 =	vld [tilespmem:s22+$0xC0];
	v54 =	vmul.f32 v44, v50;
	v9 =	vmul.f32 v45, v51  }
0x12d: {  	v61 =	vld [tilespmem:s22+$0xE0];
	v62 =	vmul.f32 v46, v56;
	v63 =	vmul.f32 v49, v57  }
0x12e: {  	v21 =	vmul.f32 v52, v59;
	v22 =	vmul.f32 v53, v60;
	v3 =	vadd.f32 v7, v3  }
0x12f: {  	v26 =	vmul.f32 v58, v24;
	v4 =	vadd.f32 v8, v4;
	v5 =	vadd.f32 v11, v5  }
0x130: {  	v2 =	vmul.f32 v20, v2;
	v6 =	vadd.f32 v54, v6;
	v3 =	vadd.f32 v9, v3  }
0x131: {  	v7 =	vmul.f32 v55, v23;
	v4 =	vadd.f32 v62, v4;
	v5 =	vadd.f32 v63, v5  }
0x132: {  	v8 =	vmul.f32 v61, v25;
	v6 =	vadd.f32 v21, v6;
	v3 =	vadd.f32 v22, v3  }
0x133: {  	v4 =	vadd.f32 v7, v4;
	v5 =	vadd.f32 v26, v5  }
0x134: {  	v6 =	vadd.f32 v8, v6;
	v2 =	vadd.f32 v2, v3;
	_ =	sdelay $0x1  }
0x135: {  	v3 =	vadd.f32 v6, v5;
	v2 =	vadd.f32 v2, v4;
	_ =	sdelay $0x1  }
0x136: {  	v2 =	vadd.f32 v2, v3;
	_ =	sdelay $0x1  }
0x137: {  	[tilespmem:s25+$0x0] =	vst v2  }
0x138: {  	v2 =	vld [tilespmem:s24+$0x10]  }
0x139: {  	v3 =	vld [tilespmem:s22+$0x210]  }
0x13a: {  	v27 =	vld [tilespmem:s22+$0x110]  }
0x13b: {  	v28 =	vld [tilespmem:s22+$0x120]  }
0x13c: {  	v29 =	vld [tilespmem:s22+$0x130]  }
0x13d: {  	v30 =	vld [tilespmem:s22+$0x140];
	v32 =	vbroadcast v2, $0x0;
	v33 =	vbroadcast v2, $0x1  }
0x13e: {  	v31 =	vld [tilespmem:s22+$0x150];
	v35 =	vbroadcast v2, $0x2;
	v36 =	vbroadcast v2, $0x3  }
0x13f: {  	v34 =	vld [tilespmem:s22+$0x160];
	v40 =	vbroadcast v2, $0x4;
	v41 =	vbroadcast v2, $0x5  }
0x140: {  	v37 =	vld [tilespmem:s22+$0x170];
	v43 =	vbroadcast v2, $0x6;
	v44 =	vbroadcast v2, $0x7  }
0x141: {  	v38 =	vld [tilespmem:s22+$0x180];
	v49 =	vbroadcast v2, $0x8;
	v50 =	vbroadcast v2, $0x9  }
0x142: {  	v39 =	vld [tilespmem:s22+$0x190];
	v52 =	vbroadcast v2, $0xA;
	v53 =	vbroadcast v2, $0xB  }
0x143: {  	v42 =	vld [tilespmem:s22+$0x1A0];
	v60 =	vbroadcast v2, $0xC;
	v61 =	vbroadcast v2, $0xD  }
0x144: {  	v45 =	vld [tilespmem:s22+$0x1B0];
	v62 =	vbroadcast v2, $0xE;
	v2 =	vbroadcast v2, $0xF  }
0x145: {  	v46 =	vld [tilespmem:s22+$0x1C0];
	v4 =	vmul.f32 v27, v32;
	v5 =	vmul.f32 v28, v33  }
0x146: {  	v51 =	vld [tilespmem:s22+$0x1E0];
	v6 =	vmul.f32 v29, v35;
	v7 =	vmul.f32 v30, v36  }
0x147: {  	v57 =	vld [tilespmem:s22+$0x200];
	v8 =	vmul.f32 v31, v40;
	v11 =	vmul.f32 v34, v41  }
0x148: {  	v48 =	vld [tilespmem:s22+$0x1D0];
	v47 =	vmul.f32 v37, v43;
	v9 =	vmul.f32 v38, v44  }
0x149: {  	v54 =	vld [tilespmem:s22+$0x1F0];
	v55 =	vmul.f32 v39, v49;
	v56 =	vmul.f32 v42, v50  }
0x14a: {  	v58 =	vmul.f32 v45, v52;
	v59 =	vmul.f32 v46, v53;
	v3 =	vadd.f32 v7, v3  }
0x14b: {  	v63 =	vmul.f32 v51, v61;
	v4 =	vadd.f32 v8, v4;
	v5 =	vadd.f32 v11, v5  }
0x14c: {  	v2 =	vmul.f32 v57, v2;
	v6 =	vadd.f32 v47, v6;
	v3 =	vadd.f32 v9, v3  }
0x14d: {  	v7 =	vmul.f32 v48, v60;
	v4 =	vadd.f32 v55, v4;
	v5 =	vadd.f32 v56, v5  }
0x14e: {  	v8 =	vmul.f32 v54, v62;
	v6 =	vadd.f32 v58, v6;
	v3 =	vadd.f32 v59, v3  }
0x14f: {  	v4 =	vadd.f32 v7, v4;
	v5 =	vadd.f32 v63, v5  }
0x150: {  	s21 =	sadd.s32 $0x4, s21;
	v6 =	vadd.f32 v8, v6;
	v2 =	vadd.f32 v2, v3  }
0x151: {  	p0 =	slt.u32 s21, $0x7C  }
.Ltmp8:
0x152: {  	v3 =	vadd.f32 v6, v5;
	v2 =	vadd.f32 v2, v4;
	(pc) =	sbr.rel @p0 .LBB2_10-.Ltmp8, $3  }
0x153: {  	_ = 	snop  }
0x154: {  	v2 =	vadd.f32 v2, v3;
	_ =	sdelay $0x1  }
0x155: {  	s22 =	sadd.s32 $0x440, s22;
	s24 =	sadd.s32 $0x40, s24;
	[tilespmem:s25+$0x20] =	vst v2;
	s25 =	sadd.s32 $0x80, s25  }
.Ltmp9:
0x156: {  	(pc) =	sbr.rel .LBB2_12-.Ltmp9, $4  }
0x157: {  	[spmem:s2] =	stream.indirect.scatter.add.f32 [tilespmem:s31], [sflag:$0x3], $0x20, s30, s19, $0xb8;
	[tilespmem:$0x1E200] =	vst v63  }
0x158: {  	_ =	swait.ge [sflag:s18], $0x1000  }
0x159: {  	[sflag:s18] =	ssyncset.done $0x0  }
0x15a: {  	[sflag:s18] =	ssyncadd.s32 $0xFFFFF000  }
.LBB2_14:
0x15b: {  	_ =	sfence.sel $0x180000  }
0x15c: {  	[bflag:$0x0] =	sbarrier.arrive $0xFFFF  }
0x15d: {  	_ =	strace $0x90000047  }
0x15e: {  	s0 =	stileid.u32;
	[bflag:$0x2] =	sbarrier.arrive $0xFFFF  }
0x15f: {  	p0 =	sne.s32 s0, $0x0;
	s0 =	rddreg [dreg:$0x2]  }
0x160: {  	s0 =	sadd.s32 @!p0 $0x100000, s0  }
0x161: {  	[sflag:s0] =	ssyncadd.tile.s32 @!p0 $0x1;
	_ =	shalt  }
.Lfunc_end2:
_tile_overlayer_lowered:
.L_overlay_start_2:
0x162: {  	(tag) =	ssettag $0x2  }
0x163: {  	s0 =	rddreg [dreg:$0x0];
	s2 =	stileid.u32  }
0x164: {  	s1 =	rddreg [dreg:$0x1];
	p0 =	sne.s32 s2, $0x0  }
0x165: {  	s3 =	rddreg [dreg:$0x2];
	[bflag:$0x3] =	sbarrier.arrive $0xFFFF;
	s2 =	simm.s32 @!p0 $0x1C03  }
0x166: {  	[timem:s3], [sflag:s2] =	dma.local @!p0 [hbm:s0], s1  }
0x167: {  	s0 =	simm.s32 @!p0 $0x3  }
0x168: {  	_ =	swait.ge @!p0 [sflag:s0], s1  }
0x169: {  	s1 =	ssub.s32 @!p0 $0x0, s1;
	[sflag:s0] =	ssyncset.done @!p0 $0x0  }
0x16a: {  	[sflag:s0] =	ssyncadd.s32 @!p0 s1  }
0x16b: {  	[bflag:$0x3] =	sbarrier.arrive $0xFFFF  }
0x16c: {  	_ =	shalt  }

</sc_bundles>
